<compile_context>
chip_gen: v7x
topology: tpu7x:2x2x1
jax: 0.10.2.dev20260603
libtpu: 0.0.44.dev20260713+nightly
codegen_flags: <defaults>
</compile_context>

<pallas_src>
import functools

import jax
import jax.numpy as jnp
from jax import lax
from jax.experimental import pallas as pl
from jax.experimental.pallas import tpu as pltpu
from jax.experimental.pallas import tpu_sc as plsc

N_NODES = 10000
N_EDGES = 320000
F = 144
NC, NS = 2, 16
NW = NC * NS
E_PER_W = N_EDGES // NW
CH = 80
NCH = E_PER_W // CH
RT = 624
RT_LAST = N_NODES - 15 * RT

_mesh = plsc.VectorSubcoreMesh(core_axis_name="c", subcore_axis_name="s")


def _zero_rows(buf, nrows, ncolv):
    def body(i, carry):
        for c in range(ncolv):
            buf[i, pl.ds(c * 16, 16)] = jnp.zeros((16,), jnp.float32)
        return carry
    lax.fori_loop(0, nrows, body, 0)


def _per_tile_rows(s, copyfn):
    @pl.when(s < 15)
    def _():
        copyfn(pl.multiple_of(s * RT, 8), RT)

    @pl.when(s == 15)
    def _():
        copyfn(15 * RT, RT_LAST)


@functools.partial(
    pl.kernel,
    mesh=_mesh,
    out_type=jax.ShapeDtypeStruct((NC, N_NODES, 16), jnp.float32),
    compiler_params=pltpu.CompilerParams(use_tc_tiling_on_sc=False),
    scratch_types=[
        pltpu.VMEM_SHARED((N_NODES, 16), jnp.float32),
        pltpu.VMEM((CH, 16), jnp.float32),
        pltpu.VMEM((RT_LAST, 16), jnp.float32),
        pltpu.VMEM((NCH, CH), jnp.int32),
    ],
)
def _sc_degree(dst3_hbm, out_hbm, acc_sh, ones_v, zero_v, dstall):
    c = lax.axis_index("c")
    s = lax.axis_index("s")
    wid = c * NS + s
    pltpu.sync_copy(dst3_hbm.at[wid], dstall)
    def ones_body(i, carry):
        ones_v[i, pl.ds(0, 16)] = jnp.full((16,), 1.0, jnp.float32)
        return carry
    lax.fori_loop(0, CH, ones_body, 0)
    _zero_rows(zero_v, RT_LAST, 1)
    _per_tile_rows(s, lambda r0, n: pltpu.sync_copy(
        zero_v.at[pl.ds(0, n)], acc_sh.at[pl.ds(r0, n)]))
    plsc.subcore_barrier()
    def body(j, carry):
        pltpu.sync_copy(ones_v, acc_sh.at[dstall.at[j]], add=True)
        return carry
    lax.fori_loop(0, NCH, body, 0)
    plsc.subcore_barrier()
    _per_tile_rows(s, lambda r0, n: pltpu.sync_copy(
        acc_sh.at[pl.ds(r0, n)], out_hbm.at[c, pl.ds(r0, n)]))


@functools.partial(
    pl.kernel,
    mesh=_mesh,
    out_type=jax.ShapeDtypeStruct((NC, N_NODES, F), jnp.float32),
    compiler_params=pltpu.CompilerParams(use_tc_tiling_on_sc=False),
    scratch_types=[
        pltpu.VMEM_SHARED((N_NODES, F), jnp.float32),
        pltpu.VMEM((2, CH, F), jnp.float32),
        pltpu.VMEM((NCH, CH), jnp.int32),
        pltpu.VMEM((2, CH), jnp.int32),
        pltpu.SemaphoreType.DMA,
        pltpu.SemaphoreType.DMA,
        pltpu.SemaphoreType.DMA,
    ],
)
def _sc_aggregate(u_hbm, src_hbm, dst3_hbm, out_hbm,
                  acc_sh, rows2, dstall, srcv2, gsem, isem, ssem):
    c = lax.axis_index("c")
    s = lax.axis_index("s")
    wid = c * NS + s
    base = wid * E_PER_W
    pltpu.sync_copy(dst3_hbm.at[wid], dstall)
    _zero_rows(rows2.at[0], CH, F // 16)

    def zcopy(r0, n):
        for k in range(n // CH):
            pltpu.sync_copy(rows2.at[0], acc_sh.at[pl.ds(r0 + k * CH, CH)])
        rem = n % CH
        if rem:
            pltpu.sync_copy(rows2.at[0, pl.ds(0, rem)],
                            acc_sh.at[pl.ds(r0 + (n // CH) * CH, rem)])
    _per_tile_rows(s, zcopy)
    plsc.subcore_barrier()

    def src_slice(j):
        return src_hbm.at[pl.ds(pl.multiple_of(base + j * CH, 8), CH)]

    pltpu.sync_copy(src_slice(0), srcv2.at[0])
    pltpu.async_copy(u_hbm.at[srcv2.at[0]], rows2.at[0], gsem)
    pltpu.async_copy(src_slice(1), srcv2.at[1], isem)

    def scat_wait():
        pltpu.make_async_copy(rows2.at[0], acc_sh.at[dstall.at[0]], ssem).wait()

    def body(j, carry):
        p = lax.rem(j, 2)
        pn = lax.rem(j + 1, 2)

        @pl.when(j + 1 < NCH)
        def _():
            pltpu.make_async_copy(src_slice(j + 1), srcv2.at[pn], isem).wait()

            @pl.when(j >= 1)
            def _():
                scat_wait()
            pltpu.async_copy(u_hbm.at[srcv2.at[pn]], rows2.at[pn], gsem)
        pltpu.make_async_copy(u_hbm.at[srcv2.at[p]], rows2.at[p], gsem).wait()
        pltpu.async_copy(rows2.at[p], acc_sh.at[dstall.at[j]], ssem, add=True)

        @pl.when(j + 2 < NCH)
        def _():
            pltpu.async_copy(src_slice(j + 2), srcv2.at[p], isem)
        return carry
    lax.fori_loop(0, NCH, body, 0)
    scat_wait()
    scat_wait()
    plsc.subcore_barrier()
    _per_tile_rows(s, lambda r0, n: pltpu.sync_copy(
        acc_sh.at[pl.ds(r0, n)], out_hbm.at[c, pl.ds(r0, n)]))


_BR = 1000


def _tc_prep_body(x_ref, degp_ref, out_ref):
    deg = degp_ref[0, :, 0:1] + degp_ref[1, :, 0:1] + 1.0
    dis = lax.rsqrt(deg)
    out_ref[...] = jnp.concatenate(
        [x_ref[...] * dis, dis, jnp.zeros((_BR, F - 129), jnp.float32)], axis=1)


def _tc_prep(x, degp):
    return pl.pallas_call(
        _tc_prep_body,
        grid=(N_NODES // _BR,),
        in_specs=[
            pl.BlockSpec((_BR, 128), lambda i: (i, 0)),
            pl.BlockSpec((NC, _BR, 16), lambda i: (0, i, 0)),
        ],
        out_specs=pl.BlockSpec((_BR, F), lambda i: (i, 0)),
        out_shape=jax.ShapeDtypeStruct((N_NODES, F), jnp.float32),
    )(x, degp)


def _tc_mid_body(p1_ref, u0_ref, degp_ref, out_ref):
    deg = degp_ref[0, :, 0:1] + degp_ref[1, :, 0:1] + 1.0
    dis = lax.rsqrt(deg)
    inv = 1.0 / deg
    w1 = p1_ref[0] + p1_ref[1] + u0_ref[...]
    out_ref[...] = jnp.concatenate(
        [inv * w1[:, :128],
         jnp.zeros((_BR, 1), jnp.float32),
         dis,
         dis * w1[:, 128:129],
         jnp.zeros((_BR, F - 131), jnp.float32)], axis=1)


def _tc_mid(p1, u0, degp):
    return pl.pallas_call(
        _tc_mid_body,
        grid=(N_NODES // _BR,),
        in_specs=[
            pl.BlockSpec((NC, _BR, F), lambda i: (0, i, 0)),
            pl.BlockSpec((_BR, F), lambda i: (i, 0)),
            pl.BlockSpec((NC, _BR, 16), lambda i: (0, i, 0)),
        ],
        out_specs=pl.BlockSpec((_BR, F), lambda i: (i, 0)),
        out_shape=jax.ShapeDtypeStruct((N_NODES, F), jnp.float32),
    )(p1, u0, degp)


def _softplus(x):
    return jnp.maximum(x, 0.0) + jnp.log1p(jnp.exp(-jnp.abs(x)))


def _tc_final_body(p2_ref, u1_ref, w1t_ref, w2t_ref, wht_ref,
                   b1_ref, b2_ref, bh_ref,
                   mt_ref, st_ref, mz_ref, sz_ref):
    hp = jax.lax.Precision.HIGHEST
    t1 = jnp.dot(w1t_ref[...], w2t_ref[...], precision=hp)
    wct = jnp.dot(t1, wht_ref[...], precision=hp)
    c1 = jnp.dot(jnp.dot(b1_ref[...], w2t_ref[...], precision=hp),
                 wht_ref[...], precision=hp)
    c0 = jnp.dot(b2_ref[...], wht_ref[...], precision=hp) + bh_ref[...]
    u1 = u1_ref[...]
    w2 = p2_ref[0] + p2_ref[1] + u1
    dis = u1[:, 129:130]
    a1 = u1[:, 130:131]
    z = dis * w2[:, :128]
    pre = jnp.dot(z, wct, precision=hp) + a1 * c1 + c0
    mt_ref[...] = _softplus(pre[:, 0:1])
    st_ref[...] = _softplus(pre[:, 1:2])
    mz_ref[...] = pre[:, 2:66]
    sz_ref[...] = _softplus(pre[:, 66:130])


def _tc_final(p2, u1, w1t, w2t, wht, b1r, b2r, bhr):
    return pl.pallas_call(
        _tc_final_body,
        grid=(N_NODES // _BR,),
        in_specs=[
            pl.BlockSpec((NC, _BR, F), lambda i: (0, i, 0)),
            pl.BlockSpec((_BR, F), lambda i: (i, 0)),
            pl.BlockSpec((128, 500), lambda i: (0, 0)),
            pl.BlockSpec((500, 250), lambda i: (0, 0)),
            pl.BlockSpec((250, 130), lambda i: (0, 0)),
            pl.BlockSpec((1, 500), lambda i: (0, 0)),
            pl.BlockSpec((1, 250), lambda i: (0, 0)),
            pl.BlockSpec((1, 130), lambda i: (0, 0)),
        ],
        out_specs=[
            pl.BlockSpec((_BR, 1), lambda i: (i, 0)),
            pl.BlockSpec((_BR, 1), lambda i: (i, 0)),
            pl.BlockSpec((_BR, 64), lambda i: (i, 0)),
            pl.BlockSpec((_BR, 64), lambda i: (i, 0)),
        ],
        out_shape=(jax.ShapeDtypeStruct((N_NODES, 1), jnp.float32),
                   jax.ShapeDtypeStruct((N_NODES, 1), jnp.float32),
                   jax.ShapeDtypeStruct((N_NODES, 64), jnp.float32),
                   jax.ShapeDtypeStruct((N_NODES, 64), jnp.float32)),
    )(p2, u1, w1t, w2t, wht, b1r, b2r, bhr)


def kernel(data_in, edge_index, W1, b1, W2, b2,
           Wmt, bmt, Wst, bst, Wmz, bmz, Wsz, bsz):
    src = edge_index[0]
    dst = edge_index[1]
    dst3 = dst.reshape(NW, NCH, CH)

    degp = _sc_degree(dst3)
    u0 = _tc_prep(data_in, degp)
    p1 = _sc_aggregate(u0, src, dst3)
    u1 = _tc_mid(p1, u0, degp)
    p2 = _sc_aggregate(u1, src, dst3)

    wht = jnp.concatenate([Wmt, Wst, Wmz, Wsz], axis=0).T
    bhr = jnp.concatenate([bmt, bst, bmz, bsz])[None, :]
    return _tc_final(p2, u1, W1.T, W2.T, wht, b1[None, :], b2[None, :], bhr)

# --- scband reference (transcript-rebuilt; emitter-appended) ---
"""Pipeline reference for scband-encoder-34497177322219 (READ-ONLY COPY).

The authoritative reference and input builder live on the scoring server;
editing this copy changes nothing except your own understanding.
"""

import jax, jax.numpy as jnp
import numpy as np

N_NODES = 10000
N_EDGES = 320000
CIN = 128
N1 = 500
N2 = 250
DIM_Z = 64


def _xavier(key, shape):
    fan_out, fan_in = shape
    limit = float(np.sqrt(6.0 / (fan_in + fan_out)))
    return jax.random.uniform(key, shape, dtype=jnp.float32, minval=-limit, maxval=limit)


def setup_inputs(seed: int = 0) -> dict:
    key = jax.random.key(seed)
    ks = jax.random.split(key, 12)
    data_in = jax.random.normal(ks[0], (N_NODES, CIN), dtype=jnp.float32)
    edge_index = jax.random.randint(ks[1], (2, N_EDGES), 0, N_NODES, dtype=jnp.int32)
    W1 = _xavier(ks[2], (N1, CIN))
    b1 = jnp.zeros((N1,), dtype=jnp.float32)
    W2 = _xavier(ks[3], (N2, N1))
    b2 = jnp.zeros((N2,), dtype=jnp.float32)
    Wmt = _xavier(ks[4], (1, N2))
    bmt = jnp.zeros((1,), dtype=jnp.float32)
    Wst = _xavier(ks[5], (1, N2))
    bst = jnp.zeros((1,), dtype=jnp.float32)
    Wmz = _xavier(ks[6], (DIM_Z, N2))
    bmz = jnp.zeros((DIM_Z,), dtype=jnp.float32)
    Wsz = _xavier(ks[7], (DIM_Z, N2))
    bsz = jnp.zeros((DIM_Z,), dtype=jnp.float32)
    return {"data_in": data_in, "edge_index": edge_index, "W1": W1, "b1": b1, "W2": W2, "b2": b2,
            "Wmt": Wmt, "bmt": bmt, "Wst": Wst, "bst": bst, "Wmz": Wmz, "bmz": bmz, "Wsz": Wsz, "bsz": bsz}


def gcn_conv(x, edge_index, W, b):
    # PyG GCNConv: lin first (no lin bias), add self-loops, D^-1/2 A D^-1/2 aggregation, then bias
    N = x.shape[0]
    loop = jnp.arange(N, dtype=edge_index.dtype)
    src = jnp.concatenate([edge_index[0], loop])
    dst = jnp.concatenate([edge_index[1], loop])
    h = x @ W.T
    deg = jnp.zeros((N,), dtype=x.dtype).at[dst].add(1.0)
    dis = jnp.where(deg > 0, deg ** -0.5, 0.0)
    norm = dis[src] * dis[dst]
    msg = h[src] * norm[:, None]
    out = jnp.zeros((N, h.shape[1]), dtype=x.dtype).at[dst].add(msg)
    return out + b


def reference(data_in, edge_index, W1, b1, W2, b2, Wmt, bmt, Wst, bst, Wmz, bmz, Wsz, bsz):
    h = gcn_conv(data_in, edge_index, W1, b1)
    h = gcn_conv(h, edge_index, W2, b2)
    sp = jax.nn.softplus
    mu_tx = sp(h @ Wmt.T + bmt)
    std_tx = sp(h @ Wst.T + bst)
    mu_zx = h @ Wmz.T + bmz
    std_zx = sp(h @ Wsz.T + bsz)
    return (mu_tx, std_tx, mu_zx, std_zx)

if __name__ == "__main__":
    import jax
    _d = setup_inputs()
    print(jax.jit(kernel)(*tuple(_d.values())))

</pallas_src>

<mosaic_0001>
#map = affine_map<(d0, d1) -> (0, 0)>
#map1 = affine_map<(d0, d1) -> (0)>
#map2 = affine_map<(d0, d1) -> (0, 0, 0)>
module attributes {stable_mosaic.version = 14 : i64} {
  func.func @_sc_aggregate(%arg0: i32, %arg1: i32, %arg2: memref<10000x144xf32, #tpu.memory_space<hbm>>, %arg3: memref<320000xi32, #tpu.memory_space<hbm>>, %arg4: memref<32x125x80xi32, #tpu.memory_space<hbm>>, %arg5: memref<2x10000x144xf32, #tpu.memory_space<hbm>>, %arg6: memref<10000x144xf32, #tpu.memory_space<vmem_shared>>, %arg7: memref<2x80x144xf32, #tpu.memory_space<vmem>>, %arg8: memref<125x80xi32, #tpu.memory_space<vmem>>, %arg9: memref<2x80xi32, #tpu.memory_space<vmem>>, %arg10: memref<!tpu.dma_semaphore, #tpu.memory_space<semaphore_mem>>, %arg11: memref<!tpu.dma_semaphore, #tpu.memory_space<semaphore_mem>>, %arg12: memref<!tpu.dma_semaphore, #tpu.memory_space<semaphore_mem>>) attributes {dimension_semantics = [#tpu.dimension_semantics<core_parallel>, #tpu.dimension_semantics<subcore_parallel>], iteration_bounds = array<i64: 2, 16>, scalar_prefetch = 0 : i64, scratch_operands = 7 : i64, tpu.core_type = #tpu.core_type<sc_vector_subcore>, window_params = [{transform_indices = #map}, {transform_indices = #map1}, {transform_indices = #map2}, {transform_indices = #map2}]} {
    %mul3A = arith.constant 16 : i32
    %mul3A_0 = arith.muli %arg0, %mul3A : i32
    %add3A = arith.addi %mul3A_0, %arg1 : i32
    %mul3A_1 = arith.constant 10000 : i32
    %mul3A_2 = arith.muli %add3A, %mul3A_1 : i32
    "tpu.region"() ({
      %run_scoped3A_80 = tpu.sem_alloc : memref<!tpu.dma_semaphore, #tpu.memory_space<semaphore_mem>>
      %dma_start3A_81 = arith.constant 0 : i32
      %dma_start3A_82 = arith.constant 0 : i32
      %dma_start3A_83 = tpu.memref_slice %arg4[%add3A, %dma_start3A_81, %dma_start3A_82] : memref<32x125x80xi32, #tpu.memory_space<hbm>> -> memref<1x125x80xi32, #tpu.memory_space<hbm>>
      %dma_start3A_84 = tpu.memref_squeeze %dma_start3A_83 : memref<1x125x80xi32, #tpu.memory_space<hbm>> -> memref<125x80xi32, #tpu.memory_space<hbm>>
      %dma_start3A_85 = arith.constant 0 : i32
      %dma_start3A_86 = arith.constant 0 : i32
      %dma_start3A_87 = tpu.memref_slice %arg4[%add3A, %dma_start3A_85, %dma_start3A_86] : memref<32x125x80xi32, #tpu.memory_space<hbm>> -> memref<1x125x80xi32, #tpu.memory_space<hbm>>
      %dma_start3A_88 = tpu.memref_squeeze %dma_start3A_87 : memref<1x125x80xi32, #tpu.memory_space<hbm>> -> memref<125x80xi32, #tpu.memory_space<hbm>>
      tpu.enqueue_dma source(%dma_start3A_88 : memref<125x80xi32, #tpu.memory_space<hbm>>) target(%arg8 : memref<125x80xi32, #tpu.memory_space<vmem>>) target_semaphore(%run_scoped3A_80 : memref<!tpu.dma_semaphore, #tpu.memory_space<semaphore_mem>>)
      %dma_wait3A_89 = arith.constant 0 : i32
      %dma_wait3A_90 = arith.constant 0 : i32
      %dma_wait3A_91 = tpu.memref_slice %arg4[%add3A, %dma_wait3A_89, %dma_wait3A_90] : memref<32x125x80xi32, #tpu.memory_space<hbm>> -> memref<1x125x80xi32, #tpu.memory_space<hbm>>
      %dma_wait3A_92 = tpu.memref_squeeze %dma_wait3A_91 : memref<1x125x80xi32, #tpu.memory_space<hbm>> -> memref<125x80xi32, #tpu.memory_space<hbm>>
      %dma_wait3A_93 = arith.constant 0 : i32
      %dma_wait3A_94 = arith.constant 0 : i32
      %dma_wait3A_95 = tpu.memref_slice %arg4[%add3A, %dma_wait3A_93, %dma_wait3A_94] : memref<32x125x80xi32, #tpu.memory_space<hbm>> -> memref<1x125x80xi32, #tpu.memory_space<hbm>>
      %dma_wait3A_96 = tpu.memref_squeeze %dma_wait3A_95 : memref<1x125x80xi32, #tpu.memory_space<hbm>> -> memref<125x80xi32, #tpu.memory_space<hbm>>
      tpu.wait_dma2 semaphore(%run_scoped3A_80 : memref<!tpu.dma_semaphore, #tpu.memory_space<semaphore_mem>>) src(%dma_wait3A_96 : memref<125x80xi32, #tpu.memory_space<hbm>>) dst(%arg8 : memref<125x80xi32, #tpu.memory_space<vmem>>)
      tpu.yield
    }) : () -> ()
    %scan3A = arith.constant 0 : i32
    %scan3A_3 = arith.constant 0 : i32
    %scan3A_4 = arith.constant 0 : i32
    %scan3A_5 = arith.constant 80 : i32
    %scan3A_6 = arith.addi %scan3A_4, %scan3A_5 : i32
    %scan3A_7 = arith.constant 1 : i32
    scf.for %scan3A_80 = %scan3A_4 to %scan3A_6 step %scan3A_7  : i32 {
      %broadcast_in_dim3A = arith.constant 0.000000e+00 : f32
      %broadcast_in_dim3A_81 = vector.broadcast %broadcast_in_dim3A : f32 to vector<16xf32>
      %swap3A = arith.constant 0 : i32
      %swap3A_82 = arith.constant 0 : i32
      %swap3A_83 = tpu.memref_slice %arg7[%scan3A_3, %swap3A, %swap3A_82] : memref<2x80x144xf32, #tpu.memory_space<vmem>> -> memref<1x80x144xf32, #tpu.memory_space<vmem>>
      %swap3A_84 = tpu.memref_squeeze %swap3A_83 : memref<1x80x144xf32, #tpu.memory_space<vmem>> -> memref<80x144xf32, #tpu.memory_space<vmem>>
      %swap3A_85 = arith.index_cast %scan3A_80 : i32 to index
      %swap3A_86 = arith.constant 0 : index
      %swap3A_87 = tpu.vector_load %swap3A_84[%swap3A_85, %swap3A_86] {strides = array<i32>} : memref<80x144xf32, #tpu.memory_space<vmem>>, vector<1x16xf32>,
      %swap3A_88 = vector.shape_cast %swap3A_87 : vector<1x16xf32> to vector<16xf32>
      %swap3A_89 = vector.shape_cast %broadcast_in_dim3A_81 : vector<16xf32> to vector<1x16xf32>
      tpu.vector_store %swap3A_84[%swap3A_85, %swap3A_86], %swap3A_89 {strides = array<i32>} : memref<80x144xf32, #tpu.memory_space<vmem>>, vector<1x16xf32>,
      %broadcast_in_dim3A_90 = arith.constant 0.000000e+00 : f32
      %broadcast_in_dim3A_91 = vector.broadcast %broadcast_in_dim3A_90 : f32 to vector<16xf32>
      %swap3A_92 = arith.constant 0 : i32
      %swap3A_93 = arith.constant 0 : i32
      %swap3A_94 = tpu.memref_slice %arg7[%scan3A_3, %swap3A_92, %swap3A_93] : memref<2x80x144xf32, #tpu.memory_space<vmem>> -> memref<1x80x144xf32, #tpu.memory_space<vmem>>
      %swap3A_95 = tpu.memref_squeeze %swap3A_94 : memref<1x80x144xf32, #tpu.memory_space<vmem>> -> memref<80x144xf32, #tpu.memory_space<vmem>>
      %swap3A_96 = arith.index_cast %scan3A_80 : i32 to index
      %swap3A_97 = arith.constant 16 : index
      %swap3A_98 = tpu.vector_load %swap3A_95[%swap3A_96, %swap3A_97] {strides = array<i32>} : memref<80x144xf32, #tpu.memory_space<vmem>>, vector<1x16xf32>,
      %swap3A_99 = vector.shape_cast %swap3A_98 : vector<1x16xf32> to vector<16xf32>
      %swap3A_100 = vector.shape_cast %broadcast_in_dim3A_91 : vector<16xf32> to vector<1x16xf32>
      tpu.vector_store %swap3A_95[%swap3A_96, %swap3A_97], %swap3A_100 {strides = array<i32>} : memref<80x144xf32, #tpu.memory_space<vmem>>, vector<1x16xf32>,
      %broadcast_in_dim3A_101 = arith.constant 0.000000e+00 : f32
      %broadcast_in_dim3A_102 = vector.broadcast %broadcast_in_dim3A_101 : f32 to vector<16xf32>
      %swap3A_103 = arith.constant 0 : i32
      %swap3A_104 = arith.constant 0 : i32
      %swap3A_105 = tpu.memref_slice %arg7[%scan3A_3, %swap3A_103, %swap3A_104] : memref<2x80x144xf32, #tpu.memory_space<vmem>> -> memref<1x80x144xf32, #tpu.memory_space<vmem>>
      %swap3A_106 = tpu.memref_squeeze %swap3A_105 : memref<1x80x144xf32, #tpu.memory_space<vmem>> -> memref<80x144xf32, #tpu.memory_space<vmem>>
      %swap3A_107 = arith.index_cast %scan3A_80 : i32 to index
      %swap3A_108 = arith.constant 32 : index
      %swap3A_109 = tpu.vector_load %swap3A_106[%swap3A_107, %swap3A_108] {strides = array<i32>} : memref<80x144xf32, #tpu.memory_space<vmem>>, vector<1x16xf32>,
      %swap3A_110 = vector.shape_cast %swap3A_109 : vector<1x16xf32> to vector<16xf32>
      %swap3A_111 = vector.shape_cast %broadcast_in_dim3A_102 : vector<16xf32> to vector<1x16xf32>
      tpu.vector_store %swap3A_106[%swap3A_107, %swap3A_108], %swap3A_111 {strides = array<i32>} : memref<80x144xf32, #tpu.memory_space<vmem>>, vector<1x16xf32>,
      %broadcast_in_dim3A_112 = arith.constant 0.000000e+00 : f32
      %broadcast_in_dim3A_113 = vector.broadcast %broadcast_in_dim3A_112 : f32 to vector<16xf32>
      %swap3A_114 = arith.constant 0 : i32
      %swap3A_115 = arith.constant 0 : i32
      %swap3A_116 = tpu.memref_slice %arg7[%scan3A_3, %swap3A_114, %swap3A_115] : memref<2x80x144xf32, #tpu.memory_space<vmem>> -> memref<1x80x144xf32, #tpu.memory_space<vmem>>
      %swap3A_117 = tpu.memref_squeeze %swap3A_116 : memref<1x80x144xf32, #tpu.memory_space<vmem>> -> memref<80x144xf32, #tpu.memory_space<vmem>>
      %swap3A_118 = arith.index_cast %scan3A_80 : i32 to index
      %swap3A_119 = arith.constant 48 : index
      %swap3A_120 = tpu.vector_load %swap3A_117[%swap3A_118, %swap3A_119] {strides = array<i32>} : memref<80x144xf32, #tpu.memory_space<vmem>>, vector<1x16xf32>,
      %swap3A_121 = vector.shape_cast %swap3A_120 : vector<1x16xf32> to vector<16xf32>
      %swap3A_122 = vector.shape_cast %broadcast_in_dim3A_113 : vector<16xf32> to vector<1x16xf32>
      tpu.vector_store %swap3A_117[%swap3A_118, %swap3A_119], %swap3A_122 {strides = array<i32>} : memref<80x144xf32, #tpu.memory_space<vmem>>, vector<1x16xf32>,
      %broadcast_in_dim3A_123 = arith.constant 0.000000e+00 : f32
      %broadcast_in_dim3A_124 = vector.broadcast %broadcast_in_dim3A_123 : f32 to vector<16xf32>
      %swap3A_125 = arith.constant 0 : i32
      %swap3A_126 = arith.constant 0 : i32
      %swap3A_127 = tpu.memref_slice %arg7[%scan3A_3, %swap3A_125, %swap3A_126] : memref<2x80x144xf32, #tpu.memory_space<vmem>> -> memref<1x80x144xf32, #tpu.memory_space<vmem>>
      %swap3A_128 = tpu.memref_squeeze %swap3A_127 : memref<1x80x144xf32, #tpu.memory_space<vmem>> -> memref<80x144xf32, #tpu.memory_space<vmem>>
      %swap3A_129 = arith.index_cast %scan3A_80 : i32 to index
      %swap3A_130 = arith.constant 64 : index
      %swap3A_131 = tpu.vector_load %swap3A_128[%swap3A_129, %swap3A_130] {strides = array<i32>} : memref<80x144xf32, #tpu.memory_space<vmem>>, vector<1x16xf32>,
      %swap3A_132 = vector.shape_cast %swap3A_131 : vector<1x16xf32> to vector<16xf32>
      %swap3A_133 = vector.shape_cast %broadcast_in_dim3A_124 : vector<16xf32> to vector<1x16xf32>
      tpu.vector_store %swap3A_128[%swap3A_129, %swap3A_130], %swap3A_133 {strides = array<i32>} : memref<80x144xf32, #tpu.memory_space<vmem>>, vector<1x16xf32>,
      %broadcast_in_dim3A_134 = arith.constant 0.000000e+00 : f32
      %broadcast_in_dim3A_135 = vector.broadcast %broadcast_in_dim3A_134 : f32 to vector<16xf32>
      %swap3A_136 = arith.constant 0 : i32
      %swap3A_137 = arith.constant 0 : i32
      %swap3A_138 = tpu.memref_slice %arg7[%scan3A_3, %swap3A_136, %swap3A_137] : memref<2x80x144xf32, #tpu.memory_space<vmem>> -> memref<1x80x144xf32, #tpu.memory_space<vmem>>
      %swap3A_139 = tpu.memref_squeeze %swap3A_138 : memref<1x80x144xf32, #tpu.memory_space<vmem>> -> memref<80x144xf32, #tpu.memory_space<vmem>>
      %swap3A_140 = arith.index_cast %scan3A_80 : i32 to index
      %swap3A_141 = arith.constant 80 : index
      %swap3A_142 = tpu.vector_load %swap3A_139[%swap3A_140, %swap3A_141] {strides = array<i32>} : memref<80x144xf32, #tpu.memory_space<vmem>>, vector<1x16xf32>,
      %swap3A_143 = vector.shape_cast %swap3A_142 : vector<1x16xf32> to vector<16xf32>
      %swap3A_144 = vector.shape_cast %broadcast_in_dim3A_135 : vector<16xf32> to vector<1x16xf32>
      tpu.vector_store %swap3A_139[%swap3A_140, %swap3A_141], %swap3A_144 {strides = array<i32>} : memref<80x144xf32, #tpu.memory_space<vmem>>, vector<1x16xf32>,
      %broadcast_in_dim3A_145 = arith.constant 0.000000e+00 : f32
      %broadcast_in_dim3A_146 = vector.broadcast %broadcast_in_dim3A_145 : f32 to vector<16xf32>
      %swap3A_147 = arith.constant 0 : i32
      %swap3A_148 = arith.constant 0 : i32
      %swap3A_149 = tpu.memref_slice %arg7[%scan3A_3, %swap3A_147, %swap3A_148] : memref<2x80x144xf32, #tpu.memory_space<vmem>> -> memref<1x80x144xf32, #tpu.memory_space<vmem>>
      %swap3A_150 = tpu.memref_squeeze %swap3A_149 : memref<1x80x144xf32, #tpu.memory_space<vmem>> -> memref<80x144xf32, #tpu.memory_space<vmem>>
      %swap3A_151 = arith.index_cast %scan3A_80 : i32 to index
      %swap3A_152 = arith.constant 96 : index
      %swap3A_153 = tpu.vector_load %swap3A_150[%swap3A_151, %swap3A_152] {strides = array<i32>} : memref<80x144xf32, #tpu.memory_space<vmem>>, vector<1x16xf32>,
      %swap3A_154 = vector.shape_cast %swap3A_153 : vector<1x16xf32> to vector<16xf32>
      %swap3A_155 = vector.shape_cast %broadcast_in_dim3A_146 : vector<16xf32> to vector<1x16xf32>
      tpu.vector_store %swap3A_150[%swap3A_151, %swap3A_152], %swap3A_155 {strides = array<i32>} : memref<80x144xf32, #tpu.memory_space<vmem>>, vector<1x16xf32>,
      %broadcast_in_dim3A_156 = arith.constant 0.000000e+00 : f32
      %broadcast_in_dim3A_157 = vector.broadcast %broadcast_in_dim3A_156 : f32 to vector<16xf32>
      %swap3A_158 = arith.constant 0 : i32
      %swap3A_159 = arith.constant 0 : i32
      %swap3A_160 = tpu.memref_slice %arg7[%scan3A_3, %swap3A_158, %swap3A_159] : memref<2x80x144xf32, #tpu.memory_space<vmem>> -> memref<1x80x144xf32, #tpu.memory_space<vmem>>
      %swap3A_161 = tpu.memref_squeeze %swap3A_160 : memref<1x80x144xf32, #tpu.memory_space<vmem>> -> memref<80x144xf32, #tpu.memory_space<vmem>>
      %swap3A_162 = arith.index_cast %scan3A_80 : i32 to index
      %swap3A_163 = arith.constant 112 : index
      %swap3A_164 = tpu.vector_load %swap3A_161[%swap3A_162, %swap3A_163] {strides = array<i32>} : memref<80x144xf32, #tpu.memory_space<vmem>>, vector<1x16xf32>,
      %swap3A_165 = vector.shape_cast %swap3A_164 : vector<1x16xf32> to vector<16xf32>
      %swap3A_166 = vector.shape_cast %broadcast_in_dim3A_157 : vector<16xf32> to vector<1x16xf32>
      tpu.vector_store %swap3A_161[%swap3A_162, %swap3A_163], %swap3A_166 {strides = array<i32>} : memref<80x144xf32, #tpu.memory_space<vmem>>, vector<1x16xf32>,
      %broadcast_in_dim3A_167 = arith.constant 0.000000e+00 : f32
      %broadcast_in_dim3A_168 = vector.broadcast %broadcast_in_dim3A_167 : f32 to vector<16xf32>
      %swap3A_169 = arith.constant 0 : i32
      %swap3A_170 = arith.constant 0 : i32
      %swap3A_171 = tpu.memref_slice %arg7[%scan3A_3, %swap3A_169, %swap3A_170] : memref<2x80x144xf32, #tpu.memory_space<vmem>> -> memref<1x80x144xf32, #tpu.memory_space<vmem>>
      %swap3A_172 = tpu.memref_squeeze %swap3A_171 : memref<1x80x144xf32, #tpu.memory_space<vmem>> -> memref<80x144xf32, #tpu.memory_space<vmem>>
      %swap3A_173 = arith.index_cast %scan3A_80 : i32 to index
      %swap3A_174 = arith.constant 128 : index
      %swap3A_175 = tpu.vector_load %swap3A_172[%swap3A_173, %swap3A_174] {strides = array<i32>} : memref<80x144xf32, #tpu.memory_space<vmem>>, vector<1x16xf32>,
      %swap3A_176 = vector.shape_cast %swap3A_175 : vector<1x16xf32> to vector<16xf32>
      %swap3A_177 = vector.shape_cast %broadcast_in_dim3A_168 : vector<16xf32> to vector<1x16xf32>
      tpu.vector_store %swap3A_172[%swap3A_173, %swap3A_174], %swap3A_177 {strides = array<i32>} : memref<80x144xf32, #tpu.memory_space<vmem>>, vector<1x16xf32>,
    }
    %scan3A_8 = arith.constant 80 : i32
    %lt3A = arith.constant 15 : i32
    %lt3A_9 = arith.cmpi slt, %arg1, %lt3A : i32
    %convert_element_type3A = arith.extui %lt3A_9 : i1 to i32
    %cond3A = arith.constant 0 : i32
    %cond3A_10 = arith.cmpi ne, %convert_element_type3A, %cond3A : i32
    scf.if %cond3A_10 {
      %mul3A_80 = arith.constant 624 : i32
      %mul3A_81 = arith.muli %arg1, %mul3A_80 : i32
      %multiple_of3A_82 = tpu.assume_multiple %mul3A_81, 8 : i32
      %add3A_83 = arith.constant 0 : i32
      %add3A_84 = arith.addi %multiple_of3A_82, %add3A_83 : i32
      %run_scoped3A_85 = arith.constant 0 : i32
      "tpu.region"() ({
        %run_scoped3A_107 = tpu.sem_alloc : memref<!tpu.dma_semaphore, #tpu.memory_space<semaphore_mem>>
        %dma_start3A_108 = arith.constant 0 : i32
        %dma_start3A_109 = arith.constant 0 : i32
        %dma_start3A_110 = tpu.memref_slice %arg7[%run_scoped3A_85, %dma_start3A_108, %dma_start3A_109] : memref<2x80x144xf32, #tpu.memory_space<vmem>> -> memref<1x80x144xf32, #tpu.memory_space<vmem>>
        %dma_start3A_111 = tpu.memref_squeeze %dma_start3A_110 : memref<1x80x144xf32, #tpu.memory_space<vmem>> -> memref<80x144xf32, #tpu.memory_space<vmem>>
        %dma_start3A_112 = arith.constant 0 : i32
        %dma_start3A_113 = tpu.memref_slice %arg6[%add3A_84, %dma_start3A_112] : memref<10000x144xf32, #tpu.memory_space<vmem_shared>> -> memref<80x144xf32, #tpu.memory_space<vmem_shared>>
        %dma_start3A_114 = arith.constant 0 : i32
        %dma_start3A_115 = tpu.memref_slice %arg6[%add3A_84, %dma_start3A_114] : memref<10000x144xf32, #tpu.memory_space<vmem_shared>> -> memref<80x144xf32, #tpu.memory_space<vmem_shared>>
        %dma_start3A_116 = arith.constant 0 : i32
        %dma_start3A_117 = arith.constant 0 : i32
        %dma_start3A_118 = tpu.memref_slice %arg7[%run_scoped3A_85, %dma_start3A_116, %dma_start3A_117] : memref<2x80x144xf32, #tpu.memory_space<vmem>> -> memref<1x80x144xf32, #tpu.memory_space<vmem>>
        %dma_start3A_119 = tpu.memref_squeeze %dma_start3A_118 : memref<1x80x144xf32, #tpu.memory_space<vmem>> -> memref<80x144xf32, #tpu.memory_space<vmem>>
        tpu.enqueue_dma source(%dma_start3A_119 : memref<80x144xf32, #tpu.memory_space<vmem>>) target(%dma_start3A_115 : memref<80x144xf32, #tpu.memory_space<vmem_shared>>) target_semaphore(%run_scoped3A_107 : memref<!tpu.dma_semaphore, #tpu.memory_space<semaphore_mem>>)
        %dma_wait3A_120 = arith.constant 0 : i32
        %dma_wait3A_121 = arith.constant 0 : i32
        %dma_wait3A_122 = tpu.memref_slice %arg7[%run_scoped3A_85, %dma_wait3A_120, %dma_wait3A_121] : memref<2x80x144xf32, #tpu.memory_space<vmem>> -> memref<1x80x144xf32, #tpu.memory_space<vmem>>
        %dma_wait3A_123 = tpu.memref_squeeze %dma_wait3A_122 : memref<1x80x144xf32, #tpu.memory_space<vmem>> -> memref<80x144xf32, #tpu.memory_space<vmem>>
        %dma_wait3A_124 = arith.constant 0 : i32
        %dma_wait3A_125 = tpu.memref_slice %arg6[%add3A_84, %dma_wait3A_124] : memref<10000x144xf32, #tpu.memory_space<vmem_shared>> -> memref<80x144xf32, #tpu.memory_space<vmem_shared>>
        %dma_wait3A_126 = arith.constant 0 : i32
        %dma_wait3A_127 = tpu.memref_slice %arg6[%add3A_84, %dma_wait3A_126] : memref<10000x144xf32, #tpu.memory_space<vmem_shared>> -> memref<80x144xf32, #tpu.memory_space<vmem_shared>>
        %dma_wait3A_128 = arith.constant 0 : i32
        %dma_wait3A_129 = arith.constant 0 : i32
        %dma_wait3A_130 = tpu.memref_slice %arg7[%run_scoped3A_85, %dma_wait3A_128, %dma_wait3A_129] : memref<2x80x144xf32, #tpu.memory_space<vmem>> -> memref<1x80x144xf32, #tpu.memory_space<vmem>>
        %dma_wait3A_131 = tpu.memref_squeeze %dma_wait3A_130 : memref<1x80x144xf32, #tpu.memory_space<vmem>> -> memref<80x144xf32, #tpu.memory_space<vmem>>
        tpu.wait_dma2 semaphore(%run_scoped3A_107 : memref<!tpu.dma_semaphore, #tpu.memory_space<semaphore_mem>>) src(%dma_wait3A_131 : memref<80x144xf32, #tpu.memory_space<vmem>>) dst(%dma_wait3A_127 : memref<80x144xf32, #tpu.memory_space<vmem_shared>>)
        tpu.yield
      }) : () -> ()
      %add3A_86 = arith.constant 80 : i32
      %add3A_87 = arith.addi %multiple_of3A_82, %add3A_86 : i32
      %run_scoped3A_88 = arith.constant 0 : i32
      "tpu.region"() ({
        %run_scoped3A_107 = tpu.sem_alloc : memref<!tpu.dma_semaphore, #tpu.memory_space<semaphore_mem>>
        %dma_start3A_108 = arith.constant 0 : i32
        %dma_start3A_109 = arith.constant 0 : i32
        %dma_start3A_110 = tpu.memref_slice %arg7[%run_scoped3A_88, %dma_start3A_108, %dma_start3A_109] : memref<2x80x144xf32, #tpu.memory_space<vmem>> -> memref<1x80x144xf32, #tpu.memory_space<vmem>>
        %dma_start3A_111 = tpu.memref_squeeze %dma_start3A_110 : memref<1x80x144xf32, #tpu.memory_space<vmem>> -> memref<80x144xf32, #tpu.memory_space<vmem>>
        %dma_start3A_112 = arith.constant 0 : i32
        %dma_start3A_113 = tpu.memref_slice %arg6[%add3A_87, %dma_start3A_112] : memref<10000x144xf32, #tpu.memory_space<vmem_shared>> -> memref<80x144xf32, #tpu.memory_space<vmem_shared>>
        %dma_start3A_114 = arith.constant 0 : i32
        %dma_start3A_115 = tpu.memref_slice %arg6[%add3A_87, %dma_start3A_114] : memref<10000x144xf32, #tpu.memory_space<vmem_shared>> -> memref<80x144xf32, #tpu.memory_space<vmem_shared>>
        %dma_start3A_116 = arith.constant 0 : i32
        %dma_start3A_117 = arith.constant 0 : i32
        %dma_start3A_118 = tpu.memref_slice %arg7[%run_scoped3A_88, %dma_start3A_116, %dma_start3A_117] : memref<2x80x144xf32, #tpu.memory_space<vmem>> -> memref<1x80x144xf32, #tpu.memory_space<vmem>>
        %dma_start3A_119 = tpu.memref_squeeze %dma_start3A_118 : memref<1x80x144xf32, #tpu.memory_space<vmem>> -> memref<80x144xf32, #tpu.memory_space<vmem>>
        tpu.enqueue_dma source(%dma_start3A_119 : memref<80x144xf32, #tpu.memory_space<vmem>>) target(%dma_start3A_115 : memref<80x144xf32, #tpu.memory_space<vmem_shared>>) target_semaphore(%run_scoped3A_107 : memref<!tpu.dma_semaphore, #tpu.memory_space<semaphore_mem>>)
        %dma_wait3A_120 = arith.constant 0 : i32
        %dma_wait3A_121 = arith.constant 0 : i32
        %dma_wait3A_122 = tpu.memref_slice %arg7[%run_scoped3A_88, %dma_wait3A_120, %dma_wait3A_121] : memref<2x80x144xf32, #tpu.memory_space<vmem>> -> memref<1x80x144xf32, #tpu.memory_space<vmem>>
        %dma_wait3A_123 = tpu.memref_squeeze %dma_wait3A_122 : memref<1x80x144xf32, #tpu.memory_space<vmem>> -> memref<80x144xf32, #tpu.memory_space<vmem>>
        %dma_wait3A_124 = arith.constant 0 : i32
        %dma_wait3A_125 = tpu.memref_slice %arg6[%add3A_87, %dma_wait3A_124] : memref<10000x144xf32, #tpu.memory_space<vmem_shared>> -> memref<80x144xf32, #tpu.memory_space<vmem_shared>>
        %dma_wait3A_126 = arith.constant 0 : i32
        %dma_wait3A_127 = tpu.memref_slice %arg6[%add3A_87, %dma_wait3A_126] : memref<10000x144xf32, #tpu.memory_space<vmem_shared>> -> memref<80x144xf32, #tpu.memory_space<vmem_shared>>
        %dma_wait3A_128 = arith.constant 0 : i32
        %dma_wait3A_129 = arith.constant 0 : i32
        %dma_wait3A_130 = tpu.memref_slice %arg7[%run_scoped3A_88, %dma_wait3A_128, %dma_wait3A_129] : memref<2x80x144xf32, #tpu.memory_space<vmem>> -> memref<1x80x144xf32, #tpu.memory_space<vmem>>
        %dma_wait3A_131 = tpu.memref_squeeze %dma_wait3A_130 : memref<1x80x144xf32, #tpu.memory_space<vmem>> -> memref<80x144xf32, #tpu.memory_space<vmem>>
        tpu.wait_dma2 semaphore(%run_scoped3A_107 : memref<!tpu.dma_semaphore, #tpu.memory_space<semaphore_mem>>) src(%dma_wait3A_131 : memref<80x144xf32, #tpu.memory_space<vmem>>) dst(%dma_wait3A_127 : memref<80x144xf32, #tpu.memory_space<vmem_shared>>)
        tpu.yield
      }) : () -> ()
      %add3A_89 = arith.constant 160 : i32
      %add3A_90 = arith.addi %multiple_of3A_82, %add3A_89 : i32
      %run_scoped3A_91 = arith.constant 0 : i32
      "tpu.region"() ({
        %run_scoped3A_107 = tpu.sem_alloc : memref<!tpu.dma_semaphore, #tpu.memory_space<semaphore_mem>>
        %dma_start3A_108 = arith.constant 0 : i32
        %dma_start3A_109 = arith.constant 0 : i32
        %dma_start3A_110 = tpu.memref_slice %arg7[%run_scoped3A_91, %dma_start3A_108, %dma_start3A_109] : memref<2x80x144xf32, #tpu.memory_space<vmem>> -> memref<1x80x144xf32, #tpu.memory_space<vmem>>
        %dma_start3A_111 = tpu.memref_squeeze %dma_start3A_110 : memref<1x80x144xf32, #tpu.memory_space<vmem>> -> memref<80x144xf32, #tpu.memory_space<vmem>>
        %dma_start3A_112 = arith.constant 0 : i32
        %dma_start3A_113 = tpu.memref_slice %arg6[%add3A_90, %dma_start3A_112] : memref<10000x144xf32, #tpu.memory_space<vmem_shared>> -> memref<80x144xf32, #tpu.memory_space<vmem_shared>>
        %dma_start3A_114 = arith.constant 0 : i32
        %dma_start3A_115 = tpu.memref_slice %arg6[%add3A_90, %dma_start3A_114] : memref<10000x144xf32, #tpu.memory_space<vmem_shared>> -> memref<80x144xf32, #tpu.memory_space<vmem_shared>>
        %dma_start3A_116 = arith.constant 0 : i32
        %dma_start3A_117 = arith.constant 0 : i32
        %dma_start3A_118 = tpu.memref_slice %arg7[%run_scoped3A_91, %dma_start3A_116, %dma_start3A_117] : memref<2x80x144xf32, #tpu.memory_space<vmem>> -> memref<1x80x144xf32, #tpu.memory_space<vmem>>
        %dma_start3A_119 = tpu.memref_squeeze %dma_start3A_118 : memref<1x80x144xf32, #tpu.memory_space<vmem>> -> memref<80x144xf32, #tpu.memory_space<vmem>>
        tpu.enqueue_dma source(%dma_start3A_119 : memref<80x144xf32, #tpu.memory_space<vmem>>) target(%dma_start3A_115 : memref<80x144xf32, #tpu.memory_space<vmem_shared>>) target_semaphore(%run_scoped3A_107 : memref<!tpu.dma_semaphore, #tpu.memory_space<semaphore_mem>>)
        %dma_wait3A_120 = arith.constant 0 : i32
        %dma_wait3A_121 = arith.constant 0 : i32
        %dma_wait3A_122 = tpu.memref_slice %arg7[%run_scoped3A_91, %dma_wait3A_120, %dma_wait3A_121] : memref<2x80x144xf32, #tpu.memory_space<vmem>> -> memref<1x80x144xf32, #tpu.memory_space<vmem>>
        %dma_wait3A_123 = tpu.memref_squeeze %dma_wait3A_122 : memref<1x80x144xf32, #tpu.memory_space<vmem>> -> memref<80x144xf32, #tpu.memory_space<vmem>>
        %dma_wait3A_124 = arith.constant 0 : i32
        %dma_wait3A_125 = tpu.memref_slice %arg6[%add3A_90, %dma_wait3A_124] : memref<10000x144xf32, #tpu.memory_space<vmem_shared>> -> memref<80x144xf32, #tpu.memory_space<vmem_shared>>
        %dma_wait3A_126 = arith.constant 0 : i32
        %dma_wait3A_127 = tpu.memref_slice %arg6[%add3A_90, %dma_wait3A_126] : memref<10000x144xf32, #tpu.memory_space<vmem_shared>> -> memref<80x144xf32, #tpu.memory_space<vmem_shared>>
        %dma_wait3A_128 = arith.constant 0 : i32
        %dma_wait3A_129 = arith.constant 0 : i32
        %dma_wait3A_130 = tpu.memref_slice %arg7[%run_scoped3A_91, %dma_wait3A_128, %dma_wait3A_129] : memref<2x80x144xf32, #tpu.memory_space<vmem>> -> memref<1x80x144xf32, #tpu.memory_space<vmem>>
        %dma_wait3A_131 = tpu.memref_squeeze %dma_wait3A_130 : memref<1x80x144xf32, #tpu.memory_space<vmem>> -> memref<80x144xf32, #tpu.memory_space<vmem>>
        tpu.wait_dma2 semaphore(%run_scoped3A_107 : memref<!tpu.dma_semaphore, #tpu.memory_space<semaphore_mem>>) src(%dma_wait3A_131 : memref<80x144xf32, #tpu.memory_space<vmem>>) dst(%dma_wait3A_127 : memref<80x144xf32, #tpu.memory_space<vmem_shared>>)
        tpu.yield
      }) : () -> ()
      %add3A_92 = arith.constant 240 : i32
      %add3A_93 = arith.addi %multiple_of3A_82, %add3A_92 : i32
      %run_scoped3A_94 = arith.constant 0 : i32
      "tpu.region"() ({
        %run_scoped3A_107 = tpu.sem_alloc : memref<!tpu.dma_semaphore, #tpu.memory_space<semaphore_mem>>
        %dma_start3A_108 = arith.constant 0 : i32
        %dma_start3A_109 = arith.constant 0 : i32
        %dma_start3A_110 = tpu.memref_slice %arg7[%run_scoped3A_94, %dma_start3A_108, %dma_start3A_109] : memref<2x80x144xf32, #tpu.memory_space<vmem>> -> memref<1x80x144xf32, #tpu.memory_space<vmem>>
        %dma_start3A_111 = tpu.memref_squeeze %dma_start3A_110 : memref<1x80x144xf32, #tpu.memory_space<vmem>> -> memref<80x144xf32, #tpu.memory_space<vmem>>
        %dma_start3A_112 = arith.constant 0 : i32
        %dma_start3A_113 = tpu.memref_slice %arg6[%add3A_93, %dma_start3A_112] : memref<10000x144xf32, #tpu.memory_space<vmem_shared>> -> memref<80x144xf32, #tpu.memory_space<vmem_shared>>
        %dma_start3A_114 = arith.constant 0 : i32
        %dma_start3A_115 = tpu.memref_slice %arg6[%add3A_93, %dma_start3A_114] : memref<10000x144xf32, #tpu.memory_space<vmem_shared>> -> memref<80x144xf32, #tpu.memory_space<vmem_shared>>
        %dma_start3A_116 = arith.constant 0 : i32
        %dma_start3A_117 = arith.constant 0 : i32
        %dma_start3A_118 = tpu.memref_slice %arg7[%run_scoped3A_94, %dma_start3A_116, %dma_start3A_117] : memref<2x80x144xf32, #tpu.memory_space<vmem>> -> memref<1x80x144xf32, #tpu.memory_space<vmem>>
        %dma_start3A_119 = tpu.memref_squeeze %dma_start3A_118 : memref<1x80x144xf32, #tpu.memory_space<vmem>> -> memref<80x144xf32, #tpu.memory_space<vmem>>
        tpu.enqueue_dma source(%dma_start3A_119 : memref<80x144xf32, #tpu.memory_space<vmem>>) target(%dma_start3A_115 : memref<80x144xf32, #tpu.memory_space<vmem_shared>>) target_semaphore(%run_scoped3A_107 : memref<!tpu.dma_semaphore, #tpu.memory_space<semaphore_mem>>)
        %dma_wait3A_120 = arith.constant 0 : i32
        %dma_wait3A_121 = arith.constant 0 : i32
        %dma_wait3A_122 = tpu.memref_slice %arg7[%run_scoped3A_94, %dma_wait3A_120, %dma_wait3A_121] : memref<2x80x144xf32, #tpu.memory_space<vmem>> -> memref<1x80x144xf32, #tpu.memory_space<vmem>>
        %dma_wait3A_123 = tpu.memref_squeeze %dma_wait3A_122 : memref<1x80x144xf32, #tpu.memory_space<vmem>> -> memref<80x144xf32, #tpu.memory_space<vmem>>
        %dma_wait3A_124 = arith.constant 0 : i32
        %dma_wait3A_125 = tpu.memref_slice %arg6[%add3A_93, %dma_wait3A_124] : memref<10000x144xf32, #tpu.memory_space<vmem_shared>> -> memref<80x144xf32, #tpu.memory_space<vmem_shared>>
        %dma_wait3A_126 = arith.constant 0 : i32
        %dma_wait3A_127 = tpu.memref_slice %arg6[%add3A_93, %dma_wait3A_126] : memref<10000x144xf32, #tpu.memory_space<vmem_shared>> -> memref<80x144xf32, #tpu.memory_space<vmem_shared>>
        %dma_wait3A_128 = arith.constant 0 : i32
        %dma_wait3A_129 = arith.constant 0 : i32
        %dma_wait3A_130 = tpu.memref_slice %arg7[%run_scoped3A_94, %dma_wait3A_128, %dma_wait3A_129] : memref<2x80x144xf32, #tpu.memory_space<vmem>> -> memref<1x80x144xf32, #tpu.memory_space<vmem>>
        %dma_wait3A_131 = tpu.memref_squeeze %dma_wait3A_130 : memref<1x80x144xf32, #tpu.memory_space<vmem>> -> memref<80x144xf32, #tpu.memory_space<vmem>>
        tpu.wait_dma2 semaphore(%run_scoped3A_107 : memref<!tpu.dma_semaphore, #tpu.memory_space<semaphore_mem>>) src(%dma_wait3A_131 : memref<80x144xf32, #tpu.memory_space<vmem>>) dst(%dma_wait3A_127 : memref<80x144xf32, #tpu.memory_space<vmem_shared>>)
        tpu.yield
      }) : () -> ()
      %add3A_95 = arith.constant 320 : i32
      %add3A_96 = arith.addi %multiple_of3A_82, %add3A_95 : i32
      %run_scoped3A_97 = arith.constant 0 : i32
      "tpu.region"() ({
        %run_scoped3A_107 = tpu.sem_alloc : memref<!tpu.dma_semaphore, #tpu.memory_space<semaphore_mem>>
        %dma_start3A_108 = arith.constant 0 : i32
        %dma_start3A_109 = arith.constant 0 : i32
        %dma_start3A_110 = tpu.memref_slice %arg7[%run_scoped3A_97, %dma_start3A_108, %dma_start3A_109] : memref<2x80x144xf32, #tpu.memory_space<vmem>> -> memref<1x80x144xf32, #tpu.memory_space<vmem>>
        %dma_start3A_111 = tpu.memref_squeeze %dma_start3A_110 : memref<1x80x144xf32, #tpu.memory_space<vmem>> -> memref<80x144xf32, #tpu.memory_space<vmem>>
        %dma_start3A_112 = arith.constant 0 : i32
        %dma_start3A_113 = tpu.memref_slice %arg6[%add3A_96, %dma_start3A_112] : memref<10000x144xf32, #tpu.memory_space<vmem_shared>> -> memref<80x144xf32, #tpu.memory_space<vmem_shared>>
        %dma_start3A_114 = arith.constant 0 : i32
        %dma_start3A_115 = tpu.memref_slice %arg6[%add3A_96, %dma_start3A_114] : memref<10000x144xf32, #tpu.memory_space<vmem_shared>> -> memref<80x144xf32, #tpu.memory_space<vmem_shared>>
        %dma_start3A_116 = arith.constant 0 : i32
        %dma_start3A_117 = arith.constant 0 : i32
        %dma_start3A_118 = tpu.memref_slice %arg7[%run_scoped3A_97, %dma_start3A_116, %dma_start3A_117] : memref<2x80x144xf32, #tpu.memory_space<vmem>> -> memref<1x80x144xf32, #tpu.memory_space<vmem>>
        %dma_start3A_119 = tpu.memref_squeeze %dma_start3A_118 : memref<1x80x144xf32, #tpu.memory_space<vmem>> -> memref<80x144xf32, #tpu.memory_space<vmem>>
        tpu.enqueue_dma source(%dma_start3A_119 : memref<80x144xf32, #tpu.memory_space<vmem>>) target(%dma_start3A_115 : memref<80x144xf32, #tpu.memory_space<vmem_shared>>) target_semaphore(%run_scoped3A_107 : memref<!tpu.dma_semaphore, #tpu.memory_space<semaphore_mem>>)
        %dma_wait3A_120 = arith.constant 0 : i32
        %dma_wait3A_121 = arith.constant 0 : i32
        %dma_wait3A_122 = tpu.memref_slice %arg7[%run_scoped3A_97, %dma_wait3A_120, %dma_wait3A_121] : memref<2x80x144xf32, #tpu.memory_space<vmem>> -> memref<1x80x144xf32, #tpu.memory_space<vmem>>
        %dma_wait3A_123 = tpu.memref_squeeze %dma_wait3A_122 : memref<1x80x144xf32, #tpu.memory_space<vmem>> -> memref<80x144xf32, #tpu.memory_space<vmem>>
        %dma_wait3A_124 = arith.constant 0 : i32
        %dma_wait3A_125 = tpu.memref_slice %arg6[%add3A_96, %dma_wait3A_124] : memref<10000x144xf32, #tpu.memory_space<vmem_shared>> -> memref<80x144xf32, #tpu.memory_space<vmem_shared>>
        %dma_wait3A_126 = arith.constant 0 : i32
        %dma_wait3A_127 = tpu.memref_slice %arg6[%add3A_96, %dma_wait3A_126] : memref<10000x144xf32, #tpu.memory_space<vmem_shared>> -> memref<80x144xf32, #tpu.memory_space<vmem_shared>>
        %dma_wait3A_128 = arith.constant 0 : i32
        %dma_wait3A_129 = arith.constant 0 : i32
        %dma_wait3A_130 = tpu.memref_slice %arg7[%run_scoped3A_97, %dma_wait3A_128, %dma_wait3A_129] : memref<2x80x144xf32, #tpu.memory_space<vmem>> -> memref<1x80x144xf32, #tpu.memory_space<vmem>>
        %dma_wait3A_131 = tpu.memref_squeeze %dma_wait3A_130 : memref<1x80x144xf32, #tpu.memory_space<vmem>> -> memref<80x144xf32, #tpu.memory_space<vmem>>
        tpu.wait_dma2 semaphore(%run_scoped3A_107 : memref<!tpu.dma_semaphore, #tpu.memory_space<semaphore_mem>>) src(%dma_wait3A_131 : memref<80x144xf32, #tpu.memory_space<vmem>>) dst(%dma_wait3A_127 : memref<80x144xf32, #tpu.memory_space<vmem_shared>>)
        tpu.yield
      }) : () -> ()
      %add3A_98 = arith.constant 400 : i32
      %add3A_99 = arith.addi %multiple_of3A_82, %add3A_98 : i32
      %run_scoped3A_100 = arith.constant 0 : i32
      "tpu.region"() ({
        %run_scoped3A_107 = tpu.sem_alloc : memref<!tpu.dma_semaphore, #tpu.memory_space<semaphore_mem>>
        %dma_start3A_108 = arith.constant 0 : i32
        %dma_start3A_109 = arith.constant 0 : i32
        %dma_start3A_110 = tpu.memref_slice %arg7[%run_scoped3A_100, %dma_start3A_108, %dma_start3A_109] : memref<2x80x144xf32, #tpu.memory_space<vmem>> -> memref<1x80x144xf32, #tpu.memory_space<vmem>>
        %dma_start3A_111 = tpu.memref_squeeze %dma_start3A_110 : memref<1x80x144xf32, #tpu.memory_space<vmem>> -> memref<80x144xf32, #tpu.memory_space<vmem>>
        %dma_start3A_112 = arith.constant 0 : i32
        %dma_start3A_113 = tpu.memref_slice %arg6[%add3A_99, %dma_start3A_112] : memref<10000x144xf32, #tpu.memory_space<vmem_shared>> -> memref<80x144xf32, #tpu.memory_space<vmem_shared>>
        %dma_start3A_114 = arith.constant 0 : i32
        %dma_start3A_115 = tpu.memref_slice %arg6[%add3A_99, %dma_start3A_114] : memref<10000x144xf32, #tpu.memory_space<vmem_shared>> -> memref<80x144xf32, #tpu.memory_space<vmem_shared>>
        %dma_start3A_116 = arith.constant 0 : i32
        %dma_start3A_117 = arith.constant 0 : i32
        %dma_start3A_118 = tpu.memref_slice %arg7[%run_scoped3A_100, %dma_start3A_116, %dma_start3A_117] : memref<2x80x144xf32, #tpu.memory_space<vmem>> -> memref<1x80x144xf32, #tpu.memory_space<vmem>>
        %dma_start3A_119 = tpu.memref_squeeze %dma_start3A_118 : memref<1x80x144xf32, #tpu.memory_space<vmem>> -> memref<80x144xf32, #tpu.memory_space<vmem>>
        tpu.enqueue_dma source(%dma_start3A_119 : memref<80x144xf32, #tpu.memory_space<vmem>>) target(%dma_start3A_115 : memref<80x144xf32, #tpu.memory_space<vmem_shared>>) target_semaphore(%run_scoped3A_107 : memref<!tpu.dma_semaphore, #tpu.memory_space<semaphore_mem>>)
        %dma_wait3A_120 = arith.constant 0 : i32
        %dma_wait3A_121 = arith.constant 0 : i32
        %dma_wait3A_122 = tpu.memref_slice %arg7[%run_scoped3A_100, %dma_wait3A_120, %dma_wait3A_121] : memref<2x80x144xf32, #tpu.memory_space<vmem>> -> memref<1x80x144xf32, #tpu.memory_space<vmem>>
        %dma_wait3A_123 = tpu.memref_squeeze %dma_wait3A_122 : memref<1x80x144xf32, #tpu.memory_space<vmem>> -> memref<80x144xf32, #tpu.memory_space<vmem>>
        %dma_wait3A_124 = arith.constant 0 : i32
        %dma_wait3A_125 = tpu.memref_slice %arg6[%add3A_99, %dma_wait3A_124] : memref<10000x144xf32, #tpu.memory_space<vmem_shared>> -> memref<80x144xf32, #tpu.memory_space<vmem_shared>>
        %dma_wait3A_126 = arith.constant 0 : i32
        %dma_wait3A_127 = tpu.memref_slice %arg6[%add3A_99, %dma_wait3A_126] : memref<10000x144xf32, #tpu.memory_space<vmem_shared>> -> memref<80x144xf32, #tpu.memory_space<vmem_shared>>
        %dma_wait3A_128 = arith.constant 0 : i32
        %dma_wait3A_129 = arith.constant 0 : i32
        %dma_wait3A_130 = tpu.memref_slice %arg7[%run_scoped3A_100, %dma_wait3A_128, %dma_wait3A_129] : memref<2x80x144xf32, #tpu.memory_space<vmem>> -> memref<1x80x144xf32, #tpu.memory_space<vmem>>
        %dma_wait3A_131 = tpu.memref_squeeze %dma_wait3A_130 : memref<1x80x144xf32, #tpu.memory_space<vmem>> -> memref<80x144xf32, #tpu.memory_space<vmem>>
        tpu.wait_dma2 semaphore(%run_scoped3A_107 : memref<!tpu.dma_semaphore, #tpu.memory_space<semaphore_mem>>) src(%dma_wait3A_131 : memref<80x144xf32, #tpu.memory_space<vmem>>) dst(%dma_wait3A_127 : memref<80x144xf32, #tpu.memory_space<vmem_shared>>)
        tpu.yield
      }) : () -> ()
      %add3A_101 = arith.constant 480 : i32
      %add3A_102 = arith.addi %multiple_of3A_82, %add3A_101 : i32
      %run_scoped3A_103 = arith.constant 0 : i32
      "tpu.region"() ({
        %run_scoped3A_107 = tpu.sem_alloc : memref<!tpu.dma_semaphore, #tpu.memory_space<semaphore_mem>>
        %dma_start3A_108 = arith.constant 0 : i32
        %dma_start3A_109 = arith.constant 0 : i32
        %dma_start3A_110 = tpu.memref_slice %arg7[%run_scoped3A_103, %dma_start3A_108, %dma_start3A_109] : memref<2x80x144xf32, #tpu.memory_space<vmem>> -> memref<1x80x144xf32, #tpu.memory_space<vmem>>
        %dma_start3A_111 = tpu.memref_squeeze %dma_start3A_110 : memref<1x80x144xf32, #tpu.memory_space<vmem>> -> memref<80x144xf32, #tpu.memory_space<vmem>>
        %dma_start3A_112 = arith.constant 0 : i32
        %dma_start3A_113 = tpu.memref_slice %arg6[%add3A_102, %dma_start3A_112] : memref<10000x144xf32, #tpu.memory_space<vmem_shared>> -> memref<80x144xf32, #tpu.memory_space<vmem_shared>>
        %dma_start3A_114 = arith.constant 0 : i32
        %dma_start3A_115 = tpu.memref_slice %arg6[%add3A_102, %dma_start3A_114] : memref<10000x144xf32, #tpu.memory_space<vmem_shared>> -> memref<80x144xf32, #tpu.memory_space<vmem_shared>>
        %dma_start3A_116 = arith.constant 0 : i32
        %dma_start3A_117 = arith.constant 0 : i32
        %dma_start3A_118 = tpu.memref_slice %arg7[%run_scoped3A_103, %dma_start3A_116, %dma_start3A_117] : memref<2x80x144xf32, #tpu.memory_space<vmem>> -> memref<1x80x144xf32, #tpu.memory_space<vmem>>
        %dma_start3A_119 = tpu.memref_squeeze %dma_start3A_118 : memref<1x80x144xf32, #tpu.memory_space<vmem>> -> memref<80x144xf32, #tpu.memory_space<vmem>>
        tpu.enqueue_dma source(%dma_start3A_119 : memref<80x144xf32, #tpu.memory_space<vmem>>) target(%dma_start3A_115 : memref<80x144xf32, #tpu.memory_space<vmem_shared>>) target_semaphore(%run_scoped3A_107 : memref<!tpu.dma_semaphore, #tpu.memory_space<semaphore_mem>>)
        %dma_wait3A_120 = arith.constant 0 : i32
        %dma_wait3A_121 = arith.constant 0 : i32
        %dma_wait3A_122 = tpu.memref_slice %arg7[%run_scoped3A_103, %dma_wait3A_120, %dma_wait3A_121] : memref<2x80x144xf32, #tpu.memory_space<vmem>> -> memref<1x80x144xf32, #tpu.memory_space<vmem>>
        %dma_wait3A_123 = tpu.memref_squeeze %dma_wait3A_122 : memref<1x80x144xf32, #tpu.memory_space<vmem>> -> memref<80x144xf32, #tpu.memory_space<vmem>>
        %dma_wait3A_124 = arith.constant 0 : i32
        %dma_wait3A_125 = tpu.memref_slice %arg6[%add3A_102, %dma_wait3A_124] : memref<10000x144xf32, #tpu.memory_space<vmem_shared>> -> memref<80x144xf32, #tpu.memory_space<vmem_shared>>
        %dma_wait3A_126 = arith.constant 0 : i32
        %dma_wait3A_127 = tpu.memref_slice %arg6[%add3A_102, %dma_wait3A_126] : memref<10000x144xf32, #tpu.memory_space<vmem_shared>> -> memref<80x144xf32, #tpu.memory_space<vmem_shared>>
        %dma_wait3A_128 = arith.constant 0 : i32
        %dma_wait3A_129 = arith.constant 0 : i32
        %dma_wait3A_130 = tpu.memref_slice %arg7[%run_scoped3A_103, %dma_wait3A_128, %dma_wait3A_129] : memref<2x80x144xf32, #tpu.memory_space<vmem>> -> memref<1x80x144xf32, #tpu.memory_space<vmem>>
        %dma_wait3A_131 = tpu.memref_squeeze %dma_wait3A_130 : memref<1x80x144xf32, #tpu.memory_space<vmem>> -> memref<80x144xf32, #tpu.memory_space<vmem>>
        tpu.wait_dma2 semaphore(%run_scoped3A_107 : memref<!tpu.dma_semaphore, #tpu.memory_space<semaphore_mem>>) src(%dma_wait3A_131 : memref<80x144xf32, #tpu.memory_space<vmem>>) dst(%dma_wait3A_127 : memref<80x144xf32, #tpu.memory_space<vmem_shared>>)
        tpu.yield
      }) : () -> ()
      %add3A_104 = arith.constant 560 : i32
      %add3A_105 = arith.addi %multiple_of3A_82, %add3A_104 : i32
      %run_scoped3A_106 = arith.constant 0 : i32
      "tpu.region"() ({
        %run_scoped3A_107 = tpu.sem_alloc : memref<!tpu.dma_semaphore, #tpu.memory_space<semaphore_mem>>
        %dma_start3A_108 = arith.constant 0 : i32
        %dma_start3A_109 = arith.constant 0 : i32
        %dma_start3A_110 = tpu.memref_slice %arg7[%run_scoped3A_106, %dma_start3A_108, %dma_start3A_109] : memref<2x80x144xf32, #tpu.memory_space<vmem>> -> memref<1x64x144xf32, #tpu.memory_space<vmem>>
        %dma_start3A_111 = tpu.memref_squeeze %dma_start3A_110 : memref<1x64x144xf32, #tpu.memory_space<vmem>> -> memref<64x144xf32, #tpu.memory_space<vmem>>
        %dma_start3A_112 = arith.constant 0 : i32
        %dma_start3A_113 = tpu.memref_slice %arg6[%add3A_105, %dma_start3A_112] : memref<10000x144xf32, #tpu.memory_space<vmem_shared>> -> memref<64x144xf32, #tpu.memory_space<vmem_shared>>
        %dma_start3A_114 = arith.constant 0 : i32
        %dma_start3A_115 = tpu.memref_slice %arg6[%add3A_105, %dma_start3A_114] : memref<10000x144xf32, #tpu.memory_space<vmem_shared>> -> memref<64x144xf32, #tpu.memory_space<vmem_shared>>
        %dma_start3A_116 = arith.constant 0 : i32
        %dma_start3A_117 = arith.constant 0 : i32
        %dma_start3A_118 = tpu.memref_slice %arg7[%run_scoped3A_106, %dma_start3A_116, %dma_start3A_117] : memref<2x80x144xf32, #tpu.memory_space<vmem>> -> memref<1x64x144xf32, #tpu.memory_space<vmem>>
        %dma_start3A_119 = tpu.memref_squeeze %dma_start3A_118 : memref<1x64x144xf32, #tpu.memory_space<vmem>> -> memref<64x144xf32, #tpu.memory_space<vmem>>
        tpu.enqueue_dma source(%dma_start3A_119 : memref<64x144xf32, #tpu.memory_space<vmem>>) target(%dma_start3A_115 : memref<64x144xf32, #tpu.memory_space<vmem_shared>>) target_semaphore(%run_scoped3A_107 : memref<!tpu.dma_semaphore, #tpu.memory_space<semaphore_mem>>)
        %dma_wait3A_120 = arith.constant 0 : i32
        %dma_wait3A_121 = arith.constant 0 : i32
        %dma_wait3A_122 = tpu.memref_slice %arg7[%run_scoped3A_106, %dma_wait3A_120, %dma_wait3A_121] : memref<2x80x144xf32, #tpu.memory_space<vmem>> -> memref<1x64x144xf32, #tpu.memory_space<vmem>>
        %dma_wait3A_123 = tpu.memref_squeeze %dma_wait3A_122 : memref<1x64x144xf32, #tpu.memory_space<vmem>> -> memref<64x144xf32, #tpu.memory_space<vmem>>
        %dma_wait3A_124 = arith.constant 0 : i32
        %dma_wait3A_125 = tpu.memref_slice %arg6[%add3A_105, %dma_wait3A_124] : memref<10000x144xf32, #tpu.memory_space<vmem_shared>> -> memref<64x144xf32, #tpu.memory_space<vmem_shared>>
        %dma_wait3A_126 = arith.constant 0 : i32
        %dma_wait3A_127 = tpu.memref_slice %arg6[%add3A_105, %dma_wait3A_126] : memref<10000x144xf32, #tpu.memory_space<vmem_shared>> -> memref<64x144xf32, #tpu.memory_space<vmem_shared>>
        %dma_wait3A_128 = arith.constant 0 : i32
        %dma_wait3A_129 = arith.constant 0 : i32
        %dma_wait3A_130 = tpu.memref_slice %arg7[%run_scoped3A_106, %dma_wait3A_128, %dma_wait3A_129] : memref<2x80x144xf32, #tpu.memory_space<vmem>> -> memref<1x64x144xf32, #tpu.memory_space<vmem>>
        %dma_wait3A_131 = tpu.memref_squeeze %dma_wait3A_130 : memref<1x64x144xf32, #tpu.memory_space<vmem>> -> memref<64x144xf32, #tpu.memory_space<vmem>>
        tpu.wait_dma2 semaphore(%run_scoped3A_107 : memref<!tpu.dma_semaphore, #tpu.memory_space<semaphore_mem>>) src(%dma_wait3A_131 : memref<64x144xf32, #tpu.memory_space<vmem>>) dst(%dma_wait3A_127 : memref<64x144xf32, #tpu.memory_space<vmem_shared>>)
        tpu.yield
      }) : () -> ()
    } else {
    }
    %eq3A = arith.constant 15 : i32
    %eq3A_11 = arith.cmpi eq, %arg1, %eq3A : i32
    %convert_element_type3A_12 = arith.extui %eq3A_11 : i1 to i32
    %cond3A_13 = arith.constant 0 : i32
    %cond3A_14 = arith.cmpi ne, %convert_element_type3A_12, %cond3A_13 : i32
    scf.if %cond3A_14 {
      %run_scoped3A_80 = arith.constant 0 : i32
      "tpu.region"() ({
        %run_scoped3A_88 = tpu.sem_alloc : memref<!tpu.dma_semaphore, #tpu.memory_space<semaphore_mem>>
        %dma_start3A_89 = arith.constant 0 : i32
        %dma_start3A_90 = arith.constant 0 : i32
        %dma_start3A_91 = tpu.memref_slice %arg7[%run_scoped3A_80, %dma_start3A_89, %dma_start3A_90] : memref<2x80x144xf32, #tpu.memory_space<vmem>> -> memref<1x80x144xf32, #tpu.memory_space<vmem>>
        %dma_start3A_92 = tpu.memref_squeeze %dma_start3A_91 : memref<1x80x144xf32, #tpu.memory_space<vmem>> -> memref<80x144xf32, #tpu.memory_space<vmem>>
        %dma_start3A_93 = arith.constant 9360 : i32
        %dma_start3A_94 = arith.constant 0 : i32
        %dma_start3A_95 = tpu.memref_slice %arg6[%dma_start3A_93, %dma_start3A_94] : memref<10000x144xf32, #tpu.memory_space<vmem_shared>> -> memref<80x144xf32, #tpu.memory_space<vmem_shared>>
        %dma_start3A_96 = arith.constant 9360 : i32
        %dma_start3A_97 = arith.constant 0 : i32
        %dma_start3A_98 = tpu.memref_slice %arg6[%dma_start3A_96, %dma_start3A_97] : memref<10000x144xf32, #tpu.memory_space<vmem_shared>> -> memref<80x144xf32, #tpu.memory_space<vmem_shared>>
        %dma_start3A_99 = arith.constant 0 : i32
        %dma_start3A_100 = arith.constant 0 : i32
        %dma_start3A_101 = tpu.memref_slice %arg7[%run_scoped3A_80, %dma_start3A_99, %dma_start3A_100] : memref<2x80x144xf32, #tpu.memory_space<vmem>> -> memref<1x80x144xf32, #tpu.memory_space<vmem>>
        %dma_start3A_102 = tpu.memref_squeeze %dma_start3A_101 : memref<1x80x144xf32, #tpu.memory_space<vmem>> -> memref<80x144xf32, #tpu.memory_space<vmem>>
        tpu.enqueue_dma source(%dma_start3A_102 : memref<80x144xf32, #tpu.memory_space<vmem>>) target(%dma_start3A_98 : memref<80x144xf32, #tpu.memory_space<vmem_shared>>) target_semaphore(%run_scoped3A_88 : memref<!tpu.dma_semaphore, #tpu.memory_space<semaphore_mem>>)
        %dma_wait3A_103 = arith.constant 0 : i32
        %dma_wait3A_104 = arith.constant 0 : i32
        %dma_wait3A_105 = tpu.memref_slice %arg7[%run_scoped3A_80, %dma_wait3A_103, %dma_wait3A_104] : memref<2x80x144xf32, #tpu.memory_space<vmem>> -> memref<1x80x144xf32, #tpu.memory_space<vmem>>
        %dma_wait3A_106 = tpu.memref_squeeze %dma_wait3A_105 : memref<1x80x144xf32, #tpu.memory_space<vmem>> -> memref<80x144xf32, #tpu.memory_space<vmem>>
        %dma_wait3A_107 = arith.constant 9360 : i32
        %dma_wait3A_108 = arith.constant 0 : i32
        %dma_wait3A_109 = tpu.memref_slice %arg6[%dma_wait3A_107, %dma_wait3A_108] : memref<10000x144xf32, #tpu.memory_space<vmem_shared>> -> memref<80x144xf32, #tpu.memory_space<vmem_shared>>
        %dma_wait3A_110 = arith.constant 9360 : i32
        %dma_wait3A_111 = arith.constant 0 : i32
        %dma_wait3A_112 = tpu.memref_slice %arg6[%dma_wait3A_110, %dma_wait3A_111] : memref<10000x144xf32, #tpu.memory_space<vmem_shared>> -> memref<80x144xf32, #tpu.memory_space<vmem_shared>>
        %dma_wait3A_113 = arith.constant 0 : i32
        %dma_wait3A_114 = arith.constant 0 : i32
        %dma_wait3A_115 = tpu.memref_slice %arg7[%run_scoped3A_80, %dma_wait3A_113, %dma_wait3A_114] : memref<2x80x144xf32, #tpu.memory_space<vmem>> -> memref<1x80x144xf32, #tpu.memory_space<vmem>>
        %dma_wait3A_116 = tpu.memref_squeeze %dma_wait3A_115 : memref<1x80x144xf32, #tpu.memory_space<vmem>> -> memref<80x144xf32, #tpu.memory_space<vmem>>
        tpu.wait_dma2 semaphore(%run_scoped3A_88 : memref<!tpu.dma_semaphore, #tpu.memory_space<semaphore_mem>>) src(%dma_wait3A_116 : memref<80x144xf32, #tpu.memory_space<vmem>>) dst(%dma_wait3A_112 : memref<80x144xf32, #tpu.memory_space<vmem_shared>>)
        tpu.yield
      }) : () -> ()
      %run_scoped3A_81 = arith.constant 0 : i32
      "tpu.region"() ({
        %run_scoped3A_88 = tpu.sem_alloc : memref<!tpu.dma_semaphore, #tpu.memory_space<semaphore_mem>>
        %dma_start3A_89 = arith.constant 0 : i32
        %dma_start3A_90 = arith.constant 0 : i32
        %dma_start3A_91 = tpu.memref_slice %arg7[%run_scoped3A_81, %dma_start3A_89, %dma_start3A_90] : memref<2x80x144xf32, #tpu.memory_space<vmem>> -> memref<1x80x144xf32, #tpu.memory_space<vmem>>
        %dma_start3A_92 = tpu.memref_squeeze %dma_start3A_91 : memref<1x80x144xf32, #tpu.memory_space<vmem>> -> memref<80x144xf32, #tpu.memory_space<vmem>>
        %dma_start3A_93 = arith.constant 9440 : i32
        %dma_start3A_94 = arith.constant 0 : i32
        %dma_start3A_95 = tpu.memref_slice %arg6[%dma_start3A_93, %dma_start3A_94] : memref<10000x144xf32, #tpu.memory_space<vmem_shared>> -> memref<80x144xf32, #tpu.memory_space<vmem_shared>>
        %dma_start3A_96 = arith.constant 9440 : i32
        %dma_start3A_97 = arith.constant 0 : i32
        %dma_start3A_98 = tpu.memref_slice %arg6[%dma_start3A_96, %dma_start3A_97] : memref<10000x144xf32, #tpu.memory_space<vmem_shared>> -> memref<80x144xf32, #tpu.memory_space<vmem_shared>>
        %dma_start3A_99 = arith.constant 0 : i32
        %dma_start3A_100 = arith.constant 0 : i32
        %dma_start3A_101 = tpu.memref_slice %arg7[%run_scoped3A_81, %dma_start3A_99, %dma_start3A_100] : memref<2x80x144xf32, #tpu.memory_space<vmem>> -> memref<1x80x144xf32, #tpu.memory_space<vmem>>
        %dma_start3A_102 = tpu.memref_squeeze %dma_start3A_101 : memref<1x80x144xf32, #tpu.memory_space<vmem>> -> memref<80x144xf32, #tpu.memory_space<vmem>>
        tpu.enqueue_dma source(%dma_start3A_102 : memref<80x144xf32, #tpu.memory_space<vmem>>) target(%dma_start3A_98 : memref<80x144xf32, #tpu.memory_space<vmem_shared>>) target_semaphore(%run_scoped3A_88 : memref<!tpu.dma_semaphore, #tpu.memory_space<semaphore_mem>>)
        %dma_wait3A_103 = arith.constant 0 : i32
        %dma_wait3A_104 = arith.constant 0 : i32
        %dma_wait3A_105 = tpu.memref_slice %arg7[%run_scoped3A_81, %dma_wait3A_103, %dma_wait3A_104] : memref<2x80x144xf32, #tpu.memory_space<vmem>> -> memref<1x80x144xf32, #tpu.memory_space<vmem>>
        %dma_wait3A_106 = tpu.memref_squeeze %dma_wait3A_105 : memref<1x80x144xf32, #tpu.memory_space<vmem>> -> memref<80x144xf32, #tpu.memory_space<vmem>>
        %dma_wait3A_107 = arith.constant 9440 : i32
        %dma_wait3A_108 = arith.constant 0 : i32
        %dma_wait3A_109 = tpu.memref_slice %arg6[%dma_wait3A_107, %dma_wait3A_108] : memref<10000x144xf32, #tpu.memory_space<vmem_shared>> -> memref<80x144xf32, #tpu.memory_space<vmem_shared>>
        %dma_wait3A_110 = arith.constant 9440 : i32
        %dma_wait3A_111 = arith.constant 0 : i32
        %dma_wait3A_112 = tpu.memref_slice %arg6[%dma_wait3A_110, %dma_wait3A_111] : memref<10000x144xf32, #tpu.memory_space<vmem_shared>> -> memref<80x144xf32, #tpu.memory_space<vmem_shared>>
        %dma_wait3A_113 = arith.constant 0 : i32
        %dma_wait3A_114 = arith.constant 0 : i32
        %dma_wait3A_115 = tpu.memref_slice %arg7[%run_scoped3A_81, %dma_wait3A_113, %dma_wait3A_114] : memref<2x80x144xf32, #tpu.memory_space<vmem>> -> memref<1x80x144xf32, #tpu.memory_space<vmem>>
        %dma_wait3A_116 = tpu.memref_squeeze %dma_wait3A_115 : memref<1x80x144xf32, #tpu.memory_space<vmem>> -> memref<80x144xf32, #tpu.memory_space<vmem>>
        tpu.wait_dma2 semaphore(%run_scoped3A_88 : memref<!tpu.dma_semaphore, #tpu.memory_space<semaphore_mem>>) src(%dma_wait3A_116 : memref<80x144xf32, #tpu.memory_space<vmem>>) dst(%dma_wait3A_112 : memref<80x144xf32, #tpu.memory_space<vmem_shared>>)
        tpu.yield
      }) : () -> ()
      %run_scoped3A_82 = arith.constant 0 : i32
      "tpu.region"() ({
        %run_scoped3A_88 = tpu.sem_alloc : memref<!tpu.dma_semaphore, #tpu.memory_space<semaphore_mem>>
        %dma_start3A_89 = arith.constant 0 : i32
        %dma_start3A_90 = arith.constant 0 : i32
        %dma_start3A_91 = tpu.memref_slice %arg7[%run_scoped3A_82, %dma_start3A_89, %dma_start3A_90] : memref<2x80x144xf32, #tpu.memory_space<vmem>> -> memref<1x80x144xf32, #tpu.memory_space<vmem>>
        %dma_start3A_92 = tpu.memref_squeeze %dma_start3A_91 : memref<1x80x144xf32, #tpu.memory_space<vmem>> -> memref<80x144xf32, #tpu.memory_space<vmem>>
        %dma_start3A_93 = arith.constant 9520 : i32
        %dma_start3A_94 = arith.constant 0 : i32
        %dma_start3A_95 = tpu.memref_slice %arg6[%dma_start3A_93, %dma_start3A_94] : memref<10000x144xf32, #tpu.memory_space<vmem_shared>> -> memref<80x144xf32, #tpu.memory_space<vmem_shared>>
        %dma_start3A_96 = arith.constant 9520 : i32
        %dma_start3A_97 = arith.constant 0 : i32
        %dma_start3A_98 = tpu.memref_slice %arg6[%dma_start3A_96, %dma_start3A_97] : memref<10000x144xf32, #tpu.memory_space<vmem_shared>> -> memref<80x144xf32, #tpu.memory_space<vmem_shared>>
        %dma_start3A_99 = arith.constant 0 : i32
        %dma_start3A_100 = arith.constant 0 : i32
        %dma_start3A_101 = tpu.memref_slice %arg7[%run_scoped3A_82, %dma_start3A_99, %dma_start3A_100] : memref<2x80x144xf32, #tpu.memory_space<vmem>> -> memref<1x80x144xf32, #tpu.memory_space<vmem>>
        %dma_start3A_102 = tpu.memref_squeeze %dma_start3A_101 : memref<1x80x144xf32, #tpu.memory_space<vmem>> -> memref<80x144xf32, #tpu.memory_space<vmem>>
        tpu.enqueue_dma source(%dma_start3A_102 : memref<80x144xf32, #tpu.memory_space<vmem>>) target(%dma_start3A_98 : memref<80x144xf32, #tpu.memory_space<vmem_shared>>) target_semaphore(%run_scoped3A_88 : memref<!tpu.dma_semaphore, #tpu.memory_space<semaphore_mem>>)
        %dma_wait3A_103 = arith.constant 0 : i32
        %dma_wait3A_104 = arith.constant 0 : i32
        %dma_wait3A_105 = tpu.memref_slice %arg7[%run_scoped3A_82, %dma_wait3A_103, %dma_wait3A_104] : memref<2x80x144xf32, #tpu.memory_space<vmem>> -> memref<1x80x144xf32, #tpu.memory_space<vmem>>
        %dma_wait3A_106 = tpu.memref_squeeze %dma_wait3A_105 : memref<1x80x144xf32, #tpu.memory_space<vmem>> -> memref<80x144xf32, #tpu.memory_space<vmem>>
        %dma_wait3A_107 = arith.constant 9520 : i32
        %dma_wait3A_108 = arith.constant 0 : i32
        %dma_wait3A_109 = tpu.memref_slice %arg6[%dma_wait3A_107, %dma_wait3A_108] : memref<10000x144xf32, #tpu.memory_space<vmem_shared>> -> memref<80x144xf32, #tpu.memory_space<vmem_shared>>
        %dma_wait3A_110 = arith.constant 9520 : i32
        %dma_wait3A_111 = arith.constant 0 : i32
        %dma_wait3A_112 = tpu.memref_slice %arg6[%dma_wait3A_110, %dma_wait3A_111] : memref<10000x144xf32, #tpu.memory_space<vmem_shared>> -> memref<80x144xf32, #tpu.memory_space<vmem_shared>>
        %dma_wait3A_113 = arith.constant 0 : i32
        %dma_wait3A_114 = arith.constant 0 : i32
        %dma_wait3A_115 = tpu.memref_slice %arg7[%run_scoped3A_82, %dma_wait3A_113, %dma_wait3A_114] : memref<2x80x144xf32, #tpu.memory_space<vmem>> -> memref<1x80x144xf32, #tpu.memory_space<vmem>>
        %dma_wait3A_116 = tpu.memref_squeeze %dma_wait3A_115 : memref<1x80x144xf32, #tpu.memory_space<vmem>> -> memref<80x144xf32, #tpu.memory_space<vmem>>
        tpu.wait_dma2 semaphore(%run_scoped3A_88 : memref<!tpu.dma_semaphore, #tpu.memory_space<semaphore_mem>>) src(%dma_wait3A_116 : memref<80x144xf32, #tpu.memory_space<vmem>>) dst(%dma_wait3A_112 : memref<80x144xf32, #tpu.memory_space<vmem_shared>>)
        tpu.yield
      }) : () -> ()
      %run_scoped3A_83 = arith.constant 0 : i32
      "tpu.region"() ({
        %run_scoped3A_88 = tpu.sem_alloc : memref<!tpu.dma_semaphore, #tpu.memory_space<semaphore_mem>>
        %dma_start3A_89 = arith.constant 0 : i32
        %dma_start3A_90 = arith.constant 0 : i32
        %dma_start3A_91 = tpu.memref_slice %arg7[%run_scoped3A_83, %dma_start3A_89, %dma_start3A_90] : memref<2x80x144xf32, #tpu.memory_space<vmem>> -> memref<1x80x144xf32, #tpu.memory_space<vmem>>
        %dma_start3A_92 = tpu.memref_squeeze %dma_start3A_91 : memref<1x80x144xf32, #tpu.memory_space<vmem>> -> memref<80x144xf32, #tpu.memory_space<vmem>>
        %dma_start3A_93 = arith.constant 9600 : i32
        %dma_start3A_94 = arith.constant 0 : i32
        %dma_start3A_95 = tpu.memref_slice %arg6[%dma_start3A_93, %dma_start3A_94] : memref<10000x144xf32, #tpu.memory_space<vmem_shared>> -> memref<80x144xf32, #tpu.memory_space<vmem_shared>>
        %dma_start3A_96 = arith.constant 9600 : i32
        %dma_start3A_97 = arith.constant 0 : i32
        %dma_start3A_98 = tpu.memref_slice %arg6[%dma_start3A_96, %dma_start3A_97] : memref<10000x144xf32, #tpu.memory_space<vmem_shared>> -> memref<80x144xf32, #tpu.memory_space<vmem_shared>>
        %dma_start3A_99 = arith.constant 0 : i32
        %dma_start3A_100 = arith.constant 0 : i32
        %dma_start3A_101 = tpu.memref_slice %arg7[%run_scoped3A_83, %dma_start3A_99, %dma_start3A_100] : memref<2x80x144xf32, #tpu.memory_space<vmem>> -> memref<1x80x144xf32, #tpu.memory_space<vmem>>
        %dma_start3A_102 = tpu.memref_squeeze %dma_start3A_101 : memref<1x80x144xf32, #tpu.memory_space<vmem>> -> memref<80x144xf32, #tpu.memory_space<vmem>>
        tpu.enqueue_dma source(%dma_start3A_102 : memref<80x144xf32, #tpu.memory_space<vmem>>) target(%dma_start3A_98 : memref<80x144xf32, #tpu.memory_space<vmem_shared>>) target_semaphore(%run_scoped3A_88 : memref<!tpu.dma_semaphore, #tpu.memory_space<semaphore_mem>>)
        %dma_wait3A_103 = arith.constant 0 : i32
        %dma_wait3A_104 = arith.constant 0 : i32
        %dma_wait3A_105 = tpu.memref_slice %arg7[%run_scoped3A_83, %dma_wait3A_103, %dma_wait3A_104] : memref<2x80x144xf32, #tpu.memory_space<vmem>> -> memref<1x80x144xf32, #tpu.memory_space<vmem>>
        %dma_wait3A_106 = tpu.memref_squeeze %dma_wait3A_105 : memref<1x80x144xf32, #tpu.memory_space<vmem>> -> memref<80x144xf32, #tpu.memory_space<vmem>>
        %dma_wait3A_107 = arith.constant 9600 : i32
        %dma_wait3A_108 = arith.constant 0 : i32
        %dma_wait3A_109 = tpu.memref_slice %arg6[%dma_wait3A_107, %dma_wait3A_108] : memref<10000x144xf32, #tpu.memory_space<vmem_shared>> -> memref<80x144xf32, #tpu.memory_space<vmem_shared>>
        %dma_wait3A_110 = arith.constant 9600 : i32
        %dma_wait3A_111 = arith.constant 0 : i32
        %dma_wait3A_112 = tpu.memref_slice %arg6[%dma_wait3A_110, %dma_wait3A_111] : memref<10000x144xf32, #tpu.memory_space<vmem_shared>> -> memref<80x144xf32, #tpu.memory_space<vmem_shared>>
        %dma_wait3A_113 = arith.constant 0 : i32
        %dma_wait3A_114 = arith.constant 0 : i32
        %dma_wait3A_115 = tpu.memref_slice %arg7[%run_scoped3A_83, %dma_wait3A_113, %dma_wait3A_114] : memref<2x80x144xf32, #tpu.memory_space<vmem>> -> memref<1x80x144xf32, #tpu.memory_space<vmem>>
        %dma_wait3A_116 = tpu.memref_squeeze %dma_wait3A_115 : memref<1x80x144xf32, #tpu.memory_space<vmem>> -> memref<80x144xf32, #tpu.memory_space<vmem>>
        tpu.wait_dma2 semaphore(%run_scoped3A_88 : memref<!tpu.dma_semaphore, #tpu.memory_space<semaphore_mem>>) src(%dma_wait3A_116 : memref<80x144xf32, #tpu.memory_space<vmem>>) dst(%dma_wait3A_112 : memref<80x144xf32, #tpu.memory_space<vmem_shared>>)
        tpu.yield
      }) : () -> ()
      %run_scoped3A_84 = arith.constant 0 : i32
      "tpu.region"() ({
        %run_scoped3A_88 = tpu.sem_alloc : memref<!tpu.dma_semaphore, #tpu.memory_space<semaphore_mem>>
        %dma_start3A_89 = arith.constant 0 : i32
        %dma_start3A_90 = arith.constant 0 : i32
        %dma_start3A_91 = tpu.memref_slice %arg7[%run_scoped3A_84, %dma_start3A_89, %dma_start3A_90] : memref<2x80x144xf32, #tpu.memory_space<vmem>> -> memref<1x80x144xf32, #tpu.memory_space<vmem>>
        %dma_start3A_92 = tpu.memref_squeeze %dma_start3A_91 : memref<1x80x144xf32, #tpu.memory_space<vmem>> -> memref<80x144xf32, #tpu.memory_space<vmem>>
        %dma_start3A_93 = arith.constant 9680 : i32
        %dma_start3A_94 = arith.constant 0 : i32
        %dma_start3A_95 = tpu.memref_slice %arg6[%dma_start3A_93, %dma_start3A_94] : memref<10000x144xf32, #tpu.memory_space<vmem_shared>> -> memref<80x144xf32, #tpu.memory_space<vmem_shared>>
        %dma_start3A_96 = arith.constant 9680 : i32
        %dma_start3A_97 = arith.constant 0 : i32
        %dma_start3A_98 = tpu.memref_slice %arg6[%dma_start3A_96, %dma_start3A_97] : memref<10000x144xf32, #tpu.memory_space<vmem_shared>> -> memref<80x144xf32, #tpu.memory_space<vmem_shared>>
        %dma_start3A_99 = arith.constant 0 : i32
        %dma_start3A_100 = arith.constant 0 : i32
        %dma_start3A_101 = tpu.memref_slice %arg7[%run_scoped3A_84, %dma_start3A_99, %dma_start3A_100] : memref<2x80x144xf32, #tpu.memory_space<vmem>> -> memref<1x80x144xf32, #tpu.memory_space<vmem>>
        %dma_start3A_102 = tpu.memref_squeeze %dma_start3A_101 : memref<1x80x144xf32, #tpu.memory_space<vmem>> -> memref<80x144xf32, #tpu.memory_space<vmem>>
        tpu.enqueue_dma source(%dma_start3A_102 : memref<80x144xf32, #tpu.memory_space<vmem>>) target(%dma_start3A_98 : memref<80x144xf32, #tpu.memory_space<vmem_shared>>) target_semaphore(%run_scoped3A_88 : memref<!tpu.dma_semaphore, #tpu.memory_space<semaphore_mem>>)
        %dma_wait3A_103 = arith.constant 0 : i32
        %dma_wait3A_104 = arith.constant 0 : i32
        %dma_wait3A_105 = tpu.memref_slice %arg7[%run_scoped3A_84, %dma_wait3A_103, %dma_wait3A_104] : memref<2x80x144xf32, #tpu.memory_space<vmem>> -> memref<1x80x144xf32, #tpu.memory_space<vmem>>
        %dma_wait3A_106 = tpu.memref_squeeze %dma_wait3A_105 : memref<1x80x144xf32, #tpu.memory_space<vmem>> -> memref<80x144xf32, #tpu.memory_space<vmem>>
        %dma_wait3A_107 = arith.constant 9680 : i32
        %dma_wait3A_108 = arith.constant 0 : i32
        %dma_wait3A_109 = tpu.memref_slice %arg6[%dma_wait3A_107, %dma_wait3A_108] : memref<10000x144xf32, #tpu.memory_space<vmem_shared>> -> memref<80x144xf32, #tpu.memory_space<vmem_shared>>
        %dma_wait3A_110 = arith.constant 9680 : i32
        %dma_wait3A_111 = arith.constant 0 : i32
        %dma_wait3A_112 = tpu.memref_slice %arg6[%dma_wait3A_110, %dma_wait3A_111] : memref<10000x144xf32, #tpu.memory_space<vmem_shared>> -> memref<80x144xf32, #tpu.memory_space<vmem_shared>>
        %dma_wait3A_113 = arith.constant 0 : i32
        %dma_wait3A_114 = arith.constant 0 : i32
        %dma_wait3A_115 = tpu.memref_slice %arg7[%run_scoped3A_84, %dma_wait3A_113, %dma_wait3A_114] : memref<2x80x144xf32, #tpu.memory_space<vmem>> -> memref<1x80x144xf32, #tpu.memory_space<vmem>>
        %dma_wait3A_116 = tpu.memref_squeeze %dma_wait3A_115 : memref<1x80x144xf32, #tpu.memory_space<vmem>> -> memref<80x144xf32, #tpu.memory_space<vmem>>
        tpu.wait_dma2 semaphore(%run_scoped3A_88 : memref<!tpu.dma_semaphore, #tpu.memory_space<semaphore_mem>>) src(%dma_wait3A_116 : memref<80x144xf32, #tpu.memory_space<vmem>>) dst(%dma_wait3A_112 : memref<80x144xf32, #tpu.memory_space<vmem_shared>>)
        tpu.yield
      }) : () -> ()
      %run_scoped3A_85 = arith.constant 0 : i32
      "tpu.region"() ({
        %run_scoped3A_88 = tpu.sem_alloc : memref<!tpu.dma_semaphore, #tpu.memory_space<semaphore_mem>>
        %dma_start3A_89 = arith.constant 0 : i32
        %dma_start3A_90 = arith.constant 0 : i32
        %dma_start3A_91 = tpu.memref_slice %arg7[%run_scoped3A_85, %dma_start3A_89, %dma_start3A_90] : memref<2x80x144xf32, #tpu.memory_space<vmem>> -> memref<1x80x144xf32, #tpu.memory_space<vmem>>
        %dma_start3A_92 = tpu.memref_squeeze %dma_start3A_91 : memref<1x80x144xf32, #tpu.memory_space<vmem>> -> memref<80x144xf32, #tpu.memory_space<vmem>>
        %dma_start3A_93 = arith.constant 9760 : i32
        %dma_start3A_94 = arith.constant 0 : i32
        %dma_start3A_95 = tpu.memref_slice %arg6[%dma_start3A_93, %dma_start3A_94] : memref<10000x144xf32, #tpu.memory_space<vmem_shared>> -> memref<80x144xf32, #tpu.memory_space<vmem_shared>>
        %dma_start3A_96 = arith.constant 9760 : i32
        %dma_start3A_97 = arith.constant 0 : i32
        %dma_start3A_98 = tpu.memref_slice %arg6[%dma_start3A_96, %dma_start3A_97] : memref<10000x144xf32, #tpu.memory_space<vmem_shared>> -> memref<80x144xf32, #tpu.memory_space<vmem_shared>>
        %dma_start3A_99 = arith.constant 0 : i32
        %dma_start3A_100 = arith.constant 0 : i32
        %dma_start3A_101 = tpu.memref_slice %arg7[%run_scoped3A_85, %dma_start3A_99, %dma_start3A_100] : memref<2x80x144xf32, #tpu.memory_space<vmem>> -> memref<1x80x144xf32, #tpu.memory_space<vmem>>
        %dma_start3A_102 = tpu.memref_squeeze %dma_start3A_101 : memref<1x80x144xf32, #tpu.memory_space<vmem>> -> memref<80x144xf32, #tpu.memory_space<vmem>>
        tpu.enqueue_dma source(%dma_start3A_102 : memref<80x144xf32, #tpu.memory_space<vmem>>) target(%dma_start3A_98 : memref<80x144xf32, #tpu.memory_space<vmem_shared>>) target_semaphore(%run_scoped3A_88 : memref<!tpu.dma_semaphore, #tpu.memory_space<semaphore_mem>>)
        %dma_wait3A_103 = arith.constant 0 : i32
        %dma_wait3A_104 = arith.constant 0 : i32
        %dma_wait3A_105 = tpu.memref_slice %arg7[%run_scoped3A_85, %dma_wait3A_103, %dma_wait3A_104] : memref<2x80x144xf32, #tpu.memory_space<vmem>> -> memref<1x80x144xf32, #tpu.memory_space<vmem>>
        %dma_wait3A_106 = tpu.memref_squeeze %dma_wait3A_105 : memref<1x80x144xf32, #tpu.memory_space<vmem>> -> memref<80x144xf32, #tpu.memory_space<vmem>>
        %dma_wait3A_107 = arith.constant 9760 : i32
        %dma_wait3A_108 = arith.constant 0 : i32
        %dma_wait3A_109 = tpu.memref_slice %arg6[%dma_wait3A_107, %dma_wait3A_108] : memref<10000x144xf32, #tpu.memory_space<vmem_shared>> -> memref<80x144xf32, #tpu.memory_space<vmem_shared>>
        %dma_wait3A_110 = arith.constant 9760 : i32
        %dma_wait3A_111 = arith.constant 0 : i32
        %dma_wait3A_112 = tpu.memref_slice %arg6[%dma_wait3A_110, %dma_wait3A_111] : memref<10000x144xf32, #tpu.memory_space<vmem_shared>> -> memref<80x144xf32, #tpu.memory_space<vmem_shared>>
        %dma_wait3A_113 = arith.constant 0 : i32
        %dma_wait3A_114 = arith.constant 0 : i32
        %dma_wait3A_115 = tpu.memref_slice %arg7[%run_scoped3A_85, %dma_wait3A_113, %dma_wait3A_114] : memref<2x80x144xf32, #tpu.memory_space<vmem>> -> memref<1x80x144xf32, #tpu.memory_space<vmem>>
        %dma_wait3A_116 = tpu.memref_squeeze %dma_wait3A_115 : memref<1x80x144xf32, #tpu.memory_space<vmem>> -> memref<80x144xf32, #tpu.memory_space<vmem>>
        tpu.wait_dma2 semaphore(%run_scoped3A_88 : memref<!tpu.dma_semaphore, #tpu.memory_space<semaphore_mem>>) src(%dma_wait3A_116 : memref<80x144xf32, #tpu.memory_space<vmem>>) dst(%dma_wait3A_112 : memref<80x144xf32, #tpu.memory_space<vmem_shared>>)
        tpu.yield
      }) : () -> ()
      %run_scoped3A_86 = arith.constant 0 : i32
      "tpu.region"() ({
        %run_scoped3A_88 = tpu.sem_alloc : memref<!tpu.dma_semaphore, #tpu.memory_space<semaphore_mem>>
        %dma_start3A_89 = arith.constant 0 : i32
        %dma_start3A_90 = arith.constant 0 : i32
        %dma_start3A_91 = tpu.memref_slice %arg7[%run_scoped3A_86, %dma_start3A_89, %dma_start3A_90] : memref<2x80x144xf32, #tpu.memory_space<vmem>> -> memref<1x80x144xf32, #tpu.memory_space<vmem>>
        %dma_start3A_92 = tpu.memref_squeeze %dma_start3A_91 : memref<1x80x144xf32, #tpu.memory_space<vmem>> -> memref<80x144xf32, #tpu.memory_space<vmem>>
        %dma_start3A_93 = arith.constant 9840 : i32
        %dma_start3A_94 = arith.constant 0 : i32
        %dma_start3A_95 = tpu.memref_slice %arg6[%dma_start3A_93, %dma_start3A_94] : memref<10000x144xf32, #tpu.memory_space<vmem_shared>> -> memref<80x144xf32, #tpu.memory_space<vmem_shared>>
        %dma_start3A_96 = arith.constant 9840 : i32
        %dma_start3A_97 = arith.constant 0 : i32
        %dma_start3A_98 = tpu.memref_slice %arg6[%dma_start3A_96, %dma_start3A_97] : memref<10000x144xf32, #tpu.memory_space<vmem_shared>> -> memref<80x144xf32, #tpu.memory_space<vmem_shared>>
        %dma_start3A_99 = arith.constant 0 : i32
        %dma_start3A_100 = arith.constant 0 : i32
        %dma_start3A_101 = tpu.memref_slice %arg7[%run_scoped3A_86, %dma_start3A_99, %dma_start3A_100] : memref<2x80x144xf32, #tpu.memory_space<vmem>> -> memref<1x80x144xf32, #tpu.memory_space<vmem>>
        %dma_start3A_102 = tpu.memref_squeeze %dma_start3A_101 : memref<1x80x144xf32, #tpu.memory_space<vmem>> -> memref<80x144xf32, #tpu.memory_space<vmem>>
        tpu.enqueue_dma source(%dma_start3A_102 : memref<80x144xf32, #tpu.memory_space<vmem>>) target(%dma_start3A_98 : memref<80x144xf32, #tpu.memory_space<vmem_shared>>) target_semaphore(%run_scoped3A_88 : memref<!tpu.dma_semaphore, #tpu.memory_space<semaphore_mem>>)
        %dma_wait3A_103 = arith.constant 0 : i32
        %dma_wait3A_104 = arith.constant 0 : i32
        %dma_wait3A_105 = tpu.memref_slice %arg7[%run_scoped3A_86, %dma_wait3A_103, %dma_wait3A_104] : memref<2x80x144xf32, #tpu.memory_space<vmem>> -> memref<1x80x144xf32, #tpu.memory_space<vmem>>
        %dma_wait3A_106 = tpu.memref_squeeze %dma_wait3A_105 : memref<1x80x144xf32, #tpu.memory_space<vmem>> -> memref<80x144xf32, #tpu.memory_space<vmem>>
        %dma_wait3A_107 = arith.constant 9840 : i32
        %dma_wait3A_108 = arith.constant 0 : i32
        %dma_wait3A_109 = tpu.memref_slice %arg6[%dma_wait3A_107, %dma_wait3A_108] : memref<10000x144xf32, #tpu.memory_space<vmem_shared>> -> memref<80x144xf32, #tpu.memory_space<vmem_shared>>
        %dma_wait3A_110 = arith.constant 9840 : i32
        %dma_wait3A_111 = arith.constant 0 : i32
        %dma_wait3A_112 = tpu.memref_slice %arg6[%dma_wait3A_110, %dma_wait3A_111] : memref<10000x144xf32, #tpu.memory_space<vmem_shared>> -> memref<80x144xf32, #tpu.memory_space<vmem_shared>>
        %dma_wait3A_113 = arith.constant 0 : i32
        %dma_wait3A_114 = arith.constant 0 : i32
        %dma_wait3A_115 = tpu.memref_slice %arg7[%run_scoped3A_86, %dma_wait3A_113, %dma_wait3A_114] : memref<2x80x144xf32, #tpu.memory_space<vmem>> -> memref<1x80x144xf32, #tpu.memory_space<vmem>>
        %dma_wait3A_116 = tpu.memref_squeeze %dma_wait3A_115 : memref<1x80x144xf32, #tpu.memory_space<vmem>> -> memref<80x144xf32, #tpu.memory_space<vmem>>
        tpu.wait_dma2 semaphore(%run_scoped3A_88 : memref<!tpu.dma_semaphore, #tpu.memory_space<semaphore_mem>>) src(%dma_wait3A_116 : memref<80x144xf32, #tpu.memory_space<vmem>>) dst(%dma_wait3A_112 : memref<80x144xf32, #tpu.memory_space<vmem_shared>>)
        tpu.yield
      }) : () -> ()
      %run_scoped3A_87 = arith.constant 0 : i32
      "tpu.region"() ({
        %run_scoped3A_88 = tpu.sem_alloc : memref<!tpu.dma_semaphore, #tpu.memory_space<semaphore_mem>>
        %dma_start3A_89 = arith.constant 0 : i32
        %dma_start3A_90 = arith.constant 0 : i32
        %dma_start3A_91 = tpu.memref_slice %arg7[%run_scoped3A_87, %dma_start3A_89, %dma_start3A_90] : memref<2x80x144xf32, #tpu.memory_space<vmem>> -> memref<1x80x144xf32, #tpu.memory_space<vmem>>
        %dma_start3A_92 = tpu.memref_squeeze %dma_start3A_91 : memref<1x80x144xf32, #tpu.memory_space<vmem>> -> memref<80x144xf32, #tpu.memory_space<vmem>>
        %dma_start3A_93 = arith.constant 9920 : i32
        %dma_start3A_94 = arith.constant 0 : i32
        %dma_start3A_95 = tpu.memref_slice %arg6[%dma_start3A_93, %dma_start3A_94] : memref<10000x144xf32, #tpu.memory_space<vmem_shared>> -> memref<80x144xf32, #tpu.memory_space<vmem_shared>>
        %dma_start3A_96 = arith.constant 9920 : i32
        %dma_start3A_97 = arith.constant 0 : i32
        %dma_start3A_98 = tpu.memref_slice %arg6[%dma_start3A_96, %dma_start3A_97] : memref<10000x144xf32, #tpu.memory_space<vmem_shared>> -> memref<80x144xf32, #tpu.memory_space<vmem_shared>>
        %dma_start3A_99 = arith.constant 0 : i32
        %dma_start3A_100 = arith.constant 0 : i32
        %dma_start3A_101 = tpu.memref_slice %arg7[%run_scoped3A_87, %dma_start3A_99, %dma_start3A_100] : memref<2x80x144xf32, #tpu.memory_space<vmem>> -> memref<1x80x144xf32, #tpu.memory_space<vmem>>
        %dma_start3A_102 = tpu.memref_squeeze %dma_start3A_101 : memref<1x80x144xf32, #tpu.memory_space<vmem>> -> memref<80x144xf32, #tpu.memory_space<vmem>>
        tpu.enqueue_dma source(%dma_start3A_102 : memref<80x144xf32, #tpu.memory_space<vmem>>) target(%dma_start3A_98 : memref<80x144xf32, #tpu.memory_space<vmem_shared>>) target_semaphore(%run_scoped3A_88 : memref<!tpu.dma_semaphore, #tpu.memory_space<semaphore_mem>>)
        %dma_wait3A_103 = arith.constant 0 : i32
        %dma_wait3A_104 = arith.constant 0 : i32
        %dma_wait3A_105 = tpu.memref_slice %arg7[%run_scoped3A_87, %dma_wait3A_103, %dma_wait3A_104] : memref<2x80x144xf32, #tpu.memory_space<vmem>> -> memref<1x80x144xf32, #tpu.memory_space<vmem>>
        %dma_wait3A_106 = tpu.memref_squeeze %dma_wait3A_105 : memref<1x80x144xf32, #tpu.memory_space<vmem>> -> memref<80x144xf32, #tpu.memory_space<vmem>>
        %dma_wait3A_107 = arith.constant 9920 : i32
        %dma_wait3A_108 = arith.constant 0 : i32
        %dma_wait3A_109 = tpu.memref_slice %arg6[%dma_wait3A_107, %dma_wait3A_108] : memref<10000x144xf32, #tpu.memory_space<vmem_shared>> -> memref<80x144xf32, #tpu.memory_space<vmem_shared>>
        %dma_wait3A_110 = arith.constant 9920 : i32
        %dma_wait3A_111 = arith.constant 0 : i32
        %dma_wait3A_112 = tpu.memref_slice %arg6[%dma_wait3A_110, %dma_wait3A_111] : memref<10000x144xf32, #tpu.memory_space<vmem_shared>> -> memref<80x144xf32, #tpu.memory_space<vmem_shared>>
        %dma_wait3A_113 = arith.constant 0 : i32
        %dma_wait3A_114 = arith.constant 0 : i32
        %dma_wait3A_115 = tpu.memref_slice %arg7[%run_scoped3A_87, %dma_wait3A_113, %dma_wait3A_114] : memref<2x80x144xf32, #tpu.memory_space<vmem>> -> memref<1x80x144xf32, #tpu.memory_space<vmem>>
        %dma_wait3A_116 = tpu.memref_squeeze %dma_wait3A_115 : memref<1x80x144xf32, #tpu.memory_space<vmem>> -> memref<80x144xf32, #tpu.memory_space<vmem>>
        tpu.wait_dma2 semaphore(%run_scoped3A_88 : memref<!tpu.dma_semaphore, #tpu.memory_space<semaphore_mem>>) src(%dma_wait3A_116 : memref<80x144xf32, #tpu.memory_space<vmem>>) dst(%dma_wait3A_112 : memref<80x144xf32, #tpu.memory_space<vmem_shared>>)
        tpu.yield
      }) : () -> ()
    } else {
    }
    %barrier3A = arith.constant 0 : index
    tpu.barrier barrier_id(%barrier3A)
    %add3A_15 = arith.constant 0 : i32
    %add3A_16 = arith.addi %mul3A_2, %add3A_15 : i32
    %multiple_of3A = tpu.assume_multiple %add3A_16, 8 : i32
    %run_scoped3A = arith.constant 0 : i32
    "tpu.region"() ({
      %run_scoped3A_80 = tpu.sem_alloc : memref<!tpu.dma_semaphore, #tpu.memory_space<semaphore_mem>>
      %dma_start3A_81 = arith.constant 0 : i32
      %dma_start3A_82 = tpu.memref_slice %arg9[%run_scoped3A, %dma_start3A_81] : memref<2x80xi32, #tpu.memory_space<vmem>> -> memref<1x80xi32, #tpu.memory_space<vmem>>
      %dma_start3A_83 = tpu.memref_squeeze %dma_start3A_82 : memref<1x80xi32, #tpu.memory_space<vmem>> -> memref<80xi32, #tpu.memory_space<vmem>>
      %dma_start3A_84 = tpu.memref_slice %arg3[%multiple_of3A] : memref<320000xi32, #tpu.memory_space<hbm>> -> memref<80xi32, #tpu.memory_space<hbm>>
      %dma_start3A_85 = arith.constant 0 : i32
      %dma_start3A_86 = tpu.memref_slice %arg9[%run_scoped3A, %dma_start3A_85] : memref<2x80xi32, #tpu.memory_space<vmem>> -> memref<1x80xi32, #tpu.memory_space<vmem>>
      %dma_start3A_87 = tpu.memref_squeeze %dma_start3A_86 : memref<1x80xi32, #tpu.memory_space<vmem>> -> memref<80xi32, #tpu.memory_space<vmem>>
      %dma_start3A_88 = tpu.memref_slice %arg3[%multiple_of3A] : memref<320000xi32, #tpu.memory_space<hbm>> -> memref<80xi32, #tpu.memory_space<hbm>>
      tpu.enqueue_dma source(%dma_start3A_88 : memref<80xi32, #tpu.memory_space<hbm>>) target(%dma_start3A_87 : memref<80xi32, #tpu.memory_space<vmem>>) target_semaphore(%run_scoped3A_80 : memref<!tpu.dma_semaphore, #tpu.memory_space<semaphore_mem>>)
      %dma_wait3A_89 = arith.constant 0 : i32
      %dma_wait3A_90 = tpu.memref_slice %arg9[%run_scoped3A, %dma_wait3A_89] : memref<2x80xi32, #tpu.memory_space<vmem>> -> memref<1x80xi32, #tpu.memory_space<vmem>>
      %dma_wait3A_91 = tpu.memref_squeeze %dma_wait3A_90 : memref<1x80xi32, #tpu.memory_space<vmem>> -> memref<80xi32, #tpu.memory_space<vmem>>
      %dma_wait3A_92 = tpu.memref_slice %arg3[%multiple_of3A] : memref<320000xi32, #tpu.memory_space<hbm>> -> memref<80xi32, #tpu.memory_space<hbm>>
      %dma_wait3A_93 = arith.constant 0 : i32
      %dma_wait3A_94 = tpu.memref_slice %arg9[%run_scoped3A, %dma_wait3A_93] : memref<2x80xi32, #tpu.memory_space<vmem>> -> memref<1x80xi32, #tpu.memory_space<vmem>>
      %dma_wait3A_95 = tpu.memref_squeeze %dma_wait3A_94 : memref<1x80xi32, #tpu.memory_space<vmem>> -> memref<80xi32, #tpu.memory_space<vmem>>
      %dma_wait3A_96 = tpu.memref_slice %arg3[%multiple_of3A] : memref<320000xi32, #tpu.memory_space<hbm>> -> memref<80xi32, #tpu.memory_space<hbm>>
      tpu.wait_dma2 semaphore(%run_scoped3A_80 : memref<!tpu.dma_semaphore, #tpu.memory_space<semaphore_mem>>) src(%dma_wait3A_96 : memref<80xi32, #tpu.memory_space<hbm>>) dst(%dma_wait3A_95 : memref<80xi32, #tpu.memory_space<vmem>>)
      tpu.yield
    }) : () -> ()
    %dma_start3A = arith.constant 0 : i32
    %dma_start3A_17 = arith.constant 0 : i32
    %dma_start3A_18 = arith.constant 0 : i32
    %dma_start3A_19 = arith.constant 0 : i32
    %dma_start3A_20 = tpu.memref_slice %arg7[%dma_start3A_17, %dma_start3A_18, %dma_start3A_19] : memref<2x80x144xf32, #tpu.memory_space<vmem>> -> memref<1x80x144xf32, #tpu.memory_space<vmem>>
    %dma_start3A_21 = tpu.memref_squeeze %dma_start3A_20 : memref<1x80x144xf32, #tpu.memory_space<vmem>> -> memref<80x144xf32, #tpu.memory_space<vmem>>
    %dma_start3A_22 = arith.constant 0 : i32
    %dma_start3A_23 = tpu.memref_slice %arg9[%dma_start3A, %dma_start3A_22] : memref<2x80xi32, #tpu.memory_space<vmem>> -> memref<1x80xi32, #tpu.memory_space<vmem>>
    %dma_start3A_24 = tpu.memref_squeeze %dma_start3A_23 : memref<1x80xi32, #tpu.memory_space<vmem>> -> memref<80xi32, #tpu.memory_space<vmem>>
    %dma_start3A_25 = arith.constant 0 : i32
    %dma_start3A_26 = arith.constant 0 : i32
    %dma_start3A_27 = tpu.memref_slice %arg2[%dma_start3A_25, %dma_start3A_26] : memref<10000x144xf32, #tpu.memory_space<hbm>> -> memref<10000x144xf32, #tpu.memory_space<hbm>>
    tpu.enqueue_indirect_dma source(%dma_start3A_27 : memref<10000x144xf32, #tpu.memory_space<hbm>>) target(%dma_start3A_21 : memref<80x144xf32, #tpu.memory_space<vmem>>) offsets(%dma_start3A_24 : memref<80xi32, #tpu.memory_space<vmem>>) semaphore(%arg10 : memref<!tpu.dma_semaphore, #tpu.memory_space<semaphore_mem>>)
    %add3A_28 = arith.constant 80 : i32
    %add3A_29 = arith.addi %mul3A_2, %add3A_28 : i32
    %multiple_of3A_30 = tpu.assume_multiple %add3A_29, 8 : i32
    %dma_start3A_31 = arith.constant 1 : i32
    %dma_start3A_32 = arith.constant 0 : i32
    %dma_start3A_33 = tpu.memref_slice %arg9[%dma_start3A_31, %dma_start3A_32] : memref<2x80xi32, #tpu.memory_space<vmem>> -> memref<1x80xi32, #tpu.memory_space<vmem>>
    %dma_start3A_34 = tpu.memref_squeeze %dma_start3A_33 : memref<1x80xi32, #tpu.memory_space<vmem>> -> memref<80xi32, #tpu.memory_space<vmem>>
    %dma_start3A_35 = tpu.memref_slice %arg3[%multiple_of3A_30] : memref<320000xi32, #tpu.memory_space<hbm>> -> memref<80xi32, #tpu.memory_space<hbm>>
    %dma_start3A_36 = arith.constant 0 : i32
    %dma_start3A_37 = tpu.memref_slice %arg9[%dma_start3A_31, %dma_start3A_36] : memref<2x80xi32, #tpu.memory_space<vmem>> -> memref<1x80xi32, #tpu.memory_space<vmem>>
    %dma_start3A_38 = tpu.memref_squeeze %dma_start3A_37 : memref<1x80xi32, #tpu.memory_space<vmem>> -> memref<80xi32, #tpu.memory_space<vmem>>
    %dma_start3A_39 = tpu.memref_slice %arg3[%multiple_of3A_30] : memref<320000xi32, #tpu.memory_space<hbm>> -> memref<80xi32, #tpu.memory_space<hbm>>
    tpu.enqueue_dma source(%dma_start3A_39 : memref<80xi32, #tpu.memory_space<hbm>>) target(%dma_start3A_38 : memref<80xi32, #tpu.memory_space<vmem>>) target_semaphore(%arg11 : memref<!tpu.dma_semaphore, #tpu.memory_space<semaphore_mem>>)
    %scan3A_40 = arith.constant 0 : i32
    %scan3A_41 = arith.constant 0 : i32
    %scan3A_42 = arith.constant 125 : i32
    %scan3A_43 = arith.addi %scan3A_41, %scan3A_42 : i32
    %scan3A_44 = arith.constant 1 : i32
    scf.for %scan3A_80 = %scan3A_41 to %scan3A_43 step %scan3A_44  : i32 {
      %rem3A = arith.constant 2 : i32
      %rem3A_81 = arith.remsi %scan3A_80, %rem3A : i32
      %add3A_82 = arith.constant 1 : i32
      %add3A_83 = arith.addi %scan3A_80, %add3A_82 : i32
      %rem3A_84 = arith.constant 2 : i32
      %rem3A_85 = arith.remsi %add3A_83, %rem3A_84 : i32
      %add3A_86 = arith.constant 1 : i32
      %add3A_87 = arith.addi %scan3A_80, %add3A_86 : i32
      %lt3A_88 = arith.constant 125 : i32
      %lt3A_89 = arith.cmpi slt, %add3A_87, %lt3A_88 : i32
      %convert_element_type3A_90 = arith.extui %lt3A_89 : i1 to i32
      %cond3A_91 = arith.constant 0 : i32
      %cond3A_92 = arith.cmpi ne, %convert_element_type3A_90, %cond3A_91 : i32
      scf.if %cond3A_92 {
        %add3A_120 = arith.constant 1 : i32
        %add3A_121 = arith.addi %scan3A_80, %add3A_120 : i32
        %mul3A_122 = arith.constant 80 : i32
        %mul3A_123 = arith.muli %add3A_121, %mul3A_122 : i32
        %add3A_124 = arith.addi %mul3A_2, %mul3A_123 : i32
        %multiple_of3A_125 = tpu.assume_multiple %add3A_124, 8 : i32
        %dma_wait3A_126 = arith.constant 0 : i32
        %dma_wait3A_127 = tpu.memref_slice %arg9[%rem3A_85, %dma_wait3A_126] : memref<2x80xi32, #tpu.memory_space<vmem>> -> memref<1x80xi32, #tpu.memory_space<vmem>>
        %dma_wait3A_128 = tpu.memref_squeeze %dma_wait3A_127 : memref<1x80xi32, #tpu.memory_space<vmem>> -> memref<80xi32, #tpu.memory_space<vmem>>
        %dma_wait3A_129 = tpu.memref_slice %arg3[%multiple_of3A_125] : memref<320000xi32, #tpu.memory_space<hbm>> -> memref<80xi32, #tpu.memory_space<hbm>>
        %dma_wait3A_130 = arith.constant 0 : i32
        %dma_wait3A_131 = tpu.memref_slice %arg9[%rem3A_85, %dma_wait3A_130] : memref<2x80xi32, #tpu.memory_space<vmem>> -> memref<1x80xi32, #tpu.memory_space<vmem>>
        %dma_wait3A_132 = tpu.memref_squeeze %dma_wait3A_131 : memref<1x80xi32, #tpu.memory_space<vmem>> -> memref<80xi32, #tpu.memory_space<vmem>>
        %dma_wait3A_133 = tpu.memref_slice %arg3[%multiple_of3A_125] : memref<320000xi32, #tpu.memory_space<hbm>> -> memref<80xi32, #tpu.memory_space<hbm>>
        tpu.wait_dma2 semaphore(%arg11 : memref<!tpu.dma_semaphore, #tpu.memory_space<semaphore_mem>>) src(%dma_wait3A_133 : memref<80xi32, #tpu.memory_space<hbm>>) dst(%dma_wait3A_132 : memref<80xi32, #tpu.memory_space<vmem>>)
        %ge3A = arith.constant 1 : i32
        %ge3A_134 = arith.cmpi sge, %scan3A_80, %ge3A : i32
        %convert_element_type3A_135 = arith.extui %ge3A_134 : i1 to i32
        %cond3A_136 = arith.constant 0 : i32
        %cond3A_137 = arith.cmpi ne, %convert_element_type3A_135, %cond3A_136 : i32
        scf.if %cond3A_137 {
          %dma_wait3A_148 = arith.constant 0 : i32
          %dma_wait3A_149 = arith.constant 0 : i32
          %dma_wait3A_150 = arith.constant 0 : i32
          %dma_wait3A_151 = arith.constant 0 : i32
          %dma_wait3A_152 = tpu.memref_slice %arg7[%dma_wait3A_148, %dma_wait3A_150, %dma_wait3A_151] : memref<2x80x144xf32, #tpu.memory_space<vmem>> -> memref<1x80x144xf32, #tpu.memory_space<vmem>>
          %dma_wait3A_153 = tpu.memref_squeeze %dma_wait3A_152 : memref<1x80x144xf32, #tpu.memory_space<vmem>> -> memref<80x144xf32, #tpu.memory_space<vmem>>
          %dma_wait3A_154 = arith.constant 0 : i32
          %dma_wait3A_155 = tpu.memref_slice %arg8[%dma_wait3A_149, %dma_wait3A_154] : memref<125x80xi32, #tpu.memory_space<vmem>> -> memref<1x80xi32, #tpu.memory_space<vmem>>
          %dma_wait3A_156 = tpu.memref_squeeze %dma_wait3A_155 : memref<1x80xi32, #tpu.memory_space<vmem>> -> memref<80xi32, #tpu.memory_space<vmem>>
          %dma_wait3A_157 = arith.constant 0 : i32
          %dma_wait3A_158 = arith.constant 0 : i32
          %dma_wait3A_159 = tpu.memref_slice %arg6[%dma_wait3A_157, %dma_wait3A_158] : memref<10000x144xf32, #tpu.memory_space<vmem_shared>> -> memref<10000x144xf32, #tpu.memory_space<vmem_shared>>
          tpu.wait_indirect_dma semaphore(%arg12 : memref<!tpu.dma_semaphore, #tpu.memory_space<semaphore_mem>>) src(%dma_wait3A_153 : memref<80x144xf32, #tpu.memory_space<vmem>>) dst(%dma_wait3A_159 : memref<10000x144xf32, #tpu.memory_space<vmem_shared>>)
        } else {
        }
        %dma_start3A_138 = arith.constant 0 : i32
        %dma_start3A_139 = arith.constant 0 : i32
        %dma_start3A_140 = tpu.memref_slice %arg7[%rem3A_85, %dma_start3A_138, %dma_start3A_139] : memref<2x80x144xf32, #tpu.memory_space<vmem>> -> memref<1x80x144xf32, #tpu.memory_space<vmem>>
        %dma_start3A_141 = tpu.memref_squeeze %dma_start3A_140 : memref<1x80x144xf32, #tpu.memory_space<vmem>> -> memref<80x144xf32, #tpu.memory_space<vmem>>
        %dma_start3A_142 = arith.constant 0 : i32
        %dma_start3A_143 = tpu.memref_slice %arg9[%rem3A_85, %dma_start3A_142] : memref<2x80xi32, #tpu.memory_space<vmem>> -> memref<1x80xi32, #tpu.memory_space<vmem>>
        %dma_start3A_144 = tpu.memref_squeeze %dma_start3A_143 : memref<1x80xi32, #tpu.memory_space<vmem>> -> memref<80xi32, #tpu.memory_space<vmem>>
        %dma_start3A_145 = arith.constant 0 : i32
        %dma_start3A_146 = arith.constant 0 : i32
        %dma_start3A_147 = tpu.memref_slice %arg2[%dma_start3A_145, %dma_start3A_146] : memref<10000x144xf32, #tpu.memory_space<hbm>> -> memref<10000x144xf32, #tpu.memory_space<hbm>>
        tpu.enqueue_indirect_dma source(%dma_start3A_147 : memref<10000x144xf32, #tpu.memory_space<hbm>>) target(%dma_start3A_141 : memref<80x144xf32, #tpu.memory_space<vmem>>) offsets(%dma_start3A_144 : memref<80xi32, #tpu.memory_space<vmem>>) semaphore(%arg10 : memref<!tpu.dma_semaphore, #tpu.memory_space<semaphore_mem>>)
      } else {
      }
      %dma_wait3A_93 = arith.constant 0 : i32
      %dma_wait3A_94 = arith.constant 0 : i32
      %dma_wait3A_95 = tpu.memref_slice %arg7[%rem3A_81, %dma_wait3A_93, %dma_wait3A_94] : memref<2x80x144xf32, #tpu.memory_space<vmem>> -> memref<1x80x144xf32, #tpu.memory_space<vmem>>
      %dma_wait3A_96 = tpu.memref_squeeze %dma_wait3A_95 : memref<1x80x144xf32, #tpu.memory_space<vmem>> -> memref<80x144xf32, #tpu.memory_space<vmem>>
      %dma_wait3A_97 = arith.constant 0 : i32
      %dma_wait3A_98 = tpu.memref_slice %arg9[%rem3A_81, %dma_wait3A_97] : memref<2x80xi32, #tpu.memory_space<vmem>> -> memref<1x80xi32, #tpu.memory_space<vmem>>
      %dma_wait3A_99 = tpu.memref_squeeze %dma_wait3A_98 : memref<1x80xi32, #tpu.memory_space<vmem>> -> memref<80xi32, #tpu.memory_space<vmem>>
      %dma_wait3A_100 = arith.constant 0 : i32
      %dma_wait3A_101 = arith.constant 0 : i32
      %dma_wait3A_102 = tpu.memref_slice %arg2[%dma_wait3A_100, %dma_wait3A_101] : memref<10000x144xf32, #tpu.memory_space<hbm>> -> memref<10000x144xf32, #tpu.memory_space<hbm>>
      tpu.wait_indirect_dma semaphore(%arg10 : memref<!tpu.dma_semaphore, #tpu.memory_space<semaphore_mem>>) src(%dma_wait3A_102 : memref<10000x144xf32, #tpu.memory_space<hbm>>) dst(%dma_wait3A_96 : memref<80x144xf32, #tpu.memory_space<vmem>>)
      %dma_start3A_103 = arith.constant 0 : i32
      %dma_start3A_104 = arith.constant 0 : i32
      %dma_start3A_105 = tpu.memref_slice %arg7[%rem3A_81, %dma_start3A_103, %dma_start3A_104] : memref<2x80x144xf32, #tpu.memory_space<vmem>> -> memref<1x80x144xf32, #tpu.memory_space<vmem>>
      %dma_start3A_106 = tpu.memref_squeeze %dma_start3A_105 : memref<1x80x144xf32, #tpu.memory_space<vmem>> -> memref<80x144xf32, #tpu.memory_space<vmem>>
      %dma_start3A_107 = arith.constant 0 : i32
      %dma_start3A_108 = tpu.memref_slice %arg8[%scan3A_80, %dma_start3A_107] : memref<125x80xi32, #tpu.memory_space<vmem>> -> memref<1x80xi32, #tpu.memory_space<vmem>>
      %dma_start3A_109 = tpu.memref_squeeze %dma_start3A_108 : memref<1x80xi32, #tpu.memory_space<vmem>> -> memref<80xi32, #tpu.memory_space<vmem>>
      %dma_start3A_110 = arith.constant 0 : i32
      %dma_start3A_111 = arith.constant 0 : i32
      %dma_start3A_112 = tpu.memref_slice %arg6[%dma_start3A_110, %dma_start3A_111] : memref<10000x144xf32, #tpu.memory_space<vmem_shared>> -> memref<10000x144xf32, #tpu.memory_space<vmem_shared>>
      tpu.enqueue_indirect_dma source(%dma_start3A_106 : memref<80x144xf32, #tpu.memory_space<vmem>>) target(%dma_start3A_112 : memref<10000x144xf32, #tpu.memory_space<vmem_shared>>) offsets(%dma_start3A_109 : memref<80xi32, #tpu.memory_space<vmem>>) semaphore(%arg12 : memref<!tpu.dma_semaphore, #tpu.memory_space<semaphore_mem>>) {add = true}
      %add3A_113 = arith.constant 2 : i32
      %add3A_114 = arith.addi %scan3A_80, %add3A_113 : i32
      %lt3A_115 = arith.constant 125 : i32
      %lt3A_116 = arith.cmpi slt, %add3A_114, %lt3A_115 : i32
      %convert_element_type3A_117 = arith.extui %lt3A_116 : i1 to i32
      %cond3A_118 = arith.constant 0 : i32
      %cond3A_119 = arith.cmpi ne, %convert_element_type3A_117, %cond3A_118 : i32
      scf.if %cond3A_119 {
        %add3A_120 = arith.constant 2 : i32
        %add3A_121 = arith.addi %scan3A_80, %add3A_120 : i32
        %mul3A_122 = arith.constant 80 : i32
        %mul3A_123 = arith.muli %add3A_121, %mul3A_122 : i32
        %add3A_124 = arith.addi %mul3A_2, %mul3A_123 : i32
        %multiple_of3A_125 = tpu.assume_multiple %add3A_124, 8 : i32
        %dma_start3A_126 = arith.constant 0 : i32
        %dma_start3A_127 = tpu.memref_slice %arg9[%rem3A_81, %dma_start3A_126] : memref<2x80xi32, #tpu.memory_space<vmem>> -> memref<1x80xi32, #tpu.memory_space<vmem>>
        %dma_start3A_128 = tpu.memref_squeeze %dma_start3A_127 : memref<1x80xi32, #tpu.memory_space<vmem>> -> memref<80xi32, #tpu.memory_space<vmem>>
        %dma_start3A_129 = tpu.memref_slice %arg3[%multiple_of3A_125] : memref<320000xi32, #tpu.memory_space<hbm>> -> memref<80xi32, #tpu.memory_space<hbm>>
        %dma_start3A_130 = arith.constant 0 : i32
        %dma_start3A_131 = tpu.memref_slice %arg9[%rem3A_81, %dma_start3A_130] : memref<2x80xi32, #tpu.memory_space<vmem>> -> memref<1x80xi32, #tpu.memory_space<vmem>>
        %dma_start3A_132 = tpu.memref_squeeze %dma_start3A_131 : memref<1x80xi32, #tpu.memory_space<vmem>> -> memref<80xi32, #tpu.memory_space<vmem>>
        %dma_start3A_133 = tpu.memref_slice %arg3[%multiple_of3A_125] : memref<320000xi32, #tpu.memory_space<hbm>> -> memref<80xi32, #tpu.memory_space<hbm>>
        tpu.enqueue_dma source(%dma_start3A_133 : memref<80xi32, #tpu.memory_space<hbm>>) target(%dma_start3A_132 : memref<80xi32, #tpu.memory_space<vmem>>) target_semaphore(%arg11 : memref<!tpu.dma_semaphore, #tpu.memory_space<semaphore_mem>>)
      } else {
      }
    }
    %scan3A_45 = arith.constant 125 : i32
    %dma_wait3A = arith.constant 0 : i32
    %dma_wait3A_46 = arith.constant 0 : i32
    %dma_wait3A_47 = arith.constant 0 : i32
    %dma_wait3A_48 = arith.constant 0 : i32
    %dma_wait3A_49 = tpu.memref_slice %arg7[%dma_wait3A, %dma_wait3A_47, %dma_wait3A_48] : memref<2x80x144xf32, #tpu.memory_space<vmem>> -> memref<1x80x144xf32, #tpu.memory_space<vmem>>
    %dma_wait3A_50 = tpu.memref_squeeze %dma_wait3A_49 : memref<1x80x144xf32, #tpu.memory_space<vmem>> -> memref<80x144xf32, #tpu.memory_space<vmem>>
    %dma_wait3A_51 = arith.constant 0 : i32
    %dma_wait3A_52 = tpu.memref_slice %arg8[%dma_wait3A_46, %dma_wait3A_51] : memref<125x80xi32, #tpu.memory_space<vmem>> -> memref<1x80xi32, #tpu.memory_space<vmem>>
    %dma_wait3A_53 = tpu.memref_squeeze %dma_wait3A_52 : memref<1x80xi32, #tpu.memory_space<vmem>> -> memref<80xi32, #tpu.memory_space<vmem>>
    %dma_wait3A_54 = arith.constant 0 : i32
    %dma_wait3A_55 = arith.constant 0 : i32
    %dma_wait3A_56 = tpu.memref_slice %arg6[%dma_wait3A_54, %dma_wait3A_55] : memref<10000x144xf32, #tpu.memory_space<vmem_shared>> -> memref<10000x144xf32, #tpu.memory_space<vmem_shared>>
    tpu.wait_indirect_dma semaphore(%arg12 : memref<!tpu.dma_semaphore, #tpu.memory_space<semaphore_mem>>) src(%dma_wait3A_50 : memref<80x144xf32, #tpu.memory_space<vmem>>) dst(%dma_wait3A_56 : memref<10000x144xf32, #tpu.memory_space<vmem_shared>>)
    %dma_wait3A_57 = arith.constant 0 : i32
    %dma_wait3A_58 = arith.constant 0 : i32
    %dma_wait3A_59 = arith.constant 0 : i32
    %dma_wait3A_60 = arith.constant 0 : i32
    %dma_wait3A_61 = tpu.memref_slice %arg7[%dma_wait3A_57, %dma_wait3A_59, %dma_wait3A_60] : memref<2x80x144xf32, #tpu.memory_space<vmem>> -> memref<1x80x144xf32, #tpu.memory_space<vmem>>
    %dma_wait3A_62 = tpu.memref_squeeze %dma_wait3A_61 : memref<1x80x144xf32, #tpu.memory_space<vmem>> -> memref<80x144xf32, #tpu.memory_space<vmem>>
    %dma_wait3A_63 = arith.constant 0 : i32
    %dma_wait3A_64 = tpu.memref_slice %arg8[%dma_wait3A_58, %dma_wait3A_63] : memref<125x80xi32, #tpu.memory_space<vmem>> -> memref<1x80xi32, #tpu.memory_space<vmem>>
    %dma_wait3A_65 = tpu.memref_squeeze %dma_wait3A_64 : memref<1x80xi32, #tpu.memory_space<vmem>> -> memref<80xi32, #tpu.memory_space<vmem>>
    %dma_wait3A_66 = arith.constant 0 : i32
    %dma_wait3A_67 = arith.constant 0 : i32
    %dma_wait3A_68 = tpu.memref_slice %arg6[%dma_wait3A_66, %dma_wait3A_67] : memref<10000x144xf32, #tpu.memory_space<vmem_shared>> -> memref<10000x144xf32, #tpu.memory_space<vmem_shared>>
    tpu.wait_indirect_dma semaphore(%arg12 : memref<!tpu.dma_semaphore, #tpu.memory_space<semaphore_mem>>) src(%dma_wait3A_62 : memref<80x144xf32, #tpu.memory_space<vmem>>) dst(%dma_wait3A_68 : memref<10000x144xf32, #tpu.memory_space<vmem_shared>>)
    %barrier3A_69 = arith.constant 0 : index
    tpu.barrier barrier_id(%barrier3A_69)
    %lt3A_70 = arith.constant 15 : i32
    %lt3A_71 = arith.cmpi slt, %arg1, %lt3A_70 : i32
    %convert_element_type3A_72 = arith.extui %lt3A_71 : i1 to i32
    %cond3A_73 = arith.constant 0 : i32
    %cond3A_74 = arith.cmpi ne, %convert_element_type3A_72, %cond3A_73 : i32
    scf.if %cond3A_74 {
      %mul3A_80 = arith.constant 624 : i32
      %mul3A_81 = arith.muli %arg1, %mul3A_80 : i32
      %multiple_of3A_82 = tpu.assume_multiple %mul3A_81, 8 : i32
      "tpu.region"() ({
        %run_scoped3A_83 = tpu.sem_alloc : memref<!tpu.dma_semaphore, #tpu.memory_space<semaphore_mem>>
        %dma_start3A_84 = arith.constant 0 : i32
        %dma_start3A_85 = tpu.memref_slice %arg5[%arg0, %multiple_of3A_82, %dma_start3A_84] : memref<2x10000x144xf32, #tpu.memory_space<hbm>> -> memref<1x624x144xf32, #tpu.memory_space<hbm>>
        %dma_start3A_86 = tpu.memref_squeeze %dma_start3A_85 : memref<1x624x144xf32, #tpu.memory_space<hbm>> -> memref<624x144xf32, #tpu.memory_space<hbm>>
        %dma_start3A_87 = arith.constant 0 : i32
        %dma_start3A_88 = tpu.memref_slice %arg6[%multiple_of3A_82, %dma_start3A_87] : memref<10000x144xf32, #tpu.memory_space<vmem_shared>> -> memref<624x144xf32, #tpu.memory_space<vmem_shared>>
        tpu.enqueue_dma source(%dma_start3A_88 : memref<624x144xf32, #tpu.memory_space<vmem_shared>>) target(%dma_start3A_86 : memref<624x144xf32, #tpu.memory_space<hbm>>) target_semaphore(%run_scoped3A_83 : memref<!tpu.dma_semaphore, #tpu.memory_space<semaphore_mem>>)
        %dma_wait3A_89 = arith.constant 0 : i32
        %dma_wait3A_90 = tpu.memref_slice %arg5[%arg0, %multiple_of3A_82, %dma_wait3A_89] : memref<2x10000x144xf32, #tpu.memory_space<hbm>> -> memref<1x624x144xf32, #tpu.memory_space<hbm>>
        %dma_wait3A_91 = tpu.memref_squeeze %dma_wait3A_90 : memref<1x624x144xf32, #tpu.memory_space<hbm>> -> memref<624x144xf32, #tpu.memory_space<hbm>>
        %dma_wait3A_92 = arith.constant 0 : i32
        %dma_wait3A_93 = tpu.memref_slice %arg6[%multiple_of3A_82, %dma_wait3A_92] : memref<10000x144xf32, #tpu.memory_space<vmem_shared>> -> memref<624x144xf32, #tpu.memory_space<vmem_shared>>
        tpu.wait_dma2 semaphore(%run_scoped3A_83 : memref<!tpu.dma_semaphore, #tpu.memory_space<semaphore_mem>>) src(%dma_wait3A_93 : memref<624x144xf32, #tpu.memory_space<vmem_shared>>) dst(%dma_wait3A_91 : memref<624x144xf32, #tpu.memory_space<hbm>>)
        tpu.yield
      }) : () -> ()
    } else {
    }
    %eq3A_75 = arith.constant 15 : i32
    %eq3A_76 = arith.cmpi eq, %arg1, %eq3A_75 : i32
    %convert_element_type3A_77 = arith.extui %eq3A_76 : i1 to i32
    %cond3A_78 = arith.constant 0 : i32
    %cond3A_79 = arith.cmpi ne, %convert_element_type3A_77, %cond3A_78 : i32
    scf.if %cond3A_79 {
      "tpu.region"() ({
        %run_scoped3A_80 = tpu.sem_alloc : memref<!tpu.dma_semaphore, #tpu.memory_space<semaphore_mem>>
        %dma_start3A_81 = arith.constant 9360 : i32
        %dma_start3A_82 = arith.constant 0 : i32
        %dma_start3A_83 = tpu.memref_slice %arg5[%arg0, %dma_start3A_81, %dma_start3A_82] : memref<2x10000x144xf32, #tpu.memory_space<hbm>> -> memref<1x640x144xf32, #tpu.memory_space<hbm>>
        %dma_start3A_84 = tpu.memref_squeeze %dma_start3A_83 : memref<1x640x144xf32, #tpu.memory_space<hbm>> -> memref<640x144xf32, #tpu.memory_space<hbm>>
        %dma_start3A_85 = arith.constant 9360 : i32
        %dma_start3A_86 = arith.constant 0 : i32
        %dma_start3A_87 = tpu.memref_slice %arg6[%dma_start3A_85, %dma_start3A_86] : memref<10000x144xf32, #tpu.memory_space<vmem_shared>> -> memref<640x144xf32, #tpu.memory_space<vmem_shared>>
        tpu.enqueue_dma source(%dma_start3A_87 : memref<640x144xf32, #tpu.memory_space<vmem_shared>>) target(%dma_start3A_84 : memref<640x144xf32, #tpu.memory_space<hbm>>) target_semaphore(%run_scoped3A_80 : memref<!tpu.dma_semaphore, #tpu.memory_space<semaphore_mem>>)
        %dma_wait3A_88 = arith.constant 9360 : i32
        %dma_wait3A_89 = arith.constant 0 : i32
        %dma_wait3A_90 = tpu.memref_slice %arg5[%arg0, %dma_wait3A_88, %dma_wait3A_89] : memref<2x10000x144xf32, #tpu.memory_space<hbm>> -> memref<1x640x144xf32, #tpu.memory_space<hbm>>
        %dma_wait3A_91 = tpu.memref_squeeze %dma_wait3A_90 : memref<1x640x144xf32, #tpu.memory_space<hbm>> -> memref<640x144xf32, #tpu.memory_space<hbm>>
        %dma_wait3A_92 = arith.constant 9360 : i32
        %dma_wait3A_93 = arith.constant 0 : i32
        %dma_wait3A_94 = tpu.memref_slice %arg6[%dma_wait3A_92, %dma_wait3A_93] : memref<10000x144xf32, #tpu.memory_space<vmem_shared>> -> memref<640x144xf32, #tpu.memory_space<vmem_shared>>
        tpu.wait_dma2 semaphore(%run_scoped3A_80 : memref<!tpu.dma_semaphore, #tpu.memory_space<semaphore_mem>>) src(%dma_wait3A_94 : memref<640x144xf32, #tpu.memory_space<vmem_shared>>) dst(%dma_wait3A_91 : memref<640x144xf32, #tpu.memory_space<hbm>>)
        tpu.yield
      }) : () -> ()
    } else {
    }
    return
  }
}

#map = affine_map<(d0, d1) -> (0, 0)>
#map1 = affine_map<(d0, d1) -> (0)>
#map2 = affine_map<(d0, d1) -> (0, 0, 0)>
module attributes {stable_mosaic.version = 14 : i64} {
  func.func @_sc_aggregate(%arg0: i32, %arg1: i32, %arg2: memref<10000x144xf32, #tpu.memory_space<hbm>>, %arg3: memref<320000xi32, #tpu.memory_space<hbm>>, %arg4: memref<32x125x80xi32, #tpu.memory_space<hbm>>, %arg5: memref<2x10000x144xf32, #tpu.memory_space<hbm>>, %arg6: memref<10000x144xf32, #tpu.memory_space<vmem_shared>>, %arg7: memref<2x80x144xf32, #tpu.memory_space<vmem>>, %arg8: memref<125x80xi32, #tpu.memory_space<vmem>>, %arg9: memref<2x80xi32, #tpu.memory_space<vmem>>, %arg10: memref<!tpu.dma_semaphore, #tpu.memory_space<semaphore_mem>>, %arg11: memref<!tpu.dma_semaphore, #tpu.memory_space<semaphore_mem>>, %arg12: memref<!tpu.dma_semaphore, #tpu.memory_space<semaphore_mem>>) attributes {dimension_semantics = [#tpu.dimension_semantics<core_parallel>, #tpu.dimension_semantics<subcore_parallel>], iteration_bounds = array<i64: 2, 16>, scalar_prefetch = 0 : i64, scratch_operands = 7 : i64, tpu.core_type = #tpu.core_type<sc_vector_subcore>, window_params = [{transform_indices = #map}, {transform_indices = #map1}, {transform_indices = #map2}, {transform_indices = #map2}]} {
    %mul3A = arith.constant 16 : i32
    %mul3A_0 = arith.muli %arg0, %mul3A : i32
    %add3A = arith.addi %mul3A_0, %arg1 : i32
    %mul3A_1 = arith.constant 10000 : i32
    %mul3A_2 = arith.muli %add3A, %mul3A_1 : i32
    "tpu.region"() ({
      %run_scoped3A_80 = tpu.sem_alloc : memref<!tpu.dma_semaphore, #tpu.memory_space<semaphore_mem>>
      %dma_start3A_81 = arith.constant 0 : i32
      %dma_start3A_82 = arith.constant 0 : i32
      %dma_start3A_83 = tpu.memref_slice %arg4[%add3A, %dma_start3A_81, %dma_start3A_82] : memref<32x125x80xi32, #tpu.memory_space<hbm>> -> memref<1x125x80xi32, #tpu.memory_space<hbm>>
      %dma_start3A_84 = tpu.memref_squeeze %dma_start3A_83 : memref<1x125x80xi32, #tpu.memory_space<hbm>> -> memref<125x80xi32, #tpu.memory_space<hbm>>
      %dma_start3A_85 = arith.constant 0 : i32
      %dma_start3A_86 = arith.constant 0 : i32
      %dma_start3A_87 = tpu.memref_slice %arg4[%add3A, %dma_start3A_85, %dma_start3A_86] : memref<32x125x80xi32, #tpu.memory_space<hbm>> -> memref<1x125x80xi32, #tpu.memory_space<hbm>>
      %dma_start3A_88 = tpu.memref_squeeze %dma_start3A_87 : memref<1x125x80xi32, #tpu.memory_space<hbm>> -> memref<125x80xi32, #tpu.memory_space<hbm>>
      tpu.enqueue_dma source(%dma_start3A_88 : memref<125x80xi32, #tpu.memory_space<hbm>>) target(%arg8 : memref<125x80xi32, #tpu.memory_space<vmem>>) target_semaphore(%run_scoped3A_80 : memref<!tpu.dma_semaphore, #tpu.memory_space<semaphore_mem>>)
      %dma_wait3A_89 = arith.constant 0 : i32
      %dma_wait3A_90 = arith.constant 0 : i32
      %dma_wait3A_91 = tpu.memref_slice %arg4[%add3A, %dma_wait3A_89, %dma_wait3A_90] : memref<32x125x80xi32, #tpu.memory_space<hbm>> -> memref<1x125x80xi32, #tpu.memory_space<hbm>>
      %dma_wait3A_92 = tpu.memref_squeeze %dma_wait3A_91 : memref<1x125x80xi32, #tpu.memory_space<hbm>> -> memref<125x80xi32, #tpu.memory_space<hbm>>
      %dma_wait3A_93 = arith.constant 0 : i32
      %dma_wait3A_94 = arith.constant 0 : i32
      %dma_wait3A_95 = tpu.memref_slice %arg4[%add3A, %dma_wait3A_93, %dma_wait3A_94] : memref<32x125x80xi32, #tpu.memory_space<hbm>> -> memref<1x125x80xi32, #tpu.memory_space<hbm>>
      %dma_wait3A_96 = tpu.memref_squeeze %dma_wait3A_95 : memref<1x125x80xi32, #tpu.memory_space<hbm>> -> memref<125x80xi32, #tpu.memory_space<hbm>>
      tpu.wait_dma2 semaphore(%run_scoped3A_80 : memref<!tpu.dma_semaphore, #tpu.memory_space<semaphore_mem>>) src(%dma_wait3A_96 : memref<125x80xi32, #tpu.memory_space<hbm>>) dst(%arg8 : memref<125x80xi32, #tpu.memory_space<vmem>>)
      tpu.yield
    }) : () -> ()
    %scan3A = arith.constant 0 : i32
    %scan3A_3 = arith.constant 0 : i32
    %scan3A_4 = arith.constant 0 : i32
    %scan3A_5 = arith.constant 80 : i32
    %scan3A_6 = arith.addi %scan3A_4, %scan3A_5 : i32
    %scan3A_7 = arith.constant 1 : i32
    scf.for %scan3A_80 = %scan3A_4 to %scan3A_6 step %scan3A_7  : i32 {
      %broadcast_in_dim3A = arith.constant 0.000000e+00 : f32
      %broadcast_in_dim3A_81 = vector.broadcast %broadcast_in_dim3A : f32 to vector<16xf32>
      %swap3A = arith.constant 0 : i32
      %swap3A_82 = arith.constant 0 : i32
      %swap3A_83 = tpu.memref_slice %arg7[%scan3A_3, %swap3A, %swap3A_82] : memref<2x80x144xf32, #tpu.memory_space<vmem>> -> memref<1x80x144xf32, #tpu.memory_space<vmem>>
      %swap3A_84 = tpu.memref_squeeze %swap3A_83 : memref<1x80x144xf32, #tpu.memory_space<vmem>> -> memref<80x144xf32, #tpu.memory_space<vmem>>
      %swap3A_85 = arith.index_cast %scan3A_80 : i32 to index
      %swap3A_86 = arith.constant 0 : index
      %swap3A_87 = tpu.vector_load %swap3A_84[%swap3A_85, %swap3A_86] {strides = array<i32>} : memref<80x144xf32, #tpu.memory_space<vmem>>, vector<1x16xf32>,
      %swap3A_88 = vector.shape_cast %swap3A_87 : vector<1x16xf32> to vector<16xf32>
      %swap3A_89 = vector.shape_cast %broadcast_in_dim3A_81 : vector<16xf32> to vector<1x16xf32>
      tpu.vector_store %swap3A_84[%swap3A_85, %swap3A_86], %swap3A_89 {strides = array<i32>} : memref<80x144xf32, #tpu.memory_space<vmem>>, vector<1x16xf32>,
      %broadcast_in_dim3A_90 = arith.constant 0.000000e+00 : f32
      %broadcast_in_dim3A_91 = vector.broadcast %broadcast_in_dim3A_90 : f32 to vector<16xf32>
      %swap3A_92 = arith.constant 0 : i32
      %swap3A_93 = arith.constant 0 : i32
      %swap3A_94 = tpu.memref_slice %arg7[%scan3A_3, %swap3A_92, %swap3A_93] : memref<2x80x144xf32, #tpu.memory_space<vmem>> -> memref<1x80x144xf32, #tpu.memory_space<vmem>>
      %swap3A_95 = tpu.memref_squeeze %swap3A_94 : memref<1x80x144xf32, #tpu.memory_space<vmem>> -> memref<80x144xf32, #tpu.memory_space<vmem>>
      %swap3A_96 = arith.index_cast %scan3A_80 : i32 to index
      %swap3A_97 = arith.constant 16 : index
      %swap3A_98 = tpu.vector_load %swap3A_95[%swap3A_96, %swap3A_97] {strides = array<i32>} : memref<80x144xf32, #tpu.memory_space<vmem>>, vector<1x16xf32>,
      %swap3A_99 = vector.shape_cast %swap3A_98 : vector<1x16xf32> to vector<16xf32>
      %swap3A_100 = vector.shape_cast %broadcast_in_dim3A_91 : vector<16xf32> to vector<1x16xf32>
      tpu.vector_store %swap3A_95[%swap3A_96, %swap3A_97], %swap3A_100 {strides = array<i32>} : memref<80x144xf32, #tpu.memory_space<vmem>>, vector<1x16xf32>,
      %broadcast_in_dim3A_101 = arith.constant 0.000000e+00 : f32
      %broadcast_in_dim3A_102 = vector.broadcast %broadcast_in_dim3A_101 : f32 to vector<16xf32>
      %swap3A_103 = arith.constant 0 : i32
      %swap3A_104 = arith.constant 0 : i32
      %swap3A_105 = tpu.memref_slice %arg7[%scan3A_3, %swap3A_103, %swap3A_104] : memref<2x80x144xf32, #tpu.memory_space<vmem>> -> memref<1x80x144xf32, #tpu.memory_space<vmem>>
      %swap3A_106 = tpu.memref_squeeze %swap3A_105 : memref<1x80x144xf32, #tpu.memory_space<vmem>> -> memref<80x144xf32, #tpu.memory_space<vmem>>
      %swap3A_107 = arith.index_cast %scan3A_80 : i32 to index
      %swap3A_108 = arith.constant 32 : index
      %swap3A_109 = tpu.vector_load %swap3A_106[%swap3A_107, %swap3A_108] {strides = array<i32>} : memref<80x144xf32, #tpu.memory_space<vmem>>, vector<1x16xf32>,
      %swap3A_110 = vector.shape_cast %swap3A_109 : vector<1x16xf32> to vector<16xf32>
      %swap3A_111 = vector.shape_cast %broadcast_in_dim3A_102 : vector<16xf32> to vector<1x16xf32>
      tpu.vector_store %swap3A_106[%swap3A_107, %swap3A_108], %swap3A_111 {strides = array<i32>} : memref<80x144xf32, #tpu.memory_space<vmem>>, vector<1x16xf32>,
      %broadcast_in_dim3A_112 = arith.constant 0.000000e+00 : f32
      %broadcast_in_dim3A_113 = vector.broadcast %broadcast_in_dim3A_112 : f32 to vector<16xf32>
      %swap3A_114 = arith.constant 0 : i32
      %swap3A_115 = arith.constant 0 : i32
      %swap3A_116 = tpu.memref_slice %arg7[%scan3A_3, %swap3A_114, %swap3A_115] : memref<2x80x144xf32, #tpu.memory_space<vmem>> -> memref<1x80x144xf32, #tpu.memory_space<vmem>>
      %swap3A_117 = tpu.memref_squeeze %swap3A_116 : memref<1x80x144xf32, #tpu.memory_space<vmem>> -> memref<80x144xf32, #tpu.memory_space<vmem>>
      %swap3A_118 = arith.index_cast %scan3A_80 : i32 to index
      %swap3A_119 = arith.constant 48 : index
      %swap3A_120 = tpu.vector_load %swap3A_117[%swap3A_118, %swap3A_119] {strides = array<i32>} : memref<80x144xf32, #tpu.memory_space<vmem>>, vector<1x16xf32>,
      %swap3A_121 = vector.shape_cast %swap3A_120 : vector<1x16xf32> to vector<16xf32>
      %swap3A_122 = vector.shape_cast %broadcast_in_dim3A_113 : vector<16xf32> to vector<1x16xf32>
      tpu.vector_store %swap3A_117[%swap3A_118, %swap3A_119], %swap3A_122 {strides = array<i32>} : memref<80x144xf32, #tpu.memory_space<vmem>>, vector<1x16xf32>,
      %broadcast_in_dim3A_123 = arith.constant 0.000000e+00 : f32
      %broadcast_in_dim3A_124 = vector.broadcast %broadcast_in_dim3A_123 : f32 to vector<16xf32>
      %swap3A_125 = arith.constant 0 : i32
      %swap3A_126 = arith.constant 0 : i32
      %swap3A_127 = tpu.memref_slice %arg7[%scan3A_3, %swap3A_125, %swap3A_126] : memref<2x80x144xf32, #tpu.memory_space<vmem>> -> memref<1x80x144xf32, #tpu.memory_space<vmem>>
      %swap3A_128 = tpu.memref_squeeze %swap3A_127 : memref<1x80x144xf32, #tpu.memory_space<vmem>> -> memref<80x144xf32, #tpu.memory_space<vmem>>
      %swap3A_129 = arith.index_cast %scan3A_80 : i32 to index
      %swap3A_130 = arith.constant 64 : index
      %swap3A_131 = tpu.vector_load %swap3A_128[%swap3A_129, %swap3A_130] {strides = array<i32>} : memref<80x144xf32, #tpu.memory_space<vmem>>, vector<1x16xf32>,
      %swap3A_132 = vector.shape_cast %swap3A_131 : vector<1x16xf32> to vector<16xf32>
      %swap3A_133 = vector.shape_cast %broadcast_in_dim3A_124 : vector<16xf32> to vector<1x16xf32>
      tpu.vector_store %swap3A_128[%swap3A_129, %swap3A_130], %swap3A_133 {strides = array<i32>} : memref<80x144xf32, #tpu.memory_space<vmem>>, vector<1x16xf32>,
      %broadcast_in_dim3A_134 = arith.constant 0.000000e+00 : f32
      %broadcast_in_dim3A_135 = vector.broadcast %broadcast_in_dim3A_134 : f32 to vector<16xf32>
      %swap3A_136 = arith.constant 0 : i32
      %swap3A_137 = arith.constant 0 : i32
      %swap3A_138 = tpu.memref_slice %arg7[%scan3A_3, %swap3A_136, %swap3A_137] : memref<2x80x144xf32, #tpu.memory_space<vmem>> -> memref<1x80x144xf32, #tpu.memory_space<vmem>>
      %swap3A_139 = tpu.memref_squeeze %swap3A_138 : memref<1x80x144xf32, #tpu.memory_space<vmem>> -> memref<80x144xf32, #tpu.memory_space<vmem>>
      %swap3A_140 = arith.index_cast %scan3A_80 : i32 to index
      %swap3A_141 = arith.constant 80 : index
      %swap3A_142 = tpu.vector_load %swap3A_139[%swap3A_140, %swap3A_141] {strides = array<i32>} : memref<80x144xf32, #tpu.memory_space<vmem>>, vector<1x16xf32>,
      %swap3A_143 = vector.shape_cast %swap3A_142 : vector<1x16xf32> to vector<16xf32>
      %swap3A_144 = vector.shape_cast %broadcast_in_dim3A_135 : vector<16xf32> to vector<1x16xf32>
      tpu.vector_store %swap3A_139[%swap3A_140, %swap3A_141], %swap3A_144 {strides = array<i32>} : memref<80x144xf32, #tpu.memory_space<vmem>>, vector<1x16xf32>,
      %broadcast_in_dim3A_145 = arith.constant 0.000000e+00 : f32
      %broadcast_in_dim3A_146 = vector.broadcast %broadcast_in_dim3A_145 : f32 to vector<16xf32>
      %swap3A_147 = arith.constant 0 : i32
      %swap3A_148 = arith.constant 0 : i32
      %swap3A_149 = tpu.memref_slice %arg7[%scan3A_3, %swap3A_147, %swap3A_148] : memref<2x80x144xf32, #tpu.memory_space<vmem>> -> memref<1x80x144xf32, #tpu.memory_space<vmem>>
      %swap3A_150 = tpu.memref_squeeze %swap3A_149 : memref<1x80x144xf32, #tpu.memory_space<vmem>> -> memref<80x144xf32, #tpu.memory_space<vmem>>
      %swap3A_151 = arith.index_cast %scan3A_80 : i32 to index
      %swap3A_152 = arith.constant 96 : index
      %swap3A_153 = tpu.vector_load %swap3A_150[%swap3A_151, %swap3A_152] {strides = array<i32>} : memref<80x144xf32, #tpu.memory_space<vmem>>, vector<1x16xf32>,
      %swap3A_154 = vector.shape_cast %swap3A_153 : vector<1x16xf32> to vector<16xf32>
      %swap3A_155 = vector.shape_cast %broadcast_in_dim3A_146 : vector<16xf32> to vector<1x16xf32>
      tpu.vector_store %swap3A_150[%swap3A_151, %swap3A_152], %swap3A_155 {strides = array<i32>} : memref<80x144xf32, #tpu.memory_space<vmem>>, vector<1x16xf32>,
      %broadcast_in_dim3A_156 = arith.constant 0.000000e+00 : f32
      %broadcast_in_dim3A_157 = vector.broadcast %broadcast_in_dim3A_156 : f32 to vector<16xf32>
      %swap3A_158 = arith.constant 0 : i32
      %swap3A_159 = arith.constant 0 : i32
      %swap3A_160 = tpu.memref_slice %arg7[%scan3A_3, %swap3A_158, %swap3A_159] : memref<2x80x144xf32, #tpu.memory_space<vmem>> -> memref<1x80x144xf32, #tpu.memory_space<vmem>>
      %swap3A_161 = tpu.memref_squeeze %swap3A_160 : memref<1x80x144xf32, #tpu.memory_space<vmem>> -> memref<80x144xf32, #tpu.memory_space<vmem>>
      %swap3A_162 = arith.index_cast %scan3A_80 : i32 to index
      %swap3A_163 = arith.constant 112 : index
      %swap3A_164 = tpu.vector_load %swap3A_161[%swap3A_162, %swap3A_163] {strides = array<i32>} : memref<80x144xf32, #tpu.memory_space<vmem>>, vector<1x16xf32>,
      %swap3A_165 = vector.shape_cast %swap3A_164 : vector<1x16xf32> to vector<16xf32>
      %swap3A_166 = vector.shape_cast %broadcast_in_dim3A_157 : vector<16xf32> to vector<1x16xf32>
      tpu.vector_store %swap3A_161[%swap3A_162, %swap3A_163], %swap3A_166 {strides = array<i32>} : memref<80x144xf32, #tpu.memory_space<vmem>>, vector<1x16xf32>,
      %broadcast_in_dim3A_167 = arith.constant 0.000000e+00 : f32
      %broadcast_in_dim3A_168 = vector.broadcast %broadcast_in_dim3A_167 : f32 to vector<16xf32>
      %swap3A_169 = arith.constant 0 : i32
      %swap3A_170 = arith.constant 0 : i32
      %swap3A_171 = tpu.memref_slice %arg7[%scan3A_3, %swap3A_169, %swap3A_170] : memref<2x80x144xf32, #tpu.memory_space<vmem>> -> memref<1x80x144xf32, #tpu.memory_space<vmem>>
      %swap3A_172 = tpu.memref_squeeze %swap3A_171 : memref<1x80x144xf32, #tpu.memory_space<vmem>> -> memref<80x144xf32, #tpu.memory_space<vmem>>
      %swap3A_173 = arith.index_cast %scan3A_80 : i32 to index
      %swap3A_174 = arith.constant 128 : index
      %swap3A_175 = tpu.vector_load %swap3A_172[%swap3A_173, %swap3A_174] {strides = array<i32>} : memref<80x144xf32, #tpu.memory_space<vmem>>, vector<1x16xf32>,
      %swap3A_176 = vector.shape_cast %swap3A_175 : vector<1x16xf32> to vector<16xf32>
      %swap3A_177 = vector.shape_cast %broadcast_in_dim3A_168 : vector<16xf32> to vector<1x16xf32>
      tpu.vector_store %swap3A_172[%swap3A_173, %swap3A_174], %swap3A_177 {strides = array<i32>} : memref<80x144xf32, #tpu.memory_space<vmem>>, vector<1x16xf32>,
    }
    %scan3A_8 = arith.constant 80 : i32
    %lt3A = arith.constant 15 : i32
    %lt3A_9 = arith.cmpi slt, %arg1, %lt3A : i32
    %convert_element_type3A = arith.extui %lt3A_9 : i1 to i32
    %cond3A = arith.constant 0 : i32
    %cond3A_10 = arith.cmpi ne, %convert_element_type3A, %cond3A : i32
    scf.if %cond3A_10 {
      %mul3A_80 = arith.constant 624 : i32
      %mul3A_81 = arith.muli %arg1, %mul3A_80 : i32
      %multiple_of3A_82 = tpu.assume_multiple %mul3A_81, 8 : i32
      %add3A_83 = arith.constant 0 : i32
      %add3A_84 = arith.addi %multiple_of3A_82, %add3A_83 : i32
      %run_scoped3A_85 = arith.constant 0 : i32
      "tpu.region"() ({
        %run_scoped3A_107 = tpu.sem_alloc : memref<!tpu.dma_semaphore, #tpu.memory_space<semaphore_mem>>
        %dma_start3A_108 = arith.constant 0 : i32
        %dma_start3A_109 = arith.constant 0 : i32
        %dma_start3A_110 = tpu.memref_slice %arg7[%run_scoped3A_85, %dma_start3A_108, %dma_start3A_109] : memref<2x80x144xf32, #tpu.memory_space<vmem>> -> memref<1x80x144xf32, #tpu.memory_space<vmem>>
        %dma_start3A_111 = tpu.memref_squeeze %dma_start3A_110 : memref<1x80x144xf32, #tpu.memory_space<vmem>> -> memref<80x144xf32, #tpu.memory_space<vmem>>
        %dma_start3A_112 = arith.constant 0 : i32
        %dma_start3A_113 = tpu.memref_slice %arg6[%add3A_84, %dma_start3A_112] : memref<10000x144xf32, #tpu.memory_space<vmem_shared>> -> memref<80x144xf32, #tpu.memory_space<vmem_shared>>
        %dma_start3A_114 = arith.constant 0 : i32
        %dma_start3A_115 = tpu.memref_slice %arg6[%add3A_84, %dma_start3A_114] : memref<10000x144xf32, #tpu.memory_space<vmem_shared>> -> memref<80x144xf32, #tpu.memory_space<vmem_shared>>
        %dma_start3A_116 = arith.constant 0 : i32
        %dma_start3A_117 = arith.constant 0 : i32
        %dma_start3A_118 = tpu.memref_slice %arg7[%run_scoped3A_85, %dma_start3A_116, %dma_start3A_117] : memref<2x80x144xf32, #tpu.memory_space<vmem>> -> memref<1x80x144xf32, #tpu.memory_space<vmem>>
        %dma_start3A_119 = tpu.memref_squeeze %dma_start3A_118 : memref<1x80x144xf32, #tpu.memory_space<vmem>> -> memref<80x144xf32, #tpu.memory_space<vmem>>
        tpu.enqueue_dma source(%dma_start3A_119 : memref<80x144xf32, #tpu.memory_space<vmem>>) target(%dma_start3A_115 : memref<80x144xf32, #tpu.memory_space<vmem_shared>>) target_semaphore(%run_scoped3A_107 : memref<!tpu.dma_semaphore, #tpu.memory_space<semaphore_mem>>)
        %dma_wait3A_120 = arith.constant 0 : i32
        %dma_wait3A_121 = arith.constant 0 : i32
        %dma_wait3A_122 = tpu.memref_slice %arg7[%run_scoped3A_85, %dma_wait3A_120, %dma_wait3A_121] : memref<2x80x144xf32, #tpu.memory_space<vmem>> -> memref<1x80x144xf32, #tpu.memory_space<vmem>>
        %dma_wait3A_123 = tpu.memref_squeeze %dma_wait3A_122 : memref<1x80x144xf32, #tpu.memory_space<vmem>> -> memref<80x144xf32, #tpu.memory_space<vmem>>
        %dma_wait3A_124 = arith.constant 0 : i32
        %dma_wait3A_125 = tpu.memref_slice %arg6[%add3A_84, %dma_wait3A_124] : memref<10000x144xf32, #tpu.memory_space<vmem_shared>> -> memref<80x144xf32, #tpu.memory_space<vmem_shared>>
        %dma_wait3A_126 = arith.constant 0 : i32
        %dma_wait3A_127 = tpu.memref_slice %arg6[%add3A_84, %dma_wait3A_126] : memref<10000x144xf32, #tpu.memory_space<vmem_shared>> -> memref<80x144xf32, #tpu.memory_space<vmem_shared>>
        %dma_wait3A_128 = arith.constant 0 : i32
        %dma_wait3A_129 = arith.constant 0 : i32
        %dma_wait3A_130 = tpu.memref_slice %arg7[%run_scoped3A_85, %dma_wait3A_128, %dma_wait3A_129] : memref<2x80x144xf32, #tpu.memory_space<vmem>> -> memref<1x80x144xf32, #tpu.memory_space<vmem>>
        %dma_wait3A_131 = tpu.memref_squeeze %dma_wait3A_130 : memref<1x80x144xf32, #tpu.memory_space<vmem>> -> memref<80x144xf32, #tpu.memory_space<vmem>>
        tpu.wait_dma2 semaphore(%run_scoped3A_107 : memref<!tpu.dma_semaphore, #tpu.memory_space<semaphore_mem>>) src(%dma_wait3A_131 : memref<80x144xf32, #tpu.memory_space<vmem>>) dst(%dma_wait3A_127 : memref<80x144xf32, #tpu.memory_space<vmem_shared>>)
        tpu.yield
      }) : () -> ()
      %add3A_86 = arith.constant 80 : i32
      %add3A_87 = arith.addi %multiple_of3A_82, %add3A_86 : i32
      %run_scoped3A_88 = arith.constant 0 : i32
      "tpu.region"() ({
        %run_scoped3A_107 = tpu.sem_alloc : memref<!tpu.dma_semaphore, #tpu.memory_space<semaphore_mem>>
        %dma_start3A_108 = arith.constant 0 : i32
        %dma_start3A_109 = arith.constant 0 : i32
        %dma_start3A_110 = tpu.memref_slice %arg7[%run_scoped3A_88, %dma_start3A_108, %dma_start3A_109] : memref<2x80x144xf32, #tpu.memory_space<vmem>> -> memref<1x80x144xf32, #tpu.memory_space<vmem>>
        %dma_start3A_111 = tpu.memref_squeeze %dma_start3A_110 : memref<1x80x144xf32, #tpu.memory_space<vmem>> -> memref<80x144xf32, #tpu.memory_space<vmem>>
        %dma_start3A_112 = arith.constant 0 : i32
        %dma_start3A_113 = tpu.memref_slice %arg6[%add3A_87, %dma_start3A_112] : memref<10000x144xf32, #tpu.memory_space<vmem_shared>> -> memref<80x144xf32, #tpu.memory_space<vmem_shared>>
        %dma_start3A_114 = arith.constant 0 : i32
        %dma_start3A_115 = tpu.memref_slice %arg6[%add3A_87, %dma_start3A_114] : memref<10000x144xf32, #tpu.memory_space<vmem_shared>> -> memref<80x144xf32, #tpu.memory_space<vmem_shared>>
        %dma_start3A_116 = arith.constant 0 : i32
        %dma_start3A_117 = arith.constant 0 : i32
        %dma_start3A_118 = tpu.memref_slice %arg7[%run_scoped3A_88, %dma_start3A_116, %dma_start3A_117] : memref<2x80x144xf32, #tpu.memory_space<vmem>> -> memref<1x80x144xf32, #tpu.memory_space<vmem>>
        %dma_start3A_119 = tpu.memref_squeeze %dma_start3A_118 : memref<1x80x144xf32, #tpu.memory_space<vmem>> -> memref<80x144xf32, #tpu.memory_space<vmem>>
        tpu.enqueue_dma source(%dma_start3A_119 : memref<80x144xf32, #tpu.memory_space<vmem>>) target(%dma_start3A_115 : memref<80x144xf32, #tpu.memory_space<vmem_shared>>) target_semaphore(%run_scoped3A_107 : memref<!tpu.dma_semaphore, #tpu.memory_space<semaphore_mem>>)
        %dma_wait3A_120 = arith.constant 0 : i32
        %dma_wait3A_121 = arith.constant 0 : i32
        %dma_wait3A_122 = tpu.memref_slice %arg7[%run_scoped3A_88, %dma_wait3A_120, %dma_wait3A_121] : memref<2x80x144xf32, #tpu.memory_space<vmem>> -> memref<1x80x144xf32, #tpu.memory_space<vmem>>
        %dma_wait3A_123 = tpu.memref_squeeze %dma_wait3A_122 : memref<1x80x144xf32, #tpu.memory_space<vmem>> -> memref<80x144xf32, #tpu.memory_space<vmem>>
        %dma_wait3A_124 = arith.constant 0 : i32
        %dma_wait3A_125 = tpu.memref_slice %arg6[%add3A_87, %dma_wait3A_124] : memref<10000x144xf32, #tpu.memory_space<vmem_shared>> -> memref<80x144xf32, #tpu.memory_space<vmem_shared>>
        %dma_wait3A_126 = arith.constant 0 : i32
        %dma_wait3A_127 = tpu.memref_slice %arg6[%add3A_87, %dma_wait3A_126] : memref<10000x144xf32, #tpu.memory_space<vmem_shared>> -> memref<80x144xf32, #tpu.memory_space<vmem_shared>>
        %dma_wait3A_128 = arith.constant 0 : i32
        %dma_wait3A_129 = arith.constant 0 : i32
        %dma_wait3A_130 = tpu.memref_slice %arg7[%run_scoped3A_88, %dma_wait3A_128, %dma_wait3A_129] : memref<2x80x144xf32, #tpu.memory_space<vmem>> -> memref<1x80x144xf32, #tpu.memory_space<vmem>>
        %dma_wait3A_131 = tpu.memref_squeeze %dma_wait3A_130 : memref<1x80x144xf32, #tpu.memory_space<vmem>> -> memref<80x144xf32, #tpu.memory_space<vmem>>
        tpu.wait_dma2 semaphore(%run_scoped3A_107 : memref<!tpu.dma_semaphore, #tpu.memory_space<semaphore_mem>>) src(%dma_wait3A_131 : memref<80x144xf32, #tpu.memory_space<vmem>>) dst(%dma_wait3A_127 : memref<80x144xf32, #tpu.memory_space<vmem_shared>>)
        tpu.yield
      }) : () -> ()
      %add3A_89 = arith.constant 160 : i32
      %add3A_90 = arith.addi %multiple_of3A_82, %add3A_89 : i32
      %run_scoped3A_91 = arith.constant 0 : i32
      "tpu.region"() ({
        %run_scoped3A_107 = tpu.sem_alloc : memref<!tpu.dma_semaphore, #tpu.memory_space<semaphore_mem>>
        %dma_start3A_108 = arith.constant 0 : i32
        %dma_start3A_109 = arith.constant 0 : i32
        %dma_start3A_110 = tpu.memref_slice %arg7[%run_scoped3A_91, %dma_start3A_108, %dma_start3A_109] : memref<2x80x144xf32, #tpu.memory_space<vmem>> -> memref<1x80x144xf32, #tpu.memory_space<vmem>>
        %dma_start3A_111 = tpu.memref_squeeze %dma_start3A_110 : memref<1x80x144xf32, #tpu.memory_space<vmem>> -> memref<80x144xf32, #tpu.memory_space<vmem>>
        %dma_start3A_112 = arith.constant 0 : i32
        %dma_start3A_113 = tpu.memref_slice %arg6[%add3A_90, %dma_start3A_112] : memref<10000x144xf32, #tpu.memory_space<vmem_shared>> -> memref<80x144xf32, #tpu.memory_space<vmem_shared>>
        %dma_start3A_114 = arith.constant 0 : i32
        %dma_start3A_115 = tpu.memref_slice %arg6[%add3A_90, %dma_start3A_114] : memref<10000x144xf32, #tpu.memory_space<vmem_shared>> -> memref<80x144xf32, #tpu.memory_space<vmem_shared>>
        %dma_start3A_116 = arith.constant 0 : i32
        %dma_start3A_117 = arith.constant 0 : i32
        %dma_start3A_118 = tpu.memref_slice %arg7[%run_scoped3A_91, %dma_start3A_116, %dma_start3A_117] : memref<2x80x144xf32, #tpu.memory_space<vmem>> -> memref<1x80x144xf32, #tpu.memory_space<vmem>>
        %dma_start3A_119 = tpu.memref_squeeze %dma_start3A_118 : memref<1x80x144xf32, #tpu.memory_space<vmem>> -> memref<80x144xf32, #tpu.memory_space<vmem>>
        tpu.enqueue_dma source(%dma_start3A_119 : memref<80x144xf32, #tpu.memory_space<vmem>>) target(%dma_start3A_115 : memref<80x144xf32, #tpu.memory_space<vmem_shared>>) target_semaphore(%run_scoped3A_107 : memref<!tpu.dma_semaphore, #tpu.memory_space<semaphore_mem>>)
        %dma_wait3A_120 = arith.constant 0 : i32
        %dma_wait3A_121 = arith.constant 0 : i32
        %dma_wait3A_122 = tpu.memref_slice %arg7[%run_scoped3A_91, %dma_wait3A_120, %dma_wait3A_121] : memref<2x80x144xf32, #tpu.memory_space<vmem>> -> memref<1x80x144xf32, #tpu.memory_space<vmem>>
        %dma_wait3A_123 = tpu.memref_squeeze %dma_wait3A_122 : memref<1x80x144xf32, #tpu.memory_space<vmem>> -> memref<80x144xf32, #tpu.memory_space<vmem>>
        %dma_wait3A_124 = arith.constant 0 : i32
        %dma_wait3A_125 = tpu.memref_slice %arg6[%add3A_90, %dma_wait3A_124] : memref<10000x144xf32, #tpu.memory_space<vmem_shared>> -> memref<80x144xf32, #tpu.memory_space<vmem_shared>>
        %dma_wait3A_126 = arith.constant 0 : i32
        %dma_wait3A_127 = tpu.memref_slice %arg6[%add3A_90, %dma_wait3A_126] : memref<10000x144xf32, #tpu.memory_space<vmem_shared>> -> memref<80x144xf32, #tpu.memory_space<vmem_shared>>
        %dma_wait3A_128 = arith.constant 0 : i32
        %dma_wait3A_129 = arith.constant 0 : i32
        %dma_wait3A_130 = tpu.memref_slice %arg7[%run_scoped3A_91, %dma_wait3A_128, %dma_wait3A_129] : memref<2x80x144xf32, #tpu.memory_space<vmem>> -> memref<1x80x144xf32, #tpu.memory_space<vmem>>
        %dma_wait3A_131 = tpu.memref_squeeze %dma_wait3A_130 : memref<1x80x144xf32, #tpu.memory_space<vmem>> -> memref<80x144xf32, #tpu.memory_space<vmem>>
        tpu.wait_dma2 semaphore(%run_scoped3A_107 : memref<!tpu.dma_semaphore, #tpu.memory_space<semaphore_mem>>) src(%dma_wait3A_131 : memref<80x144xf32, #tpu.memory_space<vmem>>) dst(%dma_wait3A_127 : memref<80x144xf32, #tpu.memory_space<vmem_shared>>)
        tpu.yield
      }) : () -> ()
      %add3A_92 = arith.constant 240 : i32
      %add3A_93 = arith.addi %multiple_of3A_82, %add3A_92 : i32
      %run_scoped3A_94 = arith.constant 0 : i32
      "tpu.region"() ({
        %run_scoped3A_107 = tpu.sem_alloc : memref<!tpu.dma_semaphore, #tpu.memory_space<semaphore_mem>>
        %dma_start3A_108 = arith.constant 0 : i32
        %dma_start3A_109 = arith.constant 0 : i32
        %dma_start3A_110 = tpu.memref_slice %arg7[%run_scoped3A_94, %dma_start3A_108, %dma_start3A_109] : memref<2x80x144xf32, #tpu.memory_space<vmem>> -> memref<1x80x144xf32, #tpu.memory_space<vmem>>
        %dma_start3A_111 = tpu.memref_squeeze %dma_start3A_110 : memref<1x80x144xf32, #tpu.memory_space<vmem>> -> memref<80x144xf32, #tpu.memory_space<vmem>>
        %dma_start3A_112 = arith.constant 0 : i32
        %dma_start3A_113 = tpu.memref_slice %arg6[%add3A_93, %dma_start3A_112] : memref<10000x144xf32, #tpu.memory_space<vmem_shared>> -> memref<80x144xf32, #tpu.memory_space<vmem_shared>>
        %dma_start3A_114 = arith.constant 0 : i32
        %dma_start3A_115 = tpu.memref_slice %arg6[%add3A_93, %dma_start3A_114] : memref<10000x144xf32, #tpu.memory_space<vmem_shared>> -> memref<80x144xf32, #tpu.memory_space<vmem_shared>>
        %dma_start3A_116 = arith.constant 0 : i32
        %dma_start3A_117 = arith.constant 0 : i32
        %dma_start3A_118 = tpu.memref_slice %arg7[%run_scoped3A_94, %dma_start3A_116, %dma_start3A_117] : memref<2x80x144xf32, #tpu.memory_space<vmem>> -> memref<1x80x144xf32, #tpu.memory_space<vmem>>
        %dma_start3A_119 = tpu.memref_squeeze %dma_start3A_118 : memref<1x80x144xf32, #tpu.memory_space<vmem>> -> memref<80x144xf32, #tpu.memory_space<vmem>>
        tpu.enqueue_dma source(%dma_start3A_119 : memref<80x144xf32, #tpu.memory_space<vmem>>) target(%dma_start3A_115 : memref<80x144xf32, #tpu.memory_space<vmem_shared>>) target_semaphore(%run_scoped3A_107 : memref<!tpu.dma_semaphore, #tpu.memory_space<semaphore_mem>>)
        %dma_wait3A_120 = arith.constant 0 : i32
        %dma_wait3A_121 = arith.constant 0 : i32
        %dma_wait3A_122 = tpu.memref_slice %arg7[%run_scoped3A_94, %dma_wait3A_120, %dma_wait3A_121] : memref<2x80x144xf32, #tpu.memory_space<vmem>> -> memref<1x80x144xf32, #tpu.memory_space<vmem>>
        %dma_wait3A_123 = tpu.memref_squeeze %dma_wait3A_122 : memref<1x80x144xf32, #tpu.memory_space<vmem>> -> memref<80x144xf32, #tpu.memory_space<vmem>>
        %dma_wait3A_124 = arith.constant 0 : i32
        %dma_wait3A_125 = tpu.memref_slice %arg6[%add3A_93, %dma_wait3A_124] : memref<10000x144xf32, #tpu.memory_space<vmem_shared>> -> memref<80x144xf32, #tpu.memory_space<vmem_shared>>
        %dma_wait3A_126 = arith.constant 0 : i32
        %dma_wait3A_127 = tpu.memref_slice %arg6[%add3A_93, %dma_wait3A_126] : memref<10000x144xf32, #tpu.memory_space<vmem_shared>> -> memref<80x144xf32, #tpu.memory_space<vmem_shared>>
        %dma_wait3A_128 = arith.constant 0 : i32
        %dma_wait3A_129 = arith.constant 0 : i32
        %dma_wait3A_130 = tpu.memref_slice %arg7[%run_scoped3A_94, %dma_wait3A_128, %dma_wait3A_129] : memref<2x80x144xf32, #tpu.memory_space<vmem>> -> memref<1x80x144xf32, #tpu.memory_space<vmem>>
        %dma_wait3A_131 = tpu.memref_squeeze %dma_wait3A_130 : memref<1x80x144xf32, #tpu.memory_space<vmem>> -> memref<80x144xf32, #tpu.memory_space<vmem>>
        tpu.wait_dma2 semaphore(%run_scoped3A_107 : memref<!tpu.dma_semaphore, #tpu.memory_space<semaphore_mem>>) src(%dma_wait3A_131 : memref<80x144xf32, #tpu.memory_space<vmem>>) dst(%dma_wait3A_127 : memref<80x144xf32, #tpu.memory_space<vmem_shared>>)
        tpu.yield
      }) : () -> ()
      %add3A_95 = arith.constant 320 : i32
      %add3A_96 = arith.addi %multiple_of3A_82, %add3A_95 : i32
      %run_scoped3A_97 = arith.constant 0 : i32
      "tpu.region"() ({
        %run_scoped3A_107 = tpu.sem_alloc : memref<!tpu.dma_semaphore, #tpu.memory_space<semaphore_mem>>
        %dma_start3A_108 = arith.constant 0 : i32
        %dma_start3A_109 = arith.constant 0 : i32
        %dma_start3A_110 = tpu.memref_slice %arg7[%run_scoped3A_97, %dma_start3A_108, %dma_start3A_109] : memref<2x80x144xf32, #tpu.memory_space<vmem>> -> memref<1x80x144xf32, #tpu.memory_space<vmem>>
        %dma_start3A_111 = tpu.memref_squeeze %dma_start3A_110 : memref<1x80x144xf32, #tpu.memory_space<vmem>> -> memref<80x144xf32, #tpu.memory_space<vmem>>
        %dma_start3A_112 = arith.constant 0 : i32
        %dma_start3A_113 = tpu.memref_slice %arg6[%add3A_96, %dma_start3A_112] : memref<10000x144xf32, #tpu.memory_space<vmem_shared>> -> memref<80x144xf32, #tpu.memory_space<vmem_shared>>
        %dma_start3A_114 = arith.constant 0 : i32
        %dma_start3A_115 = tpu.memref_slice %arg6[%add3A_96, %dma_start3A_114] : memref<10000x144xf32, #tpu.memory_space<vmem_shared>> -> memref<80x144xf32, #tpu.memory_space<vmem_shared>>
        %dma_start3A_116 = arith.constant 0 : i32
        %dma_start3A_117 = arith.constant 0 : i32
        %dma_start3A_118 = tpu.memref_slice %arg7[%run_scoped3A_97, %dma_start3A_116, %dma_start3A_117] : memref<2x80x144xf32, #tpu.memory_space<vmem>> -> memref<1x80x144xf32, #tpu.memory_space<vmem>>
        %dma_start3A_119 = tpu.memref_squeeze %dma_start3A_118 : memref<1x80x144xf32, #tpu.memory_space<vmem>> -> memref<80x144xf32, #tpu.memory_space<vmem>>
        tpu.enqueue_dma source(%dma_start3A_119 : memref<80x144xf32, #tpu.memory_space<vmem>>) target(%dma_start3A_115 : memref<80x144xf32, #tpu.memory_space<vmem_shared>>) target_semaphore(%run_scoped3A_107 : memref<!tpu.dma_semaphore, #tpu.memory_space<semaphore_mem>>)
        %dma_wait3A_120 = arith.constant 0 : i32
        %dma_wait3A_121 = arith.constant 0 : i32
        %dma_wait3A_122 = tpu.memref_slice %arg7[%run_scoped3A_97, %dma_wait3A_120, %dma_wait3A_121] : memref<2x80x144xf32, #tpu.memory_space<vmem>> -> memref<1x80x144xf32, #tpu.memory_space<vmem>>
        %dma_wait3A_123 = tpu.memref_squeeze %dma_wait3A_122 : memref<1x80x144xf32, #tpu.memory_space<vmem>> -> memref<80x144xf32, #tpu.memory_space<vmem>>
        %dma_wait3A_124 = arith.constant 0 : i32
        %dma_wait3A_125 = tpu.memref_slice %arg6[%add3A_96, %dma_wait3A_124] : memref<10000x144xf32, #tpu.memory_space<vmem_shared>> -> memref<80x144xf32, #tpu.memory_space<vmem_shared>>
        %dma_wait3A_126 = arith.constant 0 : i32
        %dma_wait3A_127 = tpu.memref_slice %arg6[%add3A_96, %dma_wait3A_126] : memref<10000x144xf32, #tpu.memory_space<vmem_shared>> -> memref<80x144xf32, #tpu.memory_space<vmem_shared>>
        %dma_wait3A_128 = arith.constant 0 : i32
        %dma_wait3A_129 = arith.constant 0 : i32
        %dma_wait3A_130 = tpu.memref_slice %arg7[%run_scoped3A_97, %dma_wait3A_128, %dma_wait3A_129] : memref<2x80x144xf32, #tpu.memory_space<vmem>> -> memref<1x80x144xf32, #tpu.memory_space<vmem>>
        %dma_wait3A_131 = tpu.memref_squeeze %dma_wait3A_130 : memref<1x80x144xf32, #tpu.memory_space<vmem>> -> memref<80x144xf32, #tpu.memory_space<vmem>>
        tpu.wait_dma2 semaphore(%run_scoped3A_107 : memref<!tpu.dma_semaphore, #tpu.memory_space<semaphore_mem>>) src(%dma_wait3A_131 : memref<80x144xf32, #tpu.memory_space<vmem>>) dst(%dma_wait3A_127 : memref<80x144xf32, #tpu.memory_space<vmem_shared>>)
        tpu.yield
      }) : () -> ()
      %add3A_98 = arith.constant 400 : i32
      %add3A_99 = arith.addi %multiple_of3A_82, %add3A_98 : i32
      %run_scoped3A_100 = arith.constant 0 : i32
      "tpu.region"() ({
        %run_scoped3A_107 = tpu.sem_alloc : memref<!tpu.dma_semaphore, #tpu.memory_space<semaphore_mem>>
        %dma_start3A_108 = arith.constant 0 : i32
        %dma_start3A_109 = arith.constant 0 : i32
        %dma_start3A_110 = tpu.memref_slice %arg7[%run_scoped3A_100, %dma_start3A_108, %dma_start3A_109] : memref<2x80x144xf32, #tpu.memory_space<vmem>> -> memref<1x80x144xf32, #tpu.memory_space<vmem>>
        %dma_start3A_111 = tpu.memref_squeeze %dma_start3A_110 : memref<1x80x144xf32, #tpu.memory_space<vmem>> -> memref<80x144xf32, #tpu.memory_space<vmem>>
        %dma_start3A_112 = arith.constant 0 : i32
        %dma_start3A_113 = tpu.memref_slice %arg6[%add3A_99, %dma_start3A_112] : memref<10000x144xf32, #tpu.memory_space<vmem_shared>> -> memref<80x144xf32, #tpu.memory_space<vmem_shared>>
        %dma_start3A_114 = arith.constant 0 : i32
        %dma_start3A_115 = tpu.memref_slice %arg6[%add3A_99, %dma_start3A_114] : memref<10000x144xf32, #tpu.memory_space<vmem_shared>> -> memref<80x144xf32, #tpu.memory_space<vmem_shared>>
        %dma_start3A_116 = arith.constant 0 : i32
        %dma_start3A_117 = arith.constant 0 : i32
        %dma_start3A_118 = tpu.memref_slice %arg7[%run_scoped3A_100, %dma_start3A_116, %dma_start3A_117] : memref<2x80x144xf32, #tpu.memory_space<vmem>> -> memref<1x80x144xf32, #tpu.memory_space<vmem>>
        %dma_start3A_119 = tpu.memref_squeeze %dma_start3A_118 : memref<1x80x144xf32, #tpu.memory_space<vmem>> -> memref<80x144xf32, #tpu.memory_space<vmem>>
        tpu.enqueue_dma source(%dma_start3A_119 : memref<80x144xf32, #tpu.memory_space<vmem>>) target(%dma_start3A_115 : memref<80x144xf32, #tpu.memory_space<vmem_shared>>) target_semaphore(%run_scoped3A_107 : memref<!tpu.dma_semaphore, #tpu.memory_space<semaphore_mem>>)
        %dma_wait3A_120 = arith.constant 0 : i32
        %dma_wait3A_121 = arith.constant 0 : i32
        %dma_wait3A_122 = tpu.memref_slice %arg7[%run_scoped3A_100, %dma_wait3A_120, %dma_wait3A_121] : memref<2x80x144xf32, #tpu.memory_space<vmem>> -> memref<1x80x144xf32, #tpu.memory_space<vmem>>
        %dma_wait3A_123 = tpu.memref_squeeze %dma_wait3A_122 : memref<1x80x144xf32, #tpu.memory_space<vmem>> -> memref<80x144xf32, #tpu.memory_space<vmem>>
        %dma_wait3A_124 = arith.constant 0 : i32
        %dma_wait3A_125 = tpu.memref_slice %arg6[%add3A_99, %dma_wait3A_124] : memref<10000x144xf32, #tpu.memory_space<vmem_shared>> -> memref<80x144xf32, #tpu.memory_space<vmem_shared>>
        %dma_wait3A_126 = arith.constant 0 : i32
        %dma_wait3A_127 = tpu.memref_slice %arg6[%add3A_99, %dma_wait3A_126] : memref<10000x144xf32, #tpu.memory_space<vmem_shared>> -> memref<80x144xf32, #tpu.memory_space<vmem_shared>>
        %dma_wait3A_128 = arith.constant 0 : i32
        %dma_wait3A_129 = arith.constant 0 : i32
        %dma_wait3A_130 = tpu.memref_slice %arg7[%run_scoped3A_100, %dma_wait3A_128, %dma_wait3A_129] : memref<2x80x144xf32, #tpu.memory_space<vmem>> -> memref<1x80x144xf32, #tpu.memory_space<vmem>>
        %dma_wait3A_131 = tpu.memref_squeeze %dma_wait3A_130 : memref<1x80x144xf32, #tpu.memory_space<vmem>> -> memref<80x144xf32, #tpu.memory_space<vmem>>
        tpu.wait_dma2 semaphore(%run_scoped3A_107 : memref<!tpu.dma_semaphore, #tpu.memory_space<semaphore_mem>>) src(%dma_wait3A_131 : memref<80x144xf32, #tpu.memory_space<vmem>>) dst(%dma_wait3A_127 : memref<80x144xf32, #tpu.memory_space<vmem_shared>>)
        tpu.yield
      }) : () -> ()
      %add3A_101 = arith.constant 480 : i32
      %add3A_102 = arith.addi %multiple_of3A_82, %add3A_101 : i32
      %run_scoped3A_103 = arith.constant 0 : i32
      "tpu.region"() ({
        %run_scoped3A_107 = tpu.sem_alloc : memref<!tpu.dma_semaphore, #tpu.memory_space<semaphore_mem>>
        %dma_start3A_108 = arith.constant 0 : i32
        %dma_start3A_109 = arith.constant 0 : i32
        %dma_start3A_110 = tpu.memref_slice %arg7[%run_scoped3A_103, %dma_start3A_108, %dma_start3A_109] : memref<2x80x144xf32, #tpu.memory_space<vmem>> -> memref<1x80x144xf32, #tpu.memory_space<vmem>>
        %dma_start3A_111 = tpu.memref_squeeze %dma_start3A_110 : memref<1x80x144xf32, #tpu.memory_space<vmem>> -> memref<80x144xf32, #tpu.memory_space<vmem>>
        %dma_start3A_112 = arith.constant 0 : i32
        %dma_start3A_113 = tpu.memref_slice %arg6[%add3A_102, %dma_start3A_112] : memref<10000x144xf32, #tpu.memory_space<vmem_shared>> -> memref<80x144xf32, #tpu.memory_space<vmem_shared>>
        %dma_start3A_114 = arith.constant 0 : i32
        %dma_start3A_115 = tpu.memref_slice %arg6[%add3A_102, %dma_start3A_114] : memref<10000x144xf32, #tpu.memory_space<vmem_shared>> -> memref<80x144xf32, #tpu.memory_space<vmem_shared>>
        %dma_start3A_116 = arith.constant 0 : i32
        %dma_start3A_117 = arith.constant 0 : i32
        %dma_start3A_118 = tpu.memref_slice %arg7[%run_scoped3A_103, %dma_start3A_116, %dma_start3A_117] : memref<2x80x144xf32, #tpu.memory_space<vmem>> -> memref<1x80x144xf32, #tpu.memory_space<vmem>>
        %dma_start3A_119 = tpu.memref_squeeze %dma_start3A_118 : memref<1x80x144xf32, #tpu.memory_space<vmem>> -> memref<80x144xf32, #tpu.memory_space<vmem>>
        tpu.enqueue_dma source(%dma_start3A_119 : memref<80x144xf32, #tpu.memory_space<vmem>>) target(%dma_start3A_115 : memref<80x144xf32, #tpu.memory_space<vmem_shared>>) target_semaphore(%run_scoped3A_107 : memref<!tpu.dma_semaphore, #tpu.memory_space<semaphore_mem>>)
        %dma_wait3A_120 = arith.constant 0 : i32
        %dma_wait3A_121 = arith.constant 0 : i32
        %dma_wait3A_122 = tpu.memref_slice %arg7[%run_scoped3A_103, %dma_wait3A_120, %dma_wait3A_121] : memref<2x80x144xf32, #tpu.memory_space<vmem>> -> memref<1x80x144xf32, #tpu.memory_space<vmem>>
        %dma_wait3A_123 = tpu.memref_squeeze %dma_wait3A_122 : memref<1x80x144xf32, #tpu.memory_space<vmem>> -> memref<80x144xf32, #tpu.memory_space<vmem>>
        %dma_wait3A_124 = arith.constant 0 : i32
        %dma_wait3A_125 = tpu.memref_slice %arg6[%add3A_102, %dma_wait3A_124] : memref<10000x144xf32, #tpu.memory_space<vmem_shared>> -> memref<80x144xf32, #tpu.memory_space<vmem_shared>>
        %dma_wait3A_126 = arith.constant 0 : i32
        %dma_wait3A_127 = tpu.memref_slice %arg6[%add3A_102, %dma_wait3A_126] : memref<10000x144xf32, #tpu.memory_space<vmem_shared>> -> memref<80x144xf32, #tpu.memory_space<vmem_shared>>
        %dma_wait3A_128 = arith.constant 0 : i32
        %dma_wait3A_129 = arith.constant 0 : i32
        %dma_wait3A_130 = tpu.memref_slice %arg7[%run_scoped3A_103, %dma_wait3A_128, %dma_wait3A_129] : memref<2x80x144xf32, #tpu.memory_space<vmem>> -> memref<1x80x144xf32, #tpu.memory_space<vmem>>
        %dma_wait3A_131 = tpu.memref_squeeze %dma_wait3A_130 : memref<1x80x144xf32, #tpu.memory_space<vmem>> -> memref<80x144xf32, #tpu.memory_space<vmem>>
        tpu.wait_dma2 semaphore(%run_scoped3A_107 : memref<!tpu.dma_semaphore, #tpu.memory_space<semaphore_mem>>) src(%dma_wait3A_131 : memref<80x144xf32, #tpu.memory_space<vmem>>) dst(%dma_wait3A_127 : memref<80x144xf32, #tpu.memory_space<vmem_shared>>)
        tpu.yield
      }) : () -> ()
      %add3A_104 = arith.constant 560 : i32
      %add3A_105 = arith.addi %multiple_of3A_82, %add3A_104 : i32
      %run_scoped3A_106 = arith.constant 0 : i32
      "tpu.region"() ({
        %run_scoped3A_107 = tpu.sem_alloc : memref<!tpu.dma_semaphore, #tpu.memory_space<semaphore_mem>>
        %dma_start3A_108 = arith.constant 0 : i32
        %dma_start3A_109 = arith.constant 0 : i32
        %dma_start3A_110 = tpu.memref_slice %arg7[%run_scoped3A_106, %dma_start3A_108, %dma_start3A_109] : memref<2x80x144xf32, #tpu.memory_space<vmem>> -> memref<1x64x144xf32, #tpu.memory_space<vmem>>
        %dma_start3A_111 = tpu.memref_squeeze %dma_start3A_110 : memref<1x64x144xf32, #tpu.memory_space<vmem>> -> memref<64x144xf32, #tpu.memory_space<vmem>>
        %dma_start3A_112 = arith.constant 0 : i32
        %dma_start3A_113 = tpu.memref_slice %arg6[%add3A_105, %dma_start3A_112] : memref<10000x144xf32, #tpu.memory_space<vmem_shared>> -> memref<64x144xf32, #tpu.memory_space<vmem_shared>>
        %dma_start3A_114 = arith.constant 0 : i32
        %dma_start3A_115 = tpu.memref_slice %arg6[%add3A_105, %dma_start3A_114] : memref<10000x144xf32, #tpu.memory_space<vmem_shared>> -> memref<64x144xf32, #tpu.memory_space<vmem_shared>>
        %dma_start3A_116 = arith.constant 0 : i32
        %dma_start3A_117 = arith.constant 0 : i32
        %dma_start3A_118 = tpu.memref_slice %arg7[%run_scoped3A_106, %dma_start3A_116, %dma_start3A_117] : memref<2x80x144xf32, #tpu.memory_space<vmem>> -> memref<1x64x144xf32, #tpu.memory_space<vmem>>
        %dma_start3A_119 = tpu.memref_squeeze %dma_start3A_118 : memref<1x64x144xf32, #tpu.memory_space<vmem>> -> memref<64x144xf32, #tpu.memory_space<vmem>>
        tpu.enqueue_dma source(%dma_start3A_119 : memref<64x144xf32, #tpu.memory_space<vmem>>) target(%dma_start3A_115 : memref<64x144xf32, #tpu.memory_space<vmem_shared>>) target_semaphore(%run_scoped3A_107 : memref<!tpu.dma_semaphore, #tpu.memory_space<semaphore_mem>>)
        %dma_wait3A_120 = arith.constant 0 : i32
        %dma_wait3A_121 = arith.constant 0 : i32
        %dma_wait3A_122 = tpu.memref_slice %arg7[%run_scoped3A_106, %dma_wait3A_120, %dma_wait3A_121] : memref<2x80x144xf32, #tpu.memory_space<vmem>> -> memref<1x64x144xf32, #tpu.memory_space<vmem>>
        %dma_wait3A_123 = tpu.memref_squeeze %dma_wait3A_122 : memref<1x64x144xf32, #tpu.memory_space<vmem>> -> memref<64x144xf32, #tpu.memory_space<vmem>>
        %dma_wait3A_124 = arith.constant 0 : i32
        %dma_wait3A_125 = tpu.memref_slice %arg6[%add3A_105, %dma_wait3A_124] : memref<10000x144xf32, #tpu.memory_space<vmem_shared>> -> memref<64x144xf32, #tpu.memory_space<vmem_shared>>
        %dma_wait3A_126 = arith.constant 0 : i32
        %dma_wait3A_127 = tpu.memref_slice %arg6[%add3A_105, %dma_wait3A_126] : memref<10000x144xf32, #tpu.memory_space<vmem_shared>> -> memref<64x144xf32, #tpu.memory_space<vmem_shared>>
        %dma_wait3A_128 = arith.constant 0 : i32
        %dma_wait3A_129 = arith.constant 0 : i32
        %dma_wait3A_130 = tpu.memref_slice %arg7[%run_scoped3A_106, %dma_wait3A_128, %dma_wait3A_129] : memref<2x80x144xf32, #tpu.memory_space<vmem>> -> memref<1x64x144xf32, #tpu.memory_space<vmem>>
        %dma_wait3A_131 = tpu.memref_squeeze %dma_wait3A_130 : memref<1x64x144xf32, #tpu.memory_space<vmem>> -> memref<64x144xf32, #tpu.memory_space<vmem>>
        tpu.wait_dma2 semaphore(%run_scoped3A_107 : memref<!tpu.dma_semaphore, #tpu.memory_space<semaphore_mem>>) src(%dma_wait3A_131 : memref<64x144xf32, #tpu.memory_space<vmem>>) dst(%dma_wait3A_127 : memref<64x144xf32, #tpu.memory_space<vmem_shared>>)
        tpu.yield
      }) : () -> ()
    } else {
    }
    %eq3A = arith.constant 15 : i32
    %eq3A_11 = arith.cmpi eq, %arg1, %eq3A : i32
    %convert_element_type3A_12 = arith.extui %eq3A_11 : i1 to i32
    %cond3A_13 = arith.constant 0 : i32
    %cond3A_14 = arith.cmpi ne, %convert_element_type3A_12, %cond3A_13 : i32
    scf.if %cond3A_14 {
      %run_scoped3A_80 = arith.constant 0 : i32
      "tpu.region"() ({
        %run_scoped3A_88 = tpu.sem_alloc : memref<!tpu.dma_semaphore, #tpu.memory_space<semaphore_mem>>
        %dma_start3A_89 = arith.constant 0 : i32
        %dma_start3A_90 = arith.constant 0 : i32
        %dma_start3A_91 = tpu.memref_slice %arg7[%run_scoped3A_80, %dma_start3A_89, %dma_start3A_90] : memref<2x80x144xf32, #tpu.memory_space<vmem>> -> memref<1x80x144xf32, #tpu.memory_space<vmem>>
        %dma_start3A_92 = tpu.memref_squeeze %dma_start3A_91 : memref<1x80x144xf32, #tpu.memory_space<vmem>> -> memref<80x144xf32, #tpu.memory_space<vmem>>
        %dma_start3A_93 = arith.constant 9360 : i32
        %dma_start3A_94 = arith.constant 0 : i32
        %dma_start3A_95 = tpu.memref_slice %arg6[%dma_start3A_93, %dma_start3A_94] : memref<10000x144xf32, #tpu.memory_space<vmem_shared>> -> memref<80x144xf32, #tpu.memory_space<vmem_shared>>
        %dma_start3A_96 = arith.constant 9360 : i32
        %dma_start3A_97 = arith.constant 0 : i32
        %dma_start3A_98 = tpu.memref_slice %arg6[%dma_start3A_96, %dma_start3A_97] : memref<10000x144xf32, #tpu.memory_space<vmem_shared>> -> memref<80x144xf32, #tpu.memory_space<vmem_shared>>
        %dma_start3A_99 = arith.constant 0 : i32
        %dma_start3A_100 = arith.constant 0 : i32
        %dma_start3A_101 = tpu.memref_slice %arg7[%run_scoped3A_80, %dma_start3A_99, %dma_start3A_100] : memref<2x80x144xf32, #tpu.memory_space<vmem>> -> memref<1x80x144xf32, #tpu.memory_space<vmem>>
        %dma_start3A_102 = tpu.memref_squeeze %dma_start3A_101 : memref<1x80x144xf32, #tpu.memory_space<vmem>> -> memref<80x144xf32, #tpu.memory_space<vmem>>
        tpu.enqueue_dma source(%dma_start3A_102 : memref<80x144xf32, #tpu.memory_space<vmem>>) target(%dma_start3A_98 : memref<80x144xf32, #tpu.memory_space<vmem_shared>>) target_semaphore(%run_scoped3A_88 : memref<!tpu.dma_semaphore, #tpu.memory_space<semaphore_mem>>)
        %dma_wait3A_103 = arith.constant 0 : i32
        %dma_wait3A_104 = arith.constant 0 : i32
        %dma_wait3A_105 = tpu.memref_slice %arg7[%run_scoped3A_80, %dma_wait3A_103, %dma_wait3A_104] : memref<2x80x144xf32, #tpu.memory_space<vmem>> -> memref<1x80x144xf32, #tpu.memory_space<vmem>>
        %dma_wait3A_106 = tpu.memref_squeeze %dma_wait3A_105 : memref<1x80x144xf32, #tpu.memory_space<vmem>> -> memref<80x144xf32, #tpu.memory_space<vmem>>
        %dma_wait3A_107 = arith.constant 9360 : i32
        %dma_wait3A_108 = arith.constant 0 : i32
        %dma_wait3A_109 = tpu.memref_slice %arg6[%dma_wait3A_107, %dma_wait3A_108] : memref<10000x144xf32, #tpu.memory_space<vmem_shared>> -> memref<80x144xf32, #tpu.memory_space<vmem_shared>>
        %dma_wait3A_110 = arith.constant 9360 : i32
        %dma_wait3A_111 = arith.constant 0 : i32
        %dma_wait3A_112 = tpu.memref_slice %arg6[%dma_wait3A_110, %dma_wait3A_111] : memref<10000x144xf32, #tpu.memory_space<vmem_shared>> -> memref<80x144xf32, #tpu.memory_space<vmem_shared>>
        %dma_wait3A_113 = arith.constant 0 : i32
        %dma_wait3A_114 = arith.constant 0 : i32
        %dma_wait3A_115 = tpu.memref_slice %arg7[%run_scoped3A_80, %dma_wait3A_113, %dma_wait3A_114] : memref<2x80x144xf32, #tpu.memory_space<vmem>> -> memref<1x80x144xf32, #tpu.memory_space<vmem>>
        %dma_wait3A_116 = tpu.memref_squeeze %dma_wait3A_115 : memref<1x80x144xf32, #tpu.memory_space<vmem>> -> memref<80x144xf32, #tpu.memory_space<vmem>>
        tpu.wait_dma2 semaphore(%run_scoped3A_88 : memref<!tpu.dma_semaphore, #tpu.memory_space<semaphore_mem>>) src(%dma_wait3A_116 : memref<80x144xf32, #tpu.memory_space<vmem>>) dst(%dma_wait3A_112 : memref<80x144xf32, #tpu.memory_space<vmem_shared>>)
        tpu.yield
      }) : () -> ()
      %run_scoped3A_81 = arith.constant 0 : i32
      "tpu.region"() ({
        %run_scoped3A_88 = tpu.sem_alloc : memref<!tpu.dma_semaphore, #tpu.memory_space<semaphore_mem>>
        %dma_start3A_89 = arith.constant 0 : i32
        %dma_start3A_90 = arith.constant 0 : i32
        %dma_start3A_91 = tpu.memref_slice %arg7[%run_scoped3A_81, %dma_start3A_89, %dma_start3A_90] : memref<2x80x144xf32, #tpu.memory_space<vmem>> -> memref<1x80x144xf32, #tpu.memory_space<vmem>>
        %dma_start3A_92 = tpu.memref_squeeze %dma_start3A_91 : memref<1x80x144xf32, #tpu.memory_space<vmem>> -> memref<80x144xf32, #tpu.memory_space<vmem>>
        %dma_start3A_93 = arith.constant 9440 : i32
        %dma_start3A_94 = arith.constant 0 : i32
        %dma_start3A_95 = tpu.memref_slice %arg6[%dma_start3A_93, %dma_start3A_94] : memref<10000x144xf32, #tpu.memory_space<vmem_shared>> -> memref<80x144xf32, #tpu.memory_space<vmem_shared>>
        %dma_start3A_96 = arith.constant 9440 : i32
        %dma_start3A_97 = arith.constant 0 : i32
        %dma_start3A_98 = tpu.memref_slice %arg6[%dma_start3A_96, %dma_start3A_97] : memref<10000x144xf32, #tpu.memory_space<vmem_shared>> -> memref<80x144xf32, #tpu.memory_space<vmem_shared>>
        %dma_start3A_99 = arith.constant 0 : i32
        %dma_start3A_100 = arith.constant 0 : i32
        %dma_start3A_101 = tpu.memref_slice %arg7[%run_scoped3A_81, %dma_start3A_99, %dma_start3A_100] : memref<2x80x144xf32, #tpu.memory_space<vmem>> -> memref<1x80x144xf32, #tpu.memory_space<vmem>>
        %dma_start3A_102 = tpu.memref_squeeze %dma_start3A_101 : memref<1x80x144xf32, #tpu.memory_space<vmem>> -> memref<80x144xf32, #tpu.memory_space<vmem>>
        tpu.enqueue_dma source(%dma_start3A_102 : memref<80x144xf32, #tpu.memory_space<vmem>>) target(%dma_start3A_98 : memref<80x144xf32, #tpu.memory_space<vmem_shared>>) target_semaphore(%run_scoped3A_88 : memref<!tpu.dma_semaphore, #tpu.memory_space<semaphore_mem>>)
        %dma_wait3A_103 = arith.constant 0 : i32
        %dma_wait3A_104 = arith.constant 0 : i32
        %dma_wait3A_105 = tpu.memref_slice %arg7[%run_scoped3A_81, %dma_wait3A_103, %dma_wait3A_104] : memref<2x80x144xf32, #tpu.memory_space<vmem>> -> memref<1x80x144xf32, #tpu.memory_space<vmem>>
        %dma_wait3A_106 = tpu.memref_squeeze %dma_wait3A_105 : memref<1x80x144xf32, #tpu.memory_space<vmem>> -> memref<80x144xf32, #tpu.memory_space<vmem>>
        %dma_wait3A_107 = arith.constant 9440 : i32
        %dma_wait3A_108 = arith.constant 0 : i32
        %dma_wait3A_109 = tpu.memref_slice %arg6[%dma_wait3A_107, %dma_wait3A_108] : memref<10000x144xf32, #tpu.memory_space<vmem_shared>> -> memref<80x144xf32, #tpu.memory_space<vmem_shared>>
        %dma_wait3A_110 = arith.constant 9440 : i32
        %dma_wait3A_111 = arith.constant 0 : i32
        %dma_wait3A_112 = tpu.memref_slice %arg6[%dma_wait3A_110, %dma_wait3A_111] : memref<10000x144xf32, #tpu.memory_space<vmem_shared>> -> memref<80x144xf32, #tpu.memory_space<vmem_shared>>
        %dma_wait3A_113 = arith.constant 0 : i32
        %dma_wait3A_114 = arith.constant 0 : i32
        %dma_wait3A_115 = tpu.memref_slice %arg7[%run_scoped3A_81, %dma_wait3A_113, %dma_wait3A_114] : memref<2x80x144xf32, #tpu.memory_space<vmem>> -> memref<1x80x144xf32, #tpu.memory_space<vmem>>
        %dma_wait3A_116 = tpu.memref_squeeze %dma_wait3A_115 : memref<1x80x144xf32, #tpu.memory_space<vmem>> -> memref<80x144xf32, #tpu.memory_space<vmem>>
        tpu.wait_dma2 semaphore(%run_scoped3A_88 : memref<!tpu.dma_semaphore, #tpu.memory_space<semaphore_mem>>) src(%dma_wait3A_116 : memref<80x144xf32, #tpu.memory_space<vmem>>) dst(%dma_wait3A_112 : memref<80x144xf32, #tpu.memory_space<vmem_shared>>)
        tpu.yield
      }) : () -> ()
      %run_scoped3A_82 = arith.constant 0 : i32
      "tpu.region"() ({
        %run_scoped3A_88 = tpu.sem_alloc : memref<!tpu.dma_semaphore, #tpu.memory_space<semaphore_mem>>
        %dma_start3A_89 = arith.constant 0 : i32
        %dma_start3A_90 = arith.constant 0 : i32
        %dma_start3A_91 = tpu.memref_slice %arg7[%run_scoped3A_82, %dma_start3A_89, %dma_start3A_90] : memref<2x80x144xf32, #tpu.memory_space<vmem>> -> memref<1x80x144xf32, #tpu.memory_space<vmem>>
        %dma_start3A_92 = tpu.memref_squeeze %dma_start3A_91 : memref<1x80x144xf32, #tpu.memory_space<vmem>> -> memref<80x144xf32, #tpu.memory_space<vmem>>
        %dma_start3A_93 = arith.constant 9520 : i32
        %dma_start3A_94 = arith.constant 0 : i32
        %dma_start3A_95 = tpu.memref_slice %arg6[%dma_start3A_93, %dma_start3A_94] : memref<10000x144xf32, #tpu.memory_space<vmem_shared>> -> memref<80x144xf32, #tpu.memory_space<vmem_shared>>
        %dma_start3A_96 = arith.constant 9520 : i32
        %dma_start3A_97 = arith.constant 0 : i32
        %dma_start3A_98 = tpu.memref_slice %arg6[%dma_start3A_96, %dma_start3A_97] : memref<10000x144xf32, #tpu.memory_space<vmem_shared>> -> memref<80x144xf32, #tpu.memory_space<vmem_shared>>
        %dma_start3A_99 = arith.constant 0 : i32
        %dma_start3A_100 = arith.constant 0 : i32
        %dma_start3A_101 = tpu.memref_slice %arg7[%run_scoped3A_82, %dma_start3A_99, %dma_start3A_100] : memref<2x80x144xf32, #tpu.memory_space<vmem>> -> memref<1x80x144xf32, #tpu.memory_space<vmem>>
        %dma_start3A_102 = tpu.memref_squeeze %dma_start3A_101 : memref<1x80x144xf32, #tpu.memory_space<vmem>> -> memref<80x144xf32, #tpu.memory_space<vmem>>
        tpu.enqueue_dma source(%dma_start3A_102 : memref<80x144xf32, #tpu.memory_space<vmem>>) target(%dma_start3A_98 : memref<80x144xf32, #tpu.memory_space<vmem_shared>>) target_semaphore(%run_scoped3A_88 : memref<!tpu.dma_semaphore, #tpu.memory_space<semaphore_mem>>)
        %dma_wait3A_103 = arith.constant 0 : i32
        %dma_wait3A_104 = arith.constant 0 : i32
        %dma_wait3A_105 = tpu.memref_slice %arg7[%run_scoped3A_82, %dma_wait3A_103, %dma_wait3A_104] : memref<2x80x144xf32, #tpu.memory_space<vmem>> -> memref<1x80x144xf32, #tpu.memory_space<vmem>>
        %dma_wait3A_106 = tpu.memref_squeeze %dma_wait3A_105 : memref<1x80x144xf32, #tpu.memory_space<vmem>> -> memref<80x144xf32, #tpu.memory_space<vmem>>
        %dma_wait3A_107 = arith.constant 9520 : i32
        %dma_wait3A_108 = arith.constant 0 : i32
        %dma_wait3A_109 = tpu.memref_slice %arg6[%dma_wait3A_107, %dma_wait3A_108] : memref<10000x144xf32, #tpu.memory_space<vmem_shared>> -> memref<80x144xf32, #tpu.memory_space<vmem_shared>>
        %dma_wait3A_110 = arith.constant 9520 : i32
        %dma_wait3A_111 = arith.constant 0 : i32
        %dma_wait3A_112 = tpu.memref_slice %arg6[%dma_wait3A_110, %dma_wait3A_111] : memref<10000x144xf32, #tpu.memory_space<vmem_shared>> -> memref<80x144xf32, #tpu.memory_space<vmem_shared>>
        %dma_wait3A_113 = arith.constant 0 : i32
        %dma_wait3A_114 = arith.constant 0 : i32
        %dma_wait3A_115 = tpu.memref_slice %arg7[%run_scoped3A_82, %dma_wait3A_113, %dma_wait3A_114] : memref<2x80x144xf32, #tpu.memory_space<vmem>> -> memref<1x80x144xf32, #tpu.memory_space<vmem>>
        %dma_wait3A_116 = tpu.memref_squeeze %dma_wait3A_115 : memref<1x80x144xf32, #tpu.memory_space<vmem>> -> memref<80x144xf32, #tpu.memory_space<vmem>>
        tpu.wait_dma2 semaphore(%run_scoped3A_88 : memref<!tpu.dma_semaphore, #tpu.memory_space<semaphore_mem>>) src(%dma_wait3A_116 : memref<80x144xf32, #tpu.memory_space<vmem>>) dst(%dma_wait3A_112 : memref<80x144xf32, #tpu.memory_space<vmem_shared>>)
        tpu.yield
      }) : () -> ()
      %run_scoped3A_83 = arith.constant 0 : i32
      "tpu.region"() ({
        %run_scoped3A_88 = tpu.sem_alloc : memref<!tpu.dma_semaphore, #tpu.memory_space<semaphore_mem>>
        %dma_start3A_89 = arith.constant 0 : i32
        %dma_start3A_90 = arith.constant 0 : i32
        %dma_start3A_91 = tpu.memref_slice %arg7[%run_scoped3A_83, %dma_start3A_89, %dma_start3A_90] : memref<2x80x144xf32, #tpu.memory_space<vmem>> -> memref<1x80x144xf32, #tpu.memory_space<vmem>>
        %dma_start3A_92 = tpu.memref_squeeze %dma_start3A_91 : memref<1x80x144xf32, #tpu.memory_space<vmem>> -> memref<80x144xf32, #tpu.memory_space<vmem>>
        %dma_start3A_93 = arith.constant 9600 : i32
        %dma_start3A_94 = arith.constant 0 : i32
        %dma_start3A_95 = tpu.memref_slice %arg6[%dma_start3A_93, %dma_start3A_94] : memref<10000x144xf32, #tpu.memory_space<vmem_shared>> -> memref<80x144xf32, #tpu.memory_space<vmem_shared>>
        %dma_start3A_96 = arith.constant 9600 : i32
        %dma_start3A_97 = arith.constant 0 : i32
        %dma_start3A_98 = tpu.memref_slice %arg6[%dma_start3A_96, %dma_start3A_97] : memref<10000x144xf32, #tpu.memory_space<vmem_shared>> -> memref<80x144xf32, #tpu.memory_space<vmem_shared>>
        %dma_start3A_99 = arith.constant 0 : i32
        %dma_start3A_100 = arith.constant 0 : i32
        %dma_start3A_101 = tpu.memref_slice %arg7[%run_scoped3A_83, %dma_start3A_99, %dma_start3A_100] : memref<2x80x144xf32, #tpu.memory_space<vmem>> -> memref<1x80x144xf32, #tpu.memory_space<vmem>>
        %dma_start3A_102 = tpu.memref_squeeze %dma_start3A_101 : memref<1x80x144xf32, #tpu.memory_space<vmem>> -> memref<80x144xf32, #tpu.memory_space<vmem>>
        tpu.enqueue_dma source(%dma_start3A_102 : memref<80x144xf32, #tpu.memory_space<vmem>>) target(%dma_start3A_98 : memref<80x144xf32, #tpu.memory_space<vmem_shared>>) target_semaphore(%run_scoped3A_88 : memref<!tpu.dma_semaphore, #tpu.memory_space<semaphore_mem>>)
        %dma_wait3A_103 = arith.constant 0 : i32
        %dma_wait3A_104 = arith.constant 0 : i32
        %dma_wait3A_105 = tpu.memref_slice %arg7[%run_scoped3A_83, %dma_wait3A_103, %dma_wait3A_104] : memref<2x80x144xf32, #tpu.memory_space<vmem>> -> memref<1x80x144xf32, #tpu.memory_space<vmem>>
        %dma_wait3A_106 = tpu.memref_squeeze %dma_wait3A_105 : memref<1x80x144xf32, #tpu.memory_space<vmem>> -> memref<80x144xf32, #tpu.memory_space<vmem>>
        %dma_wait3A_107 = arith.constant 9600 : i32
        %dma_wait3A_108 = arith.constant 0 : i32
        %dma_wait3A_109 = tpu.memref_slice %arg6[%dma_wait3A_107, %dma_wait3A_108] : memref<10000x144xf32, #tpu.memory_space<vmem_shared>> -> memref<80x144xf32, #tpu.memory_space<vmem_shared>>
        %dma_wait3A_110 = arith.constant 9600 : i32
        %dma_wait3A_111 = arith.constant 0 : i32
        %dma_wait3A_112 = tpu.memref_slice %arg6[%dma_wait3A_110, %dma_wait3A_111] : memref<10000x144xf32, #tpu.memory_space<vmem_shared>> -> memref<80x144xf32, #tpu.memory_space<vmem_shared>>
        %dma_wait3A_113 = arith.constant 0 : i32
        %dma_wait3A_114 = arith.constant 0 : i32
        %dma_wait3A_115 = tpu.memref_slice %arg7[%run_scoped3A_83, %dma_wait3A_113, %dma_wait3A_114] : memref<2x80x144xf32, #tpu.memory_space<vmem>> -> memref<1x80x144xf32, #tpu.memory_space<vmem>>
        %dma_wait3A_116 = tpu.memref_squeeze %dma_wait3A_115 : memref<1x80x144xf32, #tpu.memory_space<vmem>> -> memref<80x144xf32, #tpu.memory_space<vmem>>
        tpu.wait_dma2 semaphore(%run_scoped3A_88 : memref<!tpu.dma_semaphore, #tpu.memory_space<semaphore_mem>>) src(%dma_wait3A_116 : memref<80x144xf32, #tpu.memory_space<vmem>>) dst(%dma_wait3A_112 : memref<80x144xf32, #tpu.memory_space<vmem_shared>>)
        tpu.yield
      }) : () -> ()
      %run_scoped3A_84 = arith.constant 0 : i32
      "tpu.region"() ({
        %run_scoped3A_88 = tpu.sem_alloc : memref<!tpu.dma_semaphore, #tpu.memory_space<semaphore_mem>>
        %dma_start3A_89 = arith.constant 0 : i32
        %dma_start3A_90 = arith.constant 0 : i32
        %dma_start3A_91 = tpu.memref_slice %arg7[%run_scoped3A_84, %dma_start3A_89, %dma_start3A_90] : memref<2x80x144xf32, #tpu.memory_space<vmem>> -> memref<1x80x144xf32, #tpu.memory_space<vmem>>
        %dma_start3A_92 = tpu.memref_squeeze %dma_start3A_91 : memref<1x80x144xf32, #tpu.memory_space<vmem>> -> memref<80x144xf32, #tpu.memory_space<vmem>>
        %dma_start3A_93 = arith.constant 9680 : i32
        %dma_start3A_94 = arith.constant 0 : i32
        %dma_start3A_95 = tpu.memref_slice %arg6[%dma_start3A_93, %dma_start3A_94] : memref<10000x144xf32, #tpu.memory_space<vmem_shared>> -> memref<80x144xf32, #tpu.memory_space<vmem_shared>>
        %dma_start3A_96 = arith.constant 9680 : i32
        %dma_start3A_97 = arith.constant 0 : i32
        %dma_start3A_98 = tpu.memref_slice %arg6[%dma_start3A_96, %dma_start3A_97] : memref<10000x144xf32, #tpu.memory_space<vmem_shared>> -> memref<80x144xf32, #tpu.memory_space<vmem_shared>>
        %dma_start3A_99 = arith.constant 0 : i32
        %dma_start3A_100 = arith.constant 0 : i32
        %dma_start3A_101 = tpu.memref_slice %arg7[%run_scoped3A_84, %dma_start3A_99, %dma_start3A_100] : memref<2x80x144xf32, #tpu.memory_space<vmem>> -> memref<1x80x144xf32, #tpu.memory_space<vmem>>
        %dma_start3A_102 = tpu.memref_squeeze %dma_start3A_101 : memref<1x80x144xf32, #tpu.memory_space<vmem>> -> memref<80x144xf32, #tpu.memory_space<vmem>>
        tpu.enqueue_dma source(%dma_start3A_102 : memref<80x144xf32, #tpu.memory_space<vmem>>) target(%dma_start3A_98 : memref<80x144xf32, #tpu.memory_space<vmem_shared>>) target_semaphore(%run_scoped3A_88 : memref<!tpu.dma_semaphore, #tpu.memory_space<semaphore_mem>>)
        %dma_wait3A_103 = arith.constant 0 : i32
        %dma_wait3A_104 = arith.constant 0 : i32
        %dma_wait3A_105 = tpu.memref_slice %arg7[%run_scoped3A_84, %dma_wait3A_103, %dma_wait3A_104] : memref<2x80x144xf32, #tpu.memory_space<vmem>> -> memref<1x80x144xf32, #tpu.memory_space<vmem>>
        %dma_wait3A_106 = tpu.memref_squeeze %dma_wait3A_105 : memref<1x80x144xf32, #tpu.memory_space<vmem>> -> memref<80x144xf32, #tpu.memory_space<vmem>>
        %dma_wait3A_107 = arith.constant 9680 : i32
        %dma_wait3A_108 = arith.constant 0 : i32
        %dma_wait3A_109 = tpu.memref_slice %arg6[%dma_wait3A_107, %dma_wait3A_108] : memref<10000x144xf32, #tpu.memory_space<vmem_shared>> -> memref<80x144xf32, #tpu.memory_space<vmem_shared>>
        %dma_wait3A_110 = arith.constant 9680 : i32
        %dma_wait3A_111 = arith.constant 0 : i32
        %dma_wait3A_112 = tpu.memref_slice %arg6[%dma_wait3A_110, %dma_wait3A_111] : memref<10000x144xf32, #tpu.memory_space<vmem_shared>> -> memref<80x144xf32, #tpu.memory_space<vmem_shared>>
        %dma_wait3A_113 = arith.constant 0 : i32
        %dma_wait3A_114 = arith.constant 0 : i32
        %dma_wait3A_115 = tpu.memref_slice %arg7[%run_scoped3A_84, %dma_wait3A_113, %dma_wait3A_114] : memref<2x80x144xf32, #tpu.memory_space<vmem>> -> memref<1x80x144xf32, #tpu.memory_space<vmem>>
        %dma_wait3A_116 = tpu.memref_squeeze %dma_wait3A_115 : memref<1x80x144xf32, #tpu.memory_space<vmem>> -> memref<80x144xf32, #tpu.memory_space<vmem>>
        tpu.wait_dma2 semaphore(%run_scoped3A_88 : memref<!tpu.dma_semaphore, #tpu.memory_space<semaphore_mem>>) src(%dma_wait3A_116 : memref<80x144xf32, #tpu.memory_space<vmem>>) dst(%dma_wait3A_112 : memref<80x144xf32, #tpu.memory_space<vmem_shared>>)
        tpu.yield
      }) : () -> ()
      %run_scoped3A_85 = arith.constant 0 : i32
      "tpu.region"() ({
        %run_scoped3A_88 = tpu.sem_alloc : memref<!tpu.dma_semaphore, #tpu.memory_space<semaphore_mem>>
        %dma_start3A_89 = arith.constant 0 : i32
        %dma_start3A_90 = arith.constant 0 : i32
        %dma_start3A_91 = tpu.memref_slice %arg7[%run_scoped3A_85, %dma_start3A_89, %dma_start3A_90] : memref<2x80x144xf32, #tpu.memory_space<vmem>> -> memref<1x80x144xf32, #tpu.memory_space<vmem>>
        %dma_start3A_92 = tpu.memref_squeeze %dma_start3A_91 : memref<1x80x144xf32, #tpu.memory_space<vmem>> -> memref<80x144xf32, #tpu.memory_space<vmem>>
        %dma_start3A_93 = arith.constant 9760 : i32
        %dma_start3A_94 = arith.constant 0 : i32
        %dma_start3A_95 = tpu.memref_slice %arg6[%dma_start3A_93, %dma_start3A_94] : memref<10000x144xf32, #tpu.memory_space<vmem_shared>> -> memref<80x144xf32, #tpu.memory_space<vmem_shared>>
        %dma_start3A_96 = arith.constant 9760 : i32
        %dma_start3A_97 = arith.constant 0 : i32
        %dma_start3A_98 = tpu.memref_slice %arg6[%dma_start3A_96, %dma_start3A_97] : memref<10000x144xf32, #tpu.memory_space<vmem_shared>> -> memref<80x144xf32, #tpu.memory_space<vmem_shared>>
        %dma_start3A_99 = arith.constant 0 : i32
        %dma_start3A_100 = arith.constant 0 : i32
        %dma_start3A_101 = tpu.memref_slice %arg7[%run_scoped3A_85, %dma_start3A_99, %dma_start3A_100] : memref<2x80x144xf32, #tpu.memory_space<vmem>> -> memref<1x80x144xf32, #tpu.memory_space<vmem>>
        %dma_start3A_102 = tpu.memref_squeeze %dma_start3A_101 : memref<1x80x144xf32, #tpu.memory_space<vmem>> -> memref<80x144xf32, #tpu.memory_space<vmem>>
        tpu.enqueue_dma source(%dma_start3A_102 : memref<80x144xf32, #tpu.memory_space<vmem>>) target(%dma_start3A_98 : memref<80x144xf32, #tpu.memory_space<vmem_shared>>) target_semaphore(%run_scoped3A_88 : memref<!tpu.dma_semaphore, #tpu.memory_space<semaphore_mem>>)
        %dma_wait3A_103 = arith.constant 0 : i32
        %dma_wait3A_104 = arith.constant 0 : i32
        %dma_wait3A_105 = tpu.memref_slice %arg7[%run_scoped3A_85, %dma_wait3A_103, %dma_wait3A_104] : memref<2x80x144xf32, #tpu.memory_space<vmem>> -> memref<1x80x144xf32, #tpu.memory_space<vmem>>
        %dma_wait3A_106 = tpu.memref_squeeze %dma_wait3A_105 : memref<1x80x144xf32, #tpu.memory_space<vmem>> -> memref<80x144xf32, #tpu.memory_space<vmem>>
        %dma_wait3A_107 = arith.constant 9760 : i32
        %dma_wait3A_108 = arith.constant 0 : i32
        %dma_wait3A_109 = tpu.memref_slice %arg6[%dma_wait3A_107, %dma_wait3A_108] : memref<10000x144xf32, #tpu.memory_space<vmem_shared>> -> memref<80x144xf32, #tpu.memory_space<vmem_shared>>
        %dma_wait3A_110 = arith.constant 9760 : i32
        %dma_wait3A_111 = arith.constant 0 : i32
        %dma_wait3A_112 = tpu.memref_slice %arg6[%dma_wait3A_110, %dma_wait3A_111] : memref<10000x144xf32, #tpu.memory_space<vmem_shared>> -> memref<80x144xf32, #tpu.memory_space<vmem_shared>>
        %dma_wait3A_113 = arith.constant 0 : i32
        %dma_wait3A_114 = arith.constant 0 : i32
        %dma_wait3A_115 = tpu.memref_slice %arg7[%run_scoped3A_85, %dma_wait3A_113, %dma_wait3A_114] : memref<2x80x144xf32, #tpu.memory_space<vmem>> -> memref<1x80x144xf32, #tpu.memory_space<vmem>>
        %dma_wait3A_116 = tpu.memref_squeeze %dma_wait3A_115 : memref<1x80x144xf32, #tpu.memory_space<vmem>> -> memref<80x144xf32, #tpu.memory_space<vmem>>
        tpu.wait_dma2 semaphore(%run_scoped3A_88 : memref<!tpu.dma_semaphore, #tpu.memory_space<semaphore_mem>>) src(%dma_wait3A_116 : memref<80x144xf32, #tpu.memory_space<vmem>>) dst(%dma_wait3A_112 : memref<80x144xf32, #tpu.memory_space<vmem_shared>>)
        tpu.yield
      }) : () -> ()
      %run_scoped3A_86 = arith.constant 0 : i32
      "tpu.region"() ({
        %run_scoped3A_88 = tpu.sem_alloc : memref<!tpu.dma_semaphore, #tpu.memory_space<semaphore_mem>>
        %dma_start3A_89 = arith.constant 0 : i32
        %dma_start3A_90 = arith.constant 0 : i32
        %dma_start3A_91 = tpu.memref_slice %arg7[%run_scoped3A_86, %dma_start3A_89, %dma_start3A_90] : memref<2x80x144xf32, #tpu.memory_space<vmem>> -> memref<1x80x144xf32, #tpu.memory_space<vmem>>
        %dma_start3A_92 = tpu.memref_squeeze %dma_start3A_91 : memref<1x80x144xf32, #tpu.memory_space<vmem>> -> memref<80x144xf32, #tpu.memory_space<vmem>>
        %dma_start3A_93 = arith.constant 9840 : i32
        %dma_start3A_94 = arith.constant 0 : i32
        %dma_start3A_95 = tpu.memref_slice %arg6[%dma_start3A_93, %dma_start3A_94] : memref<10000x144xf32, #tpu.memory_space<vmem_shared>> -> memref<80x144xf32, #tpu.memory_space<vmem_shared>>
        %dma_start3A_96 = arith.constant 9840 : i32
        %dma_start3A_97 = arith.constant 0 : i32
        %dma_start3A_98 = tpu.memref_slice %arg6[%dma_start3A_96, %dma_start3A_97] : memref<10000x144xf32, #tpu.memory_space<vmem_shared>> -> memref<80x144xf32, #tpu.memory_space<vmem_shared>>
        %dma_start3A_99 = arith.constant 0 : i32
        %dma_start3A_100 = arith.constant 0 : i32
        %dma_start3A_101 = tpu.memref_slice %arg7[%run_scoped3A_86, %dma_start3A_99, %dma_start3A_100] : memref<2x80x144xf32, #tpu.memory_space<vmem>> -> memref<1x80x144xf32, #tpu.memory_space<vmem>>
        %dma_start3A_102 = tpu.memref_squeeze %dma_start3A_101 : memref<1x80x144xf32, #tpu.memory_space<vmem>> -> memref<80x144xf32, #tpu.memory_space<vmem>>
        tpu.enqueue_dma source(%dma_start3A_102 : memref<80x144xf32, #tpu.memory_space<vmem>>) target(%dma_start3A_98 : memref<80x144xf32, #tpu.memory_space<vmem_shared>>) target_semaphore(%run_scoped3A_88 : memref<!tpu.dma_semaphore, #tpu.memory_space<semaphore_mem>>)
        %dma_wait3A_103 = arith.constant 0 : i32
        %dma_wait3A_104 = arith.constant 0 : i32
        %dma_wait3A_105 = tpu.memref_slice %arg7[%run_scoped3A_86, %dma_wait3A_103, %dma_wait3A_104] : memref<2x80x144xf32, #tpu.memory_space<vmem>> -> memref<1x80x144xf32, #tpu.memory_space<vmem>>
        %dma_wait3A_106 = tpu.memref_squeeze %dma_wait3A_105 : memref<1x80x144xf32, #tpu.memory_space<vmem>> -> memref<80x144xf32, #tpu.memory_space<vmem>>
        %dma_wait3A_107 = arith.constant 9840 : i32
        %dma_wait3A_108 = arith.constant 0 : i32
        %dma_wait3A_109 = tpu.memref_slice %arg6[%dma_wait3A_107, %dma_wait3A_108] : memref<10000x144xf32, #tpu.memory_space<vmem_shared>> -> memref<80x144xf32, #tpu.memory_space<vmem_shared>>
        %dma_wait3A_110 = arith.constant 9840 : i32
        %dma_wait3A_111 = arith.constant 0 : i32
        %dma_wait3A_112 = tpu.memref_slice %arg6[%dma_wait3A_110, %dma_wait3A_111] : memref<10000x144xf32, #tpu.memory_space<vmem_shared>> -> memref<80x144xf32, #tpu.memory_space<vmem_shared>>
        %dma_wait3A_113 = arith.constant 0 : i32
        %dma_wait3A_114 = arith.constant 0 : i32
        %dma_wait3A_115 = tpu.memref_slice %arg7[%run_scoped3A_86, %dma_wait3A_113, %dma_wait3A_114] : memref<2x80x144xf32, #tpu.memory_space<vmem>> -> memref<1x80x144xf32, #tpu.memory_space<vmem>>
        %dma_wait3A_116 = tpu.memref_squeeze %dma_wait3A_115 : memref<1x80x144xf32, #tpu.memory_space<vmem>> -> memref<80x144xf32, #tpu.memory_space<vmem>>
        tpu.wait_dma2 semaphore(%run_scoped3A_88 : memref<!tpu.dma_semaphore, #tpu.memory_space<semaphore_mem>>) src(%dma_wait3A_116 : memref<80x144xf32, #tpu.memory_space<vmem>>) dst(%dma_wait3A_112 : memref<80x144xf32, #tpu.memory_space<vmem_shared>>)
        tpu.yield
      }) : () -> ()
      %run_scoped3A_87 = arith.constant 0 : i32
      "tpu.region"() ({
        %run_scoped3A_88 = tpu.sem_alloc : memref<!tpu.dma_semaphore, #tpu.memory_space<semaphore_mem>>
        %dma_start3A_89 = arith.constant 0 : i32
        %dma_start3A_90 = arith.constant 0 : i32
        %dma_start3A_91 = tpu.memref_slice %arg7[%run_scoped3A_87, %dma_start3A_89, %dma_start3A_90] : memref<2x80x144xf32, #tpu.memory_space<vmem>> -> memref<1x80x144xf32, #tpu.memory_space<vmem>>
        %dma_start3A_92 = tpu.memref_squeeze %dma_start3A_91 : memref<1x80x144xf32, #tpu.memory_space<vmem>> -> memref<80x144xf32, #tpu.memory_space<vmem>>
        %dma_start3A_93 = arith.constant 9920 : i32
        %dma_start3A_94 = arith.constant 0 : i32
        %dma_start3A_95 = tpu.memref_slice %arg6[%dma_start3A_93, %dma_start3A_94] : memref<10000x144xf32, #tpu.memory_space<vmem_shared>> -> memref<80x144xf32, #tpu.memory_space<vmem_shared>>
        %dma_start3A_96 = arith.constant 9920 : i32
        %dma_start3A_97 = arith.constant 0 : i32
        %dma_start3A_98 = tpu.memref_slice %arg6[%dma_start3A_96, %dma_start3A_97] : memref<10000x144xf32, #tpu.memory_space<vmem_shared>> -> memref<80x144xf32, #tpu.memory_space<vmem_shared>>
        %dma_start3A_99 = arith.constant 0 : i32
        %dma_start3A_100 = arith.constant 0 : i32
        %dma_start3A_101 = tpu.memref_slice %arg7[%run_scoped3A_87, %dma_start3A_99, %dma_start3A_100] : memref<2x80x144xf32, #tpu.memory_space<vmem>> -> memref<1x80x144xf32, #tpu.memory_space<vmem>>
        %dma_start3A_102 = tpu.memref_squeeze %dma_start3A_101 : memref<1x80x144xf32, #tpu.memory_space<vmem>> -> memref<80x144xf32, #tpu.memory_space<vmem>>
        tpu.enqueue_dma source(%dma_start3A_102 : memref<80x144xf32, #tpu.memory_space<vmem>>) target(%dma_start3A_98 : memref<80x144xf32, #tpu.memory_space<vmem_shared>>) target_semaphore(%run_scoped3A_88 : memref<!tpu.dma_semaphore, #tpu.memory_space<semaphore_mem>>)
        %dma_wait3A_103 = arith.constant 0 : i32
        %dma_wait3A_104 = arith.constant 0 : i32
        %dma_wait3A_105 = tpu.memref_slice %arg7[%run_scoped3A_87, %dma_wait3A_103, %dma_wait3A_104] : memref<2x80x144xf32, #tpu.memory_space<vmem>> -> memref<1x80x144xf32, #tpu.memory_space<vmem>>
        %dma_wait3A_106 = tpu.memref_squeeze %dma_wait3A_105 : memref<1x80x144xf32, #tpu.memory_space<vmem>> -> memref<80x144xf32, #tpu.memory_space<vmem>>
        %dma_wait3A_107 = arith.constant 9920 : i32
        %dma_wait3A_108 = arith.constant 0 : i32
        %dma_wait3A_109 = tpu.memref_slice %arg6[%dma_wait3A_107, %dma_wait3A_108] : memref<10000x144xf32, #tpu.memory_space<vmem_shared>> -> memref<80x144xf32, #tpu.memory_space<vmem_shared>>
        %dma_wait3A_110 = arith.constant 9920 : i32
        %dma_wait3A_111 = arith.constant 0 : i32
        %dma_wait3A_112 = tpu.memref_slice %arg6[%dma_wait3A_110, %dma_wait3A_111] : memref<10000x144xf32, #tpu.memory_space<vmem_shared>> -> memref<80x144xf32, #tpu.memory_space<vmem_shared>>
        %dma_wait3A_113 = arith.constant 0 : i32
        %dma_wait3A_114 = arith.constant 0 : i32
        %dma_wait3A_115 = tpu.memref_slice %arg7[%run_scoped3A_87, %dma_wait3A_113, %dma_wait3A_114] : memref<2x80x144xf32, #tpu.memory_space<vmem>> -> memref<1x80x144xf32, #tpu.memory_space<vmem>>
        %dma_wait3A_116 = tpu.memref_squeeze %dma_wait3A_115 : memref<1x80x144xf32, #tpu.memory_space<vmem>> -> memref<80x144xf32, #tpu.memory_space<vmem>>
        tpu.wait_dma2 semaphore(%run_scoped3A_88 : memref<!tpu.dma_semaphore, #tpu.memory_space<semaphore_mem>>) src(%dma_wait3A_116 : memref<80x144xf32, #tpu.memory_space<vmem>>) dst(%dma_wait3A_112 : memref<80x144xf32, #tpu.memory_space<vmem_shared>>)
        tpu.yield
      }) : () -> ()
    } else {
    }
    %barrier3A = arith.constant 0 : index
    tpu.barrier barrier_id(%barrier3A)
    %add3A_15 = arith.constant 0 : i32
    %add3A_16 = arith.addi %mul3A_2, %add3A_15 : i32
    %multiple_of3A = tpu.assume_multiple %add3A_16, 8 : i32
    %run_scoped3A = arith.constant 0 : i32
    "tpu.region"() ({
      %run_scoped3A_80 = tpu.sem_alloc : memref<!tpu.dma_semaphore, #tpu.memory_space<semaphore_mem>>
      %dma_start3A_81 = arith.constant 0 : i32
      %dma_start3A_82 = tpu.memref_slice %arg9[%run_scoped3A, %dma_start3A_81] : memref<2x80xi32, #tpu.memory_space<vmem>> -> memref<1x80xi32, #tpu.memory_space<vmem>>
      %dma_start3A_83 = tpu.memref_squeeze %dma_start3A_82 : memref<1x80xi32, #tpu.memory_space<vmem>> -> memref<80xi32, #tpu.memory_space<vmem>>
      %dma_start3A_84 = tpu.memref_slice %arg3[%multiple_of3A] : memref<320000xi32, #tpu.memory_space<hbm>> -> memref<80xi32, #tpu.memory_space<hbm>>
      %dma_start3A_85 = arith.constant 0 : i32
      %dma_start3A_86 = tpu.memref_slice %arg9[%run_scoped3A, %dma_start3A_85] : memref<2x80xi32, #tpu.memory_space<vmem>> -> memref<1x80xi32, #tpu.memory_space<vmem>>
      %dma_start3A_87 = tpu.memref_squeeze %dma_start3A_86 : memref<1x80xi32, #tpu.memory_space<vmem>> -> memref<80xi32, #tpu.memory_space<vmem>>
      %dma_start3A_88 = tpu.memref_slice %arg3[%multiple_of3A] : memref<320000xi32, #tpu.memory_space<hbm>> -> memref<80xi32, #tpu.memory_space<hbm>>
      tpu.enqueue_dma source(%dma_start3A_88 : memref<80xi32, #tpu.memory_space<hbm>>) target(%dma_start3A_87 : memref<80xi32, #tpu.memory_space<vmem>>) target_semaphore(%run_scoped3A_80 : memref<!tpu.dma_semaphore, #tpu.memory_space<semaphore_mem>>)
      %dma_wait3A_89 = arith.constant 0 : i32
      %dma_wait3A_90 = tpu.memref_slice %arg9[%run_scoped3A, %dma_wait3A_89] : memref<2x80xi32, #tpu.memory_space<vmem>> -> memref<1x80xi32, #tpu.memory_space<vmem>>
      %dma_wait3A_91 = tpu.memref_squeeze %dma_wait3A_90 : memref<1x80xi32, #tpu.memory_space<vmem>> -> memref<80xi32, #tpu.memory_space<vmem>>
      %dma_wait3A_92 = tpu.memref_slice %arg3[%multiple_of3A] : memref<320000xi32, #tpu.memory_space<hbm>> -> memref<80xi32, #tpu.memory_space<hbm>>
      %dma_wait3A_93 = arith.constant 0 : i32
      %dma_wait3A_94 = tpu.memref_slice %arg9[%run_scoped3A, %dma_wait3A_93] : memref<2x80xi32, #tpu.memory_space<vmem>> -> memref<1x80xi32, #tpu.memory_space<vmem>>
      %dma_wait3A_95 = tpu.memref_squeeze %dma_wait3A_94 : memref<1x80xi32, #tpu.memory_space<vmem>> -> memref<80xi32, #tpu.memory_space<vmem>>
      %dma_wait3A_96 = tpu.memref_slice %arg3[%multiple_of3A] : memref<320000xi32, #tpu.memory_space<hbm>> -> memref<80xi32, #tpu.memory_space<hbm>>
      tpu.wait_dma2 semaphore(%run_scoped3A_80 : memref<!tpu.dma_semaphore, #tpu.memory_space<semaphore_mem>>) src(%dma_wait3A_96 : memref<80xi32, #tpu.memory_space<hbm>>) dst(%dma_wait3A_95 : memref<80xi32, #tpu.memory_space<vmem>>)
      tpu.yield
    }) : () -> ()
    %dma_start3A = arith.constant 0 : i32
    %dma_start3A_17 = arith.constant 0 : i32
    %dma_start3A_18 = arith.constant 0 : i32
    %dma_start3A_19 = arith.constant 0 : i32
    %dma_start3A_20 = tpu.memref_slice %arg7[%dma_start3A_17, %dma_start3A_18, %dma_start3A_19] : memref<2x80x144xf32, #tpu.memory_space<vmem>> -> memref<1x80x144xf32, #tpu.memory_space<vmem>>
    %dma_start3A_21 = tpu.memref_squeeze %dma_start3A_20 : memref<1x80x144xf32, #tpu.memory_space<vmem>> -> memref<80x144xf32, #tpu.memory_space<vmem>>
    %dma_start3A_22 = arith.constant 0 : i32
    %dma_start3A_23 = tpu.memref_slice %arg9[%dma_start3A, %dma_start3A_22] : memref<2x80xi32, #tpu.memory_space<vmem>> -> memref<1x80xi32, #tpu.memory_space<vmem>>
    %dma_start3A_24 = tpu.memref_squeeze %dma_start3A_23 : memref<1x80xi32, #tpu.memory_space<vmem>> -> memref<80xi32, #tpu.memory_space<vmem>>
    %dma_start3A_25 = arith.constant 0 : i32
    %dma_start3A_26 = arith.constant 0 : i32
    %dma_start3A_27 = tpu.memref_slice %arg2[%dma_start3A_25, %dma_start3A_26] : memref<10000x144xf32, #tpu.memory_space<hbm>> -> memref<10000x144xf32, #tpu.memory_space<hbm>>
    tpu.enqueue_indirect_dma source(%dma_start3A_27 : memref<10000x144xf32, #tpu.memory_space<hbm>>) target(%dma_start3A_21 : memref<80x144xf32, #tpu.memory_space<vmem>>) offsets(%dma_start3A_24 : memref<80xi32, #tpu.memory_space<vmem>>) semaphore(%arg10 : memref<!tpu.dma_semaphore, #tpu.memory_space<semaphore_mem>>)
    %add3A_28 = arith.constant 80 : i32
    %add3A_29 = arith.addi %mul3A_2, %add3A_28 : i32
    %multiple_of3A_30 = tpu.assume_multiple %add3A_29, 8 : i32
    %dma_start3A_31 = arith.constant 1 : i32
    %dma_start3A_32 = arith.constant 0 : i32
    %dma_start3A_33 = tpu.memref_slice %arg9[%dma_start3A_31, %dma_start3A_32] : memref<2x80xi32, #tpu.memory_space<vmem>> -> memref<1x80xi32, #tpu.memory_space<vmem>>
    %dma_start3A_34 = tpu.memref_squeeze %dma_start3A_33 : memref<1x80xi32, #tpu.memory_space<vmem>> -> memref<80xi32, #tpu.memory_space<vmem>>
    %dma_start3A_35 = tpu.memref_slice %arg3[%multiple_of3A_30] : memref<320000xi32, #tpu.memory_space<hbm>> -> memref<80xi32, #tpu.memory_space<hbm>>
    %dma_start3A_36 = arith.constant 0 : i32
    %dma_start3A_37 = tpu.memref_slice %arg9[%dma_start3A_31, %dma_start3A_36] : memref<2x80xi32, #tpu.memory_space<vmem>> -> memref<1x80xi32, #tpu.memory_space<vmem>>
    %dma_start3A_38 = tpu.memref_squeeze %dma_start3A_37 : memref<1x80xi32, #tpu.memory_space<vmem>> -> memref<80xi32, #tpu.memory_space<vmem>>
    %dma_start3A_39 = tpu.memref_slice %arg3[%multiple_of3A_30] : memref<320000xi32, #tpu.memory_space<hbm>> -> memref<80xi32, #tpu.memory_space<hbm>>
    tpu.enqueue_dma source(%dma_start3A_39 : memref<80xi32, #tpu.memory_space<hbm>>) target(%dma_start3A_38 : memref<80xi32, #tpu.memory_space<vmem>>) target_semaphore(%arg11 : memref<!tpu.dma_semaphore, #tpu.memory_space<semaphore_mem>>)
    %scan3A_40 = arith.constant 0 : i32
    %scan3A_41 = arith.constant 0 : i32
    %scan3A_42 = arith.constant 125 : i32
    %scan3A_43 = arith.addi %scan3A_41, %scan3A_42 : i32
    %scan3A_44 = arith.constant 1 : i32
    scf.for %scan3A_80 = %scan3A_41 to %scan3A_43 step %scan3A_44  : i32 {
      %rem3A = arith.constant 2 : i32
      %rem3A_81 = arith.remsi %scan3A_80, %rem3A : i32
      %add3A_82 = arith.constant 1 : i32
      %add3A_83 = arith.addi %scan3A_80, %add3A_82 : i32
      %rem3A_84 = arith.constant 2 : i32
      %rem3A_85 = arith.remsi %add3A_83, %rem3A_84 : i32
      %add3A_86 = arith.constant 1 : i32
      %add3A_87 = arith.addi %scan3A_80, %add3A_86 : i32
      %lt3A_88 = arith.constant 125 : i32
      %lt3A_89 = arith.cmpi slt, %add3A_87, %lt3A_88 : i32
      %convert_element_type3A_90 = arith.extui %lt3A_89 : i1 to i32
      %cond3A_91 = arith.constant 0 : i32
      %cond3A_92 = arith.cmpi ne, %convert_element_type3A_90, %cond3A_91 : i32
      scf.if %cond3A_92 {
        %add3A_120 = arith.constant 1 : i32
        %add3A_121 = arith.addi %scan3A_80, %add3A_120 : i32
        %mul3A_122 = arith.constant 80 : i32
        %mul3A_123 = arith.muli %add3A_121, %mul3A_122 : i32
        %add3A_124 = arith.addi %mul3A_2, %mul3A_123 : i32
        %multiple_of3A_125 = tpu.assume_multiple %add3A_124, 8 : i32
        %dma_wait3A_126 = arith.constant 0 : i32
        %dma_wait3A_127 = tpu.memref_slice %arg9[%rem3A_85, %dma_wait3A_126] : memref<2x80xi32, #tpu.memory_space<vmem>> -> memref<1x80xi32, #tpu.memory_space<vmem>>
        %dma_wait3A_128 = tpu.memref_squeeze %dma_wait3A_127 : memref<1x80xi32, #tpu.memory_space<vmem>> -> memref<80xi32, #tpu.memory_space<vmem>>
        %dma_wait3A_129 = tpu.memref_slice %arg3[%multiple_of3A_125] : memref<320000xi32, #tpu.memory_space<hbm>> -> memref<80xi32, #tpu.memory_space<hbm>>
        %dma_wait3A_130 = arith.constant 0 : i32
        %dma_wait3A_131 = tpu.memref_slice %arg9[%rem3A_85, %dma_wait3A_130] : memref<2x80xi32, #tpu.memory_space<vmem>> -> memref<1x80xi32, #tpu.memory_space<vmem>>
        %dma_wait3A_132 = tpu.memref_squeeze %dma_wait3A_131 : memref<1x80xi32, #tpu.memory_space<vmem>> -> memref<80xi32, #tpu.memory_space<vmem>>
        %dma_wait3A_133 = tpu.memref_slice %arg3[%multiple_of3A_125] : memref<320000xi32, #tpu.memory_space<hbm>> -> memref<80xi32, #tpu.memory_space<hbm>>
        tpu.wait_dma2 semaphore(%arg11 : memref<!tpu.dma_semaphore, #tpu.memory_space<semaphore_mem>>) src(%dma_wait3A_133 : memref<80xi32, #tpu.memory_space<hbm>>) dst(%dma_wait3A_132 : memref<80xi32, #tpu.memory_space<vmem>>)
        %ge3A = arith.constant 1 : i32
        %ge3A_134 = arith.cmpi sge, %scan3A_80, %ge3A : i32
        %convert_element_type3A_135 = arith.extui %ge3A_134 : i1 to i32
        %cond3A_136 = arith.constant 0 : i32
        %cond3A_137 = arith.cmpi ne, %convert_element_type3A_135, %cond3A_136 : i32
        scf.if %cond3A_137 {
          %dma_wait3A_148 = arith.constant 0 : i32
          %dma_wait3A_149 = arith.constant 0 : i32
          %dma_wait3A_150 = arith.constant 0 : i32
          %dma_wait3A_151 = arith.constant 0 : i32
          %dma_wait3A_152 = tpu.memref_slice %arg7[%dma_wait3A_148, %dma_wait3A_150, %dma_wait3A_151] : memref<2x80x144xf32, #tpu.memory_space<vmem>> -> memref<1x80x144xf32, #tpu.memory_space<vmem>>
          %dma_wait3A_153 = tpu.memref_squeeze %dma_wait3A_152 : memref<1x80x144xf32, #tpu.memory_space<vmem>> -> memref<80x144xf32, #tpu.memory_space<vmem>>
          %dma_wait3A_154 = arith.constant 0 : i32
          %dma_wait3A_155 = tpu.memref_slice %arg8[%dma_wait3A_149, %dma_wait3A_154] : memref<125x80xi32, #tpu.memory_space<vmem>> -> memref<1x80xi32, #tpu.memory_space<vmem>>
          %dma_wait3A_156 = tpu.memref_squeeze %dma_wait3A_155 : memref<1x80xi32, #tpu.memory_space<vmem>> -> memref<80xi32, #tpu.memory_space<vmem>>
          %dma_wait3A_157 = arith.constant 0 : i32
          %dma_wait3A_158 = arith.constant 0 : i32
          %dma_wait3A_159 = tpu.memref_slice %arg6[%dma_wait3A_157, %dma_wait3A_158] : memref<10000x144xf32, #tpu.memory_space<vmem_shared>> -> memref<10000x144xf32, #tpu.memory_space<vmem_shared>>
          tpu.wait_indirect_dma semaphore(%arg12 : memref<!tpu.dma_semaphore, #tpu.memory_space<semaphore_mem>>) src(%dma_wait3A_153 : memref<80x144xf32, #tpu.memory_space<vmem>>) dst(%dma_wait3A_159 : memref<10000x144xf32, #tpu.memory_space<vmem_shared>>)
        } else {
        }
        %dma_start3A_138 = arith.constant 0 : i32
        %dma_start3A_139 = arith.constant 0 : i32
        %dma_start3A_140 = tpu.memref_slice %arg7[%rem3A_85, %dma_start3A_138, %dma_start3A_139] : memref<2x80x144xf32, #tpu.memory_space<vmem>> -> memref<1x80x144xf32, #tpu.memory_space<vmem>>
        %dma_start3A_141 = tpu.memref_squeeze %dma_start3A_140 : memref<1x80x144xf32, #tpu.memory_space<vmem>> -> memref<80x144xf32, #tpu.memory_space<vmem>>
        %dma_start3A_142 = arith.constant 0 : i32
        %dma_start3A_143 = tpu.memref_slice %arg9[%rem3A_85, %dma_start3A_142] : memref<2x80xi32, #tpu.memory_space<vmem>> -> memref<1x80xi32, #tpu.memory_space<vmem>>
        %dma_start3A_144 = tpu.memref_squeeze %dma_start3A_143 : memref<1x80xi32, #tpu.memory_space<vmem>> -> memref<80xi32, #tpu.memory_space<vmem>>
        %dma_start3A_145 = arith.constant 0 : i32
        %dma_start3A_146 = arith.constant 0 : i32
        %dma_start3A_147 = tpu.memref_slice %arg2[%dma_start3A_145, %dma_start3A_146] : memref<10000x144xf32, #tpu.memory_space<hbm>> -> memref<10000x144xf32, #tpu.memory_space<hbm>>
        tpu.enqueue_indirect_dma source(%dma_start3A_147 : memref<10000x144xf32, #tpu.memory_space<hbm>>) target(%dma_start3A_141 : memref<80x144xf32, #tpu.memory_space<vmem>>) offsets(%dma_start3A_144 : memref<80xi32, #tpu.memory_space<vmem>>) semaphore(%arg10 : memref<!tpu.dma_semaphore, #tpu.memory_space<semaphore_mem>>)
      } else {
      }
      %dma_wait3A_93 = arith.constant 0 : i32
      %dma_wait3A_94 = arith.constant 0 : i32
      %dma_wait3A_95 = tpu.memref_slice %arg7[%rem3A_81, %dma_wait3A_93, %dma_wait3A_94] : memref<2x80x144xf32, #tpu.memory_space<vmem>> -> memref<1x80x144xf32, #tpu.memory_space<vmem>>
      %dma_wait3A_96 = tpu.memref_squeeze %dma_wait3A_95 : memref<1x80x144xf32, #tpu.memory_space<vmem>> -> memref<80x144xf32, #tpu.memory_space<vmem>>
      %dma_wait3A_97 = arith.constant 0 : i32
      %dma_wait3A_98 = tpu.memref_slice %arg9[%rem3A_81, %dma_wait3A_97] : memref<2x80xi32, #tpu.memory_space<vmem>> -> memref<1x80xi32, #tpu.memory_space<vmem>>
      %dma_wait3A_99 = tpu.memref_squeeze %dma_wait3A_98 : memref<1x80xi32, #tpu.memory_space<vmem>> -> memref<80xi32, #tpu.memory_space<vmem>>
      %dma_wait3A_100 = arith.constant 0 : i32
      %dma_wait3A_101 = arith.constant 0 : i32
      %dma_wait3A_102 = tpu.memref_slice %arg2[%dma_wait3A_100, %dma_wait3A_101] : memref<10000x144xf32, #tpu.memory_space<hbm>> -> memref<10000x144xf32, #tpu.memory_space<hbm>>
      tpu.wait_indirect_dma semaphore(%arg10 : memref<!tpu.dma_semaphore, #tpu.memory_space<semaphore_mem>>) src(%dma_wait3A_102 : memref<10000x144xf32, #tpu.memory_space<hbm>>) dst(%dma_wait3A_96 : memref<80x144xf32, #tpu.memory_space<vmem>>)
      %dma_start3A_103 = arith.constant 0 : i32
      %dma_start3A_104 = arith.constant 0 : i32
      %dma_start3A_105 = tpu.memref_slice %arg7[%rem3A_81, %dma_start3A_103, %dma_start3A_104] : memref<2x80x144xf32, #tpu.memory_space<vmem>> -> memref<1x80x144xf32, #tpu.memory_space<vmem>>
      %dma_start3A_106 = tpu.memref_squeeze %dma_start3A_105 : memref<1x80x144xf32, #tpu.memory_space<vmem>> -> memref<80x144xf32, #tpu.memory_space<vmem>>
      %dma_start3A_107 = arith.constant 0 : i32
      %dma_start3A_108 = tpu.memref_slice %arg8[%scan3A_80, %dma_start3A_107] : memref<125x80xi32, #tpu.memory_space<vmem>> -> memref<1x80xi32, #tpu.memory_space<vmem>>
      %dma_start3A_109 = tpu.memref_squeeze %dma_start3A_108 : memref<1x80xi32, #tpu.memory_space<vmem>> -> memref<80xi32, #tpu.memory_space<vmem>>
      %dma_start3A_110 = arith.constant 0 : i32
      %dma_start3A_111 = arith.constant 0 : i32
      %dma_start3A_112 = tpu.memref_slice %arg6[%dma_start3A_110, %dma_start3A_111] : memref<10000x144xf32, #tpu.memory_space<vmem_shared>> -> memref<10000x144xf32, #tpu.memory_space<vmem_shared>>
      tpu.enqueue_indirect_dma source(%dma_start3A_106 : memref<80x144xf32, #tpu.memory_space<vmem>>) target(%dma_start3A_112 : memref<10000x144xf32, #tpu.memory_space<vmem_shared>>) offsets(%dma_start3A_109 : memref<80xi32, #tpu.memory_space<vmem>>) semaphore(%arg12 : memref<!tpu.dma_semaphore, #tpu.memory_space<semaphore_mem>>) {add = true}
      %add3A_113 = arith.constant 2 : i32
      %add3A_114 = arith.addi %scan3A_80, %add3A_113 : i32
      %lt3A_115 = arith.constant 125 : i32
      %lt3A_116 = arith.cmpi slt, %add3A_114, %lt3A_115 : i32
      %convert_element_type3A_117 = arith.extui %lt3A_116 : i1 to i32
      %cond3A_118 = arith.constant 0 : i32
      %cond3A_119 = arith.cmpi ne, %convert_element_type3A_117, %cond3A_118 : i32
      scf.if %cond3A_119 {
        %add3A_120 = arith.constant 2 : i32
        %add3A_121 = arith.addi %scan3A_80, %add3A_120 : i32
        %mul3A_122 = arith.constant 80 : i32
        %mul3A_123 = arith.muli %add3A_121, %mul3A_122 : i32
        %add3A_124 = arith.addi %mul3A_2, %mul3A_123 : i32
        %multiple_of3A_125 = tpu.assume_multiple %add3A_124, 8 : i32
        %dma_start3A_126 = arith.constant 0 : i32
        %dma_start3A_127 = tpu.memref_slice %arg9[%rem3A_81, %dma_start3A_126] : memref<2x80xi32, #tpu.memory_space<vmem>> -> memref<1x80xi32, #tpu.memory_space<vmem>>
        %dma_start3A_128 = tpu.memref_squeeze %dma_start3A_127 : memref<1x80xi32, #tpu.memory_space<vmem>> -> memref<80xi32, #tpu.memory_space<vmem>>
        %dma_start3A_129 = tpu.memref_slice %arg3[%multiple_of3A_125] : memref<320000xi32, #tpu.memory_space<hbm>> -> memref<80xi32, #tpu.memory_space<hbm>>
        %dma_start3A_130 = arith.constant 0 : i32
        %dma_start3A_131 = tpu.memref_slice %arg9[%rem3A_81, %dma_start3A_130] : memref<2x80xi32, #tpu.memory_space<vmem>> -> memref<1x80xi32, #tpu.memory_space<vmem>>
        %dma_start3A_132 = tpu.memref_squeeze %dma_start3A_131 : memref<1x80xi32, #tpu.memory_space<vmem>> -> memref<80xi32, #tpu.memory_space<vmem>>
        %dma_start3A_133 = tpu.memref_slice %arg3[%multiple_of3A_125] : memref<320000xi32, #tpu.memory_space<hbm>> -> memref<80xi32, #tpu.memory_space<hbm>>
        tpu.enqueue_dma source(%dma_start3A_133 : memref<80xi32, #tpu.memory_space<hbm>>) target(%dma_start3A_132 : memref<80xi32, #tpu.memory_space<vmem>>) target_semaphore(%arg11 : memref<!tpu.dma_semaphore, #tpu.memory_space<semaphore_mem>>)
      } else {
      }
    }
    %scan3A_45 = arith.constant 125 : i32
    %dma_wait3A = arith.constant 0 : i32
    %dma_wait3A_46 = arith.constant 0 : i32
    %dma_wait3A_47 = arith.constant 0 : i32
    %dma_wait3A_48 = arith.constant 0 : i32
    %dma_wait3A_49 = tpu.memref_slice %arg7[%dma_wait3A, %dma_wait3A_47, %dma_wait3A_48] : memref<2x80x144xf32, #tpu.memory_space<vmem>> -> memref<1x80x144xf32, #tpu.memory_space<vmem>>
    %dma_wait3A_50 = tpu.memref_squeeze %dma_wait3A_49 : memref<1x80x144xf32, #tpu.memory_space<vmem>> -> memref<80x144xf32, #tpu.memory_space<vmem>>
    %dma_wait3A_51 = arith.constant 0 : i32
    %dma_wait3A_52 = tpu.memref_slice %arg8[%dma_wait3A_46, %dma_wait3A_51] : memref<125x80xi32, #tpu.memory_space<vmem>> -> memref<1x80xi32, #tpu.memory_space<vmem>>
    %dma_wait3A_53 = tpu.memref_squeeze %dma_wait3A_52 : memref<1x80xi32, #tpu.memory_space<vmem>> -> memref<80xi32, #tpu.memory_space<vmem>>
    %dma_wait3A_54 = arith.constant 0 : i32
    %dma_wait3A_55 = arith.constant 0 : i32
    %dma_wait3A_56 = tpu.memref_slice %arg6[%dma_wait3A_54, %dma_wait3A_55] : memref<10000x144xf32, #tpu.memory_space<vmem_shared>> -> memref<10000x144xf32, #tpu.memory_space<vmem_shared>>
    tpu.wait_indirect_dma semaphore(%arg12 : memref<!tpu.dma_semaphore, #tpu.memory_space<semaphore_mem>>) src(%dma_wait3A_50 : memref<80x144xf32, #tpu.memory_space<vmem>>) dst(%dma_wait3A_56 : memref<10000x144xf32, #tpu.memory_space<vmem_shared>>)
    %dma_wait3A_57 = arith.constant 0 : i32
    %dma_wait3A_58 = arith.constant 0 : i32
    %dma_wait3A_59 = arith.constant 0 : i32
    %dma_wait3A_60 = arith.constant 0 : i32
    %dma_wait3A_61 = tpu.memref_slice %arg7[%dma_wait3A_57, %dma_wait3A_59, %dma_wait3A_60] : memref<2x80x144xf32, #tpu.memory_space<vmem>> -> memref<1x80x144xf32, #tpu.memory_space<vmem>>
    %dma_wait3A_62 = tpu.memref_squeeze %dma_wait3A_61 : memref<1x80x144xf32, #tpu.memory_space<vmem>> -> memref<80x144xf32, #tpu.memory_space<vmem>>
    %dma_wait3A_63 = arith.constant 0 : i32
    %dma_wait3A_64 = tpu.memref_slice %arg8[%dma_wait3A_58, %dma_wait3A_63] : memref<125x80xi32, #tpu.memory_space<vmem>> -> memref<1x80xi32, #tpu.memory_space<vmem>>
    %dma_wait3A_65 = tpu.memref_squeeze %dma_wait3A_64 : memref<1x80xi32, #tpu.memory_space<vmem>> -> memref<80xi32, #tpu.memory_space<vmem>>
    %dma_wait3A_66 = arith.constant 0 : i32
    %dma_wait3A_67 = arith.constant 0 : i32
    %dma_wait3A_68 = tpu.memref_slice %arg6[%dma_wait3A_66, %dma_wait3A_67] : memref<10000x144xf32, #tpu.memory_space<vmem_shared>> -> memref<10000x144xf32, #tpu.memory_space<vmem_shared>>
    tpu.wait_indirect_dma semaphore(%arg12 : memref<!tpu.dma_semaphore, #tpu.memory_space<semaphore_mem>>) src(%dma_wait3A_62 : memref<80x144xf32, #tpu.memory_space<vmem>>) dst(%dma_wait3A_68 : memref<10000x144xf32, #tpu.memory_space<vmem_shared>>)
    %barrier3A_69 = arith.constant 0 : index
    tpu.barrier barrier_id(%barrier3A_69)
    %lt3A_70 = arith.constant 15 : i32
    %lt3A_71 = arith.cmpi slt, %arg1, %lt3A_70 : i32
    %convert_element_type3A_72 = arith.extui %lt3A_71 : i1 to i32
    %cond3A_73 = arith.constant 0 : i32
    %cond3A_74 = arith.cmpi ne, %convert_element_type3A_72, %cond3A_73 : i32
    scf.if %cond3A_74 {
      %mul3A_80 = arith.constant 624 : i32
      %mul3A_81 = arith.muli %arg1, %mul3A_80 : i32
      %multiple_of3A_82 = tpu.assume_multiple %mul3A_81, 8 : i32
      "tpu.region"() ({
        %run_scoped3A_83 = tpu.sem_alloc : memref<!tpu.dma_semaphore, #tpu.memory_space<semaphore_mem>>
        %dma_start3A_84 = arith.constant 0 : i32
        %dma_start3A_85 = tpu.memref_slice %arg5[%arg0, %multiple_of3A_82, %dma_start3A_84] : memref<2x10000x144xf32, #tpu.memory_space<hbm>> -> memref<1x624x144xf32, #tpu.memory_space<hbm>>
        %dma_start3A_86 = tpu.memref_squeeze %dma_start3A_85 : memref<1x624x144xf32, #tpu.memory_space<hbm>> -> memref<624x144xf32, #tpu.memory_space<hbm>>
        %dma_start3A_87 = arith.constant 0 : i32
        %dma_start3A_88 = tpu.memref_slice %arg6[%multiple_of3A_82, %dma_start3A_87] : memref<10000x144xf32, #tpu.memory_space<vmem_shared>> -> memref<624x144xf32, #tpu.memory_space<vmem_shared>>
        tpu.enqueue_dma source(%dma_start3A_88 : memref<624x144xf32, #tpu.memory_space<vmem_shared>>) target(%dma_start3A_86 : memref<624x144xf32, #tpu.memory_space<hbm>>) target_semaphore(%run_scoped3A_83 : memref<!tpu.dma_semaphore, #tpu.memory_space<semaphore_mem>>)
        %dma_wait3A_89 = arith.constant 0 : i32
        %dma_wait3A_90 = tpu.memref_slice %arg5[%arg0, %multiple_of3A_82, %dma_wait3A_89] : memref<2x10000x144xf32, #tpu.memory_space<hbm>> -> memref<1x624x144xf32, #tpu.memory_space<hbm>>
        %dma_wait3A_91 = tpu.memref_squeeze %dma_wait3A_90 : memref<1x624x144xf32, #tpu.memory_space<hbm>> -> memref<624x144xf32, #tpu.memory_space<hbm>>
        %dma_wait3A_92 = arith.constant 0 : i32
        %dma_wait3A_93 = tpu.memref_slice %arg6[%multiple_of3A_82, %dma_wait3A_92] : memref<10000x144xf32, #tpu.memory_space<vmem_shared>> -> memref<624x144xf32, #tpu.memory_space<vmem_shared>>
        tpu.wait_dma2 semaphore(%run_scoped3A_83 : memref<!tpu.dma_semaphore, #tpu.memory_space<semaphore_mem>>) src(%dma_wait3A_93 : memref<624x144xf32, #tpu.memory_space<vmem_shared>>) dst(%dma_wait3A_91 : memref<624x144xf32, #tpu.memory_space<hbm>>)
        tpu.yield
      }) : () -> ()
    } else {
    }
    %eq3A_75 = arith.constant 15 : i32
    %eq3A_76 = arith.cmpi eq, %arg1, %eq3A_75 : i32
    %convert_element_type3A_77 = arith.extui %eq3A_76 : i1 to i32
    %cond3A_78 = arith.constant 0 : i32
    %cond3A_79 = arith.cmpi ne, %convert_element_type3A_77, %cond3A_78 : i32
    scf.if %cond3A_79 {
      "tpu.region"() ({
        %run_scoped3A_80 = tpu.sem_alloc : memref<!tpu.dma_semaphore, #tpu.memory_space<semaphore_mem>>
        %dma_start3A_81 = arith.constant 9360 : i32
        %dma_start3A_82 = arith.constant 0 : i32
        %dma_start3A_83 = tpu.memref_slice %arg5[%arg0, %dma_start3A_81, %dma_start3A_82] : memref<2x10000x144xf32, #tpu.memory_space<hbm>> -> memref<1x640x144xf32, #tpu.memory_space<hbm>>
        %dma_start3A_84 = tpu.memref_squeeze %dma_start3A_83 : memref<1x640x144xf32, #tpu.memory_space<hbm>> -> memref<640x144xf32, #tpu.memory_space<hbm>>
        %dma_start3A_85 = arith.constant 9360 : i32
        %dma_start3A_86 = arith.constant 0 : i32
        %dma_start3A_87 = tpu.memref_slice %arg6[%dma_start3A_85, %dma_start3A_86] : memref<10000x144xf32, #tpu.memory_space<vmem_shared>> -> memref<640x144xf32, #tpu.memory_space<vmem_shared>>
        tpu.enqueue_dma source(%dma_start3A_87 : memref<640x144xf32, #tpu.memory_space<vmem_shared>>) target(%dma_start3A_84 : memref<640x144xf32, #tpu.memory_space<hbm>>) target_semaphore(%run_scoped3A_80 : memref<!tpu.dma_semaphore, #tpu.memory_space<semaphore_mem>>)
        %dma_wait3A_88 = arith.constant 9360 : i32
        %dma_wait3A_89 = arith.constant 0 : i32
        %dma_wait3A_90 = tpu.memref_slice %arg5[%arg0, %dma_wait3A_88, %dma_wait3A_89] : memref<2x10000x144xf32, #tpu.memory_space<hbm>> -> memref<1x640x144xf32, #tpu.memory_space<hbm>>
        %dma_wait3A_91 = tpu.memref_squeeze %dma_wait3A_90 : memref<1x640x144xf32, #tpu.memory_space<hbm>> -> memref<640x144xf32, #tpu.memory_space<hbm>>
        %dma_wait3A_92 = arith.constant 9360 : i32
        %dma_wait3A_93 = arith.constant 0 : i32
        %dma_wait3A_94 = tpu.memref_slice %arg6[%dma_wait3A_92, %dma_wait3A_93] : memref<10000x144xf32, #tpu.memory_space<vmem_shared>> -> memref<640x144xf32, #tpu.memory_space<vmem_shared>>
        tpu.wait_dma2 semaphore(%run_scoped3A_80 : memref<!tpu.dma_semaphore, #tpu.memory_space<semaphore_mem>>) src(%dma_wait3A_94 : memref<640x144xf32, #tpu.memory_space<vmem_shared>>) dst(%dma_wait3A_91 : memref<640x144xf32, #tpu.memory_space<hbm>>)
        tpu.yield
      }) : () -> ()
    } else {
    }
    return
  }
}

#map = affine_map<(d0, d1) -> (0, 0, 0)>
module attributes {stable_mosaic.version = 14 : i64} {
  func.func @_sc_degree(%arg0: i32, %arg1: i32, %arg2: memref<32x125x80xi32, #tpu.memory_space<hbm>>, %arg3: memref<2x10000x16xf32, #tpu.memory_space<hbm>>, %arg4: memref<10000x16xf32, #tpu.memory_space<vmem_shared>>, %arg5: memref<80x16xf32, #tpu.memory_space<vmem>>, %arg6: memref<640x16xf32, #tpu.memory_space<vmem>>, %arg7: memref<125x80xi32, #tpu.memory_space<vmem>>) attributes {dimension_semantics = [#tpu.dimension_semantics<core_parallel>, #tpu.dimension_semantics<subcore_parallel>], iteration_bounds = array<i64: 2, 16>, scalar_prefetch = 0 : i64, scratch_operands = 4 : i64, tpu.core_type = #tpu.core_type<sc_vector_subcore>, window_params = [{transform_indices = #map}, {transform_indices = #map}]} {
    %mul3A = arith.constant 16 : i32
    %mul3A_0 = arith.muli %arg0, %mul3A : i32
    %add3A = arith.addi %mul3A_0, %arg1 : i32
    "tpu.region"() ({
      %run_scoped3A = tpu.sem_alloc : memref<!tpu.dma_semaphore, #tpu.memory_space<semaphore_mem>>
      %dma_start3A = arith.constant 0 : i32
      %dma_start3A_35 = arith.constant 0 : i32
      %dma_start3A_36 = tpu.memref_slice %arg2[%add3A, %dma_start3A, %dma_start3A_35] : memref<32x125x80xi32, #tpu.memory_space<hbm>> -> memref<1x125x80xi32, #tpu.memory_space<hbm>>
      %dma_start3A_37 = tpu.memref_squeeze %dma_start3A_36 : memref<1x125x80xi32, #tpu.memory_space<hbm>> -> memref<125x80xi32, #tpu.memory_space<hbm>>
      %dma_start3A_38 = arith.constant 0 : i32
      %dma_start3A_39 = arith.constant 0 : i32
      %dma_start3A_40 = tpu.memref_slice %arg2[%add3A, %dma_start3A_38, %dma_start3A_39] : memref<32x125x80xi32, #tpu.memory_space<hbm>> -> memref<1x125x80xi32, #tpu.memory_space<hbm>>
      %dma_start3A_41 = tpu.memref_squeeze %dma_start3A_40 : memref<1x125x80xi32, #tpu.memory_space<hbm>> -> memref<125x80xi32, #tpu.memory_space<hbm>>
      tpu.enqueue_dma source(%dma_start3A_41 : memref<125x80xi32, #tpu.memory_space<hbm>>) target(%arg7 : memref<125x80xi32, #tpu.memory_space<vmem>>) target_semaphore(%run_scoped3A : memref<!tpu.dma_semaphore, #tpu.memory_space<semaphore_mem>>)
      %dma_wait3A = arith.constant 0 : i32
      %dma_wait3A_42 = arith.constant 0 : i32
      %dma_wait3A_43 = tpu.memref_slice %arg2[%add3A, %dma_wait3A, %dma_wait3A_42] : memref<32x125x80xi32, #tpu.memory_space<hbm>> -> memref<1x125x80xi32, #tpu.memory_space<hbm>>
      %dma_wait3A_44 = tpu.memref_squeeze %dma_wait3A_43 : memref<1x125x80xi32, #tpu.memory_space<hbm>> -> memref<125x80xi32, #tpu.memory_space<hbm>>
      %dma_wait3A_45 = arith.constant 0 : i32
      %dma_wait3A_46 = arith.constant 0 : i32
      %dma_wait3A_47 = tpu.memref_slice %arg2[%add3A, %dma_wait3A_45, %dma_wait3A_46] : memref<32x125x80xi32, #tpu.memory_space<hbm>> -> memref<1x125x80xi32, #tpu.memory_space<hbm>>
      %dma_wait3A_48 = tpu.memref_squeeze %dma_wait3A_47 : memref<1x125x80xi32, #tpu.memory_space<hbm>> -> memref<125x80xi32, #tpu.memory_space<hbm>>
      tpu.wait_dma2 semaphore(%run_scoped3A : memref<!tpu.dma_semaphore, #tpu.memory_space<semaphore_mem>>) src(%dma_wait3A_48 : memref<125x80xi32, #tpu.memory_space<hbm>>) dst(%arg7 : memref<125x80xi32, #tpu.memory_space<vmem>>)
      tpu.yield
    }) : () -> ()
    %scan3A = arith.constant 0 : i32
    %scan3A_1 = arith.constant 0 : i32
    %scan3A_2 = arith.constant 80 : i32
    %scan3A_3 = arith.addi %scan3A_1, %scan3A_2 : i32
    %scan3A_4 = arith.constant 1 : i32
    scf.for %scan3A_35 = %scan3A_1 to %scan3A_3 step %scan3A_4  : i32 {
      %broadcast_in_dim3A = arith.constant 1.000000e+00 : f32
      %broadcast_in_dim3A_36 = vector.broadcast %broadcast_in_dim3A : f32 to vector<16xf32>
      %swap3A = arith.index_cast %scan3A_35 : i32 to index
      %swap3A_37 = arith.constant 0 : index
      %swap3A_38 = tpu.vector_load %arg5[%swap3A, %swap3A_37] {strides = array<i32>} : memref<80x16xf32, #tpu.memory_space<vmem>>, vector<1x16xf32>,
      %swap3A_39 = vector.shape_cast %swap3A_38 : vector<1x16xf32> to vector<16xf32>
      %swap3A_40 = vector.shape_cast %broadcast_in_dim3A_36 : vector<16xf32> to vector<1x16xf32>
      tpu.vector_store %arg5[%swap3A, %swap3A_37], %swap3A_40 {strides = array<i32>} : memref<80x16xf32, #tpu.memory_space<vmem>>, vector<1x16xf32>,
    }
    %scan3A_5 = arith.constant 80 : i32
    %scan3A_6 = arith.constant 0 : i32
    %scan3A_7 = arith.constant 0 : i32
    %scan3A_8 = arith.constant 640 : i32
    %scan3A_9 = arith.addi %scan3A_7, %scan3A_8 : i32
    %scan3A_10 = arith.constant 1 : i32
    scf.for %scan3A_35 = %scan3A_7 to %scan3A_9 step %scan3A_10  : i32 {
      %broadcast_in_dim3A = arith.constant 0.000000e+00 : f32
      %broadcast_in_dim3A_36 = vector.broadcast %broadcast_in_dim3A : f32 to vector<16xf32>
      %swap3A = arith.index_cast %scan3A_35 : i32 to index
      %swap3A_37 = arith.constant 0 : index
      %swap3A_38 = tpu.vector_load %arg6[%swap3A, %swap3A_37] {strides = array<i32>} : memref<640x16xf32, #tpu.memory_space<vmem>>, vector<1x16xf32>,
      %swap3A_39 = vector.shape_cast %swap3A_38 : vector<1x16xf32> to vector<16xf32>
      %swap3A_40 = vector.shape_cast %broadcast_in_dim3A_36 : vector<16xf32> to vector<1x16xf32>
      tpu.vector_store %arg6[%swap3A, %swap3A_37], %swap3A_40 {strides = array<i32>} : memref<640x16xf32, #tpu.memory_space<vmem>>, vector<1x16xf32>,
    }
    %scan3A_11 = arith.constant 640 : i32
    %lt3A = arith.constant 15 : i32
    %lt3A_12 = arith.cmpi slt, %arg1, %lt3A : i32
    %convert_element_type3A = arith.extui %lt3A_12 : i1 to i32
    %cond3A = arith.constant 0 : i32
    %cond3A_13 = arith.cmpi ne, %convert_element_type3A, %cond3A : i32
    scf.if %cond3A_13 {
      %mul3A_35 = arith.constant 624 : i32
      %mul3A_36 = arith.muli %arg1, %mul3A_35 : i32
      %multiple_of3A = tpu.assume_multiple %mul3A_36, 8 : i32
      "tpu.region"() ({
        %run_scoped3A = tpu.sem_alloc : memref<!tpu.dma_semaphore, #tpu.memory_space<semaphore_mem>>
        %dma_start3A = arith.constant 0 : i32
        %dma_start3A_37 = arith.constant 0 : i32
        %dma_start3A_38 = tpu.memref_slice %arg6[%dma_start3A, %dma_start3A_37] : memref<640x16xf32, #tpu.memory_space<vmem>> -> memref<624x16xf32, #tpu.memory_space<vmem>>
        %dma_start3A_39 = arith.constant 0 : i32
        %dma_start3A_40 = tpu.memref_slice %arg4[%multiple_of3A, %dma_start3A_39] : memref<10000x16xf32, #tpu.memory_space<vmem_shared>> -> memref<624x16xf32, #tpu.memory_space<vmem_shared>>
        %dma_start3A_41 = arith.constant 0 : i32
        %dma_start3A_42 = tpu.memref_slice %arg4[%multiple_of3A, %dma_start3A_41] : memref<10000x16xf32, #tpu.memory_space<vmem_shared>> -> memref<624x16xf32, #tpu.memory_space<vmem_shared>>
        %dma_start3A_43 = arith.constant 0 : i32
        %dma_start3A_44 = arith.constant 0 : i32
        %dma_start3A_45 = tpu.memref_slice %arg6[%dma_start3A_43, %dma_start3A_44] : memref<640x16xf32, #tpu.memory_space<vmem>> -> memref<624x16xf32, #tpu.memory_space<vmem>>
        tpu.enqueue_dma source(%dma_start3A_45 : memref<624x16xf32, #tpu.memory_space<vmem>>) target(%dma_start3A_42 : memref<624x16xf32, #tpu.memory_space<vmem_shared>>) target_semaphore(%run_scoped3A : memref<!tpu.dma_semaphore, #tpu.memory_space<semaphore_mem>>)
        %dma_wait3A = arith.constant 0 : i32
        %dma_wait3A_46 = arith.constant 0 : i32
        %dma_wait3A_47 = tpu.memref_slice %arg6[%dma_wait3A, %dma_wait3A_46] : memref<640x16xf32, #tpu.memory_space<vmem>> -> memref<624x16xf32, #tpu.memory_space<vmem>>
        %dma_wait3A_48 = arith.constant 0 : i32
        %dma_wait3A_49 = tpu.memref_slice %arg4[%multiple_of3A, %dma_wait3A_48] : memref<10000x16xf32, #tpu.memory_space<vmem_shared>> -> memref<624x16xf32, #tpu.memory_space<vmem_shared>>
        %dma_wait3A_50 = arith.constant 0 : i32
        %dma_wait3A_51 = tpu.memref_slice %arg4[%multiple_of3A, %dma_wait3A_50] : memref<10000x16xf32, #tpu.memory_space<vmem_shared>> -> memref<624x16xf32, #tpu.memory_space<vmem_shared>>
        %dma_wait3A_52 = arith.constant 0 : i32
        %dma_wait3A_53 = arith.constant 0 : i32
        %dma_wait3A_54 = tpu.memref_slice %arg6[%dma_wait3A_52, %dma_wait3A_53] : memref<640x16xf32, #tpu.memory_space<vmem>> -> memref<624x16xf32, #tpu.memory_space<vmem>>
        tpu.wait_dma2 semaphore(%run_scoped3A : memref<!tpu.dma_semaphore, #tpu.memory_space<semaphore_mem>>) src(%dma_wait3A_54 : memref<624x16xf32, #tpu.memory_space<vmem>>) dst(%dma_wait3A_51 : memref<624x16xf32, #tpu.memory_space<vmem_shared>>)
        tpu.yield
      }) : () -> ()
    } else {
    }
    %eq3A = arith.constant 15 : i32
    %eq3A_14 = arith.cmpi eq, %arg1, %eq3A : i32
    %convert_element_type3A_15 = arith.extui %eq3A_14 : i1 to i32
    %cond3A_16 = arith.constant 0 : i32
    %cond3A_17 = arith.cmpi ne, %convert_element_type3A_15, %cond3A_16 : i32
    scf.if %cond3A_17 {
      "tpu.region"() ({
        %run_scoped3A = tpu.sem_alloc : memref<!tpu.dma_semaphore, #tpu.memory_space<semaphore_mem>>
        %dma_start3A = arith.constant 0 : i32
        %dma_start3A_35 = arith.constant 0 : i32
        %dma_start3A_36 = tpu.memref_slice %arg6[%dma_start3A, %dma_start3A_35] : memref<640x16xf32, #tpu.memory_space<vmem>> -> memref<640x16xf32, #tpu.memory_space<vmem>>
        %dma_start3A_37 = arith.constant 9360 : i32
        %dma_start3A_38 = arith.constant 0 : i32
        %dma_start3A_39 = tpu.memref_slice %arg4[%dma_start3A_37, %dma_start3A_38] : memref<10000x16xf32, #tpu.memory_space<vmem_shared>> -> memref<640x16xf32, #tpu.memory_space<vmem_shared>>
        %dma_start3A_40 = arith.constant 9360 : i32
        %dma_start3A_41 = arith.constant 0 : i32
        %dma_start3A_42 = tpu.memref_slice %arg4[%dma_start3A_40, %dma_start3A_41] : memref<10000x16xf32, #tpu.memory_space<vmem_shared>> -> memref<640x16xf32, #tpu.memory_space<vmem_shared>>
        %dma_start3A_43 = arith.constant 0 : i32
        %dma_start3A_44 = arith.constant 0 : i32
        %dma_start3A_45 = tpu.memref_slice %arg6[%dma_start3A_43, %dma_start3A_44] : memref<640x16xf32, #tpu.memory_space<vmem>> -> memref<640x16xf32, #tpu.memory_space<vmem>>
        tpu.enqueue_dma source(%dma_start3A_45 : memref<640x16xf32, #tpu.memory_space<vmem>>) target(%dma_start3A_42 : memref<640x16xf32, #tpu.memory_space<vmem_shared>>) target_semaphore(%run_scoped3A : memref<!tpu.dma_semaphore, #tpu.memory_space<semaphore_mem>>)
        %dma_wait3A = arith.constant 0 : i32
        %dma_wait3A_46 = arith.constant 0 : i32
        %dma_wait3A_47 = tpu.memref_slice %arg6[%dma_wait3A, %dma_wait3A_46] : memref<640x16xf32, #tpu.memory_space<vmem>> -> memref<640x16xf32, #tpu.memory_space<vmem>>
        %dma_wait3A_48 = arith.constant 9360 : i32
        %dma_wait3A_49 = arith.constant 0 : i32
        %dma_wait3A_50 = tpu.memref_slice %arg4[%dma_wait3A_48, %dma_wait3A_49] : memref<10000x16xf32, #tpu.memory_space<vmem_shared>> -> memref<640x16xf32, #tpu.memory_space<vmem_shared>>
        %dma_wait3A_51 = arith.constant 9360 : i32
        %dma_wait3A_52 = arith.constant 0 : i32
        %dma_wait3A_53 = tpu.memref_slice %arg4[%dma_wait3A_51, %dma_wait3A_52] : memref<10000x16xf32, #tpu.memory_space<vmem_shared>> -> memref<640x16xf32, #tpu.memory_space<vmem_shared>>
        %dma_wait3A_54 = arith.constant 0 : i32
        %dma_wait3A_55 = arith.constant 0 : i32
        %dma_wait3A_56 = tpu.memref_slice %arg6[%dma_wait3A_54, %dma_wait3A_55] : memref<640x16xf32, #tpu.memory_space<vmem>> -> memref<640x16xf32, #tpu.memory_space<vmem>>
        tpu.wait_dma2 semaphore(%run_scoped3A : memref<!tpu.dma_semaphore, #tpu.memory_space<semaphore_mem>>) src(%dma_wait3A_56 : memref<640x16xf32, #tpu.memory_space<vmem>>) dst(%dma_wait3A_53 : memref<640x16xf32, #tpu.memory_space<vmem_shared>>)
        tpu.yield
      }) : () -> ()
    } else {
    }
    %barrier3A = arith.constant 0 : index
    tpu.barrier barrier_id(%barrier3A)
    %scan3A_18 = arith.constant 0 : i32
    %scan3A_19 = arith.constant 0 : i32
    %scan3A_20 = arith.constant 125 : i32
    %scan3A_21 = arith.addi %scan3A_19, %scan3A_20 : i32
    %scan3A_22 = arith.constant 1 : i32
    scf.for %scan3A_35 = %scan3A_19 to %scan3A_21 step %scan3A_22  : i32 {
      "tpu.region"() ({
        %run_scoped3A = tpu.sem_alloc : memref<!tpu.dma_semaphore, #tpu.memory_space<semaphore_mem>>
        %dma_start3A = arith.constant 0 : i32
        %dma_start3A_36 = tpu.memref_slice %arg7[%scan3A_35, %dma_start3A] : memref<125x80xi32, #tpu.memory_space<vmem>> -> memref<1x80xi32, #tpu.memory_space<vmem>>
        %dma_start3A_37 = tpu.memref_squeeze %dma_start3A_36 : memref<1x80xi32, #tpu.memory_space<vmem>> -> memref<80xi32, #tpu.memory_space<vmem>>
        %dma_start3A_38 = arith.constant 0 : i32
        %dma_start3A_39 = arith.constant 0 : i32
        %dma_start3A_40 = tpu.memref_slice %arg4[%dma_start3A_38, %dma_start3A_39] : memref<10000x16xf32, #tpu.memory_space<vmem_shared>> -> memref<10000x16xf32, #tpu.memory_space<vmem_shared>>
        tpu.enqueue_indirect_dma source(%arg5 : memref<80x16xf32, #tpu.memory_space<vmem>>) target(%dma_start3A_40 : memref<10000x16xf32, #tpu.memory_space<vmem_shared>>) offsets(%dma_start3A_37 : memref<80xi32, #tpu.memory_space<vmem>>) semaphore(%run_scoped3A : memref<!tpu.dma_semaphore, #tpu.memory_space<semaphore_mem>>) {add = true}
        %dma_wait3A = arith.constant 0 : i32
        %dma_wait3A_41 = tpu.memref_slice %arg7[%scan3A_35, %dma_wait3A] : memref<125x80xi32, #tpu.memory_space<vmem>> -> memref<1x80xi32, #tpu.memory_space<vmem>>
        %dma_wait3A_42 = tpu.memref_squeeze %dma_wait3A_41 : memref<1x80xi32, #tpu.memory_space<vmem>> -> memref<80xi32, #tpu.memory_space<vmem>>
        %dma_wait3A_43 = arith.constant 0 : i32
        %dma_wait3A_44 = arith.constant 0 : i32
        %dma_wait3A_45 = tpu.memref_slice %arg4[%dma_wait3A_43, %dma_wait3A_44] : memref<10000x16xf32, #tpu.memory_space<vmem_shared>> -> memref<10000x16xf32, #tpu.memory_space<vmem_shared>>
        tpu.wait_indirect_dma semaphore(%run_scoped3A : memref<!tpu.dma_semaphore, #tpu.memory_space<semaphore_mem>>) src(%arg5 : memref<80x16xf32, #tpu.memory_space<vmem>>) dst(%dma_wait3A_45 : memref<10000x16xf32, #tpu.memory_space<vmem_shared>>)
        tpu.yield
      }) : () -> ()
    }
    %scan3A_23 = arith.constant 125 : i32
    %barrier3A_24 = arith.constant 0 : index
    tpu.barrier barrier_id(%barrier3A_24)
    %lt3A_25 = arith.constant 15 : i32
    %lt3A_26 = arith.cmpi slt, %arg1, %lt3A_25 : i32
    %convert_element_type3A_27 = arith.extui %lt3A_26 : i1 to i32
    %cond3A_28 = arith.constant 0 : i32
    %cond3A_29 = arith.cmpi ne, %convert_element_type3A_27, %cond3A_28 : i32
    scf.if %cond3A_29 {
      %mul3A_35 = arith.constant 624 : i32
      %mul3A_36 = arith.muli %arg1, %mul3A_35 : i32
      %multiple_of3A = tpu.assume_multiple %mul3A_36, 8 : i32
      "tpu.region"() ({
        %run_scoped3A = tpu.sem_alloc : memref<!tpu.dma_semaphore, #tpu.memory_space<semaphore_mem>>
        %dma_start3A = arith.constant 0 : i32
        %dma_start3A_37 = tpu.memref_slice %arg3[%arg0, %multiple_of3A, %dma_start3A] : memref<2x10000x16xf32, #tpu.memory_space<hbm>> -> memref<1x624x16xf32, #tpu.memory_space<hbm>>
        %dma_start3A_38 = tpu.memref_squeeze %dma_start3A_37 : memref<1x624x16xf32, #tpu.memory_space<hbm>> -> memref<624x16xf32, #tpu.memory_space<hbm>>
        %dma_start3A_39 = arith.constant 0 : i32
        %dma_start3A_40 = tpu.memref_slice %arg4[%multiple_of3A, %dma_start3A_39] : memref<10000x16xf32, #tpu.memory_space<vmem_shared>> -> memref<624x16xf32, #tpu.memory_space<vmem_shared>>
        tpu.enqueue_dma source(%dma_start3A_40 : memref<624x16xf32, #tpu.memory_space<vmem_shared>>) target(%dma_start3A_38 : memref<624x16xf32, #tpu.memory_space<hbm>>) target_semaphore(%run_scoped3A : memref<!tpu.dma_semaphore, #tpu.memory_space<semaphore_mem>>)
        %dma_wait3A = arith.constant 0 : i32
        %dma_wait3A_41 = tpu.memref_slice %arg3[%arg0, %multiple_of3A, %dma_wait3A] : memref<2x10000x16xf32, #tpu.memory_space<hbm>> -> memref<1x624x16xf32, #tpu.memory_space<hbm>>
        %dma_wait3A_42 = tpu.memref_squeeze %dma_wait3A_41 : memref<1x624x16xf32, #tpu.memory_space<hbm>> -> memref<624x16xf32, #tpu.memory_space<hbm>>
        %dma_wait3A_43 = arith.constant 0 : i32
        %dma_wait3A_44 = tpu.memref_slice %arg4[%multiple_of3A, %dma_wait3A_43] : memref<10000x16xf32, #tpu.memory_space<vmem_shared>> -> memref<624x16xf32, #tpu.memory_space<vmem_shared>>
        tpu.wait_dma2 semaphore(%run_scoped3A : memref<!tpu.dma_semaphore, #tpu.memory_space<semaphore_mem>>) src(%dma_wait3A_44 : memref<624x16xf32, #tpu.memory_space<vmem_shared>>) dst(%dma_wait3A_42 : memref<624x16xf32, #tpu.memory_space<hbm>>)
        tpu.yield
      }) : () -> ()
    } else {
    }
    %eq3A_30 = arith.constant 15 : i32
    %eq3A_31 = arith.cmpi eq, %arg1, %eq3A_30 : i32
    %convert_element_type3A_32 = arith.extui %eq3A_31 : i1 to i32
    %cond3A_33 = arith.constant 0 : i32
    %cond3A_34 = arith.cmpi ne, %convert_element_type3A_32, %cond3A_33 : i32
    scf.if %cond3A_34 {
      "tpu.region"() ({
        %run_scoped3A = tpu.sem_alloc : memref<!tpu.dma_semaphore, #tpu.memory_space<semaphore_mem>>
        %dma_start3A = arith.constant 9360 : i32
        %dma_start3A_35 = arith.constant 0 : i32
        %dma_start3A_36 = tpu.memref_slice %arg3[%arg0, %dma_start3A, %dma_start3A_35] : memref<2x10000x16xf32, #tpu.memory_space<hbm>> -> memref<1x640x16xf32, #tpu.memory_space<hbm>>
        %dma_start3A_37 = tpu.memref_squeeze %dma_start3A_36 : memref<1x640x16xf32, #tpu.memory_space<hbm>> -> memref<640x16xf32, #tpu.memory_space<hbm>>
        %dma_start3A_38 = arith.constant 9360 : i32
        %dma_start3A_39 = arith.constant 0 : i32
        %dma_start3A_40 = tpu.memref_slice %arg4[%dma_start3A_38, %dma_start3A_39] : memref<10000x16xf32, #tpu.memory_space<vmem_shared>> -> memref<640x16xf32, #tpu.memory_space<vmem_shared>>
        tpu.enqueue_dma source(%dma_start3A_40 : memref<640x16xf32, #tpu.memory_space<vmem_shared>>) target(%dma_start3A_37 : memref<640x16xf32, #tpu.memory_space<hbm>>) target_semaphore(%run_scoped3A : memref<!tpu.dma_semaphore, #tpu.memory_space<semaphore_mem>>)
        %dma_wait3A = arith.constant 9360 : i32
        %dma_wait3A_41 = arith.constant 0 : i32
        %dma_wait3A_42 = tpu.memref_slice %arg3[%arg0, %dma_wait3A, %dma_wait3A_41] : memref<2x10000x16xf32, #tpu.memory_space<hbm>> -> memref<1x640x16xf32, #tpu.memory_space<hbm>>
        %dma_wait3A_43 = tpu.memref_squeeze %dma_wait3A_42 : memref<1x640x16xf32, #tpu.memory_space<hbm>> -> memref<640x16xf32, #tpu.memory_space<hbm>>
        %dma_wait3A_44 = arith.constant 9360 : i32
        %dma_wait3A_45 = arith.constant 0 : i32
        %dma_wait3A_46 = tpu.memref_slice %arg4[%dma_wait3A_44, %dma_wait3A_45] : memref<10000x16xf32, #tpu.memory_space<vmem_shared>> -> memref<640x16xf32, #tpu.memory_space<vmem_shared>>
        tpu.wait_dma2 semaphore(%run_scoped3A : memref<!tpu.dma_semaphore, #tpu.memory_space<semaphore_mem>>) src(%dma_wait3A_46 : memref<640x16xf32, #tpu.memory_space<vmem_shared>>) dst(%dma_wait3A_43 : memref<640x16xf32, #tpu.memory_space<hbm>>)
        tpu.yield
      }) : () -> ()
    } else {
    }
    return
  }
}

module attributes {stable_mosaic.version = 14 : i64} {
  func.func @_tc_prep_body(%arg0: i32, %arg1: memref<1000x128xf32, #tpu.memory_space<vmem>>, %arg2: memref<2x1000x16xf32, #tpu.memory_space<vmem>>, %arg3: memref<1000x144xf32, #tpu.memory_space<vmem>>) attributes {dimension_semantics = [#tpu.dimension_semantics<arbitrary>], iteration_bounds = array<i64: 10>, scalar_prefetch = 0 : i64, scratch_operands = 0 : i64, tpu.core_type = #tpu.core_type<tc>, window_params = [{transform_indices = @transform_0, window_bounds = array<i64: 1000, 128>}, {transform_indices = @transform_1, window_bounds = array<i64: 2, 1000, 16>}, {transform_indices = @transform_2, window_bounds = array<i64: 1000, 144>}]} {
    %get3A = arith.constant 0 : index
    %get3A_0 = arith.constant 0 : index
    %get3A_1 = arith.constant 0 : index
    %get3A_2 = vector.load %arg2[%get3A, %get3A_0, %get3A_1] : memref<2x1000x16xf32, #tpu.memory_space<vmem>>, vector<1x1000x1xf32>
    %get3A_3 = vector.shape_cast %get3A_2 : vector<1x1000x1xf32> to vector<1000x1xf32>
    %get3A_4 = arith.constant 1 : index
    %get3A_5 = arith.constant 0 : index
    %get3A_6 = arith.constant 0 : index
    %get3A_7 = vector.load %arg2[%get3A_4, %get3A_5, %get3A_6] : memref<2x1000x16xf32, #tpu.memory_space<vmem>>, vector<1x1000x1xf32>
    %get3A_8 = vector.shape_cast %get3A_7 : vector<1x1000x1xf32> to vector<1000x1xf32>
    %add3A = arith.addf %get3A_3, %get3A_8 : vector<1000x1xf32>
    %add3A_9 = arith.constant 1.000000e+00 : f32
    %add3A_10 = vector.broadcast %add3A_9 : f32 to vector<1000x1xf32>
    %add3A_11 = arith.addf %add3A, %add3A_10 : vector<1000x1xf32>
    %rsqrt3A = math.rsqrt %add3A_11 : vector<1000x1xf32>
    %get3A_12 = arith.constant 0 : index
    %get3A_13 = arith.constant 0 : index
    %get3A_14 = vector.load %arg1[%get3A_12, %get3A_13] : memref<1000x128xf32, #tpu.memory_space<vmem>>, vector<1000x128xf32>
    %mul3A = vector.broadcast %rsqrt3A : vector<1000x1xf32> to vector<1000x128xf32>
    %mul3A_15 = arith.mulf %get3A_14, %mul3A : vector<1000x128xf32>
    %broadcast_in_dim3A = arith.constant 0.000000e+00 : f32
    %broadcast_in_dim3A_16 = vector.broadcast %broadcast_in_dim3A : f32 to vector<1000x15xf32>
    %concatenate3A = tpu.concatenate %mul3A_15, %rsqrt3A, %broadcast_in_dim3A_16 in 1 : vector<1000x128xf32>, vector<1000x1xf32>, vector<1000x15xf32> -> vector<1000x144xf32>
    %swap3A = arith.constant 0 : index
    %swap3A_17 = arith.constant 0 : index
    %swap3A_18 = vector.load %arg3[%swap3A, %swap3A_17] : memref<1000x144xf32, #tpu.memory_space<vmem>>, vector<1000x144xf32>
    tpu.vector_store %arg3[%swap3A, %swap3A_17], %concatenate3A {strides = array<i32>} : memref<1000x144xf32, #tpu.memory_space<vmem>>, vector<1000x144xf32>,
    return
  }
  func.func @transform_0(%arg0: i32) -> (i32, i32) {
    %c0_i32 = arith.constant 0 : i32
    %c0_i32_0 = arith.constant 0 : i32
    return %arg0, %c0_i32 : i32, i32
  }
  func.func @transform_1(%arg0: i32) -> (i32, i32, i32) {
    %c0_i32 = arith.constant 0 : i32
    %c0_i32_0 = arith.constant 0 : i32
    %c0_i32_1 = arith.constant 0 : i32
    return %c0_i32, %arg0, %c0_i32_0 : i32, i32, i32
  }
  func.func @transform_2(%arg0: i32) -> (i32, i32) {
    %c0_i32 = arith.constant 0 : i32
    %c0_i32_0 = arith.constant 0 : i32
    return %arg0, %c0_i32 : i32, i32
  }
}

module attributes {stable_mosaic.version = 14 : i64} {
  func.func @_tc_mid_body(%arg0: i32, %arg1: memref<2x1000x144xf32, #tpu.memory_space<vmem>>, %arg2: memref<1000x144xf32, #tpu.memory_space<vmem>>, %arg3: memref<2x1000x16xf32, #tpu.memory_space<vmem>>, %arg4: memref<1000x144xf32, #tpu.memory_space<vmem>>) attributes {dimension_semantics = [#tpu.dimension_semantics<arbitrary>], iteration_bounds = array<i64: 10>, scalar_prefetch = 0 : i64, scratch_operands = 0 : i64, tpu.core_type = #tpu.core_type<tc>, window_params = [{transform_indices = @transform_0, window_bounds = array<i64: 2, 1000, 144>}, {transform_indices = @transform_1, window_bounds = array<i64: 1000, 144>}, {transform_indices = @transform_2, window_bounds = array<i64: 2, 1000, 16>}, {transform_indices = @transform_3, window_bounds = array<i64: 1000, 144>}]} {
    %get3A = arith.constant 0 : index
    %get3A_0 = arith.constant 0 : index
    %get3A_1 = arith.constant 0 : index
    %get3A_2 = vector.load %arg3[%get3A, %get3A_0, %get3A_1] : memref<2x1000x16xf32, #tpu.memory_space<vmem>>, vector<1x1000x1xf32>
    %get3A_3 = vector.shape_cast %get3A_2 : vector<1x1000x1xf32> to vector<1000x1xf32>
    %get3A_4 = arith.constant 1 : index
    %get3A_5 = arith.constant 0 : index
    %get3A_6 = arith.constant 0 : index
    %get3A_7 = vector.load %arg3[%get3A_4, %get3A_5, %get3A_6] : memref<2x1000x16xf32, #tpu.memory_space<vmem>>, vector<1x1000x1xf32>
    %get3A_8 = vector.shape_cast %get3A_7 : vector<1x1000x1xf32> to vector<1000x1xf32>
    %add3A = arith.addf %get3A_3, %get3A_8 : vector<1000x1xf32>
    %add3A_9 = arith.constant 1.000000e+00 : f32
    %add3A_10 = vector.broadcast %add3A_9 : f32 to vector<1000x1xf32>
    %add3A_11 = arith.addf %add3A, %add3A_10 : vector<1000x1xf32>
    %rsqrt3A = math.rsqrt %add3A_11 : vector<1000x1xf32>
    %div3A = arith.constant 1.000000e+00 : f32
    %div3A_12 = vector.broadcast %div3A : f32 to vector<1000x1xf32>
    %div3A_13 = arith.divf %div3A_12, %add3A_11 : vector<1000x1xf32>
    %get3A_14 = arith.constant 0 : index
    %get3A_15 = arith.constant 0 : index
    %get3A_16 = arith.constant 0 : index
    %get3A_17 = vector.load %arg1[%get3A_14, %get3A_15, %get3A_16] : memref<2x1000x144xf32, #tpu.memory_space<vmem>>, vector<1x1000x144xf32>
    %get3A_18 = vector.shape_cast %get3A_17 : vector<1x1000x144xf32> to vector<1000x144xf32>
    %get3A_19 = arith.constant 1 : index
    %get3A_20 = arith.constant 0 : index
    %get3A_21 = arith.constant 0 : index
    %get3A_22 = vector.load %arg1[%get3A_19, %get3A_20, %get3A_21] : memref<2x1000x144xf32, #tpu.memory_space<vmem>>, vector<1x1000x144xf32>
    %get3A_23 = vector.shape_cast %get3A_22 : vector<1x1000x144xf32> to vector<1000x144xf32>
    %add3A_24 = arith.addf %get3A_18, %get3A_23 : vector<1000x144xf32>
    %get3A_25 = arith.constant 0 : index
    %get3A_26 = arith.constant 0 : index
    %get3A_27 = vector.load %arg2[%get3A_25, %get3A_26] : memref<1000x144xf32, #tpu.memory_space<vmem>>, vector<1000x144xf32>
    %add3A_28 = arith.addf %add3A_24, %get3A_27 : vector<1000x144xf32>
    %slice3A = vector.extract_strided_slice %add3A_28 {offsets = [0, 0], sizes = [1000, 128], strides = [1, 1]} : vector<1000x144xf32> to vector<1000x128xf32>
    %mul3A = vector.broadcast %div3A_13 : vector<1000x1xf32> to vector<1000x128xf32>
    %mul3A_29 = arith.mulf %mul3A, %slice3A : vector<1000x128xf32>
    %broadcast_in_dim3A = arith.constant 0.000000e+00 : f32
    %broadcast_in_dim3A_30 = vector.broadcast %broadcast_in_dim3A : f32 to vector<1000x1xf32>
    %slice3A_31 = vector.extract_strided_slice %add3A_28 {offsets = [0, 128], sizes = [1000, 1], strides = [1, 1]} : vector<1000x144xf32> to vector<1000x1xf32>
    %mul3A_32 = arith.mulf %rsqrt3A, %slice3A_31 : vector<1000x1xf32>
    %broadcast_in_dim3A_33 = arith.constant 0.000000e+00 : f32
    %broadcast_in_dim3A_34 = vector.broadcast %broadcast_in_dim3A_33 : f32 to vector<1000x13xf32>
    %concatenate3A = tpu.concatenate %mul3A_29, %broadcast_in_dim3A_30, %rsqrt3A, %mul3A_32, %broadcast_in_dim3A_34 in 1 : vector<1000x128xf32>, vector<1000x1xf32>, vector<1000x1xf32>, vector<1000x1xf32>, vector<1000x13xf32> -> vector<1000x144xf32>
    %swap3A = arith.constant 0 : index
    %swap3A_35 = arith.constant 0 : index
    %swap3A_36 = vector.load %arg4[%swap3A, %swap3A_35] : memref<1000x144xf32, #tpu.memory_space<vmem>>, vector<1000x144xf32>
    tpu.vector_store %arg4[%swap3A, %swap3A_35], %concatenate3A {strides = array<i32>} : memref<1000x144xf32, #tpu.memory_space<vmem>>, vector<1000x144xf32>,
    return
  }
  func.func @transform_0(%arg0: i32) -> (i32, i32, i32) {
    %c0_i32 = arith.constant 0 : i32
    %c0_i32_0 = arith.constant 0 : i32
    %c0_i32_1 = arith.constant 0 : i32
    return %c0_i32, %arg0, %c0_i32_0 : i32, i32, i32
  }
  func.func @transform_1(%arg0: i32) -> (i32, i32) {
    %c0_i32 = arith.constant 0 : i32
    %c0_i32_0 = arith.constant 0 : i32
    return %arg0, %c0_i32 : i32, i32
  }
  func.func @transform_2(%arg0: i32) -> (i32, i32, i32) {
    %c0_i32 = arith.constant 0 : i32
    %c0_i32_0 = arith.constant 0 : i32
    %c0_i32_1 = arith.constant 0 : i32
    return %c0_i32, %arg0, %c0_i32_0 : i32, i32, i32
  }
  func.func @transform_3(%arg0: i32) -> (i32, i32) {
    %c0_i32 = arith.constant 0 : i32
    %c0_i32_0 = arith.constant 0 : i32
    return %arg0, %c0_i32 : i32, i32
  }
}

module attributes {stable_mosaic.version = 14 : i64} {
  func.func @_tc_final_body(%arg0: i32, %arg1: memref<2x1000x144xf32, #tpu.memory_space<vmem>>, %arg2: memref<1000x144xf32, #tpu.memory_space<vmem>>, %arg3: memref<128x500xf32, #tpu.memory_space<vmem>>, %arg4: memref<500x250xf32, #tpu.memory_space<vmem>>, %arg5: memref<250x130xf32, #tpu.memory_space<vmem>>, %arg6: memref<1x500xf32, #tpu.memory_space<vmem>>, %arg7: memref<1x250xf32, #tpu.memory_space<vmem>>, %arg8: memref<1x130xf32, #tpu.memory_space<vmem>>, %arg9: memref<1000x1xf32, #tpu.memory_space<vmem>>, %arg10: memref<1000x1xf32, #tpu.memory_space<vmem>>, %arg11: memref<1000x64xf32, #tpu.memory_space<vmem>>, %arg12: memref<1000x64xf32, #tpu.memory_space<vmem>>) attributes {dimension_semantics = [#tpu.dimension_semantics<arbitrary>], iteration_bounds = array<i64: 10>, scalar_prefetch = 0 : i64, scratch_operands = 0 : i64, tpu.core_type = #tpu.core_type<tc>, window_params = [{transform_indices = @transform_0, window_bounds = array<i64: 2, 1000, 144>}, {transform_indices = @transform_1, window_bounds = array<i64: 1000, 144>}, {pipeline_mode = #tpu.pipeline_mode<synchronous>, transform_indices = @transform_2, window_bounds = array<i64: 128, 500>}, {pipeline_mode = #tpu.pipeline_mode<synchronous>, transform_indices = @transform_3, window_bounds = array<i64: 500, 250>}, {pipeline_mode = #tpu.pipeline_mode<synchronous>, transform_indices = @transform_4, window_bounds = array<i64: 250, 130>}, {pipeline_mode = #tpu.pipeline_mode<synchronous>, transform_indices = @transform_5, window_bounds = array<i64: 1, 500>}, {pipeline_mode = #tpu.pipeline_mode<synchronous>, transform_indices = @transform_6, window_bounds = array<i64: 1, 250>}, {pipeline_mode = #tpu.pipeline_mode<synchronous>, transform_indices = @transform_7, window_bounds = array<i64: 1, 130>}, {transform_indices = @transform_8, window_bounds = array<i64: 1000, 1>}, {transform_indices = @transform_9, window_bounds = array<i64: 1000, 1>}, {transform_indices = @transform_10, window_bounds = array<i64: 1000, 64>}, {transform_indices = @transform_11, window_bounds = array<i64: 1000, 64>}]} {
    %get3A = arith.constant 0 : index
    %get3A_0 = arith.constant 0 : index
    %get3A_1 = vector.load %arg3[%get3A, %get3A_0] : memref<128x500xf32, #tpu.memory_space<vmem>>, vector<128x500xf32>
    %get3A_2 = arith.constant 0 : index
    %get3A_3 = arith.constant 0 : index
    %get3A_4 = vector.load %arg4[%get3A_2, %get3A_3] : memref<500x250xf32, #tpu.memory_space<vmem>>, vector<500x250xf32>
    %dot_general3A = arith.constant dense<0.000000e+00> : vector<128x250xf32>
    %dot_general3A_5 = tpu.matmul %get3A_1, %get3A_4, %dot_general3A {dimension_numbers = #tpu.dot_dimension_numbers<[1], [0], [0], [1], [0, 0, 1, 1], [], []>, precision = #tpu.contract_precision<fp32>, transpose_lhs_hint = false} : vector<128x500xf32>, vector<500x250xf32>, vector<128x250xf32> -> vector<128x250xf32>
    %get3A_6 = arith.constant 0 : index
    %get3A_7 = arith.constant 0 : index
    %get3A_8 = vector.load %arg5[%get3A_6, %get3A_7] : memref<250x130xf32, #tpu.memory_space<vmem>>, vector<250x130xf32>
    %dot_general3A_9 = arith.constant dense<0.000000e+00> : vector<128x130xf32>
    %dot_general3A_10 = tpu.matmul %dot_general3A_5, %get3A_8, %dot_general3A_9 {dimension_numbers = #tpu.dot_dimension_numbers<[1], [0], [0], [1], [0, 0, 1, 1], [], []>, precision = #tpu.contract_precision<fp32>, transpose_lhs_hint = false} : vector<128x250xf32>, vector<250x130xf32>, vector<128x130xf32> -> vector<128x130xf32>
    %get3A_11 = arith.constant 0 : index
    %get3A_12 = arith.constant 0 : index
    %get3A_13 = vector.load %arg6[%get3A_11, %get3A_12] : memref<1x500xf32, #tpu.memory_space<vmem>>, vector<1x500xf32>
    %get3A_14 = arith.constant 0 : index
    %get3A_15 = arith.constant 0 : index
    %get3A_16 = vector.load %arg4[%get3A_14, %get3A_15] : memref<500x250xf32, #tpu.memory_space<vmem>>, vector<500x250xf32>
    %dot_general3A_17 = arith.constant dense<0.000000e+00> : vector<1x250xf32>
    %dot_general3A_18 = tpu.matmul %get3A_13, %get3A_16, %dot_general3A_17 {dimension_numbers = #tpu.dot_dimension_numbers<[1], [0], [0], [1], [0, 0, 1, 1], [], []>, precision = #tpu.contract_precision<fp32>, transpose_lhs_hint = false} : vector<1x500xf32>, vector<500x250xf32>, vector<1x250xf32> -> vector<1x250xf32>
    %get3A_19 = arith.constant 0 : index
    %get3A_20 = arith.constant 0 : index
    %get3A_21 = vector.load %arg5[%get3A_19, %get3A_20] : memref<250x130xf32, #tpu.memory_space<vmem>>, vector<250x130xf32>
    %dot_general3A_22 = arith.constant dense<0.000000e+00> : vector<1x130xf32>
    %dot_general3A_23 = tpu.matmul %dot_general3A_18, %get3A_21, %dot_general3A_22 {dimension_numbers = #tpu.dot_dimension_numbers<[1], [0], [0], [1], [0, 0, 1, 1], [], []>, precision = #tpu.contract_precision<fp32>, transpose_lhs_hint = false} : vector<1x250xf32>, vector<250x130xf32>, vector<1x130xf32> -> vector<1x130xf32>
    %get3A_24 = arith.constant 0 : index
    %get3A_25 = arith.constant 0 : index
    %get3A_26 = vector.load %arg7[%get3A_24, %get3A_25] : memref<1x250xf32, #tpu.memory_space<vmem>>, vector<1x250xf32>
    %get3A_27 = arith.constant 0 : index
    %get3A_28 = arith.constant 0 : index
    %get3A_29 = vector.load %arg5[%get3A_27, %get3A_28] : memref<250x130xf32, #tpu.memory_space<vmem>>, vector<250x130xf32>
    %dot_general3A_30 = arith.constant dense<0.000000e+00> : vector<1x130xf32>
    %dot_general3A_31 = tpu.matmul %get3A_26, %get3A_29, %dot_general3A_30 {dimension_numbers = #tpu.dot_dimension_numbers<[1], [0], [0], [1], [0, 0, 1, 1], [], []>, precision = #tpu.contract_precision<fp32>, transpose_lhs_hint = false} : vector<1x250xf32>, vector<250x130xf32>, vector<1x130xf32> -> vector<1x130xf32>
    %get3A_32 = arith.constant 0 : index
    %get3A_33 = arith.constant 0 : index
    %get3A_34 = vector.load %arg8[%get3A_32, %get3A_33] : memref<1x130xf32, #tpu.memory_space<vmem>>, vector<1x130xf32>
    %add3A = arith.addf %dot_general3A_31, %get3A_34 : vector<1x130xf32>
    %get3A_35 = arith.constant 0 : index
    %get3A_36 = arith.constant 0 : index
    %get3A_37 = vector.load %arg2[%get3A_35, %get3A_36] : memref<1000x144xf32, #tpu.memory_space<vmem>>, vector<1000x144xf32>
    %get3A_38 = arith.constant 0 : index
    %get3A_39 = arith.constant 0 : index
    %get3A_40 = arith.constant 0 : index
    %get3A_41 = vector.load %arg1[%get3A_38, %get3A_39, %get3A_40] : memref<2x1000x144xf32, #tpu.memory_space<vmem>>, vector<1x1000x144xf32>
    %get3A_42 = vector.shape_cast %get3A_41 : vector<1x1000x144xf32> to vector<1000x144xf32>
    %get3A_43 = arith.constant 1 : index
    %get3A_44 = arith.constant 0 : index
    %get3A_45 = arith.constant 0 : index
    %get3A_46 = vector.load %arg1[%get3A_43, %get3A_44, %get3A_45] : memref<2x1000x144xf32, #tpu.memory_space<vmem>>, vector<1x1000x144xf32>
    %get3A_47 = vector.shape_cast %get3A_46 : vector<1x1000x144xf32> to vector<1000x144xf32>
    %add3A_48 = arith.addf %get3A_42, %get3A_47 : vector<1000x144xf32>
    %add3A_49 = arith.addf %add3A_48, %get3A_37 : vector<1000x144xf32>
    %slice3A = vector.extract_strided_slice %get3A_37 {offsets = [0, 129], sizes = [1000, 1], strides = [1, 1]} : vector<1000x144xf32> to vector<1000x1xf32>
    %slice3A_50 = vector.extract_strided_slice %get3A_37 {offsets = [0, 130], sizes = [1000, 1], strides = [1, 1]} : vector<1000x144xf32> to vector<1000x1xf32>
    %slice3A_51 = vector.extract_strided_slice %add3A_49 {offsets = [0, 0], sizes = [1000, 128], strides = [1, 1]} : vector<1000x144xf32> to vector<1000x128xf32>
    %mul3A = vector.broadcast %slice3A : vector<1000x1xf32> to vector<1000x128xf32>
    %mul3A_52 = arith.mulf %mul3A, %slice3A_51 : vector<1000x128xf32>
    %dot_general3A_53 = arith.constant dense<0.000000e+00> : vector<1000x130xf32>
    %dot_general3A_54 = tpu.matmul %mul3A_52, %dot_general3A_10, %dot_general3A_53 {dimension_numbers = #tpu.dot_dimension_numbers<[1], [0], [0], [1], [0, 0, 1, 1], [], []>, precision = #tpu.contract_precision<fp32>, transpose_lhs_hint = false} : vector<1000x128xf32>, vector<128x130xf32>, vector<1000x130xf32> -> vector<1000x130xf32>
    %mul3A_55 = vector.broadcast %slice3A_50 : vector<1000x1xf32> to vector<1000x130xf32>
    %mul3A_56 = vector.broadcast %dot_general3A_23 : vector<1x130xf32> to vector<1000x130xf32>
    %mul3A_57 = arith.mulf %mul3A_55, %mul3A_56 : vector<1000x130xf32>
    %add3A_58 = arith.addf %dot_general3A_54, %mul3A_57 : vector<1000x130xf32>
    %add3A_59 = vector.broadcast %add3A : vector<1x130xf32> to vector<1000x130xf32>
    %add3A_60 = arith.addf %add3A_58, %add3A_59 : vector<1000x130xf32>
    %slice3A_61 = vector.extract_strided_slice %add3A_60 {offsets = [0, 0], sizes = [1000, 1], strides = [1, 1]} : vector<1000x130xf32> to vector<1000x1xf32>
    %max3A = arith.constant 0.000000e+00 : f32
    %max3A_62 = vector.broadcast %max3A : f32 to vector<1000x1xf32>
    %max3A_63 = arith.maximumf %slice3A_61, %max3A_62 : vector<1000x1xf32>
    %abs3A = math.absf %slice3A_61 : vector<1000x1xf32>
    %neg3A = arith.constant 0.000000e+00 : f32
    %neg3A_64 = vector.broadcast %neg3A : f32 to vector<1000x1xf32>
    %neg3A_65 = arith.subf %neg3A_64, %abs3A : vector<1000x1xf32>
    %exp3A = math.exp %neg3A_65 : vector<1000x1xf32>
    %log1p3A = math.log1p %exp3A : vector<1000x1xf32>
    %add3A_66 = arith.addf %max3A_63, %log1p3A : vector<1000x1xf32>
    %swap3A = arith.constant 0 : index
    %swap3A_67 = arith.constant 0 : index
    %swap3A_68 = vector.load %arg9[%swap3A, %swap3A_67] : memref<1000x1xf32, #tpu.memory_space<vmem>>, vector<1000x1xf32>
    tpu.vector_store %arg9[%swap3A, %swap3A_67], %add3A_66 {strides = array<i32>} : memref<1000x1xf32, #tpu.memory_space<vmem>>, vector<1000x1xf32>,
    %slice3A_69 = vector.extract_strided_slice %add3A_60 {offsets = [0, 1], sizes = [1000, 1], strides = [1, 1]} : vector<1000x130xf32> to vector<1000x1xf32>
    %max3A_70 = arith.constant 0.000000e+00 : f32
    %max3A_71 = vector.broadcast %max3A_70 : f32 to vector<1000x1xf32>
    %max3A_72 = arith.maximumf %slice3A_69, %max3A_71 : vector<1000x1xf32>
    %abs3A_73 = math.absf %slice3A_69 : vector<1000x1xf32>
    %neg3A_74 = arith.constant 0.000000e+00 : f32
    %neg3A_75 = vector.broadcast %neg3A_74 : f32 to vector<1000x1xf32>
    %neg3A_76 = arith.subf %neg3A_75, %abs3A_73 : vector<1000x1xf32>
    %exp3A_77 = math.exp %neg3A_76 : vector<1000x1xf32>
    %log1p3A_78 = math.log1p %exp3A_77 : vector<1000x1xf32>
    %add3A_79 = arith.addf %max3A_72, %log1p3A_78 : vector<1000x1xf32>
    %swap3A_80 = arith.constant 0 : index
    %swap3A_81 = arith.constant 0 : index
    %swap3A_82 = vector.load %arg10[%swap3A_80, %swap3A_81] : memref<1000x1xf32, #tpu.memory_space<vmem>>, vector<1000x1xf32>
    tpu.vector_store %arg10[%swap3A_80, %swap3A_81], %add3A_79 {strides = array<i32>} : memref<1000x1xf32, #tpu.memory_space<vmem>>, vector<1000x1xf32>,
    %slice3A_83 = vector.extract_strided_slice %add3A_60 {offsets = [0, 2], sizes = [1000, 64], strides = [1, 1]} : vector<1000x130xf32> to vector<1000x64xf32>
    %swap3A_84 = arith.constant 0 : index
    %swap3A_85 = arith.constant 0 : index
    %swap3A_86 = vector.load %arg11[%swap3A_84, %swap3A_85] : memref<1000x64xf32, #tpu.memory_space<vmem>>, vector<1000x64xf32>
    tpu.vector_store %arg11[%swap3A_84, %swap3A_85], %slice3A_83 {strides = array<i32>} : memref<1000x64xf32, #tpu.memory_space<vmem>>, vector<1000x64xf32>,
    %slice3A_87 = vector.extract_strided_slice %add3A_60 {offsets = [0, 66], sizes = [1000, 64], strides = [1, 1]} : vector<1000x130xf32> to vector<1000x64xf32>
    %max3A_88 = arith.constant 0.000000e+00 : f32
    %max3A_89 = vector.broadcast %max3A_88 : f32 to vector<1000x64xf32>
    %max3A_90 = arith.maximumf %slice3A_87, %max3A_89 : vector<1000x64xf32>
    %abs3A_91 = math.absf %slice3A_87 : vector<1000x64xf32>
    %neg3A_92 = arith.constant 0.000000e+00 : f32
    %neg3A_93 = vector.broadcast %neg3A_92 : f32 to vector<1000x64xf32>
    %neg3A_94 = arith.subf %neg3A_93, %abs3A_91 : vector<1000x64xf32>
    %exp3A_95 = math.exp %neg3A_94 : vector<1000x64xf32>
    %log1p3A_96 = math.log1p %exp3A_95 : vector<1000x64xf32>
    %add3A_97 = arith.addf %max3A_90, %log1p3A_96 : vector<1000x64xf32>
    %swap3A_98 = arith.constant 0 : index
    %swap3A_99 = arith.constant 0 : index
    %swap3A_100 = vector.load %arg12[%swap3A_98, %swap3A_99] : memref<1000x64xf32, #tpu.memory_space<vmem>>, vector<1000x64xf32>
    tpu.vector_store %arg12[%swap3A_98, %swap3A_99], %add3A_97 {strides = array<i32>} : memref<1000x64xf32, #tpu.memory_space<vmem>>, vector<1000x64xf32>,
    return
  }
  func.func @transform_0(%arg0: i32) -> (i32, i32, i32) {
    %c0_i32 = arith.constant 0 : i32
    %c0_i32_0 = arith.constant 0 : i32
    %c0_i32_1 = arith.constant 0 : i32
    return %c0_i32, %arg0, %c0_i32_0 : i32, i32, i32
  }
  func.func @transform_1(%arg0: i32) -> (i32, i32) {
    %c0_i32 = arith.constant 0 : i32
    %c0_i32_0 = arith.constant 0 : i32
    return %arg0, %c0_i32 : i32, i32
  }
  func.func @transform_2(%arg0: i32) -> (i32, i32) {
    %c0_i32 = arith.constant 0 : i32
    %c0_i32_0 = arith.constant 0 : i32
    %c0_i32_1 = arith.constant 0 : i32
    return %c0_i32, %c0_i32_0 : i32, i32
  }
  func.func @transform_3(%arg0: i32) -> (i32, i32) {
    %c0_i32 = arith.constant 0 : i32
    %c0_i32_0 = arith.constant 0 : i32
    %c0_i32_1 = arith.constant 0 : i32
    return %c0_i32, %c0_i32_0 : i32, i32
  }
  func.func @transform_4(%arg0: i32) -> (i32, i32) {
    %c0_i32 = arith.constant 0 : i32
    %c0_i32_0 = arith.constant 0 : i32
    %c0_i32_1 = arith.constant 0 : i32
    return %c0_i32, %c0_i32_0 : i32, i32
  }
  func.func @transform_5(%arg0: i32) -> (i32, i32) {
    %c0_i32 = arith.constant 0 : i32
    %c0_i32_0 = arith.constant 0 : i32
    %c0_i32_1 = arith.constant 0 : i32
    return %c0_i32, %c0_i32_0 : i32, i32
  }
  func.func @transform_6(%arg0: i32) -> (i32, i32) {
    %c0_i32 = arith.constant 0 : i32
    %c0_i32_0 = arith.constant 0 : i32
    %c0_i32_1 = arith.constant 0 : i32
    return %c0_i32, %c0_i32_0 : i32, i32
  }
  func.func @transform_7(%arg0: i32) -> (i32, i32) {
    %c0_i32 = arith.constant 0 : i32
    %c0_i32_0 = arith.constant 0 : i32
    %c0_i32_1 = arith.constant 0 : i32
    return %c0_i32, %c0_i32_0 : i32, i32
  }
  func.func @transform_8(%arg0: i32) -> (i32, i32) {
    %c0_i32 = arith.constant 0 : i32
    %c0_i32_0 = arith.constant 0 : i32
    return %arg0, %c0_i32 : i32, i32
  }
  func.func @transform_9(%arg0: i32) -> (i32, i32) {
    %c0_i32 = arith.constant 0 : i32
    %c0_i32_0 = arith.constant 0 : i32
    return %arg0, %c0_i32 : i32, i32
  }
  func.func @transform_10(%arg0: i32) -> (i32, i32) {
    %c0_i32 = arith.constant 0 : i32
    %c0_i32_0 = arith.constant 0 : i32
    return %arg0, %c0_i32 : i32, i32
  }
  func.func @transform_11(%arg0: i32) -> (i32, i32) {
    %c0_i32 = arith.constant 0 : i32
    %c0_i32_0 = arith.constant 0 : i32
    return %arg0, %c0_i32 : i32, i32
  }
}

</mosaic_0001>

<sc_bundles>
// kernel: kernel.11.cloned.1.call-start
scs
__scs_entry_jumppad:
0x0: {  	(pc) =	sbr.rel $0x88, $3  }
0x1: {  	(tag) =	ssettag $0x0;
	lr =	simm.s32 $0x1  }
0x2: {  	[smem:$0x3F93] =	sst lr;
	_ =	strace $0xD0000000  }
0x3: {  	_ = 	snop  }
0x4: {  	_ = 	snop  }
0x5: {  	_ = 	snop  }
0x6: {  	_ = 	snop  }
0x7: {  	_ = 	snop  }
__scs_overlays_trampoline_lowered:
0x8: {  	[smem:$0x3FA2] =	sst s0  }
0x9: {  	[smem:$0x3FA3] =	sst s1  }
0xa: {  	[smem:$0x3FA4] =	sst s2  }
0xb: {  	[smem:$0x3FA5] =	sst s3  }
0xc: {  	[smem:$0x3FA6] =	sst s4  }
0xd: {  	[smem:$0x3FA7] =	sst s5  }
0xe: {  	[smem:$0x3FA8] =	sst s6  }
0xf: {  	[smem:$0x3FA9] =	sst s7  }
0x10: {  	[smem:$0x3FAA] =	sst s8  }
0x11: {  	[smem:$0x3FAB] =	sst s9;
	s0 =	simm.s32 @!p0 $0x0  }
0x12: {  	s1 =	sld [smem:$0x3F91];
	s0 =	simm.s32 @p0 $0x1  }
0x13: {  	[smem:$0x3FAC] =	sst s0;
	s0 =	simm.s32 @!p1 $0x0  }
0x14: {  	s2 =	sld [smem:$0x3F90];
	s0 =	simm.s32 @p1 $0x1  }
0x15: {  	[smem:$0x3FAD] =	sst s0;
	s0 =	simm.s32 @!p2 $0x0  }
0x16: {  	s3 =	sld [smem:$0x3FDB];
	s0 =	simm.s32 @p2 $0x1  }
0x17: {  	s4 =	simm.s32 $0x1BF5;
	[smem:$0x3FAF] =	sst s0  }
0x18: {  	s0 =	sld [smem:$0x3F92];
	_ =	swait.ge [sflag:s4], $0x0  }
0x19: {  	s7 =	sld [smem:$0x3F93]  }
0x1a: {  	s8 =	sadd.s32 $0xFFFFE003, lr  }
0x1b: {  	s9 =	sadd.s32 $0xFFFFFEF7, lr;
	s5 =	simm.s32 $0xFFFFFFFF;
	p2 =	slt.u32 s8, $0xFFFFF086  }
0x1c: {  	p1 =	slt.u32 s9, $0xF7A;
	s5 =	simm.s32 @!p2 $0x0  }
0x1d: {  	s5 =	simm.s32 @p1 $0x1;
	p0 =	seq.s32 s7, s2  }
0x1e: {  	s7 =	smul.u32 @!p0 $0xF7A, s2;
	p2 =	seq.s32 @!p0 s5, $0x0  }
0x1f: {  	s9 =	smul.u32 $0xF7A, s1;
	s8 =	simm.s32 @!p0 $0x1BF5;
	p2 =	por !p2, p0  }
0x20: {  	[sflag:s8] =	ssyncset.s32 @!p0 $0xFFFFF086;
	s6 =	sadd.s32 @!p0 s3, s7;
	s7 =	simm.s32 @!p0 $0x108  }
0x21: {  	s3 =	sadd.s32 s3, s9;
	s6 =	sadd.s32 @!p0 $0x88, s6;
	s7 =	simm.s32 @p2 $0x1082  }
0x22: {  	[simem:s7], [sflag:s8] =	dma.local @!p0 [hbm:s6], $0xF7A  }
0x23: {  	s9 =	sor.u32 $0xD0000000, s2;
	s6 =	simm.s32 $0x108;
	_ =	swait.ge @!p0 [sflag:s8], $0x0  }
0x24: {  	s3 =	sadd.s32 $0x88, s3;
	s6 =	simm.s32 @!p1 $0x1082;
	[sflag:s4] =	ssyncset.s32 $0xFFFFF086  }
0x25: {  	[simem:s6], [sflag:s4] =	dma.local [hbm:s3], $0xF7A  }
0x26: {  	[smem:$0x3F93] =	sst s1;
	(tag) =	ssettag s2;
	_ =	strace s9  }
0x27: {  	s1 =	sld [smem:$0x3FA3]  }
0x28: {  	s2 =	sld [smem:$0x3FA4]  }
0x29: {  	s4 =	sld [smem:$0x3FA6]  }
0x2a: {  	p0 =	seq.s32 s5, $0x0;
	s5 =	sld [smem:$0x3FA7]  }
0x2b: {  	s6 =	sld [smem:$0x3FA8]  }
0x2c: {  	s7 =	sld [smem:$0x3FA9]  }
0x2d: {  	s3 =	simm.s32 $0x108;
	s8 =	sld [smem:$0x3FAA]  }
0x2e: {  	s3 =	simm.s32 @!p0 $0x1082;
	s9 =	sld [smem:$0x3FAB]  }
0x2f: {  	lr =	sadd.s32 s0, s3;
	s0 =	sld [smem:$0x3FA2]  }
0x30: {  	s3 =	sld [smem:$0x3FA5]  }
0x31: {  	[smem:$0x3FAE] =	sst s10  }
0x32: {  	s10 =	sld [smem:$0x3FAC];
	_ =	sdelay $0x3  }
0x33: {  	p0 =	seq.s32 s10, $0x1;
	s10 =	sld [smem:$0x3FAE];
	_ =	sdelay $0x3  }
0x34: {  	[smem:$0x3FAE] =	sst s10  }
0x35: {  	s10 =	sld [smem:$0x3FAD];
	_ =	sdelay $0x3  }
0x36: {  	p1 =	seq.s32 s10, $0x1;
	s10 =	sld [smem:$0x3FAE];
	_ =	sdelay $0x3  }
0x37: {  	[smem:$0x3FAE] =	sst s10  }
0x38: {  	s10 =	sld [smem:$0x3FAF]  }
0x39: {  	_ = 	snop;
	(pc) =	sbr.ind lr, $3  }
0x3a: {  	_ = 	snop  }
0x3b: {  	_ = 	snop  }
0x3c: {  	p2 =	seq.s32 s10, $0x1;
	s10 =	sld [smem:$0x3FAE]  }
0x3d: {  	_ =	shalt  }
0x3e: {  	_ =	shalt  }
0x3f: {  	_ =	shalt  }
0x40: {  	_ =	shalt  }
0x41: {  	_ =	shalt  }
0x42: {  	_ =	shalt  }
0x43: {  	_ =	shalt  }
0x44: {  	_ =	shalt  }
0x45: {  	_ =	shalt  }
0x46: {  	_ =	shalt  }
0x47: {  	_ =	shalt  }
0x48: {  	_ =	shalt  }
0x49: {  	_ =	shalt  }
0x4a: {  	_ =	shalt  }
0x4b: {  	_ =	shalt  }
0x4c: {  	_ =	shalt  }
0x4d: {  	_ =	shalt  }
0x4e: {  	_ =	shalt  }
0x4f: {  	_ =	shalt  }
0x50: {  	_ =	shalt  }
0x51: {  	_ =	shalt  }
0x52: {  	_ =	shalt  }
0x53: {  	_ =	shalt  }
0x54: {  	_ =	shalt  }
0x55: {  	_ =	shalt  }
0x56: {  	_ =	shalt  }
0x57: {  	_ =	shalt  }
0x58: {  	_ =	shalt  }
0x59: {  	_ =	shalt  }
0x5a: {  	_ =	shalt  }
0x5b: {  	_ =	shalt  }
0x5c: {  	_ =	shalt  }
0x5d: {  	_ =	shalt  }
0x5e: {  	_ =	shalt  }
0x5f: {  	_ =	shalt  }
0x60: {  	_ =	shalt  }
0x61: {  	_ =	shalt  }
0x62: {  	_ =	shalt  }
0x63: {  	_ =	shalt  }
0x64: {  	_ =	shalt  }
0x65: {  	_ =	shalt  }
0x66: {  	_ =	shalt  }
0x67: {  	_ =	shalt  }
0x68: {  	_ =	shalt  }
0x69: {  	_ =	shalt  }
0x6a: {  	_ =	shalt  }
0x6b: {  	_ =	shalt  }
0x6c: {  	_ =	shalt  }
0x6d: {  	_ =	shalt  }
0x6e: {  	_ =	shalt  }
0x6f: {  	_ =	shalt  }
0x70: {  	_ =	shalt  }
0x71: {  	_ =	shalt  }
0x72: {  	_ =	shalt  }
0x73: {  	_ =	shalt  }
0x74: {  	_ =	shalt  }
0x75: {  	_ =	shalt  }
0x76: {  	_ =	shalt  }
0x77: {  	_ =	shalt  }
0x78: {  	_ =	shalt  }
0x79: {  	_ =	shalt  }
0x7a: {  	_ =	shalt  }
0x7b: {  	_ =	shalt  }
0x7c: {  	_ =	shalt  }
0x7d: {  	_ =	shalt  }
0x7e: {  	_ =	shalt  }
0x7f: {  	_ =	shalt  }
0x80: {  	_ =	shalt  }
0x81: {  	_ =	shalt  }
0x82: {  	_ =	shalt  }
0x83: {  	_ =	shalt  }
0x84: {  	_ =	shalt  }
0x85: {  	_ =	shalt  }
0x86: {  	_ =	shalt  }
0x87: {  	_ =	shalt  }
.Lfunc_end0:
.L_simem_size_0:
called_computation.1_lowered:
.L_overlay_start_0:
0x88: {  	s2 =	sld [smem:$0x3FD9]  }
0x89: {  	s3 =	sld [smem:$0x3FFE];
	_ =	sdelay $0x1  }
0x8a: {  	s1 =	srdreg.scid  }
0x8b: {  	s0 =	sand.u32 $0x1, s1  }
0x8c: {  	s14 =	sshll.u32 s0, $0xA;
	s2 =	sadd.s32 s3, s2  }
0x8d: {  	s2 =	sadd.s32 s2, s14  }
0x8e: {  	[smem:$0x3FBA] =	sst s2  }
0x8f: {  	_ = 	snop  }
0x90: {  	s2 =	sld [smem:$0x3FD0];
	_ =	sdelay $0x2  }
0x91: {  	s15 =	simm.s32 $0xA;
	s4 =	simm.s32 $0x10  }
0x92: {  	[smem:s4], [sflag:s15] =	dma.local [hbm:s2], $0x1  }
0x93: {  	_ =	swait.eq [sflag:s15], $0x1  }
0x94: {  	[sflag:s15] =	ssyncset.done $0x0  }
0x95: {  	s16 =	sld [smem:$0x12];
	[sflag:s15] =	ssyncadd.s32 $0xFFFFFFFF  }
0x96: {  	s17 =	sld [smem:$0x13];
	(tm) =	ssettm $0x1  }
0x97: {  	s18 =	sld [smem:$0x3FFB];
	_ =	sdelay $0x3  }
0x98: {  	_ =	strace s18  }
0x99: {  	s4 =	sld [smem:$0x3FFC];
	_ =	sdelay $0x3  }
0x9a: {  	_ =	strace s4  }
0x9b: {  	s4 =	sld [smem:$0x3FFD];
	_ =	sdelay $0x3  }
0x9c: {  	_ =	strace s4  }
0x9d: {  	_ =	strace $0x8FFFFFFF  }
0x9e: {  	s19 =	sld [smem:$0x3FDB];
	_ =	sdelay $0x1  }
0x9f: {  	s5 =	simm.s32 $_scs_section_size  }
0xa0: {  	s6 =	simm.s32 $_size__tile_overlayer_lowered;
	s7 =	simm.s32 $_tile_overlayer_lowered  }
0xa1: {  	s22 =	simm.s32 $0x1BFF;
	s21 =	sshll.u32 s7, $0x1;
	s4 =	sadd.s32 s5, s19  }
0xa2: {  	s8 =	simm.s32 $0x0;
	s20 =	sshll.u32 s6, $0x1;
	s6 =	sadd.s32 s21, s4  }
0xa3: {  	[timem:s8], [sflag:s22] =	dma.local [hbm:s6], s20  }
0xa4: {  	_ =	swait.ge [sflag:s22], s20  }
0xa5: {  	s5 =	ssub.s32 $0x0, s20;
	[sflag:s22] =	ssyncset.done $0x0  }
0xa6: {  	[sflag:s22] =	ssyncadd.s32 s5;
	_ =	sdelay $0x1  }
0xa7: {  	s23 =	simm.s32 $0x1B8B  }
0xa8: {  	_ =	swait.ge [sflag:s23], $0x1  }
0xa9: {  	[sflag:s23] =	ssyncset.done $0x0  }
0xaa: {  	s25 =	simm.s32 $0x1B8E;
	s24 =	sld [smem:$0x3FFE];
	[sflag:s23] =	ssyncadd.s32 $0xFFFFFFFF  }
0xab: {  	s26 =	simm.s32 $execute0_lowered;
	[smem:$0x3FD2] =	sst s25  }
0xac: {  	s6 =	sshll.u32 s26, $0x1;
	_ =	strace $0x80000049;
	[dreg:$0x1] =	wrdreg $0xFFFFFFFF  }
0xad: {  	s28 =	simm.s32 $_size_execute0_lowered;
	s4 =	sadd.s32 s4, s6;
	[dreg:$0x0] =	wrdreg $0x0  }
0xae: {  	s6 =	sshll.u32 s28, $0x1;
	[dreg:$0x2] =	wrdreg s4  }
0xaf: {  	[dreg:$0x3] =	wrdreg s6  }
0xb0: {  	[dreg:$0x4] =	wrdreg $0xC0  }
0xb1: {  	_ =	task [dreg:s8], $0x5FFFF  }
0xb2: {  	[dreg:$0x1] =	wrdreg $0xFFFFFFFF  }
0xb3: {  	[dreg:$0x0] =	wrdreg $0x60  }
0xb4: {  	[dreg:$0x2] =	wrdreg s24  }
0xb5: {  	[dreg:$0x3] =	wrdreg s17  }
0xb6: {  	[dreg:$0x4] =	wrdreg s16  }
0xb7: {  	[dreg:$0x5] =	wrdreg $0x0  }
0xb8: {  	[dreg:$0x6] =	wrdreg $0x9  }
0xb9: {  	_ =	task.clear_ibuf [dreg:s8], $0x7FFFF;
	_ =	strace $0x90000049  }
0xba: {  	s29 =	simm.s32 $0x9;
	_ =	strace $0x8000004B  }
0xbb: {  	_ =	swait.ge [sflag:s29], $0x1  }
0xbc: {  	[sflag:s29] =	ssyncadd.s32 $0xFFFFFFFF  }
0xbd: {  	_ =	strace $0x9000004B  }
0xbe: {  	_ =	sfence  }
0xbf: {  	s30 =	sld [smem:$0x0];
	_ =	sdelay $0x2  }
0xc0: {  	s31 =	sshll.u32 s1, $0xD;
	s1 =	sshrl.u32 s1, $0x2  }
0xc1: {  	s3 =	sand.u32 $0x4000, s31;
	s1 =	sadd.s32 s1, s30  }
0xc2: {  	s0 =	sor.u32 s3, s0;
	s1 =	sshll.u32 s1, $0x11  }
0xc3: {  	s0 =	sor.u32 s1, s0  }
0xc4: {  	s0 =	sadd.s32 $0x8F2B, s0  }
0xc5: {  	[sflag:s0] =	ssyncadd.remote.s32 $0x1  }
0xc6: {  	_ =	sfence.sel $0xFFFF  }
0xc7: {  	[dreg:$0x0] =	wrdreg $0xFFFFFFFF;
	(pc) =	sbr.abs _section_cstart, $3  }
0xc8: {  	[dreg:$0x1] =	wrdreg $0xFFFFFFFF  }
0xc9: {  	_ =	task.clear_ibuf [dreg:s8], $0x2FFFF;
	_ =	strace $0x9FFFFFFF  }
0xca: {  	(tm) =	ssettm $0x7FFFFFFF  }
0xcb: {  	_ =	shalt  }
tec
execute0_lowered:
.L_overlay_start_1:
0x0: {  	(tag) =	ssettag $0x1  }
0x1: {  	s0 =	rddreg [dreg:$0x0]  }
0x2: {  	s2 =	rddreg [dreg:$0x1]  }
0x3: {  	s6 =	rddreg [dreg:$0x2]  }
0x4: {  	s1 =	rddreg [dreg:$0x3];
	s14 =	stileid.u32  }
0x5: {  	s4 =	srdreg.scid;
	s3 =	simm.s32 $0x0;
	s8 =	smul.u32 $0x57C00, s14  }
0x6: {  	s31 =	simm.s32 $0x1B990;
	s12 =	smul.u32 $0x15F00, s14;
	s18 =	sadd.s32 $0x14BE00, s1  }
0x7: {  	[smem:$0x7FF] =	sst s3;
	s19 =	smul.u32 $0x2710, s14;
	s20 =	sadd.s32 $0x14EB00, s1  }
0x8: {  	s7 =	sand.u32 $0x1, s4;
	s21 =	sadd.s32 $0x151800, s1;
	s22 =	sadd.s32 $0x154500, s1  }
0x9: {  	s25 =	sadd.s32 $0x157200, s1;
	_ =	strace $0x8000004A;
	[dreg:$0xb] =	wrdreg s18  }
0xa: {  	p0 =	seq.s32 s14, $0xF;
	s28 =	sadd.s32 $0x15CC00, s1;
	[dreg:$0xd] =	wrdreg s20  }
0xb: {  	s4 =	sshll.u32 s7, $0x4;
	s15 =	smul.u32 $0x15F900, s7;
	[dreg:$0xe] =	wrdreg s21  }
0xc: {  	s9 =	ssub.s32 $0x2, s7;
	s7 =	smul.u32 $0x27100, s7;
	[dreg:$0xf] =	wrdreg s22  }
0xd: {  	[dreg:$0x11] =	wrdreg s25;
	s5 =	sor.u32 s14, s4;
	s4 =	sadd.s32 $0x5A400, s0  }
0xe: {  	s0 =	sadd.s32 $0x86400, s0;
	s10 =	sshrl.u32 s9, $0x1;
	s8 =	sshrl.u32 s8, $0x2  }
0xf: {  	s5 =	smul.u32 $0x2710, s5;
	s9 =	ssub.s32 s9, s10;
	s24 =	sadd.s32 s12, s15  }
0x10: {  	s23 =	sadd.s32 s19, s7;
	s10 =	simm.s32 $0x2;
	s7 =	sshrl.u32 s24, $0x3  }
0x11: {  	s26 =	sshrl.u32 s5, $0x3;
	s5 =	sadd.s32 s8, s1;
	s7 =	sadd.s32 s0, s7  }
0x12: {  	s24 =	smax.u32 s9, $0x1;
	s8 =	sadd.s32 $0x2D00, s5;
	[dreg:$0x10] =	wrdreg s7  }
0x13: {  	s9 =	simm.s32 $0x1;
	s13 =	sadd.s32 $0x5A00, s5;
	[dreg:$0x5] =	wrdreg s8  }
0x14: {  	s11 =	sadd.s32 $0x8700, s5;
	s16 =	sadd.s32 $0xB400, s5;
	[dreg:$0x6] =	wrdreg s13  }
0x15: {  	s17 =	sadd.s32 $0xE100, s5;
	s6 =	sadd.s32 s6, s26;
	[dreg:$0x7] =	wrdreg s11  }
0x16: {  	s20 =	sadd.s32 s2, s26;
	s26 =	sadd.s32 $0x159F00, s1;
	[dreg:$0x8] =	wrdreg s16  }
0x17: {  	s7 =	simm.s32 $0x15F90;
	[dreg:$0x9] =	wrdreg s17;
	s11 =	sadd.s32 $0x149100, s1  }
0x18: {  	s13 =	sadd.s32 $0x10E00, s5;
	[dreg:$0xc] =	wrdreg s6;
	s8 =	sshrl.u32 s15, $0x3  }
0x19: {  	s6 =	sadd.s32 $0xF0, s23;
	[dreg:$0x12] =	wrdreg s26;
	s26 =	sadd.s32 $0x13B00, s5  }
0x1a: {  	s29 =	sadd.s32 $0xA, s20;
	s30 =	sadd.s32 $0x14, s20;
	[dreg:$0xa] =	wrdreg s13  }
0x1b: {  	s0 =	sadd.s32 s0, s8;
	s6 =	sshrl.u32 s6, $0x3;
	s8 =	simm.s32 $0x1E0F0  }
0x1c: {  	s13 =	simm.s32 $0x0;
	s17 =	sadd.s32 s6, s2;
	s2 =	sadd.s32 s12, s1  }
0x1d: {  	s23 =	sadd.s32 $0x29220, s0;
	s0 =	simm.s32 $0x4;
	s6 =	simm.s32 $0x50  }
0x1e: {  	v0 =	vimm.f32 $0.0e+00;
	s12 =	simm.s32 $0x3;
	s25 =	sshrl.u32 @!p0 s2, $0x3;
	s2 =	simm.s32 $0x1E0A0  }
.LBB2_1:
0x1f: {  	s14 =	rddreg [dreg:$0xc]  }
0x20: {  	[tilespmem:s31], [sflag:$0x4] =	stream.linear.gather [hbm4b:s14+s3], $0x2710, $0x38;
	[tilespmem:$0x1E140] =	vst v63  }
0x21: {  	_ =	swait.ge [sflag:s0], $0x2710  }
0x22: {  	[sflag:s0] =	ssyncset.done $0x0  }
0x23: {  	s15 =	simm.s32 $0x240;
	s14 =	simm.s32 $0x0;
	[sflag:s0] =	ssyncadd.s32 $0xFFFFD8F0  }
.LBB2_2:
0x24: {  	p1 =	sne.s32 s15, $0xB1C0;
	[tilespmem:s14+$0x16010] =	vst v0  }
0x25: {  	[tilespmem:s14+$0x15F90] =	vst v0  }
0x26: {  	[tilespmem:s14+$0x15FA0] =	vst v0  }
0x27: {  	[tilespmem:s14+$0x15FB0] =	vst v0  }
.Ltmp0:
0x28: {  	[tilespmem:s14+$0x15FC0] =	vst v0;
	(pc) =	sbr.rel @p1 .LBB2_2-.Ltmp0, $4  }
0x29: {  	[tilespmem:s14+$0x15FD0] =	vst v0  }
0x2a: {  	[tilespmem:s14+$0x15FE0] =	vst v0  }
0x2b: {  	[tilespmem:s14+$0x15FF0] =	vst v0  }
0x2c: {  	[tilespmem:s14+$0x16000] =	vst v0;
	s14 =	sshra.s32 s15, $0x2;
	s15 =	sadd.s32 $0x240, s15  }
0x2d: {  	[tilespmem:s14+$0x16010] =	vst v0  }
0x2e: {  	[tilespmem:s14+$0x15F90] =	vst v0  }
0x2f: {  	[tilespmem:s14+$0x15FA0] =	vst v0  }
0x30: {  	[tilespmem:s14+$0x15FB0] =	vst v0  }
0x31: {  	[tilespmem:s14+$0x15FC0] =	vst v0  }
0x32: {  	[tilespmem:s14+$0x15FD0] =	vst v0  }
0x33: {  	[tilespmem:s14+$0x15FE0] =	vst v0  }
0x34: {  	[tilespmem:s14+$0x15FF0] =	vst v0  }
0x35: {  	[tilespmem:s14+$0x16000] =	vst v0;
	s14 =	simm.s32 @p0 $0x15F90;
	s15 =	simm.s32 @p0 $0x4  }
0x36: {  	[spmem:s11] =	stream.linear.scatter @p0 [tilespmem:s14], [sflag:$0x4], $0x2D00, $0x38;
	[tilespmem:$0x1E140] =	vst v63  }
0x37: {  	_ =	swait.ge @p0 [sflag:s15], $0x2D00  }
0x38: {  	[sflag:s15] =	ssyncset.done @p0 $0x0  }
0x39: {  	s16 =	rddreg [dreg:$0xb];
	[sflag:s15] =	ssyncadd.s32 @p0 $0xFFFFD300  }
0x3a: {  	[spmem:s16] =	stream.linear.scatter @p0 [tilespmem:s14], [sflag:$0x4], $0x2D00, $0x38;
	[tilespmem:$0x1E140] =	vst v63  }
0x3b: {  	_ =	swait.ge @p0 [sflag:s15], $0x2D00  }
0x3c: {  	[sflag:s15] =	ssyncset.done @p0 $0x0  }
0x3d: {  	s16 =	rddreg [dreg:$0xd];
	[sflag:s15] =	ssyncadd.s32 @p0 $0xFFFFD300  }
0x3e: {  	[spmem:s16] =	stream.linear.scatter @p0 [tilespmem:s14], [sflag:$0x4], $0x2D00, $0x38;
	[tilespmem:$0x1E140] =	vst v63  }
0x3f: {  	_ =	swait.ge @p0 [sflag:s15], $0x2D00  }
0x40: {  	[sflag:s15] =	ssyncset.done @p0 $0x0  }
0x41: {  	s16 =	rddreg [dreg:$0xe];
	[sflag:s15] =	ssyncadd.s32 @p0 $0xFFFFD300  }
0x42: {  	[spmem:s16] =	stream.linear.scatter @p0 [tilespmem:s14], [sflag:$0x4], $0x2D00, $0x38;
	[tilespmem:$0x1E140] =	vst v63  }
0x43: {  	_ =	swait.ge @p0 [sflag:s15], $0x2D00  }
0x44: {  	[sflag:s15] =	ssyncset.done @p0 $0x0  }
0x45: {  	s16 =	rddreg [dreg:$0xf];
	[sflag:s15] =	ssyncadd.s32 @p0 $0xFFFFD300  }
0x46: {  	[spmem:s16] =	stream.linear.scatter @p0 [tilespmem:s14], [sflag:$0x4], $0x2D00, $0x38;
	[tilespmem:$0x1E140] =	vst v63  }
0x47: {  	_ =	swait.ge @p0 [sflag:s15], $0x2D00  }
0x48: {  	[sflag:s15] =	ssyncset.done @p0 $0x0  }
0x49: {  	s16 =	rddreg [dreg:$0x11];
	[sflag:s15] =	ssyncadd.s32 @p0 $0xFFFFD300  }
0x4a: {  	[spmem:s16] =	stream.linear.scatter @p0 [tilespmem:s14], [sflag:$0x4], $0x2D00, $0x38;
	[tilespmem:$0x1E140] =	vst v63  }
0x4b: {  	_ =	swait.ge @p0 [sflag:s15], $0x2D00  }
0x4c: {  	[sflag:s15] =	ssyncset.done @p0 $0x0  }
0x4d: {  	s16 =	rddreg [dreg:$0x12];
	[sflag:s15] =	ssyncadd.s32 @p0 $0xFFFFD300  }
0x4e: {  	[spmem:s16] =	stream.linear.scatter @p0 [tilespmem:s14], [sflag:$0x4], $0x2D00, $0x38;
	[tilespmem:$0x1E140] =	vst v63  }
0x4f: {  	_ =	swait.ge @p0 [sflag:s15], $0x2D00  }
0x50: {  	[sflag:s15] =	ssyncset.done @p0 $0x0  }
0x51: {  	[sflag:s15] =	ssyncadd.s32 @p0 $0xFFFFD300  }
0x52: {  	[spmem:s28] =	stream.linear.scatter @p0 [tilespmem:s14], [sflag:$0x4], $0x2D00, $0x38;
	[tilespmem:$0x1E140] =	vst v63  }
0x53: {  	_ =	swait.ge @p0 [sflag:s15], $0x2D00  }
0x54: {  	[sflag:s15] =	ssyncset.done @p0 $0x0  }
0x55: {  	s14 =	simm.s32 @!p0 $0x15F90;
	[sflag:s15] =	ssyncadd.s32 @p0 $0xFFFFD300;
	s15 =	simm.s32 @!p0 $0x4  }
0x56: {  	[spmem:s5] =	stream.linear.scatter @!p0 [tilespmem:s14], [sflag:$0x4], $0x2D00, $0x38;
	[tilespmem:$0x1E140] =	vst v63  }
0x57: {  	_ =	swait.ge @!p0 [sflag:s15], $0x2D00  }
0x58: {  	[sflag:s15] =	ssyncset.done @!p0 $0x0  }
0x59: {  	s16 =	rddreg [dreg:$0x5];
	[sflag:s15] =	ssyncadd.s32 @!p0 $0xFFFFD300  }
0x5a: {  	[spmem:s16] =	stream.linear.scatter @!p0 [tilespmem:s14], [sflag:$0x4], $0x2D00, $0x38;
	[tilespmem:$0x1E140] =	vst v63  }
0x5b: {  	_ =	swait.ge @!p0 [sflag:s15], $0x2D00  }
0x5c: {  	[sflag:s15] =	ssyncset.done @!p0 $0x0  }
0x5d: {  	s16 =	rddreg [dreg:$0x6];
	[sflag:s15] =	ssyncadd.s32 @!p0 $0xFFFFD300  }
0x5e: {  	[spmem:s16] =	stream.linear.scatter @!p0 [tilespmem:s14], [sflag:$0x4], $0x2D00, $0x38;
	[tilespmem:$0x1E140] =	vst v63  }
0x5f: {  	_ =	swait.ge @!p0 [sflag:s15], $0x2D00  }
0x60: {  	[sflag:s15] =	ssyncset.done @!p0 $0x0  }
0x61: {  	s16 =	rddreg [dreg:$0x7];
	[sflag:s15] =	ssyncadd.s32 @!p0 $0xFFFFD300  }
0x62: {  	[spmem:s16] =	stream.linear.scatter @!p0 [tilespmem:s14], [sflag:$0x4], $0x2D00, $0x38;
	[tilespmem:$0x1E140] =	vst v63  }
0x63: {  	_ =	swait.ge @!p0 [sflag:s15], $0x2D00  }
0x64: {  	[sflag:s15] =	ssyncset.done @!p0 $0x0  }
0x65: {  	s16 =	rddreg [dreg:$0x8];
	[sflag:s15] =	ssyncadd.s32 @!p0 $0xFFFFD300  }
0x66: {  	[spmem:s16] =	stream.linear.scatter @!p0 [tilespmem:s14], [sflag:$0x4], $0x2D00, $0x38;
	[tilespmem:$0x1E140] =	vst v63  }
0x67: {  	_ =	swait.ge @!p0 [sflag:s15], $0x2D00  }
0x68: {  	[sflag:s15] =	ssyncset.done @!p0 $0x0  }
0x69: {  	s16 =	rddreg [dreg:$0x9];
	[sflag:s15] =	ssyncadd.s32 @!p0 $0xFFFFD300  }
0x6a: {  	[spmem:s16] =	stream.linear.scatter @!p0 [tilespmem:s14], [sflag:$0x4], $0x2D00, $0x38;
	[tilespmem:$0x1E140] =	vst v63  }
0x6b: {  	_ =	swait.ge @!p0 [sflag:s15], $0x2D00  }
0x6c: {  	[sflag:s15] =	ssyncset.done @!p0 $0x0  }
0x6d: {  	s16 =	rddreg [dreg:$0xa];
	[sflag:s15] =	ssyncadd.s32 @!p0 $0xFFFFD300  }
0x6e: {  	[spmem:s16] =	stream.linear.scatter @!p0 [tilespmem:s14], [sflag:$0x4], $0x2D00, $0x38;
	[tilespmem:$0x1E140] =	vst v63  }
0x6f: {  	_ =	swait.ge @!p0 [sflag:s15], $0x2D00  }
0x70: {  	[sflag:s15] =	ssyncset.done @!p0 $0x0  }
0x71: {  	[sflag:s15] =	ssyncadd.s32 @!p0 $0xFFFFD300  }
0x72: {  	[spmem:s26] =	stream.linear.scatter @!p0 [tilespmem:s14], [sflag:$0x4], $0x2400, $0x38;
	[tilespmem:$0x1E140] =	vst v63  }
0x73: {  	_ =	swait.ge @!p0 [sflag:s15], $0x2400  }
0x74: {  	[sflag:s15] =	ssyncset.done @!p0 $0x0  }
0x75: {  	[sflag:s15] =	ssyncadd.s32 @!p0 $0xFFFFDC00  }
0x76: {  	[bflag:$0x0] =	sbarrier.arrive $0xFFFF  }
0x77: {  	[tilespmem:s2], [sflag:$0x4] =	stream.linear.gather [hbm4b:s20+s3], $0x50, $0x38;
	[tilespmem:$0x1E140] =	vst v63  }
0x78: {  	_ =	swait.ge [sflag:s0], $0x50  }
0x79: {  	[sflag:s0] =	ssyncset.done $0x0  }
0x7a: {  	[sflag:s0] =	ssyncadd.s32 $0xFFFFFFB0  }
0x7b: {  	[tilespmem:s7], [sflag:$0x1] =	stream.indirect.gather [hbm4b:s4+s6], $0x90, s2, s6, $0xb8;
	[tilespmem:$0x1E140] =	vst v63  }
0x7c: {  	s22 =	simm.s32 $0x2  }
0x7d: {  	[tilespmem:s8], [sflag:$0x2] =	stream.linear.gather [hbm4b:s29+s3], $0x50, $0x38;
	[tilespmem:$0x1E140] =	vst v63  }
0x7e: {  	_ =	swait.ge [sflag:s22], $0x50  }
0x7f: {  	[sflag:s22] =	ssyncset.done $0x0  }
0x80: {  	s16 =	simm.s32 $0x18C90;
	[sflag:s22] =	ssyncadd.s32 $0xFFFFFFB0  }
0x81: {  	[tilespmem:s16], [sflag:$0x1] =	stream.indirect.gather [hbm4b:s4+s6], $0x90, s8, s6, $0xb8;
	[tilespmem:$0x1E140] =	vst v63  }
0x82: {  	_ =	swait.ge [sflag:s9], $0x2D00  }
0x83: {  	[sflag:s9] =	ssyncset.done $0x0  }
0x84: {  	[sflag:s9] =	ssyncadd.s32 $0xFFFFD300  }
0x85: {  	[spmem:s1] =	stream.indirect.scatter.add.f32 [tilespmem:s7], [sflag:$0x3], $0x90, s31, s6, $0xb8;
	[tilespmem:$0x1E140] =	vst v63  }
0x86: {  	_ = 	snop  }
0x87: {  	[tilespmem:s2], [sflag:$0x2] =	stream.linear.gather [hbm4b:s30+s3], $0x50, $0x38;
	[tilespmem:$0x1E140] =	vst v63  }
0x88: {  	s14 =	sand.u32 $0x1, s22;
	_ =	swait.ge [sflag:s10], $0x50  }
0x89: {  	s18 =	smul.u32 $0x140, s14;
	[sflag:s10] =	ssyncset.done $0x0  }
0x8a: {  	s14 =	smul.u32 $0xB400, s14;
	[sflag:s10] =	ssyncadd.s32 $0xFFFFFFB0  }
0x8b: {  	s19 =	simm.s32 $0x1;
	_ =	swait.ge [sflag:s12], $0x2D00  }
0x8c: {  	s15 =	sshrl.u32 s18, $0x2;
	s14 =	sshrl.u32 s14, $0x2;
	[sflag:s12] =	ssyncset.done $0x0  }
0x8d: {  	s15 =	sadd.s32 $0x1E0A0, s15;
	s14 =	sadd.s32 $0x15F90, s14;
	[sflag:s12] =	ssyncadd.s32 $0xFFFFD300  }
0x8e: {  	[tilespmem:s14], [sflag:$0x1] =	stream.indirect.gather [hbm4b:s4+s6], $0x90, s15, s6, $0xb8;
	[tilespmem:$0x1E140] =	vst v63  }
0x8f: {  	p2 =	por $0x0, $0x0;
	s14 =	sand.u32 $0x1, s19  }
0x90: {  	s18 =	simm.s32 @!p2 $0x0;
	s21 =	smul.u32 $0xB400, s14;
	_ =	swait.ge [sflag:s9], $0x2D00  }
0x91: {  	s22 =	simm.s32 $0x1B9E0;
	s14 =	smul.u32 @!p2 $0x140, s14;
	[sflag:s9] =	ssyncset.done $0x0  }
0x92: {  	s16 =	sadd.s32 $0xA, s17;
	s15 =	sshrl.u32 s21, $0x2;
	[sflag:s9] =	ssyncadd.s32 $0xFFFFD300  }
0x93: {  	s14 =	sshrl.u32 @!p2 s14, $0x2;
	s21 =	smov.u32 s17;
	s15 =	sadd.s32 $0x15F90, s15  }
0x94: {  	[spmem:s1] =	stream.indirect.scatter.add.f32 [tilespmem:s15], [sflag:$0x3], $0x90, s22, s6, $0xb8;
	[tilespmem:$0x1E140] =	vst v63  }
0x95: {  	s19 =	sadd.s32 @!p2 $0x1E0A0, s14;
	s14 =	simm.s32 $0x1BA30;
	s15 =	simm.s32 $0x3  }
.LBB2_4:
0x96: {  	[tilespmem:s19], [sflag:$0x2] =	stream.linear.gather @!p2 [hbm4b:s21+s18], $0x50, $0x38;
	[tilespmem:$0x1E140] =	vst v63  }
0x97: {  	s18 =	smov.u32 s15;
	s21 =	smov.u32 s16  }
0x98: {  	s15 =	sadd.s32 $0x1, s15;
	s19 =	sand.u32 $0x1, s18;
	_ =	swait.ge [sflag:s10], $0x50  }
0x99: {  	p1 =	sne.s32 s15, $0x7D;
	s22 =	smul.u32 $0x140, s19;
	[sflag:s10] =	ssyncset.done $0x0  }
0x9a: {  	s19 =	smul.u32 $0xB400, s19;
	[sflag:s10] =	ssyncadd.s32 $0xFFFFFFB0  }
0x9b: {  	s22 =	sshrl.u32 s22, $0x2;
	_ =	swait.ge [sflag:s12], $0x2D00  }
0x9c: {  	s18 =	sadd.s32 $0xFFFFFFFF, s18;
	s19 =	sshrl.u32 s19, $0x2;
	[sflag:s12] =	ssyncset.done $0x0  }
0x9d: {  	s22 =	sadd.s32 $0x1E0A0, s22;
	s19 =	sadd.s32 $0x15F90, s19;
	[sflag:s12] =	ssyncadd.s32 $0xFFFFD300  }
0x9e: {  	[tilespmem:s19], [sflag:$0x1] =	stream.indirect.gather [hbm4b:s4+s6], $0x90, s22, s6, $0xb8;
	[tilespmem:$0x1E140] =	vst v63  }
0x9f: {  	s19 =	sand.u32 $0x1, s18  }
0xa0: {  	p2 =	sgt.u32 s18, $0x7A;
	s22 =	smul.u32 $0xB400, s19  }
0xa1: {  	s19 =	smul.u32 @!p2 $0x140, s19  }
.Ltmp1:
0xa2: {  	_ =	swait.ge [sflag:s9], $0x2D00;
	(pc) =	sbr.rel @p1 .LBB2_4-.Ltmp1, $4  }
0xa3: {  	s18 =	simm.s32 @!p2 $0x0;
	s22 =	sshrl.u32 s22, $0x2;
	[sflag:s9] =	ssyncset.done $0x0  }
0xa4: {  	s19 =	sshrl.u32 @!p2 s19, $0x2;
	s22 =	sadd.s32 $0x15F90, s22;
	[sflag:s9] =	ssyncadd.s32 $0xFFFFD300  }
0xa5: {  	[spmem:s1] =	stream.indirect.scatter.add.f32 [tilespmem:s22], [sflag:$0x3], $0x90, s14, s6, $0xb8;
	[tilespmem:$0x1E140] =	vst v63  }
0xa6: {  	s16 =	sadd.s32 $0xA, s16;
	s19 =	sadd.s32 @!p2 $0x1E0A0, s19;
	s14 =	sadd.s32 $0x50, s14  }
0xa7: {  	[tilespmem:s19], [sflag:$0x2] =	stream.linear.gather @!p2 [hbm4b:s21+s18], $0x50, $0x38;
	[tilespmem:$0x1E140] =	vst v63  }
0xa8: {  	_ =	swait.ge [sflag:s9], $0x2D00  }
0xa9: {  	[sflag:s9] =	ssyncset.done $0x0  }
0xaa: {  	[sflag:s9] =	ssyncadd.s32 $0xFFFFD300  }
0xab: {  	[spmem:s1] =	stream.indirect.scatter.add.f32 [tilespmem:s7], [sflag:$0x3], $0x90, s14, s6, $0xb8;
	[tilespmem:$0x1E140] =	vst v63  }
0xac: {  	_ =	swait.ge [sflag:s12], $0x2D00  }
0xad: {  	[sflag:s12] =	ssyncset.done $0x0  }
0xae: {  	[sflag:s12] =	ssyncadd.s32 $0xFFFFD300  }
0xaf: {  	_ =	swait.ge [sflag:s12], $0x2D00  }
0xb0: {  	[sflag:s12] =	ssyncset.done $0x0  }
0xb1: {  	[sflag:s12] =	ssyncadd.s32 $0xFFFFD300  }
0xb2: {  	s15 =	simm.s32 @p0 $0x1FC4;
	s14 =	sshrl.u32 @p0 s11, $0x3;
	[bflag:$0x0] =	sbarrier.arrive $0xFFFF  }
0xb3: {  	[hbm:s23], [sflag:s15] =	dma.local @p0 [spmem:s14], $0x2D00  }
0xb4: {  	s14 =	simm.s32 @p0 $0x4  }
0xb5: {  	s13 =	sadd.s32 $0x1, s13;
	s15 =	stileid.u32;
	_ =	swait.ge @p0 [sflag:s14], $0x2D00  }
0xb6: {  	p1 =	sne.s32 s13, s24;
	s15 =	sshll.u32 @!p0 s15, $0x6;
	[sflag:s14] =	ssyncset.done @p0 $0x0  }
0xb7: {  	[sflag:s14] =	ssyncadd.s32 @p0 $0xFFFFD300;
	s14 =	sor.u32 @!p0 $0x1C04, s15;
	s15 =	rddreg [dreg:$0x10]  }
0xb8: {  	[hbm:s15], [sflag:s14] =	dma.local @!p0 [spmem:s25], $0x2BE0  }
.Ltmp2:
0xb9: {  	_ = 	snop;
	(pc) =	sbr.rel @p1 .LBB2_1-.Ltmp2, $4  }
0xba: {  	s14 =	simm.s32 @!p0 $0x4  }
0xbb: {  	_ =	swait.ge @!p0 [sflag:s14], $0x2BE0  }
0xbc: {  	[sflag:s14] =	ssyncset.done @!p0 $0x0  }
0xbd: {  	[sflag:s14] =	ssyncadd.s32 @!p0 $0xFFFFD420  }
0xbe: {  	_ =	sfence.sel $0x180000  }
0xbf: {  	[bflag:$0x0] =	sbarrier.arrive $0xFFFF  }
0xc0: {  	_ =	strace $0x9000004A  }
0xc1: {  	s0 =	stileid.u32;
	[bflag:$0x2] =	sbarrier.arrive $0xFFFF  }
0xc2: {  	p0 =	sne.s32 s0, $0x0;
	s0 =	rddreg [dreg:$0x4]  }
0xc3: {  	s0 =	sadd.s32 @!p0 $0x100000, s0  }
0xc4: {  	[sflag:s0] =	ssyncadd.tile.s32 @!p0 $0x1;
	_ =	shalt  }
.Lfunc_end2:
_tile_overlayer_lowered:
.L_overlay_start_2:
0xc5: {  	(tag) =	ssettag $0x2  }
0xc6: {  	s0 =	rddreg [dreg:$0x0];
	s2 =	stileid.u32  }
0xc7: {  	s1 =	rddreg [dreg:$0x1];
	p0 =	sne.s32 s2, $0x0  }
0xc8: {  	s3 =	rddreg [dreg:$0x2];
	[bflag:$0x3] =	sbarrier.arrive $0xFFFF;
	s2 =	simm.s32 @!p0 $0x1C04  }
0xc9: {  	[timem:s3], [sflag:s2] =	dma.local @!p0 [hbm:s0], s1  }
0xca: {  	s0 =	simm.s32 @!p0 $0x4  }
0xcb: {  	_ =	swait.ge @!p0 [sflag:s0], s1  }
0xcc: {  	s1 =	ssub.s32 @!p0 $0x0, s1;
	[sflag:s0] =	ssyncset.done @!p0 $0x0  }
0xcd: {  	[sflag:s0] =	ssyncadd.s32 @!p0 s1  }
0xce: {  	[bflag:$0x3] =	sbarrier.arrive $0xFFFF  }
0xcf: {  	_ =	shalt  }

// kernel: kernel.14.cloned.1.call-start
scs
__scs_entry_jumppad:
0x0: {  	(pc) =	sbr.rel $0x88, $3  }
0x1: {  	(tag) =	ssettag $0x0;
	lr =	simm.s32 $0x1  }
0x2: {  	[smem:$0x3F93] =	sst lr;
	_ =	strace $0xD0000000  }
0x3: {  	_ = 	snop  }
0x4: {  	_ = 	snop  }
0x5: {  	_ = 	snop  }
0x6: {  	_ = 	snop  }
0x7: {  	_ = 	snop  }
__scs_overlays_trampoline_lowered:
0x8: {  	[smem:$0x3FA2] =	sst s0  }
0x9: {  	[smem:$0x3FA3] =	sst s1  }
0xa: {  	[smem:$0x3FA4] =	sst s2  }
0xb: {  	[smem:$0x3FA5] =	sst s3  }
0xc: {  	[smem:$0x3FA6] =	sst s4  }
0xd: {  	[smem:$0x3FA7] =	sst s5  }
0xe: {  	[smem:$0x3FA8] =	sst s6  }
0xf: {  	[smem:$0x3FA9] =	sst s7  }
0x10: {  	[smem:$0x3FAA] =	sst s8  }
0x11: {  	[smem:$0x3FAB] =	sst s9;
	s0 =	simm.s32 @!p0 $0x0  }
0x12: {  	s1 =	sld [smem:$0x3F91];
	s0 =	simm.s32 @p0 $0x1  }
0x13: {  	[smem:$0x3FAC] =	sst s0;
	s0 =	simm.s32 @!p1 $0x0  }
0x14: {  	s2 =	sld [smem:$0x3F90];
	s0 =	simm.s32 @p1 $0x1  }
0x15: {  	[smem:$0x3FAD] =	sst s0;
	s0 =	simm.s32 @!p2 $0x0  }
0x16: {  	s3 =	sld [smem:$0x3FDB];
	s0 =	simm.s32 @p2 $0x1  }
0x17: {  	s4 =	simm.s32 $0x1BF5;
	[smem:$0x3FAF] =	sst s0  }
0x18: {  	s0 =	sld [smem:$0x3F92];
	_ =	swait.ge [sflag:s4], $0x0  }
0x19: {  	s7 =	sld [smem:$0x3F93]  }
0x1a: {  	s8 =	sadd.s32 $0xFFFFE003, lr  }
0x1b: {  	s9 =	sadd.s32 $0xFFFFFEF7, lr;
	s5 =	simm.s32 $0xFFFFFFFF;
	p2 =	slt.u32 s8, $0xFFFFF086  }
0x1c: {  	p1 =	slt.u32 s9, $0xF7A;
	s5 =	simm.s32 @!p2 $0x0  }
0x1d: {  	s5 =	simm.s32 @p1 $0x1;
	p0 =	seq.s32 s7, s2  }
0x1e: {  	s7 =	smul.u32 @!p0 $0xF7A, s2;
	p2 =	seq.s32 @!p0 s5, $0x0  }
0x1f: {  	s9 =	smul.u32 $0xF7A, s1;
	s8 =	simm.s32 @!p0 $0x1BF5;
	p2 =	por !p2, p0  }
0x20: {  	[sflag:s8] =	ssyncset.s32 @!p0 $0xFFFFF086;
	s6 =	sadd.s32 @!p0 s3, s7;
	s7 =	simm.s32 @!p0 $0x108  }
0x21: {  	s3 =	sadd.s32 s3, s9;
	s6 =	sadd.s32 @!p0 $0x88, s6;
	s7 =	simm.s32 @p2 $0x1082  }
0x22: {  	[simem:s7], [sflag:s8] =	dma.local @!p0 [hbm:s6], $0xF7A  }
0x23: {  	s9 =	sor.u32 $0xD0000000, s2;
	s6 =	simm.s32 $0x108;
	_ =	swait.ge @!p0 [sflag:s8], $0x0  }
0x24: {  	s3 =	sadd.s32 $0x88, s3;
	s6 =	simm.s32 @!p1 $0x1082;
	[sflag:s4] =	ssyncset.s32 $0xFFFFF086  }
0x25: {  	[simem:s6], [sflag:s4] =	dma.local [hbm:s3], $0xF7A  }
0x26: {  	[smem:$0x3F93] =	sst s1;
	(tag) =	ssettag s2;
	_ =	strace s9  }
0x27: {  	s1 =	sld [smem:$0x3FA3]  }
0x28: {  	s2 =	sld [smem:$0x3FA4]  }
0x29: {  	s4 =	sld [smem:$0x3FA6]  }
0x2a: {  	p0 =	seq.s32 s5, $0x0;
	s5 =	sld [smem:$0x3FA7]  }
0x2b: {  	s6 =	sld [smem:$0x3FA8]  }
0x2c: {  	s7 =	sld [smem:$0x3FA9]  }
0x2d: {  	s3 =	simm.s32 $0x108;
	s8 =	sld [smem:$0x3FAA]  }
0x2e: {  	s3 =	simm.s32 @!p0 $0x1082;
	s9 =	sld [smem:$0x3FAB]  }
0x2f: {  	lr =	sadd.s32 s0, s3;
	s0 =	sld [smem:$0x3FA2]  }
0x30: {  	s3 =	sld [smem:$0x3FA5]  }
0x31: {  	[smem:$0x3FAE] =	sst s10  }
0x32: {  	s10 =	sld [smem:$0x3FAC];
	_ =	sdelay $0x3  }
0x33: {  	p0 =	seq.s32 s10, $0x1;
	s10 =	sld [smem:$0x3FAE];
	_ =	sdelay $0x3  }
0x34: {  	[smem:$0x3FAE] =	sst s10  }
0x35: {  	s10 =	sld [smem:$0x3FAD];
	_ =	sdelay $0x3  }
0x36: {  	p1 =	seq.s32 s10, $0x1;
	s10 =	sld [smem:$0x3FAE];
	_ =	sdelay $0x3  }
0x37: {  	[smem:$0x3FAE] =	sst s10  }
0x38: {  	s10 =	sld [smem:$0x3FAF]  }
0x39: {  	_ = 	snop;
	(pc) =	sbr.ind lr, $3  }
0x3a: {  	_ = 	snop  }
0x3b: {  	_ = 	snop  }
0x3c: {  	p2 =	seq.s32 s10, $0x1;
	s10 =	sld [smem:$0x3FAE]  }
0x3d: {  	_ =	shalt  }
0x3e: {  	_ =	shalt  }
0x3f: {  	_ =	shalt  }
0x40: {  	_ =	shalt  }
0x41: {  	_ =	shalt  }
0x42: {  	_ =	shalt  }
0x43: {  	_ =	shalt  }
0x44: {  	_ =	shalt  }
0x45: {  	_ =	shalt  }
0x46: {  	_ =	shalt  }
0x47: {  	_ =	shalt  }
0x48: {  	_ =	shalt  }
0x49: {  	_ =	shalt  }
0x4a: {  	_ =	shalt  }
0x4b: {  	_ =	shalt  }
0x4c: {  	_ =	shalt  }
0x4d: {  	_ =	shalt  }
0x4e: {  	_ =	shalt  }
0x4f: {  	_ =	shalt  }
0x50: {  	_ =	shalt  }
0x51: {  	_ =	shalt  }
0x52: {  	_ =	shalt  }
0x53: {  	_ =	shalt  }
0x54: {  	_ =	shalt  }
0x55: {  	_ =	shalt  }
0x56: {  	_ =	shalt  }
0x57: {  	_ =	shalt  }
0x58: {  	_ =	shalt  }
0x59: {  	_ =	shalt  }
0x5a: {  	_ =	shalt  }
0x5b: {  	_ =	shalt  }
0x5c: {  	_ =	shalt  }
0x5d: {  	_ =	shalt  }
0x5e: {  	_ =	shalt  }
0x5f: {  	_ =	shalt  }
0x60: {  	_ =	shalt  }
0x61: {  	_ =	shalt  }
0x62: {  	_ =	shalt  }
0x63: {  	_ =	shalt  }
0x64: {  	_ =	shalt  }
0x65: {  	_ =	shalt  }
0x66: {  	_ =	shalt  }
0x67: {  	_ =	shalt  }
0x68: {  	_ =	shalt  }
0x69: {  	_ =	shalt  }
0x6a: {  	_ =	shalt  }
0x6b: {  	_ =	shalt  }
0x6c: {  	_ =	shalt  }
0x6d: {  	_ =	shalt  }
0x6e: {  	_ =	shalt  }
0x6f: {  	_ =	shalt  }
0x70: {  	_ =	shalt  }
0x71: {  	_ =	shalt  }
0x72: {  	_ =	shalt  }
0x73: {  	_ =	shalt  }
0x74: {  	_ =	shalt  }
0x75: {  	_ =	shalt  }
0x76: {  	_ =	shalt  }
0x77: {  	_ =	shalt  }
0x78: {  	_ =	shalt  }
0x79: {  	_ =	shalt  }
0x7a: {  	_ =	shalt  }
0x7b: {  	_ =	shalt  }
0x7c: {  	_ =	shalt  }
0x7d: {  	_ =	shalt  }
0x7e: {  	_ =	shalt  }
0x7f: {  	_ =	shalt  }
0x80: {  	_ =	shalt  }
0x81: {  	_ =	shalt  }
0x82: {  	_ =	shalt  }
0x83: {  	_ =	shalt  }
0x84: {  	_ =	shalt  }
0x85: {  	_ =	shalt  }
0x86: {  	_ =	shalt  }
0x87: {  	_ =	shalt  }
.Lfunc_end0:
.L_simem_size_0:
called_computation.2_lowered:
.L_overlay_start_0:
0x88: {  	s2 =	sld [smem:$0x3FD9]  }
0x89: {  	s3 =	sld [smem:$0x3FFE];
	_ =	sdelay $0x1  }
0x8a: {  	s1 =	srdreg.scid  }
0x8b: {  	s0 =	sand.u32 $0x1, s1  }
0x8c: {  	s14 =	sshll.u32 s0, $0xA;
	s2 =	sadd.s32 s3, s2  }
0x8d: {  	s2 =	sadd.s32 s2, s14  }
0x8e: {  	[smem:$0x3FBA] =	sst s2  }
0x8f: {  	_ = 	snop  }
0x90: {  	s2 =	sld [smem:$0x3FD0];
	_ =	sdelay $0x2  }
0x91: {  	s15 =	simm.s32 $0xA;
	s4 =	simm.s32 $0x10  }
0x92: {  	[smem:s4], [sflag:s15] =	dma.local [hbm:s2], $0x1  }
0x93: {  	_ =	swait.eq [sflag:s15], $0x1  }
0x94: {  	[sflag:s15] =	ssyncset.done $0x0  }
0x95: {  	s16 =	sld [smem:$0x12];
	[sflag:s15] =	ssyncadd.s32 $0xFFFFFFFF  }
0x96: {  	s17 =	sld [smem:$0x13];
	(tm) =	ssettm $0x1  }
0x97: {  	s18 =	sld [smem:$0x3FFB];
	_ =	sdelay $0x3  }
0x98: {  	_ =	strace s18  }
0x99: {  	s4 =	sld [smem:$0x3FFC];
	_ =	sdelay $0x3  }
0x9a: {  	_ =	strace s4  }
0x9b: {  	s4 =	sld [smem:$0x3FFD];
	_ =	sdelay $0x3  }
0x9c: {  	_ =	strace s4  }
0x9d: {  	_ =	strace $0x8FFFFFFF  }
0x9e: {  	s19 =	sld [smem:$0x3FDB];
	_ =	sdelay $0x1  }
0x9f: {  	s5 =	simm.s32 $_scs_section_size  }
0xa0: {  	s6 =	simm.s32 $_size__tile_overlayer_lowered;
	s7 =	simm.s32 $_tile_overlayer_lowered  }
0xa1: {  	s22 =	simm.s32 $0x1BFF;
	s21 =	sshll.u32 s7, $0x1;
	s4 =	sadd.s32 s5, s19  }
0xa2: {  	s8 =	simm.s32 $0x0;
	s20 =	sshll.u32 s6, $0x1;
	s6 =	sadd.s32 s21, s4  }
0xa3: {  	[timem:s8], [sflag:s22] =	dma.local [hbm:s6], s20  }
0xa4: {  	_ =	swait.ge [sflag:s22], s20  }
0xa5: {  	s5 =	ssub.s32 $0x0, s20;
	[sflag:s22] =	ssyncset.done $0x0  }
0xa6: {  	[sflag:s22] =	ssyncadd.s32 s5;
	_ =	sdelay $0x1  }
0xa7: {  	s23 =	simm.s32 $0x1B8B  }
0xa8: {  	_ =	swait.ge [sflag:s23], $0x1  }
0xa9: {  	[sflag:s23] =	ssyncset.done $0x0  }
0xaa: {  	s25 =	simm.s32 $0x1B8E;
	s24 =	sld [smem:$0x3FFE];
	[sflag:s23] =	ssyncadd.s32 $0xFFFFFFFF  }
0xab: {  	s26 =	simm.s32 $execute0_lowered;
	[smem:$0x3FD2] =	sst s25  }
0xac: {  	s6 =	sshll.u32 s26, $0x1;
	_ =	strace $0x8000004C;
	[dreg:$0x1] =	wrdreg $0xFFFFFFFF  }
0xad: {  	s28 =	simm.s32 $_size_execute0_lowered;
	s4 =	sadd.s32 s4, s6;
	[dreg:$0x0] =	wrdreg $0x0  }
0xae: {  	s6 =	sshll.u32 s28, $0x1;
	[dreg:$0x2] =	wrdreg s4  }
0xaf: {  	[dreg:$0x3] =	wrdreg s6  }
0xb0: {  	[dreg:$0x4] =	wrdreg $0xC0  }
0xb1: {  	_ =	task [dreg:s8], $0x5FFFF  }
0xb2: {  	[dreg:$0x1] =	wrdreg $0xFFFFFFFF  }
0xb3: {  	[dreg:$0x0] =	wrdreg $0x60  }
0xb4: {  	[dreg:$0x2] =	wrdreg s24  }
0xb5: {  	[dreg:$0x3] =	wrdreg s17  }
0xb6: {  	[dreg:$0x4] =	wrdreg s16  }
0xb7: {  	[dreg:$0x5] =	wrdreg $0x0  }
0xb8: {  	[dreg:$0x6] =	wrdreg $0x9  }
0xb9: {  	_ =	task.clear_ibuf [dreg:s8], $0x7FFFF;
	_ =	strace $0x9000004C  }
0xba: {  	s29 =	simm.s32 $0x9;
	_ =	strace $0x8000004E  }
0xbb: {  	_ =	swait.ge [sflag:s29], $0x1  }
0xbc: {  	[sflag:s29] =	ssyncadd.s32 $0xFFFFFFFF  }
0xbd: {  	_ =	strace $0x9000004E  }
0xbe: {  	_ =	sfence  }
0xbf: {  	s30 =	sld [smem:$0x0];
	_ =	sdelay $0x2  }
0xc0: {  	s31 =	sshll.u32 s1, $0xD;
	s1 =	sshrl.u32 s1, $0x2  }
0xc1: {  	s3 =	sand.u32 $0x4000, s31;
	s1 =	sadd.s32 s1, s30  }
0xc2: {  	s0 =	sor.u32 s3, s0;
	s1 =	sshll.u32 s1, $0x11  }
0xc3: {  	s0 =	sor.u32 s1, s0  }
0xc4: {  	s0 =	sadd.s32 $0x8F2B, s0  }
0xc5: {  	[sflag:s0] =	ssyncadd.remote.s32 $0x1  }
0xc6: {  	_ =	sfence.sel $0xFFFF  }
0xc7: {  	[dreg:$0x0] =	wrdreg $0xFFFFFFFF;
	(pc) =	sbr.abs _section_cstart, $3  }
0xc8: {  	[dreg:$0x1] =	wrdreg $0xFFFFFFFF  }
0xc9: {  	_ =	task.clear_ibuf [dreg:s8], $0x2FFFF;
	_ =	strace $0x9FFFFFFF  }
0xca: {  	(tm) =	ssettm $0x7FFFFFFF  }
0xcb: {  	_ =	shalt  }
tec
execute0_lowered:
.L_overlay_start_1:
0x0: {  	(tag) =	ssettag $0x1  }
0x1: {  	s0 =	rddreg [dreg:$0x0]  }
0x2: {  	s2 =	rddreg [dreg:$0x1]  }
0x3: {  	s6 =	rddreg [dreg:$0x2]  }
0x4: {  	s1 =	rddreg [dreg:$0x3];
	s14 =	stileid.u32  }
0x5: {  	s4 =	srdreg.scid;
	s3 =	simm.s32 $0x0;
	s8 =	smul.u32 $0x57C00, s14  }
0x6: {  	s31 =	simm.s32 $0x1B990;
	s12 =	smul.u32 $0x15F00, s14;
	s18 =	sadd.s32 $0x14BE00, s1  }
0x7: {  	[smem:$0x7FF] =	sst s3;
	s19 =	smul.u32 $0x2710, s14;
	s20 =	sadd.s32 $0x14EB00, s1  }
0x8: {  	s7 =	sand.u32 $0x1, s4;
	s21 =	sadd.s32 $0x151800, s1;
	s22 =	sadd.s32 $0x154500, s1  }
0x9: {  	s25 =	sadd.s32 $0x157200, s1;
	_ =	strace $0x8000004D;
	[dreg:$0xb] =	wrdreg s18  }
0xa: {  	p0 =	seq.s32 s14, $0xF;
	s28 =	sadd.s32 $0x15CC00, s1;
	[dreg:$0xd] =	wrdreg s20  }
0xb: {  	s4 =	sshll.u32 s7, $0x4;
	s15 =	smul.u32 $0x15F900, s7;
	[dreg:$0xe] =	wrdreg s21  }
0xc: {  	s9 =	ssub.s32 $0x2, s7;
	s7 =	smul.u32 $0x27100, s7;
	[dreg:$0xf] =	wrdreg s22  }
0xd: {  	[dreg:$0x11] =	wrdreg s25;
	s5 =	sor.u32 s14, s4;
	s4 =	sadd.s32 $0x50600, s0  }
0xe: {  	s0 =	sadd.s32 $0x7C600, s0;
	s10 =	sshrl.u32 s9, $0x1;
	s8 =	sshrl.u32 s8, $0x2  }
0xf: {  	s5 =	smul.u32 $0x2710, s5;
	s9 =	ssub.s32 s9, s10;
	s24 =	sadd.s32 s12, s15  }
0x10: {  	s23 =	sadd.s32 s19, s7;
	s10 =	simm.s32 $0x2;
	s7 =	sshrl.u32 s24, $0x3  }
0x11: {  	s26 =	sshrl.u32 s5, $0x3;
	s5 =	sadd.s32 s8, s1;
	s7 =	sadd.s32 s0, s7  }
0x12: {  	s24 =	smax.u32 s9, $0x1;
	s8 =	sadd.s32 $0x2D00, s5;
	[dreg:$0x10] =	wrdreg s7  }
0x13: {  	s9 =	simm.s32 $0x1;
	s13 =	sadd.s32 $0x5A00, s5;
	[dreg:$0x5] =	wrdreg s8  }
0x14: {  	s11 =	sadd.s32 $0x8700, s5;
	s16 =	sadd.s32 $0xB400, s5;
	[dreg:$0x6] =	wrdreg s13  }
0x15: {  	s17 =	sadd.s32 $0xE100, s5;
	s6 =	sadd.s32 s6, s26;
	[dreg:$0x7] =	wrdreg s11  }
0x16: {  	s20 =	sadd.s32 s2, s26;
	s26 =	sadd.s32 $0x159F00, s1;
	[dreg:$0x8] =	wrdreg s16  }
0x17: {  	s7 =	simm.s32 $0x15F90;
	[dreg:$0x9] =	wrdreg s17;
	s11 =	sadd.s32 $0x149100, s1  }
0x18: {  	s13 =	sadd.s32 $0x10E00, s5;
	[dreg:$0xc] =	wrdreg s6;
	s8 =	sshrl.u32 s15, $0x3  }
0x19: {  	s6 =	sadd.s32 $0xF0, s23;
	[dreg:$0x12] =	wrdreg s26;
	s26 =	sadd.s32 $0x13B00, s5  }
0x1a: {  	s29 =	sadd.s32 $0xA, s20;
	s30 =	sadd.s32 $0x14, s20;
	[dreg:$0xa] =	wrdreg s13  }
0x1b: {  	s0 =	sadd.s32 s0, s8;
	s6 =	sshrl.u32 s6, $0x3;
	s8 =	simm.s32 $0x1E0F0  }
0x1c: {  	s13 =	simm.s32 $0x0;
	s17 =	sadd.s32 s6, s2;
	s2 =	sadd.s32 s12, s1  }
0x1d: {  	s23 =	sadd.s32 $0x29220, s0;
	s0 =	simm.s32 $0x4;
	s6 =	simm.s32 $0x50  }
0x1e: {  	v0 =	vimm.f32 $0.0e+00;
	s12 =	simm.s32 $0x3;
	s25 =	sshrl.u32 @!p0 s2, $0x3;
	s2 =	simm.s32 $0x1E0A0  }
.LBB2_1:
0x1f: {  	s14 =	rddreg [dreg:$0xc]  }
0x20: {  	[tilespmem:s31], [sflag:$0x4] =	stream.linear.gather [hbm4b:s14+s3], $0x2710, $0x38;
	[tilespmem:$0x1E140] =	vst v63  }
0x21: {  	_ =	swait.ge [sflag:s0], $0x2710  }
0x22: {  	[sflag:s0] =	ssyncset.done $0x0  }
0x23: {  	s15 =	simm.s32 $0x240;
	s14 =	simm.s32 $0x0;
	[sflag:s0] =	ssyncadd.s32 $0xFFFFD8F0  }
.LBB2_2:
0x24: {  	p1 =	sne.s32 s15, $0xB1C0;
	[tilespmem:s14+$0x16010] =	vst v0  }
0x25: {  	[tilespmem:s14+$0x15F90] =	vst v0  }
0x26: {  	[tilespmem:s14+$0x15FA0] =	vst v0  }
0x27: {  	[tilespmem:s14+$0x15FB0] =	vst v0  }
.Ltmp0:
0x28: {  	[tilespmem:s14+$0x15FC0] =	vst v0;
	(pc) =	sbr.rel @p1 .LBB2_2-.Ltmp0, $4  }
0x29: {  	[tilespmem:s14+$0x15FD0] =	vst v0  }
0x2a: {  	[tilespmem:s14+$0x15FE0] =	vst v0  }
0x2b: {  	[tilespmem:s14+$0x15FF0] =	vst v0  }
0x2c: {  	[tilespmem:s14+$0x16000] =	vst v0;
	s14 =	sshra.s32 s15, $0x2;
	s15 =	sadd.s32 $0x240, s15  }
0x2d: {  	[tilespmem:s14+$0x16010] =	vst v0  }
0x2e: {  	[tilespmem:s14+$0x15F90] =	vst v0  }
0x2f: {  	[tilespmem:s14+$0x15FA0] =	vst v0  }
0x30: {  	[tilespmem:s14+$0x15FB0] =	vst v0  }
0x31: {  	[tilespmem:s14+$0x15FC0] =	vst v0  }
0x32: {  	[tilespmem:s14+$0x15FD0] =	vst v0  }
0x33: {  	[tilespmem:s14+$0x15FE0] =	vst v0  }
0x34: {  	[tilespmem:s14+$0x15FF0] =	vst v0  }
0x35: {  	[tilespmem:s14+$0x16000] =	vst v0;
	s14 =	simm.s32 @p0 $0x15F90;
	s15 =	simm.s32 @p0 $0x4  }
0x36: {  	[spmem:s11] =	stream.linear.scatter @p0 [tilespmem:s14], [sflag:$0x4], $0x2D00, $0x38;
	[tilespmem:$0x1E140] =	vst v63  }
0x37: {  	_ =	swait.ge @p0 [sflag:s15], $0x2D00  }
0x38: {  	[sflag:s15] =	ssyncset.done @p0 $0x0  }
0x39: {  	s16 =	rddreg [dreg:$0xb];
	[sflag:s15] =	ssyncadd.s32 @p0 $0xFFFFD300  }
0x3a: {  	[spmem:s16] =	stream.linear.scatter @p0 [tilespmem:s14], [sflag:$0x4], $0x2D00, $0x38;
	[tilespmem:$0x1E140] =	vst v63  }
0x3b: {  	_ =	swait.ge @p0 [sflag:s15], $0x2D00  }
0x3c: {  	[sflag:s15] =	ssyncset.done @p0 $0x0  }
0x3d: {  	s16 =	rddreg [dreg:$0xd];
	[sflag:s15] =	ssyncadd.s32 @p0 $0xFFFFD300  }
0x3e: {  	[spmem:s16] =	stream.linear.scatter @p0 [tilespmem:s14], [sflag:$0x4], $0x2D00, $0x38;
	[tilespmem:$0x1E140] =	vst v63  }
0x3f: {  	_ =	swait.ge @p0 [sflag:s15], $0x2D00  }
0x40: {  	[sflag:s15] =	ssyncset.done @p0 $0x0  }
0x41: {  	s16 =	rddreg [dreg:$0xe];
	[sflag:s15] =	ssyncadd.s32 @p0 $0xFFFFD300  }
0x42: {  	[spmem:s16] =	stream.linear.scatter @p0 [tilespmem:s14], [sflag:$0x4], $0x2D00, $0x38;
	[tilespmem:$0x1E140] =	vst v63  }
0x43: {  	_ =	swait.ge @p0 [sflag:s15], $0x2D00  }
0x44: {  	[sflag:s15] =	ssyncset.done @p0 $0x0  }
0x45: {  	s16 =	rddreg [dreg:$0xf];
	[sflag:s15] =	ssyncadd.s32 @p0 $0xFFFFD300  }
0x46: {  	[spmem:s16] =	stream.linear.scatter @p0 [tilespmem:s14], [sflag:$0x4], $0x2D00, $0x38;
	[tilespmem:$0x1E140] =	vst v63  }
0x47: {  	_ =	swait.ge @p0 [sflag:s15], $0x2D00  }
0x48: {  	[sflag:s15] =	ssyncset.done @p0 $0x0  }
0x49: {  	s16 =	rddreg [dreg:$0x11];
	[sflag:s15] =	ssyncadd.s32 @p0 $0xFFFFD300  }
0x4a: {  	[spmem:s16] =	stream.linear.scatter @p0 [tilespmem:s14], [sflag:$0x4], $0x2D00, $0x38;
	[tilespmem:$0x1E140] =	vst v63  }
0x4b: {  	_ =	swait.ge @p0 [sflag:s15], $0x2D00  }
0x4c: {  	[sflag:s15] =	ssyncset.done @p0 $0x0  }
0x4d: {  	s16 =	rddreg [dreg:$0x12];
	[sflag:s15] =	ssyncadd.s32 @p0 $0xFFFFD300  }
0x4e: {  	[spmem:s16] =	stream.linear.scatter @p0 [tilespmem:s14], [sflag:$0x4], $0x2D00, $0x38;
	[tilespmem:$0x1E140] =	vst v63  }
0x4f: {  	_ =	swait.ge @p0 [sflag:s15], $0x2D00  }
0x50: {  	[sflag:s15] =	ssyncset.done @p0 $0x0  }
0x51: {  	[sflag:s15] =	ssyncadd.s32 @p0 $0xFFFFD300  }
0x52: {  	[spmem:s28] =	stream.linear.scatter @p0 [tilespmem:s14], [sflag:$0x4], $0x2D00, $0x38;
	[tilespmem:$0x1E140] =	vst v63  }
0x53: {  	_ =	swait.ge @p0 [sflag:s15], $0x2D00  }
0x54: {  	[sflag:s15] =	ssyncset.done @p0 $0x0  }
0x55: {  	s14 =	simm.s32 @!p0 $0x15F90;
	[sflag:s15] =	ssyncadd.s32 @p0 $0xFFFFD300;
	s15 =	simm.s32 @!p0 $0x4  }
0x56: {  	[spmem:s5] =	stream.linear.scatter @!p0 [tilespmem:s14], [sflag:$0x4], $0x2D00, $0x38;
	[tilespmem:$0x1E140] =	vst v63  }
0x57: {  	_ =	swait.ge @!p0 [sflag:s15], $0x2D00  }
0x58: {  	[sflag:s15] =	ssyncset.done @!p0 $0x0  }
0x59: {  	s16 =	rddreg [dreg:$0x5];
	[sflag:s15] =	ssyncadd.s32 @!p0 $0xFFFFD300  }
0x5a: {  	[spmem:s16] =	stream.linear.scatter @!p0 [tilespmem:s14], [sflag:$0x4], $0x2D00, $0x38;
	[tilespmem:$0x1E140] =	vst v63  }
0x5b: {  	_ =	swait.ge @!p0 [sflag:s15], $0x2D00  }
0x5c: {  	[sflag:s15] =	ssyncset.done @!p0 $0x0  }
0x5d: {  	s16 =	rddreg [dreg:$0x6];
	[sflag:s15] =	ssyncadd.s32 @!p0 $0xFFFFD300  }
0x5e: {  	[spmem:s16] =	stream.linear.scatter @!p0 [tilespmem:s14], [sflag:$0x4], $0x2D00, $0x38;
	[tilespmem:$0x1E140] =	vst v63  }
0x5f: {  	_ =	swait.ge @!p0 [sflag:s15], $0x2D00  }
0x60: {  	[sflag:s15] =	ssyncset.done @!p0 $0x0  }
0x61: {  	s16 =	rddreg [dreg:$0x7];
	[sflag:s15] =	ssyncadd.s32 @!p0 $0xFFFFD300  }
0x62: {  	[spmem:s16] =	stream.linear.scatter @!p0 [tilespmem:s14], [sflag:$0x4], $0x2D00, $0x38;
	[tilespmem:$0x1E140] =	vst v63  }
0x63: {  	_ =	swait.ge @!p0 [sflag:s15], $0x2D00  }
0x64: {  	[sflag:s15] =	ssyncset.done @!p0 $0x0  }
0x65: {  	s16 =	rddreg [dreg:$0x8];
	[sflag:s15] =	ssyncadd.s32 @!p0 $0xFFFFD300  }
0x66: {  	[spmem:s16] =	stream.linear.scatter @!p0 [tilespmem:s14], [sflag:$0x4], $0x2D00, $0x38;
	[tilespmem:$0x1E140] =	vst v63  }
0x67: {  	_ =	swait.ge @!p0 [sflag:s15], $0x2D00  }
0x68: {  	[sflag:s15] =	ssyncset.done @!p0 $0x0  }
0x69: {  	s16 =	rddreg [dreg:$0x9];
	[sflag:s15] =	ssyncadd.s32 @!p0 $0xFFFFD300  }
0x6a: {  	[spmem:s16] =	stream.linear.scatter @!p0 [tilespmem:s14], [sflag:$0x4], $0x2D00, $0x38;
	[tilespmem:$0x1E140] =	vst v63  }
0x6b: {  	_ =	swait.ge @!p0 [sflag:s15], $0x2D00  }
0x6c: {  	[sflag:s15] =	ssyncset.done @!p0 $0x0  }
0x6d: {  	s16 =	rddreg [dreg:$0xa];
	[sflag:s15] =	ssyncadd.s32 @!p0 $0xFFFFD300  }
0x6e: {  	[spmem:s16] =	stream.linear.scatter @!p0 [tilespmem:s14], [sflag:$0x4], $0x2D00, $0x38;
	[tilespmem:$0x1E140] =	vst v63  }
0x6f: {  	_ =	swait.ge @!p0 [sflag:s15], $0x2D00  }
0x70: {  	[sflag:s15] =	ssyncset.done @!p0 $0x0  }
0x71: {  	[sflag:s15] =	ssyncadd.s32 @!p0 $0xFFFFD300  }
0x72: {  	[spmem:s26] =	stream.linear.scatter @!p0 [tilespmem:s14], [sflag:$0x4], $0x2400, $0x38;
	[tilespmem:$0x1E140] =	vst v63  }
0x73: {  	_ =	swait.ge @!p0 [sflag:s15], $0x2400  }
0x74: {  	[sflag:s15] =	ssyncset.done @!p0 $0x0  }
0x75: {  	[sflag:s15] =	ssyncadd.s32 @!p0 $0xFFFFDC00  }
0x76: {  	[bflag:$0x0] =	sbarrier.arrive $0xFFFF  }
0x77: {  	[tilespmem:s2], [sflag:$0x4] =	stream.linear.gather [hbm4b:s20+s3], $0x50, $0x38;
	[tilespmem:$0x1E140] =	vst v63  }
0x78: {  	_ =	swait.ge [sflag:s0], $0x50  }
0x79: {  	[sflag:s0] =	ssyncset.done $0x0  }
0x7a: {  	[sflag:s0] =	ssyncadd.s32 $0xFFFFFFB0  }
0x7b: {  	[tilespmem:s7], [sflag:$0x1] =	stream.indirect.gather [hbm4b:s4+s6], $0x90, s2, s6, $0xb8;
	[tilespmem:$0x1E140] =	vst v63  }
0x7c: {  	s22 =	simm.s32 $0x2  }
0x7d: {  	[tilespmem:s8], [sflag:$0x2] =	stream.linear.gather [hbm4b:s29+s3], $0x50, $0x38;
	[tilespmem:$0x1E140] =	vst v63  }
0x7e: {  	_ =	swait.ge [sflag:s22], $0x50  }
0x7f: {  	[sflag:s22] =	ssyncset.done $0x0  }
0x80: {  	s16 =	simm.s32 $0x18C90;
	[sflag:s22] =	ssyncadd.s32 $0xFFFFFFB0  }
0x81: {  	[tilespmem:s16], [sflag:$0x1] =	stream.indirect.gather [hbm4b:s4+s6], $0x90, s8, s6, $0xb8;
	[tilespmem:$0x1E140] =	vst v63  }
0x82: {  	_ =	swait.ge [sflag:s9], $0x2D00  }
0x83: {  	[sflag:s9] =	ssyncset.done $0x0  }
0x84: {  	[sflag:s9] =	ssyncadd.s32 $0xFFFFD300  }
0x85: {  	[spmem:s1] =	stream.indirect.scatter.add.f32 [tilespmem:s7], [sflag:$0x3], $0x90, s31, s6, $0xb8;
	[tilespmem:$0x1E140] =	vst v63  }
0x86: {  	_ = 	snop  }
0x87: {  	[tilespmem:s2], [sflag:$0x2] =	stream.linear.gather [hbm4b:s30+s3], $0x50, $0x38;
	[tilespmem:$0x1E140] =	vst v63  }
0x88: {  	s14 =	sand.u32 $0x1, s22;
	_ =	swait.ge [sflag:s10], $0x50  }
0x89: {  	s18 =	smul.u32 $0x140, s14;
	[sflag:s10] =	ssyncset.done $0x0  }
0x8a: {  	s14 =	smul.u32 $0xB400, s14;
	[sflag:s10] =	ssyncadd.s32 $0xFFFFFFB0  }
0x8b: {  	s19 =	simm.s32 $0x1;
	_ =	swait.ge [sflag:s12], $0x2D00  }
0x8c: {  	s15 =	sshrl.u32 s18, $0x2;
	s14 =	sshrl.u32 s14, $0x2;
	[sflag:s12] =	ssyncset.done $0x0  }
0x8d: {  	s15 =	sadd.s32 $0x1E0A0, s15;
	s14 =	sadd.s32 $0x15F90, s14;
	[sflag:s12] =	ssyncadd.s32 $0xFFFFD300  }
0x8e: {  	[tilespmem:s14], [sflag:$0x1] =	stream.indirect.gather [hbm4b:s4+s6], $0x90, s15, s6, $0xb8;
	[tilespmem:$0x1E140] =	vst v63  }
0x8f: {  	p2 =	por $0x0, $0x0;
	s14 =	sand.u32 $0x1, s19  }
0x90: {  	s18 =	simm.s32 @!p2 $0x0;
	s21 =	smul.u32 $0xB400, s14;
	_ =	swait.ge [sflag:s9], $0x2D00  }
0x91: {  	s22 =	simm.s32 $0x1B9E0;
	s14 =	smul.u32 @!p2 $0x140, s14;
	[sflag:s9] =	ssyncset.done $0x0  }
0x92: {  	s16 =	sadd.s32 $0xA, s17;
	s15 =	sshrl.u32 s21, $0x2;
	[sflag:s9] =	ssyncadd.s32 $0xFFFFD300  }
0x93: {  	s14 =	sshrl.u32 @!p2 s14, $0x2;
	s21 =	smov.u32 s17;
	s15 =	sadd.s32 $0x15F90, s15  }
0x94: {  	[spmem:s1] =	stream.indirect.scatter.add.f32 [tilespmem:s15], [sflag:$0x3], $0x90, s22, s6, $0xb8;
	[tilespmem:$0x1E140] =	vst v63  }
0x95: {  	s19 =	sadd.s32 @!p2 $0x1E0A0, s14;
	s14 =	simm.s32 $0x1BA30;
	s15 =	simm.s32 $0x3  }
.LBB2_4:
0x96: {  	[tilespmem:s19], [sflag:$0x2] =	stream.linear.gather @!p2 [hbm4b:s21+s18], $0x50, $0x38;
	[tilespmem:$0x1E140] =	vst v63  }
0x97: {  	s18 =	smov.u32 s15;
	s21 =	smov.u32 s16  }
0x98: {  	s15 =	sadd.s32 $0x1, s15;
	s19 =	sand.u32 $0x1, s18;
	_ =	swait.ge [sflag:s10], $0x50  }
0x99: {  	p1 =	sne.s32 s15, $0x7D;
	s22 =	smul.u32 $0x140, s19;
	[sflag:s10] =	ssyncset.done $0x0  }
0x9a: {  	s19 =	smul.u32 $0xB400, s19;
	[sflag:s10] =	ssyncadd.s32 $0xFFFFFFB0  }
0x9b: {  	s22 =	sshrl.u32 s22, $0x2;
	_ =	swait.ge [sflag:s12], $0x2D00  }
0x9c: {  	s18 =	sadd.s32 $0xFFFFFFFF, s18;
	s19 =	sshrl.u32 s19, $0x2;
	[sflag:s12] =	ssyncset.done $0x0  }
0x9d: {  	s22 =	sadd.s32 $0x1E0A0, s22;
	s19 =	sadd.s32 $0x15F90, s19;
	[sflag:s12] =	ssyncadd.s32 $0xFFFFD300  }
0x9e: {  	[tilespmem:s19], [sflag:$0x1] =	stream.indirect.gather [hbm4b:s4+s6], $0x90, s22, s6, $0xb8;
	[tilespmem:$0x1E140] =	vst v63  }
0x9f: {  	s19 =	sand.u32 $0x1, s18  }
0xa0: {  	p2 =	sgt.u32 s18, $0x7A;
	s22 =	smul.u32 $0xB400, s19  }
0xa1: {  	s19 =	smul.u32 @!p2 $0x140, s19  }
.Ltmp1:
0xa2: {  	_ =	swait.ge [sflag:s9], $0x2D00;
	(pc) =	sbr.rel @p1 .LBB2_4-.Ltmp1, $4  }
0xa3: {  	s18 =	simm.s32 @!p2 $0x0;
	s22 =	sshrl.u32 s22, $0x2;
	[sflag:s9] =	ssyncset.done $0x0  }
0xa4: {  	s19 =	sshrl.u32 @!p2 s19, $0x2;
	s22 =	sadd.s32 $0x15F90, s22;
	[sflag:s9] =	ssyncadd.s32 $0xFFFFD300  }
0xa5: {  	[spmem:s1] =	stream.indirect.scatter.add.f32 [tilespmem:s22], [sflag:$0x3], $0x90, s14, s6, $0xb8;
	[tilespmem:$0x1E140] =	vst v63  }
0xa6: {  	s16 =	sadd.s32 $0xA, s16;
	s19 =	sadd.s32 @!p2 $0x1E0A0, s19;
	s14 =	sadd.s32 $0x50, s14  }
0xa7: {  	[tilespmem:s19], [sflag:$0x2] =	stream.linear.gather @!p2 [hbm4b:s21+s18], $0x50, $0x38;
	[tilespmem:$0x1E140] =	vst v63  }
0xa8: {  	_ =	swait.ge [sflag:s9], $0x2D00  }
0xa9: {  	[sflag:s9] =	ssyncset.done $0x0  }
0xaa: {  	[sflag:s9] =	ssyncadd.s32 $0xFFFFD300  }
0xab: {  	[spmem:s1] =	stream.indirect.scatter.add.f32 [tilespmem:s7], [sflag:$0x3], $0x90, s14, s6, $0xb8;
	[tilespmem:$0x1E140] =	vst v63  }
0xac: {  	_ =	swait.ge [sflag:s12], $0x2D00  }
0xad: {  	[sflag:s12] =	ssyncset.done $0x0  }
0xae: {  	[sflag:s12] =	ssyncadd.s32 $0xFFFFD300  }
0xaf: {  	_ =	swait.ge [sflag:s12], $0x2D00  }
0xb0: {  	[sflag:s12] =	ssyncset.done $0x0  }
0xb1: {  	[sflag:s12] =	ssyncadd.s32 $0xFFFFD300  }
0xb2: {  	s15 =	simm.s32 @p0 $0x1FC4;
	s14 =	sshrl.u32 @p0 s11, $0x3;
	[bflag:$0x0] =	sbarrier.arrive $0xFFFF  }
0xb3: {  	[hbm:s23], [sflag:s15] =	dma.local @p0 [spmem:s14], $0x2D00  }
0xb4: {  	s14 =	simm.s32 @p0 $0x4  }
0xb5: {  	s13 =	sadd.s32 $0x1, s13;
	s15 =	stileid.u32;
	_ =	swait.ge @p0 [sflag:s14], $0x2D00  }
0xb6: {  	p1 =	sne.s32 s13, s24;
	s15 =	sshll.u32 @!p0 s15, $0x6;
	[sflag:s14] =	ssyncset.done @p0 $0x0  }
0xb7: {  	[sflag:s14] =	ssyncadd.s32 @p0 $0xFFFFD300;
	s14 =	sor.u32 @!p0 $0x1C04, s15;
	s15 =	rddreg [dreg:$0x10]  }
0xb8: {  	[hbm:s15], [sflag:s14] =	dma.local @!p0 [spmem:s25], $0x2BE0  }
.Ltmp2:
0xb9: {  	_ = 	snop;
	(pc) =	sbr.rel @p1 .LBB2_1-.Ltmp2, $4  }
0xba: {  	s14 =	simm.s32 @!p0 $0x4  }
0xbb: {  	_ =	swait.ge @!p0 [sflag:s14], $0x2BE0  }
0xbc: {  	[sflag:s14] =	ssyncset.done @!p0 $0x0  }
0xbd: {  	[sflag:s14] =	ssyncadd.s32 @!p0 $0xFFFFD420  }
0xbe: {  	_ =	sfence.sel $0x180000  }
0xbf: {  	[bflag:$0x0] =	sbarrier.arrive $0xFFFF  }
0xc0: {  	_ =	strace $0x9000004D  }
0xc1: {  	s0 =	stileid.u32;
	[bflag:$0x2] =	sbarrier.arrive $0xFFFF  }
0xc2: {  	p0 =	sne.s32 s0, $0x0;
	s0 =	rddreg [dreg:$0x4]  }
0xc3: {  	s0 =	sadd.s32 @!p0 $0x100000, s0  }
0xc4: {  	[sflag:s0] =	ssyncadd.tile.s32 @!p0 $0x1;
	_ =	shalt  }
.Lfunc_end2:
_tile_overlayer_lowered:
.L_overlay_start_2:
0xc5: {  	(tag) =	ssettag $0x2  }
0xc6: {  	s0 =	rddreg [dreg:$0x0];
	s2 =	stileid.u32  }
0xc7: {  	s1 =	rddreg [dreg:$0x1];
	p0 =	sne.s32 s2, $0x0  }
0xc8: {  	s3 =	rddreg [dreg:$0x2];
	[bflag:$0x3] =	sbarrier.arrive $0xFFFF;
	s2 =	simm.s32 @!p0 $0x1C04  }
0xc9: {  	[timem:s3], [sflag:s2] =	dma.local @!p0 [hbm:s0], s1  }
0xca: {  	s0 =	simm.s32 @!p0 $0x4  }
0xcb: {  	_ =	swait.ge @!p0 [sflag:s0], s1  }
0xcc: {  	s1 =	ssub.s32 @!p0 $0x0, s1;
	[sflag:s0] =	ssyncset.done @!p0 $0x0  }
0xcd: {  	[sflag:s0] =	ssyncadd.s32 @!p0 s1  }
0xce: {  	[bflag:$0x3] =	sbarrier.arrive $0xFFFF  }
0xcf: {  	_ =	shalt  }

// kernel: kernel.8.cloned.1.call-start
scs
__scs_entry_jumppad:
0x0: {  	(pc) =	sbr.rel $0x88, $3  }
0x1: {  	(tag) =	ssettag $0x0;
	lr =	simm.s32 $0x1  }
0x2: {  	[smem:$0x3F93] =	sst lr;
	_ =	strace $0xD0000000  }
0x3: {  	_ = 	snop  }
0x4: {  	_ = 	snop  }
0x5: {  	_ = 	snop  }
0x6: {  	_ = 	snop  }
0x7: {  	_ = 	snop  }
__scs_overlays_trampoline_lowered:
0x8: {  	[smem:$0x3FA2] =	sst s0  }
0x9: {  	[smem:$0x3FA3] =	sst s1  }
0xa: {  	[smem:$0x3FA4] =	sst s2  }
0xb: {  	[smem:$0x3FA5] =	sst s3  }
0xc: {  	[smem:$0x3FA6] =	sst s4  }
0xd: {  	[smem:$0x3FA7] =	sst s5  }
0xe: {  	[smem:$0x3FA8] =	sst s6  }
0xf: {  	[smem:$0x3FA9] =	sst s7  }
0x10: {  	[smem:$0x3FAA] =	sst s8  }
0x11: {  	[smem:$0x3FAB] =	sst s9;
	s0 =	simm.s32 @!p0 $0x0  }
0x12: {  	s1 =	sld [smem:$0x3F91];
	s0 =	simm.s32 @p0 $0x1  }
0x13: {  	[smem:$0x3FAC] =	sst s0;
	s0 =	simm.s32 @!p1 $0x0  }
0x14: {  	s2 =	sld [smem:$0x3F90];
	s0 =	simm.s32 @p1 $0x1  }
0x15: {  	[smem:$0x3FAD] =	sst s0;
	s0 =	simm.s32 @!p2 $0x0  }
0x16: {  	s3 =	sld [smem:$0x3FDB];
	s0 =	simm.s32 @p2 $0x1  }
0x17: {  	s4 =	simm.s32 $0x1BF5;
	[smem:$0x3FAF] =	sst s0  }
0x18: {  	s0 =	sld [smem:$0x3F92];
	_ =	swait.ge [sflag:s4], $0x0  }
0x19: {  	s7 =	sld [smem:$0x3F93]  }
0x1a: {  	s8 =	sadd.s32 $0xFFFFE003, lr  }
0x1b: {  	s9 =	sadd.s32 $0xFFFFFEF7, lr;
	s5 =	simm.s32 $0xFFFFFFFF;
	p2 =	slt.u32 s8, $0xFFFFF086  }
0x1c: {  	p1 =	slt.u32 s9, $0xF7A;
	s5 =	simm.s32 @!p2 $0x0  }
0x1d: {  	s5 =	simm.s32 @p1 $0x1;
	p0 =	seq.s32 s7, s2  }
0x1e: {  	s7 =	smul.u32 @!p0 $0xF7A, s2;
	p2 =	seq.s32 @!p0 s5, $0x0  }
0x1f: {  	s9 =	smul.u32 $0xF7A, s1;
	s8 =	simm.s32 @!p0 $0x1BF5;
	p2 =	por !p2, p0  }
0x20: {  	[sflag:s8] =	ssyncset.s32 @!p0 $0xFFFFF086;
	s6 =	sadd.s32 @!p0 s3, s7;
	s7 =	simm.s32 @!p0 $0x108  }
0x21: {  	s3 =	sadd.s32 s3, s9;
	s6 =	sadd.s32 @!p0 $0x88, s6;
	s7 =	simm.s32 @p2 $0x1082  }
0x22: {  	[simem:s7], [sflag:s8] =	dma.local @!p0 [hbm:s6], $0xF7A  }
0x23: {  	s9 =	sor.u32 $0xD0000000, s2;
	s6 =	simm.s32 $0x108;
	_ =	swait.ge @!p0 [sflag:s8], $0x0  }
0x24: {  	s3 =	sadd.s32 $0x88, s3;
	s6 =	simm.s32 @!p1 $0x1082;
	[sflag:s4] =	ssyncset.s32 $0xFFFFF086  }
0x25: {  	[simem:s6], [sflag:s4] =	dma.local [hbm:s3], $0xF7A  }
0x26: {  	[smem:$0x3F93] =	sst s1;
	(tag) =	ssettag s2;
	_ =	strace s9  }
0x27: {  	s1 =	sld [smem:$0x3FA3]  }
0x28: {  	s2 =	sld [smem:$0x3FA4]  }
0x29: {  	s4 =	sld [smem:$0x3FA6]  }
0x2a: {  	p0 =	seq.s32 s5, $0x0;
	s5 =	sld [smem:$0x3FA7]  }
0x2b: {  	s6 =	sld [smem:$0x3FA8]  }
0x2c: {  	s7 =	sld [smem:$0x3FA9]  }
0x2d: {  	s3 =	simm.s32 $0x108;
	s8 =	sld [smem:$0x3FAA]  }
0x2e: {  	s3 =	simm.s32 @!p0 $0x1082;
	s9 =	sld [smem:$0x3FAB]  }
0x2f: {  	lr =	sadd.s32 s0, s3;
	s0 =	sld [smem:$0x3FA2]  }
0x30: {  	s3 =	sld [smem:$0x3FA5]  }
0x31: {  	[smem:$0x3FAE] =	sst s10  }
0x32: {  	s10 =	sld [smem:$0x3FAC];
	_ =	sdelay $0x3  }
0x33: {  	p0 =	seq.s32 s10, $0x1;
	s10 =	sld [smem:$0x3FAE];
	_ =	sdelay $0x3  }
0x34: {  	[smem:$0x3FAE] =	sst s10  }
0x35: {  	s10 =	sld [smem:$0x3FAD];
	_ =	sdelay $0x3  }
0x36: {  	p1 =	seq.s32 s10, $0x1;
	s10 =	sld [smem:$0x3FAE];
	_ =	sdelay $0x3  }
0x37: {  	[smem:$0x3FAE] =	sst s10  }
0x38: {  	s10 =	sld [smem:$0x3FAF]  }
0x39: {  	_ = 	snop;
	(pc) =	sbr.ind lr, $3  }
0x3a: {  	_ = 	snop  }
0x3b: {  	_ = 	snop  }
0x3c: {  	p2 =	seq.s32 s10, $0x1;
	s10 =	sld [smem:$0x3FAE]  }
0x3d: {  	_ =	shalt  }
0x3e: {  	_ =	shalt  }
0x3f: {  	_ =	shalt  }
0x40: {  	_ =	shalt  }
0x41: {  	_ =	shalt  }
0x42: {  	_ =	shalt  }
0x43: {  	_ =	shalt  }
0x44: {  	_ =	shalt  }
0x45: {  	_ =	shalt  }
0x46: {  	_ =	shalt  }
0x47: {  	_ =	shalt  }
0x48: {  	_ =	shalt  }
0x49: {  	_ =	shalt  }
0x4a: {  	_ =	shalt  }
0x4b: {  	_ =	shalt  }
0x4c: {  	_ =	shalt  }
0x4d: {  	_ =	shalt  }
0x4e: {  	_ =	shalt  }
0x4f: {  	_ =	shalt  }
0x50: {  	_ =	shalt  }
0x51: {  	_ =	shalt  }
0x52: {  	_ =	shalt  }
0x53: {  	_ =	shalt  }
0x54: {  	_ =	shalt  }
0x55: {  	_ =	shalt  }
0x56: {  	_ =	shalt  }
0x57: {  	_ =	shalt  }
0x58: {  	_ =	shalt  }
0x59: {  	_ =	shalt  }
0x5a: {  	_ =	shalt  }
0x5b: {  	_ =	shalt  }
0x5c: {  	_ =	shalt  }
0x5d: {  	_ =	shalt  }
0x5e: {  	_ =	shalt  }
0x5f: {  	_ =	shalt  }
0x60: {  	_ =	shalt  }
0x61: {  	_ =	shalt  }
0x62: {  	_ =	shalt  }
0x63: {  	_ =	shalt  }
0x64: {  	_ =	shalt  }
0x65: {  	_ =	shalt  }
0x66: {  	_ =	shalt  }
0x67: {  	_ =	shalt  }
0x68: {  	_ =	shalt  }
0x69: {  	_ =	shalt  }
0x6a: {  	_ =	shalt  }
0x6b: {  	_ =	shalt  }
0x6c: {  	_ =	shalt  }
0x6d: {  	_ =	shalt  }
0x6e: {  	_ =	shalt  }
0x6f: {  	_ =	shalt  }
0x70: {  	_ =	shalt  }
0x71: {  	_ =	shalt  }
0x72: {  	_ =	shalt  }
0x73: {  	_ =	shalt  }
0x74: {  	_ =	shalt  }
0x75: {  	_ =	shalt  }
0x76: {  	_ =	shalt  }
0x77: {  	_ =	shalt  }
0x78: {  	_ =	shalt  }
0x79: {  	_ =	shalt  }
0x7a: {  	_ =	shalt  }
0x7b: {  	_ =	shalt  }
0x7c: {  	_ =	shalt  }
0x7d: {  	_ =	shalt  }
0x7e: {  	_ =	shalt  }
0x7f: {  	_ =	shalt  }
0x80: {  	_ =	shalt  }
0x81: {  	_ =	shalt  }
0x82: {  	_ =	shalt  }
0x83: {  	_ =	shalt  }
0x84: {  	_ =	shalt  }
0x85: {  	_ =	shalt  }
0x86: {  	_ =	shalt  }
0x87: {  	_ =	shalt  }
.Lfunc_end0:
.L_simem_size_0:
called_computation_lowered:
.L_overlay_start_0:
0x88: {  	s2 =	sld [smem:$0x3FD9]  }
0x89: {  	s3 =	sld [smem:$0x3FFE];
	_ =	sdelay $0x1  }
0x8a: {  	s1 =	srdreg.scid  }
0x8b: {  	s0 =	sand.u32 $0x1, s1  }
0x8c: {  	s14 =	sshll.u32 s0, $0xA;
	s2 =	sadd.s32 s3, s2  }
0x8d: {  	s2 =	sadd.s32 s2, s14  }
0x8e: {  	[smem:$0x3FBA] =	sst s2  }
0x8f: {  	_ = 	snop  }
0x90: {  	s2 =	sld [smem:$0x3FD0];
	_ =	sdelay $0x2  }
0x91: {  	s15 =	simm.s32 $0xA;
	s4 =	simm.s32 $0x10  }
0x92: {  	[smem:s4], [sflag:s15] =	dma.local [hbm:s2], $0x1  }
0x93: {  	_ =	swait.eq [sflag:s15], $0x1  }
0x94: {  	[sflag:s15] =	ssyncset.done $0x0  }
0x95: {  	[sflag:s15] =	ssyncadd.s32 $0xFFFFFFFF  }
0x96: {  	s16 =	sld [smem:$0x12];
	(tm) =	ssettm $0x1  }
0x97: {  	s17 =	sld [smem:$0x3FFB];
	_ =	sdelay $0x3  }
0x98: {  	_ =	strace s17  }
0x99: {  	s3 =	sld [smem:$0x3FFC];
	_ =	sdelay $0x3  }
0x9a: {  	_ =	strace s3  }
0x9b: {  	s3 =	sld [smem:$0x3FFD];
	_ =	sdelay $0x3  }
0x9c: {  	_ =	strace s3  }
0x9d: {  	_ =	strace $0x8FFFFFFF  }
0x9e: {  	s18 =	sld [smem:$0x3FDB];
	_ =	sdelay $0x1  }
0x9f: {  	s19 =	simm.s32 $_scs_section_size  }
0xa0: {  	s5 =	simm.s32 $_size__tile_overlayer_lowered;
	s6 =	simm.s32 $_tile_overlayer_lowered  }
0xa1: {  	s22 =	simm.s32 $0x1BFF;
	s21 =	sshll.u32 s6, $0x1;
	s3 =	sadd.s32 s19, s18  }
0xa2: {  	s7 =	simm.s32 $0x0;
	s20 =	sshll.u32 s5, $0x1;
	s5 =	sadd.s32 s21, s3  }
0xa3: {  	[timem:s7], [sflag:s22] =	dma.local [hbm:s5], s20  }
0xa4: {  	_ =	swait.ge [sflag:s22], s20  }
0xa5: {  	s4 =	ssub.s32 $0x0, s20;
	[sflag:s22] =	ssyncset.done $0x0  }
0xa6: {  	[sflag:s22] =	ssyncadd.s32 s4;
	_ =	sdelay $0x1  }
0xa7: {  	s23 =	simm.s32 $0x1B8B  }
0xa8: {  	_ =	swait.ge [sflag:s23], $0x1  }
0xa9: {  	[sflag:s23] =	ssyncset.done $0x0  }
0xaa: {  	s25 =	simm.s32 $0x1B8E;
	s24 =	sld [smem:$0x3FFE];
	[sflag:s23] =	ssyncadd.s32 $0xFFFFFFFF  }
0xab: {  	s26 =	simm.s32 $execute0_lowered;
	[smem:$0x3FD2] =	sst s25  }
0xac: {  	s5 =	sshll.u32 s26, $0x1;
	_ =	strace $0x80000046;
	[dreg:$0x1] =	wrdreg $0xFFFFFFFF  }
0xad: {  	s28 =	simm.s32 $_size_execute0_lowered;
	s3 =	sadd.s32 s3, s5;
	[dreg:$0x0] =	wrdreg $0x0  }
0xae: {  	s5 =	sshll.u32 s28, $0x1;
	[dreg:$0x2] =	wrdreg s3  }
0xaf: {  	[dreg:$0x3] =	wrdreg s5  }
0xb0: {  	[dreg:$0x4] =	wrdreg $0xC0  }
0xb1: {  	_ =	task [dreg:s7], $0x5FFFF  }
0xb2: {  	[dreg:$0x1] =	wrdreg $0xFFFFFFFF  }
0xb3: {  	[dreg:$0x0] =	wrdreg $0x60  }
0xb4: {  	[dreg:$0x2] =	wrdreg s16  }
0xb5: {  	[dreg:$0x3] =	wrdreg s24  }
0xb6: {  	[dreg:$0x4] =	wrdreg $0x0  }
0xb7: {  	[dreg:$0x5] =	wrdreg $0x9  }
0xb8: {  	_ =	task.clear_ibuf [dreg:s7], $0x6FFFF;
	_ =	strace $0x90000046  }
0xb9: {  	s29 =	simm.s32 $0x9;
	_ =	strace $0x80000048  }
0xba: {  	_ =	swait.ge [sflag:s29], $0x1  }
0xbb: {  	[sflag:s29] =	ssyncadd.s32 $0xFFFFFFFF  }
0xbc: {  	_ =	strace $0x90000048  }
0xbd: {  	_ =	sfence  }
0xbe: {  	s30 =	sld [smem:$0x0];
	_ =	sdelay $0x2  }
0xbf: {  	s31 =	sshll.u32 s1, $0xD;
	s1 =	sshrl.u32 s1, $0x2  }
0xc0: {  	s3 =	sand.u32 $0x4000, s31;
	s1 =	sadd.s32 s1, s30  }
0xc1: {  	s0 =	sor.u32 s3, s0;
	s1 =	sshll.u32 s1, $0x11  }
0xc2: {  	s0 =	sor.u32 s1, s0  }
0xc3: {  	s0 =	sadd.s32 $0x8F2B, s0  }
0xc4: {  	[sflag:s0] =	ssyncadd.remote.s32 $0x1  }
0xc5: {  	_ =	sfence.sel $0xFFFF  }
0xc6: {  	[dreg:$0x0] =	wrdreg $0xFFFFFFFF;
	(pc) =	sbr.abs _section_cstart, $3  }
0xc7: {  	[dreg:$0x1] =	wrdreg $0xFFFFFFFF  }
0xc8: {  	_ =	task.clear_ibuf [dreg:s7], $0x2FFFF;
	_ =	strace $0x9FFFFFFF  }
0xc9: {  	(tm) =	ssettm $0x7FFFFFFF  }
tec
execute0_lowered:
.L_overlay_start_1:
0x0: {  	(tag) =	ssettag $0x1  }
0x1: {  	s5 =	rddreg [dreg:$0x0]  }
0x2: {  	s0 =	srdreg.scid;
	s6 =	rddreg [dreg:$0x1]  }
0x3: {  	s2 =	rddreg [dreg:$0x2];
	s3 =	simm.s32 $0x0;
	s13 =	simm.s32 $0x2710  }
0x4: {  	s17 =	simm.s32 $0x0;
	s4 =	sand.u32 $0x1, s0;
	s0 =	stileid.u32  }
0x5: {  	[smem:$0x7FF] =	sst s3;
	s12 =	sadd.s32 $0x2400, s6;
	s8 =	smul.u32 $0x9C00, s0  }
0x6: {  	s6 =	sadd.s32 $0x24900, s2;
	s1 =	sshll.u32 s4, $0x4;
	s10 =	smul.u32 $0x27100, s4  }
0x7: {  	s9 =	ssub.s32 $0x2, s4;
	s11 =	smul.u32 $0x2700, s0;
	p0 =	seq.s32 s0, $0xF  }
0x8: {  	s1 =	sor.u32 s0, s1;
	s28 =	sshrl.u32 s9, $0x1;
	s14 =	sshrl.u32 @p0 s6, $0x3  }
0x9: {  	s15 =	sshll.u32 @!p0 s0, $0x6;
	s7 =	smul.u32 $0x4E2, s1;
	s1 =	rddreg [dreg:$0x3]  }
0xa: {  	_ =	strace $0x80000047;
	s9 =	ssub.s32 s9, s28;
	s29 =	sshrl.u32 s8, $0x2  }
0xb: {  	s30 =	sadd.s32 s11, s10;
	s31 =	sshrl.u32 s10, $0x3;
	s16 =	sadd.s32 s11, s2  }
0xc: {  	s10 =	simm.s32 $0x5410;
	s11 =	simm.s32 $0x1;
	s15 =	sor.u32 @!p0 $0x1C01, s15  }
0xd: {  	s8 =	sadd.s32 s12, s31;
	s9 =	smax.u32 s9, $0x1;
	s16 =	sshrl.u32 @!p0 s16, $0x3  }
0xe: {  	s4 =	sadd.s32 s5, s7;
	s5 =	sadd.s32 s29, s2;
	s7 =	sshrl.u32 s30, $0x3  }
0xf: {  	v0 =	vimm.f32 $1.000000000e+00;
	v1 =	vimm.f32 $0.0e+00;
	s8 =	sadd.s32 $0x4920, s8;
	s7 =	sadd.s32 s12, s7;
	s12 =	simm.s32 $0x50  }
.LBB2_1:
0x10: {  	[tilespmem:s10], [sflag:$0x1] =	stream.linear.gather [hbm4b:s4+s3], $0x2710, $0x38;
	[tilespmem:$0x7B20] =	vst v63  }
0x11: {  	_ =	swait.ge [sflag:s11], $0x2710  }
0x12: {  	[sflag:s11] =	ssyncset.done $0x0  }
0x13: {  	s18 =	simm.s32 $0x0;
	[sflag:s11] =	ssyncadd.s32 $0xFFFFD8F0  }
.LBB2_2:
0x14: {  	p1 =	sne.s32 s18, $0x13C0  }
.Ltmp0:
0x15: {  	_ = 	snop;
	(pc) =	sbr.rel @p1 .LBB2_2-.Ltmp0, $3  }
0x16: {  	_ =	sdelay $0x1  }
0x17: {  	s19 =	sshra.s32 s18, $0x2  }
0x18: {  	s18 =	sadd.s32 $0x40, s18;
	[tilespmem:s19+$0x2710] =	vst v0  }
0x19: {  	s18 =	simm.s32 $0x40;
	s19 =	simm.s32 $0x0  }
.LBB2_4:
0x1a: {  	p1 =	sne.s32 s18, $0x9FC0;
	[tilespmem:s19+$0x2C10] =	vst v1;
	s19 =	smov.u32 s18;
	s18 =	sadd.s32 $0x40, s18  }
.Ltmp1:
0x1b: {  	(pc) =	sbr.rel @p1 .LBB2_4-.Ltmp1, $2  }
0x1c: {  	_ =	sdelay $0x2  }
0x1d: {  	s19 =	sshra.s32 s19, $0x2  }
0x1e: {  	[tilespmem:s19+$0x2C10] =	vst v1;
	s18 =	simm.s32 @p0 $0x2C10  }
0x1f: {  	[spmem:s6] =	stream.linear.scatter @p0 [tilespmem:s18], [sflag:$0x1], $0x2800, $0x38;
	[tilespmem:$0x7B20] =	vst v63  }
0x20: {  	s18 =	simm.s32 @p0 $0x1  }
0x21: {  	_ =	swait.ge @p0 [sflag:s18], $0x2800  }
0x22: {  	[sflag:s18] =	ssyncset.done @p0 $0x0  }
0x23: {  	[sflag:s18] =	ssyncadd.s32 @p0 $0xFFFFD800;
	s18 =	simm.s32 @!p0 $0x2C10  }
0x24: {  	[spmem:s5] =	stream.linear.scatter @!p0 [tilespmem:s18], [sflag:$0x1], $0x2700, $0x38;
	[tilespmem:$0x7B20] =	vst v63  }
0x25: {  	s18 =	simm.s32 @!p0 $0x1  }
0x26: {  	_ =	swait.ge @!p0 [sflag:s18], $0x2700  }
0x27: {  	[sflag:s18] =	ssyncset.done @!p0 $0x0  }
0x28: {  	[sflag:s18] =	ssyncadd.s32 @!p0 $0xFFFFD900  }
0x29: {  	s31 =	simm.s32 $0x5410;
	[bflag:$0x0] =	sbarrier.arrive $0xFFFF  }
0x2a: {  	[spmem:s2] =	stream.indirect.scatter.add.f32 [tilespmem:s13], [sflag:$0x1], $0x10, s31, s12, $0xb8;
	[tilespmem:$0x7B20] =	vst v63  }
0x2b: {  	s18 =	simm.s32 $0x140;
	_ =	swait.ge [sflag:s11], $0x500  }
.LBB2_6:
0x2c: {  	s19 =	sshra.s32 s18, $0x2;
	[sflag:s11] =	ssyncset.done $0x0;
	p1 =	sne.s32 s18, $0x9B00  }
.Ltmp2:
0x2d: {  	s19 =	sadd.s32 $0x5410, s19;
	[sflag:s11] =	ssyncadd.s32 $0xFFFFFB00;
	(pc) =	sbr.rel @p1 .LBB2_6-.Ltmp2, $3  }
0x2e: {  	[spmem:s2] =	stream.indirect.scatter.add.f32 [tilespmem:s13], [sflag:$0x1], $0x10, s19, s12, $0xb8;
	[tilespmem:$0x7B20] =	vst v63  }
0x2f: {  	s18 =	sadd.s32 $0x140, s18;
	_ =	sdelay $0x1  }
0x30: {  	_ =	swait.ge [sflag:s11], $0x500  }
0x31: {  	[sflag:s11] =	ssyncset.done $0x0  }
0x32: {  	[sflag:s11] =	ssyncadd.s32 $0xFFFFFB00  }
0x33: {  	s18 =	simm.s32 @p0 $0x1FC1;
	[bflag:$0x0] =	sbarrier.arrive $0xFFFF  }
0x34: {  	[hbm:s8], [sflag:s18] =	dma.local @p0 [spmem:s14], $0x500  }
0x35: {  	s18 =	simm.s32 @p0 $0x1  }
0x36: {  	s17 =	sadd.s32 $0x1, s17;
	_ =	swait.ge @p0 [sflag:s18], $0x500  }
0x37: {  	p1 =	sne.s32 s17, s9;
	[sflag:s18] =	ssyncset.done @p0 $0x0  }
.Ltmp3:
0x38: {  	[sflag:s18] =	ssyncadd.s32 @p0 $0xFFFFFB00;
	s18 =	simm.s32 @!p0 $0x1;
	(pc) =	sbr.rel @p1 .LBB2_1-.Ltmp3, $4  }
0x39: {  	[hbm:s7], [sflag:s15] =	dma.local @!p0 [spmem:s16], $0x4E0  }
0x3a: {  	_ =	swait.ge @!p0 [sflag:s18], $0x4E0  }
0x3b: {  	[sflag:s18] =	ssyncset.done @!p0 $0x0  }
0x3c: {  	[sflag:s18] =	ssyncadd.s32 @!p0 $0xFFFFFB20  }
0x3d: {  	_ =	sfence.sel $0x180000  }
0x3e: {  	[bflag:$0x0] =	sbarrier.arrive $0xFFFF  }
0x3f: {  	p0 =	sne.s32 s0, $0x0;
	_ =	strace $0x90000047  }
0x40: {  	s0 =	sadd.s32 @!p0 $0x100000, s1;
	[bflag:$0x2] =	sbarrier.arrive $0xFFFF  }
0x41: {  	[sflag:s0] =	ssyncadd.tile.s32 @!p0 $0x1;
	_ =	shalt  }
.Lfunc_end2:
_tile_overlayer_lowered:
.L_overlay_start_2:
0x42: {  	(tag) =	ssettag $0x2  }
0x43: {  	s0 =	rddreg [dreg:$0x0];
	s2 =	stileid.u32  }
0x44: {  	s1 =	rddreg [dreg:$0x1];
	p0 =	sne.s32 s2, $0x0  }
0x45: {  	s3 =	rddreg [dreg:$0x2];
	[bflag:$0x3] =	sbarrier.arrive $0xFFFF;
	s2 =	simm.s32 @!p0 $0x1C01  }
0x46: {  	[timem:s3], [sflag:s2] =	dma.local @!p0 [hbm:s0], s1  }
0x47: {  	s0 =	simm.s32 @!p0 $0x1  }
0x48: {  	_ =	swait.ge @!p0 [sflag:s0], s1  }
0x49: {  	s1 =	ssub.s32 @!p0 $0x0, s1;
	[sflag:s0] =	ssyncset.done @!p0 $0x0  }
0x4a: {  	[sflag:s0] =	ssyncadd.s32 @!p0 s1  }
0x4b: {  	[bflag:$0x3] =	sbarrier.arrive $0xFFFF  }
0x4c: {  	_ =	shalt  }

</sc_bundles>
